<compile_context>
chip_gen: v7x
topology: tpu7x:2x2x1
jax: 0.10.2.dev20260603
libtpu: 0.0.44.dev20260713+nightly
codegen_flags: <defaults>
</compile_context>

<pallas_src>
import functools
import math

import jax
import jax.numpy as jnp
from jax.experimental import pallas as pl
from jax.experimental.pallas import tpu as pltpu
from jax.experimental.pallas import tpu_sc as plsc

J = 17
T = 34
H = 512
C = 1024
D = 512
BS = 256
BB = 8
G = BS // BB
R = BB * J
RT = BB * T
NZ = BS * T
DH = 32
EPS = 1e-5
SUB = 4

_GW = 16


def _ln(x, g, b):
    m = jnp.mean(x, -1, keepdims=True)
    v = jnp.mean((x - m) ** 2, -1, keepdims=True)
    return (x - m) / jnp.sqrt(v + EPS) * g + b


def _gelu(x):
    return x * 0.5 * (1.0 + jax.lax.erf(x * (1.0 / math.sqrt(2.0))))


def _enc_kernel(coords, w, inv, sw, sb, *rest):
    blocks = [rest[12 * k:12 * (k + 1)] for k in range(4)]
    lng, lnb, mt, mtb, few, feb, cbt = rest[48:55]
    z_ref, q_ref, cbsq_ref = rest[55:58]

    i = pl.program_id(0)

    @pl.when(i == 0)
    def _():
        cbsq_ref[...] = jnp.sum(cbt[...] * cbt[...], axis=0, keepdims=True)

    feats = []
    for hh_ in range(SUB):
        sl = pl.ds(hh_ * R, R)
        wv = w[sl, :]
        feat = jnp.dot(coords[sl, :], sw[...]) + sb[...]
        feats.append(feat * wv + inv[...] * (1.0 - wv))

    for (l1g, l1b, m1, t1b, m2, t2b, l2g, l2b,
         c1w, c1b, c2w, c2b) in blocks:
        ys = [_ln(f, l1g[...], l1b[...]) for f in feats]
        hs = [_gelu(jnp.dot(m1[...], y) + t1b[...]) for y in ys]
        ys = [jnp.dot(m2[...], h) + t2b[...] for h in hs]
        zins = [_ln(f + y, l2g[...], l2b[...]) for f, y in zip(feats, ys)]
        hhs = [_gelu(jnp.dot(zin, c1w[...]) + c1b[...]) for zin in zins]
        zzs = [jnp.dot(hh, c2w[...]) + c2b[...] for hh in hhs]
        feats = [f + y + zz for f, y, zz in zip(feats, ys, zzs)]

    feats = [_ln(f, lng[...], lnb[...]) for f in feats]
    tks = [jnp.dot(mt[...], f) + mtb[...] for f in feats]
    zs = [jnp.dot(tk, few[...]) + feb[...] for tk in tks]

    z = jnp.concatenate(zs, axis=0) if SUB > 1 else zs[0]
    zsq = jnp.sum(z * z, axis=1, keepdims=True)
    d2 = zsq - 2.0 * jnp.dot(z, cbt[...]) + cbsq_ref[...]
    dmin = jnp.min(d2, axis=1, keepdims=True)
    lanes = jax.lax.broadcasted_iota(jnp.int32, d2.shape, 1)
    q = jnp.min(jnp.where(d2 == dmin, lanes, C), axis=1, keepdims=True)

    z_ref[...] = z
    q_ref[...] = q


def _dec_body(zvs, zqvs, md, mdb, dsw, dsb,
              l1g, l1b, dm1, dt1b, dm2, dt2b, l2g, l2b,
              dc1w, dc1b, dc2w, dc2b,
              lng, lnb, rw, rb, rec_ref, lsum_ref):
    i = pl.program_id(0)

    @pl.when(i == 0)
    def _():
        lsum_ref[...] = jnp.zeros_like(lsum_ref)

    acc = None
    for zv, zqv in zip(zvs, zqvs):
        diff = zv - zqv
        p = jnp.sum(diff * diff, axis=(0, 1), keepdims=True)
        acc = p if acc is None else acc + p
    lsum_ref[...] += acc

    decs = [jnp.dot(jnp.dot(md[...], zv + (zqv - zv)) + mdb[...],
                    dsw[...]) + dsb[...]
            for zv, zqv in zip(zvs, zqvs)]

    ys = [_ln(d, l1g[...], l1b[...]) for d in decs]
    hs = [_gelu(jnp.dot(dm1[...], y) + dt1b[...]) for y in ys]
    ys = [jnp.dot(dm2[...], h) + dt2b[...] for h in hs]
    zins = [_ln(d + y, l2g[...], l2b[...]) for d, y in zip(decs, ys)]
    hhs = [_gelu(jnp.dot(zin, dc1w[...]) + dc1b[...]) for zin in zins]
    zzs = [jnp.dot(hh, dc2w[...]) + dc2b[...] for hh in hhs]
    decs = [d + y + zz for d, y, zz in zip(decs, ys, zzs)]

    decs = [_ln(d, lng[...], lnb[...]) for d in decs]
    for c, d in enumerate(decs):
        rec_ref[pl.ds(c * R, R), :] = jnp.dot(d, rw[...]) + rb[...]


def _split(x):
    return [x[c * RT:(c + 1) * RT, :] for c in range(SUB)]


def _dec_kernel(z, zq, *args):
    _dec_body(_split(z[...]), _split(zq[...]), *args)


def _dec_oh_kernel(z, q, cb, *args):
    lanes = jax.lax.broadcasted_iota(jnp.int32, (SUB * RT, C), 1)
    oh = (lanes == q[...]).astype(jnp.float32)
    zqv = jnp.dot(oh, cb[...])
    _dec_body(_split(z[...]), _split(zqv), *args)


def _const2(shape):
    return pl.BlockSpec(shape, lambda i: (0, 0))


_NW = 32
_BPW = NZ // _NW
_CH = 16
_K = 8


def _sc_gather(cb, q, n=NZ):
    mesh = plsc.VectorSubcoreMesh(core_axis_name="c", subcore_axis_name="s")
    grp = _K * _CH
    bpw = n // _NW
    assert bpw * _NW == n and bpw % 8 == 0

    groups = []
    off = 0
    while off < bpw:
        g = []
        while off < bpw and len(g) < _K:
            sz = min(_CH, bpw - off)
            g.append((off, sz))
            off += sz
        groups.append(g)

    @functools.partial(
        pl.kernel,
        out_type=jax.ShapeDtypeStruct((n, D), cb.dtype),
        mesh=mesh,
        scratch_types=[
            pltpu.VMEM((bpw,), jnp.int32),
            pltpu.VMEM((grp, D), jnp.float32),
            pltpu.SemaphoreType.DMA,
        ],
    )
    def kern(cb_hbm, q_hbm, o_hbm, idx_v, rows_v, sem):
        wid = jax.lax.axis_index("s") * 2 + jax.lax.axis_index("c")
        base = wid * bpw
        pltpu.sync_copy(q_hbm.at[pl.ds(base, bpw)], idx_v)
        for g in groups:
            cps = []
            g0 = g[0][0]
            for off, sz in g:
                cps.append(pltpu.async_copy(
                    cb_hbm.at[idx_v.at[pl.ds(off, sz)]],
                    rows_v.at[pl.ds(off - g0, sz)], sem))
            for cp in cps:
                cp.wait()
            gn = g[-1][0] + g[-1][1] - g0
            pltpu.sync_copy(rows_v.at[pl.ds(0, gn)],
                            o_hbm.at[pl.ds(base + g0, gn)])

    return kern(cb, q)


def _row(b):
    return b.reshape(1, -1)


def _bd(wt, bb=BB):
    return jnp.kron(jnp.eye(bb, dtype=wt.dtype), wt.T)


def _colb(b, bb=BB):
    return jnp.tile(b, bb).reshape(-1, 1)


def kernel(joints, joints_feature, cls_logits, params):
    del joints_feature, cls_logits
    coords = joints[:, :, :2].reshape(BS * J, 2)
    w2d = (joints[:, :, 2] != 0).astype(jnp.float32).reshape(BS * J, 1)

    enc_args = [coords, w2d,
                params["invisible_token"].reshape(1, H),
                params["start_embed"]["w"], _row(params["start_embed"]["b"])]
    enc_specs = [
        pl.BlockSpec((SUB * R, 2), lambda i: (i, 0)),
        pl.BlockSpec((SUB * R, 1), lambda i: (i, 0)),
        _const2((1, H)), _const2((2, H)), _const2((1, H)),
    ]
    for p in params["encoder"]:
        enc_args += [
            _row(p["ln1_g"]), _row(p["ln1_b"]),
            _bd(p["tok1"]["w"]), _colb(p["tok1"]["b"]),
            _bd(p["tok2"]["w"]), _colb(p["tok2"]["b"]),
            _row(p["ln2_g"]), _row(p["ln2_b"]),
            p["ch1"]["w"], _row(p["ch1"]["b"]),
            p["ch2"]["w"], _row(p["ch2"]["b"]),
        ]
        enc_specs += [
            _const2((1, H)), _const2((1, H)),
            _const2((BB * 64, R)), _const2((BB * 64, 1)),
            _const2((R, BB * 64)), _const2((R, 1)),
            _const2((1, H)), _const2((1, H)),
            _const2((H, H)), _const2((1, H)),
            _const2((H, H)), _const2((1, H)),
        ]
    enc_args += [
        _row(params["enc_ln_g"]), _row(params["enc_ln_b"]),
        _bd(params["token_mlp"]["w"]), _colb(params["token_mlp"]["b"]),
        params["feature_embed"]["w"], _row(params["feature_embed"]["b"]),
        params["codebook"].T,
    ]
    enc_specs += [
        _const2((1, H)), _const2((1, H)),
        _const2((RT, R)), _const2((RT, 1)),
        _const2((H, D)), _const2((1, D)),
        _const2((D, C)),
    ]

    NH = NZ // 2
    RH = BS * J // 2
    GH = G // 2

    def _enc_half(coords_h, w_h):
        return pl.pallas_call(
            _enc_kernel,
            grid=(GH // SUB,),
            in_specs=enc_specs,
            out_specs=[
                pl.BlockSpec((SUB * RT, D), lambda i: (i, 0)),
                pl.BlockSpec((SUB * RT, 1), lambda i: (i, 0)),
            ],
            out_shape=[
                jax.ShapeDtypeStruct((NH, D), jnp.float32),
                jax.ShapeDtypeStruct((NH, 1), jnp.int32),
            ],
            scratch_shapes=[pltpu.VMEM((1, C), jnp.float32)],
        )(coords_h, w_h, *enc_args[2:])

    z_h, q_h, q2d_h = [], [], []
    for h in range(2):
        zh, qh = _enc_half(coords[h * RH:(h + 1) * RH],
                           w2d[h * RH:(h + 1) * RH])
        z_h.append(zh)
        q2d_h.append(qh)
        q_h.append(qh.reshape(NH))

    zq0 = _sc_gather(params["codebook"], q_h[0], NH)

    dp = params["decoder"][0]
    dec_args = [
        _bd(params["decoder_token_mlp"]["w"]),
        _colb(params["decoder_token_mlp"]["b"]),
        params["decoder_start"]["w"], _row(params["decoder_start"]["b"]),
        _row(dp["ln1_g"]), _row(dp["ln1_b"]),
        _bd(dp["tok1"]["w"]), _colb(dp["tok1"]["b"]),
        _bd(dp["tok2"]["w"]), _colb(dp["tok2"]["b"]),
        _row(dp["ln2_g"]), _row(dp["ln2_b"]),
        dp["ch1"]["w"], _row(dp["ch1"]["b"]),
        dp["ch2"]["w"], _row(dp["ch2"]["b"]),
        _row(params["dec_ln_g"]), _row(params["dec_ln_b"]),
        params["recover_embed"]["w"], _row(params["recover_embed"]["b"]),
    ]
    dec_specs = [
        pl.BlockSpec((SUB * RT, D), lambda i: (i, 0)),
        pl.BlockSpec((SUB * RT, D), lambda i: (i, 0)),
        _const2((R, RT)), _const2((R, 1)),
        _const2((D, DH)), _const2((1, DH)),
        _const2((1, DH)), _const2((1, DH)),
        _const2((BB * 64, R)), _const2((BB * 64, 1)),
        _const2((R, BB * 64)), _const2((R, 1)),
        _const2((1, DH)), _const2((1, DH)),
        _const2((DH, 64)), _const2((1, 64)),
        _const2((64, DH)), _const2((1, DH)),
        _const2((1, DH)), _const2((1, DH)),
        _const2((DH, 2)), _const2((1, 2)),
    ]

    dec_outs = [
        pl.BlockSpec((SUB * R, 2), lambda i: (i, 0)),
        pl.BlockSpec((1, 1), lambda i: (0, 0)),
    ]
    dec_types = [
        jax.ShapeDtypeStruct((RH, 2), jnp.float32),
        jax.ShapeDtypeStruct((1, 1), jnp.float32),
    ]

    rec1, lsum1 = pl.pallas_call(
        _dec_oh_kernel,
        grid=(GH // SUB,),
        in_specs=[dec_specs[0],
                  pl.BlockSpec((SUB * RT, 1), lambda i: (i, 0)),
                  _const2((C, D))] + dec_specs[2:],
        out_specs=dec_outs,
        out_shape=dec_types,
    )(z_h[1], q2d_h[1], params["codebook"], *dec_args)

    rec0, lsum0 = pl.pallas_call(
        _dec_kernel,
        grid=(GH // SUB,),
        in_specs=dec_specs,
        out_specs=dec_outs,
        out_shape=dec_types,
    )(z_h[0], zq0, *dec_args)

    rec_h = [rec0, rec1]
    lsum_h = [lsum0, lsum1]

    rec = jnp.concatenate(rec_h, axis=0).reshape(BS, J, 2)
    q = jnp.concatenate(q_h, axis=0)
    e_latent_loss = (lsum_h[0][0, 0] + lsum_h[1][0, 0]) / (NZ * D)
    return rec, q, e_latent_loss

# --- scband reference (transcript-rebuilt; emitter-appended) ---
"""Pipeline reference for scband-pct-tokenizer-ste-45071386804429 (READ-ONLY COPY).

The authoritative reference and input builder live on the scoring server;
editing this copy changes nothing except your own understanding.
"""

import jax, jax.numpy as jnp
import numpy as np

NUM_JOINTS = 17
ENC_BLOCKS = 4
ENC_HID = 512
ENC_TOK_INTER = 64
ENC_HID_INTER = 512
DEC_BLOCKS = 1
DEC_HID = 32
DEC_TOK_INTER = 64
DEC_HID_INTER = 64
TOKEN_NUM = 34
TOKEN_CLASS = 1024
TOKEN_DIM = 512
BS = 256


def _linear_params(key, din, dout):
    return {"w": jax.random.normal(key, (din, dout), jnp.float32) * 0.02,
            "b": jnp.zeros((dout,), jnp.float32)}


def _mixer_params(key, hid, hid_inter, tok, tok_inter):
    ks = jax.random.split(key, 4)
    return {
        "ln1_g": jnp.ones((hid,), jnp.float32), "ln1_b": jnp.zeros((hid,), jnp.float32),
        "tok1": _linear_params(ks[0], tok, tok_inter),
        "tok2": _linear_params(ks[1], tok_inter, tok),
        "ln2_g": jnp.ones((hid,), jnp.float32), "ln2_b": jnp.zeros((hid,), jnp.float32),
        "ch1": _linear_params(ks[2], hid, hid_inter),
        "ch2": _linear_params(ks[3], hid_inter, hid),
    }


def setup_inputs(seed: int = 0) -> dict:
    key = jax.random.key(seed)
    ks = jax.random.split(key, 16)
    joints = jax.random.uniform(ks[0], (BS, NUM_JOINTS, 3), jnp.float32)
    joints_feature = jax.random.normal(ks[1], (BS, NUM_JOINTS, 256), jnp.float32)
    cls_logits = jax.random.normal(ks[2], (BS * TOKEN_NUM, TOKEN_CLASS), jnp.float32)
    params = {
        "invisible_token": jax.random.normal(ks[3], (1, 1, ENC_HID), jnp.float32) * 0.02,
        "start_embed": _linear_params(ks[4], 2, ENC_HID),
        "encoder": [_mixer_params(jax.random.fold_in(ks[5], i), ENC_HID, ENC_HID_INTER, NUM_JOINTS, ENC_TOK_INTER) for i in range(ENC_BLOCKS)],
        "enc_ln_g": jnp.ones((ENC_HID,), jnp.float32), "enc_ln_b": jnp.zeros((ENC_HID,), jnp.float32),
        "token_mlp": _linear_params(ks[6], NUM_JOINTS, TOKEN_NUM),
        "feature_embed": _linear_params(ks[7], ENC_HID, TOKEN_DIM),
        "codebook": jax.random.normal(ks[8], (TOKEN_CLASS, TOKEN_DIM), jnp.float32),
        "decoder_token_mlp": _linear_params(ks[9], TOKEN_NUM, NUM_JOINTS),
        "decoder_start": _linear_params(ks[10], TOKEN_DIM, DEC_HID),
        "decoder": [_mixer_params(jax.random.fold_in(ks[11], i), DEC_HID, DEC_HID_INTER, NUM_JOINTS, DEC_TOK_INTER) for i in range(DEC_BLOCKS)],
        "dec_ln_g": jnp.ones((DEC_HID,), jnp.float32), "dec_ln_b": jnp.zeros((DEC_HID,), jnp.float32),
        "recover_embed": _linear_params(ks[12], DEC_HID, 2),
    }
    return {"joints": joints, "joints_feature": joints_feature, "cls_logits": cls_logits, "params": params}


def _ln(x, g, b, eps=1e-5):
    m = jnp.mean(x, -1, keepdims=True)
    v = jnp.mean((x - m) ** 2, -1, keepdims=True)
    return (x - m) / jnp.sqrt(v + eps) * g + b


def _lin(x, p):
    return x @ p["w"] + p["b"]


def _mlp(x, p1, p2):
    return _lin(jax.nn.gelu(_lin(x, p1), approximate=False), p2)


def _mixer(x, p):
    y = _ln(x, p["ln1_g"], p["ln1_b"])
    y = jnp.swapaxes(y, 1, 2)
    y = _mlp(y, p["tok1"], p["tok2"])
    y = jnp.swapaxes(y, 1, 2)
    z = _ln(x + y, p["ln2_g"], p["ln2_b"])
    z = _mlp(z, p["ch1"], p["ch2"])
    return x + y + z


def _forward(joints, params):
    bs = joints.shape[0]
    coords = joints[:, :, :2]
    vis = (joints[:, :, 2] != 0)
    feat = _lin(coords, params["start_embed"])
    # guide_ratio == 0 -> no image guidance branch; drop_rate == 0 -> mask is identity
    w = vis[..., None].astype(feat.dtype)
    feat = feat * w + params["invisible_token"] * (1.0 - w)
    for p in params["encoder"]:
        feat = _mixer(feat, p)
    feat = _ln(feat, params["enc_ln_g"], params["enc_ln_b"])
    feat = jnp.swapaxes(feat, 1, 2)
    feat = _lin(feat, params["token_mlp"])
    feat = jnp.swapaxes(feat, 1, 2)
    feat = _lin(feat, params["feature_embed"])
    # shared-codebook VQ with straight-through estimator
    z = feat.reshape(-1, TOKEN_DIM)
    cb = params["codebook"]
    d2 = jnp.sum(z * z, -1, keepdims=True) - 2.0 * (z @ cb.T) + jnp.sum(cb * cb, -1)[None, :]
    q = jnp.argmin(d2, -1)
    z_q = jnp.take(cb, q, axis=0)
    e_latent_loss = jnp.mean((z - jax.lax.stop_gradient(z_q)) ** 2)
    z_q = z + jax.lax.stop_gradient(z_q - z)
    part = z_q.reshape(bs, -1, TOKEN_DIM)
    part = jnp.swapaxes(part, 1, 2)
    part = _lin(part, params["decoder_token_mlp"])
    part = jnp.swapaxes(part, 1, 2)
    dec = _lin(part, params["decoder_start"])
    for p in params["decoder"]:
        dec = _mixer(dec, p)
    dec = _ln(dec, params["dec_ln_g"], params["dec_ln_b"])
    rec = _lin(dec, params["recover_embed"])
    return rec, q, e_latent_loss


def reference(joints, joints_feature, cls_logits, params):
    # joints_feature and cls_logits are unused in tokenizer stage (guide_ratio=0)
    return _forward(joints, params)

if __name__ == "__main__":
    import jax
    _d = setup_inputs()
    print(jax.jit(kernel)(*tuple(_d.values())))

</pallas_src>

<mosaic_0001>
#map = affine_map<(d0, d1) -> (0, 0)>
#map1 = affine_map<(d0, d1) -> (0)>
module attributes {stable_mosaic.version = 14 : i64} {
  func.func @kern(%arg0: i32, %arg1: i32, %arg2: memref<1024x512xf32, #tpu.memory_space<hbm>>, %arg3: memref<4352xi32, #tpu.memory_space<hbm>>, %arg4: memref<4352x512xf32, #tpu.memory_space<hbm>>, %arg5: memref<136xi32, #tpu.memory_space<vmem>>, %arg6: memref<128x512xf32, #tpu.memory_space<vmem>>, %arg7: memref<!tpu.dma_semaphore, #tpu.memory_space<semaphore_mem>>) attributes {dimension_semantics = [#tpu.dimension_semantics<core_parallel>, #tpu.dimension_semantics<subcore_parallel>], iteration_bounds = array<i64: 2, 16>, scalar_prefetch = 0 : i64, scratch_operands = 3 : i64, tpu.core_type = #tpu.core_type<sc_vector_subcore>, window_params = [{transform_indices = #map}, {transform_indices = #map1}, {transform_indices = #map}]} {
    %mul3A = arith.constant 2 : i32
    %mul3A_0 = arith.muli %arg1, %mul3A : i32
    %add3A = arith.addi %mul3A_0, %arg0 : i32
    %mul3A_1 = arith.constant 136 : i32
    %mul3A_2 = arith.muli %add3A, %mul3A_1 : i32
    "tpu.region"() ({
      %run_scoped3A = tpu.sem_alloc : memref<!tpu.dma_semaphore, #tpu.memory_space<semaphore_mem>>
      %dma_start3A_149 = tpu.memref_slice %arg3[%mul3A_2] : memref<4352xi32, #tpu.memory_space<hbm>> -> memref<136xi32, #tpu.memory_space<hbm>>
      %dma_start3A_150 = tpu.memref_slice %arg3[%mul3A_2] : memref<4352xi32, #tpu.memory_space<hbm>> -> memref<136xi32, #tpu.memory_space<hbm>>
      tpu.enqueue_dma source(%dma_start3A_150 : memref<136xi32, #tpu.memory_space<hbm>>) target(%arg5 : memref<136xi32, #tpu.memory_space<vmem>>) target_semaphore(%run_scoped3A : memref<!tpu.dma_semaphore, #tpu.memory_space<semaphore_mem>>)
      %dma_wait3A_151 = tpu.memref_slice %arg3[%mul3A_2] : memref<4352xi32, #tpu.memory_space<hbm>> -> memref<136xi32, #tpu.memory_space<hbm>>
      %dma_wait3A_152 = tpu.memref_slice %arg3[%mul3A_2] : memref<4352xi32, #tpu.memory_space<hbm>> -> memref<136xi32, #tpu.memory_space<hbm>>
      tpu.wait_dma2 semaphore(%run_scoped3A : memref<!tpu.dma_semaphore, #tpu.memory_space<semaphore_mem>>) src(%dma_wait3A_152 : memref<136xi32, #tpu.memory_space<hbm>>) dst(%arg5 : memref<136xi32, #tpu.memory_space<vmem>>)
      tpu.yield
    }) : () -> ()
    %dma_start3A = arith.constant 0 : i32
    %dma_start3A_3 = arith.constant 0 : i32
    %dma_start3A_4 = tpu.memref_slice %arg6[%dma_start3A, %dma_start3A_3] : memref<128x512xf32, #tpu.memory_space<vmem>> -> memref<16x512xf32, #tpu.memory_space<vmem>>
    %dma_start3A_5 = arith.constant 0 : i32
    %dma_start3A_6 = tpu.memref_slice %arg5[%dma_start3A_5] : memref<136xi32, #tpu.memory_space<vmem>> -> memref<16xi32, #tpu.memory_space<vmem>>
    %dma_start3A_7 = arith.constant 0 : i32
    %dma_start3A_8 = arith.constant 0 : i32
    %dma_start3A_9 = tpu.memref_slice %arg2[%dma_start3A_7, %dma_start3A_8] : memref<1024x512xf32, #tpu.memory_space<hbm>> -> memref<1024x512xf32, #tpu.memory_space<hbm>>
    tpu.enqueue_indirect_dma source(%dma_start3A_9 : memref<1024x512xf32, #tpu.memory_space<hbm>>) target(%dma_start3A_4 : memref<16x512xf32, #tpu.memory_space<vmem>>) offsets(%dma_start3A_6 : memref<16xi32, #tpu.memory_space<vmem>>) semaphore(%arg7 : memref<!tpu.dma_semaphore, #tpu.memory_space<semaphore_mem>>)
    %dma_start3A_10 = arith.constant 16 : i32
    %dma_start3A_11 = arith.constant 0 : i32
    %dma_start3A_12 = tpu.memref_slice %arg6[%dma_start3A_10, %dma_start3A_11] : memref<128x512xf32, #tpu.memory_space<vmem>> -> memref<16x512xf32, #tpu.memory_space<vmem>>
    %dma_start3A_13 = arith.constant 16 : i32
    %dma_start3A_14 = tpu.memref_slice %arg5[%dma_start3A_13] : memref<136xi32, #tpu.memory_space<vmem>> -> memref<16xi32, #tpu.memory_space<vmem>>
    %dma_start3A_15 = arith.constant 0 : i32
    %dma_start3A_16 = arith.constant 0 : i32
    %dma_start3A_17 = tpu.memref_slice %arg2[%dma_start3A_15, %dma_start3A_16] : memref<1024x512xf32, #tpu.memory_space<hbm>> -> memref<1024x512xf32, #tpu.memory_space<hbm>>
    tpu.enqueue_indirect_dma source(%dma_start3A_17 : memref<1024x512xf32, #tpu.memory_space<hbm>>) target(%dma_start3A_12 : memref<16x512xf32, #tpu.memory_space<vmem>>) offsets(%dma_start3A_14 : memref<16xi32, #tpu.memory_space<vmem>>) semaphore(%arg7 : memref<!tpu.dma_semaphore, #tpu.memory_space<semaphore_mem>>)
    %dma_start3A_18 = arith.constant 32 : i32
    %dma_start3A_19 = arith.constant 0 : i32
    %dma_start3A_20 = tpu.memref_slice %arg6[%dma_start3A_18, %dma_start3A_19] : memref<128x512xf32, #tpu.memory_space<vmem>> -> memref<16x512xf32, #tpu.memory_space<vmem>>
    %dma_start3A_21 = arith.constant 32 : i32
    %dma_start3A_22 = tpu.memref_slice %arg5[%dma_start3A_21] : memref<136xi32, #tpu.memory_space<vmem>> -> memref<16xi32, #tpu.memory_space<vmem>>
    %dma_start3A_23 = arith.constant 0 : i32
    %dma_start3A_24 = arith.constant 0 : i32
    %dma_start3A_25 = tpu.memref_slice %arg2[%dma_start3A_23, %dma_start3A_24] : memref<1024x512xf32, #tpu.memory_space<hbm>> -> memref<1024x512xf32, #tpu.memory_space<hbm>>
    tpu.enqueue_indirect_dma source(%dma_start3A_25 : memref<1024x512xf32, #tpu.memory_space<hbm>>) target(%dma_start3A_20 : memref<16x512xf32, #tpu.memory_space<vmem>>) offsets(%dma_start3A_22 : memref<16xi32, #tpu.memory_space<vmem>>) semaphore(%arg7 : memref<!tpu.dma_semaphore, #tpu.memory_space<semaphore_mem>>)
    %dma_start3A_26 = arith.constant 48 : i32
    %dma_start3A_27 = arith.constant 0 : i32
    %dma_start3A_28 = tpu.memref_slice %arg6[%dma_start3A_26, %dma_start3A_27] : memref<128x512xf32, #tpu.memory_space<vmem>> -> memref<16x512xf32, #tpu.memory_space<vmem>>
    %dma_start3A_29 = arith.constant 48 : i32
    %dma_start3A_30 = tpu.memref_slice %arg5[%dma_start3A_29] : memref<136xi32, #tpu.memory_space<vmem>> -> memref<16xi32, #tpu.memory_space<vmem>>
    %dma_start3A_31 = arith.constant 0 : i32
    %dma_start3A_32 = arith.constant 0 : i32
    %dma_start3A_33 = tpu.memref_slice %arg2[%dma_start3A_31, %dma_start3A_32] : memref<1024x512xf32, #tpu.memory_space<hbm>> -> memref<1024x512xf32, #tpu.memory_space<hbm>>
    tpu.enqueue_indirect_dma source(%dma_start3A_33 : memref<1024x512xf32, #tpu.memory_space<hbm>>) target(%dma_start3A_28 : memref<16x512xf32, #tpu.memory_space<vmem>>) offsets(%dma_start3A_30 : memref<16xi32, #tpu.memory_space<vmem>>) semaphore(%arg7 : memref<!tpu.dma_semaphore, #tpu.memory_space<semaphore_mem>>)
    %dma_start3A_34 = arith.constant 64 : i32
    %dma_start3A_35 = arith.constant 0 : i32
    %dma_start3A_36 = tpu.memref_slice %arg6[%dma_start3A_34, %dma_start3A_35] : memref<128x512xf32, #tpu.memory_space<vmem>> -> memref<16x512xf32, #tpu.memory_space<vmem>>
    %dma_start3A_37 = arith.constant 64 : i32
    %dma_start3A_38 = tpu.memref_slice %arg5[%dma_start3A_37] : memref<136xi32, #tpu.memory_space<vmem>> -> memref<16xi32, #tpu.memory_space<vmem>>
    %dma_start3A_39 = arith.constant 0 : i32
    %dma_start3A_40 = arith.constant 0 : i32
    %dma_start3A_41 = tpu.memref_slice %arg2[%dma_start3A_39, %dma_start3A_40] : memref<1024x512xf32, #tpu.memory_space<hbm>> -> memref<1024x512xf32, #tpu.memory_space<hbm>>
    tpu.enqueue_indirect_dma source(%dma_start3A_41 : memref<1024x512xf32, #tpu.memory_space<hbm>>) target(%dma_start3A_36 : memref<16x512xf32, #tpu.memory_space<vmem>>) offsets(%dma_start3A_38 : memref<16xi32, #tpu.memory_space<vmem>>) semaphore(%arg7 : memref<!tpu.dma_semaphore, #tpu.memory_space<semaphore_mem>>)
    %dma_start3A_42 = arith.constant 80 : i32
    %dma_start3A_43 = arith.constant 0 : i32
    %dma_start3A_44 = tpu.memref_slice %arg6[%dma_start3A_42, %dma_start3A_43] : memref<128x512xf32, #tpu.memory_space<vmem>> -> memref<16x512xf32, #tpu.memory_space<vmem>>
    %dma_start3A_45 = arith.constant 80 : i32
    %dma_start3A_46 = tpu.memref_slice %arg5[%dma_start3A_45] : memref<136xi32, #tpu.memory_space<vmem>> -> memref<16xi32, #tpu.memory_space<vmem>>
    %dma_start3A_47 = arith.constant 0 : i32
    %dma_start3A_48 = arith.constant 0 : i32
    %dma_start3A_49 = tpu.memref_slice %arg2[%dma_start3A_47, %dma_start3A_48] : memref<1024x512xf32, #tpu.memory_space<hbm>> -> memref<1024x512xf32, #tpu.memory_space<hbm>>
    tpu.enqueue_indirect_dma source(%dma_start3A_49 : memref<1024x512xf32, #tpu.memory_space<hbm>>) target(%dma_start3A_44 : memref<16x512xf32, #tpu.memory_space<vmem>>) offsets(%dma_start3A_46 : memref<16xi32, #tpu.memory_space<vmem>>) semaphore(%arg7 : memref<!tpu.dma_semaphore, #tpu.memory_space<semaphore_mem>>)
    %dma_start3A_50 = arith.constant 96 : i32
    %dma_start3A_51 = arith.constant 0 : i32
    %dma_start3A_52 = tpu.memref_slice %arg6[%dma_start3A_50, %dma_start3A_51] : memref<128x512xf32, #tpu.memory_space<vmem>> -> memref<16x512xf32, #tpu.memory_space<vmem>>
    %dma_start3A_53 = arith.constant 96 : i32
    %dma_start3A_54 = tpu.memref_slice %arg5[%dma_start3A_53] : memref<136xi32, #tpu.memory_space<vmem>> -> memref<16xi32, #tpu.memory_space<vmem>>
    %dma_start3A_55 = arith.constant 0 : i32
    %dma_start3A_56 = arith.constant 0 : i32
    %dma_start3A_57 = tpu.memref_slice %arg2[%dma_start3A_55, %dma_start3A_56] : memref<1024x512xf32, #tpu.memory_space<hbm>> -> memref<1024x512xf32, #tpu.memory_space<hbm>>
    tpu.enqueue_indirect_dma source(%dma_start3A_57 : memref<1024x512xf32, #tpu.memory_space<hbm>>) target(%dma_start3A_52 : memref<16x512xf32, #tpu.memory_space<vmem>>) offsets(%dma_start3A_54 : memref<16xi32, #tpu.memory_space<vmem>>) semaphore(%arg7 : memref<!tpu.dma_semaphore, #tpu.memory_space<semaphore_mem>>)
    %dma_start3A_58 = arith.constant 112 : i32
    %dma_start3A_59 = arith.constant 0 : i32
    %dma_start3A_60 = tpu.memref_slice %arg6[%dma_start3A_58, %dma_start3A_59] : memref<128x512xf32, #tpu.memory_space<vmem>> -> memref<16x512xf32, #tpu.memory_space<vmem>>
    %dma_start3A_61 = arith.constant 112 : i32
    %dma_start3A_62 = tpu.memref_slice %arg5[%dma_start3A_61] : memref<136xi32, #tpu.memory_space<vmem>> -> memref<16xi32, #tpu.memory_space<vmem>>
    %dma_start3A_63 = arith.constant 0 : i32
    %dma_start3A_64 = arith.constant 0 : i32
    %dma_start3A_65 = tpu.memref_slice %arg2[%dma_start3A_63, %dma_start3A_64] : memref<1024x512xf32, #tpu.memory_space<hbm>> -> memref<1024x512xf32, #tpu.memory_space<hbm>>
    tpu.enqueue_indirect_dma source(%dma_start3A_65 : memref<1024x512xf32, #tpu.memory_space<hbm>>) target(%dma_start3A_60 : memref<16x512xf32, #tpu.memory_space<vmem>>) offsets(%dma_start3A_62 : memref<16xi32, #tpu.memory_space<vmem>>) semaphore(%arg7 : memref<!tpu.dma_semaphore, #tpu.memory_space<semaphore_mem>>)
    %dma_wait3A = arith.constant 0 : i32
    %dma_wait3A_66 = arith.constant 0 : i32
    %dma_wait3A_67 = tpu.memref_slice %arg6[%dma_wait3A, %dma_wait3A_66] : memref<128x512xf32, #tpu.memory_space<vmem>> -> memref<16x512xf32, #tpu.memory_space<vmem>>
    %dma_wait3A_68 = arith.constant 0 : i32
    %dma_wait3A_69 = tpu.memref_slice %arg5[%dma_wait3A_68] : memref<136xi32, #tpu.memory_space<vmem>> -> memref<16xi32, #tpu.memory_space<vmem>>
    %dma_wait3A_70 = arith.constant 0 : i32
    %dma_wait3A_71 = arith.constant 0 : i32
    %dma_wait3A_72 = tpu.memref_slice %arg2[%dma_wait3A_70, %dma_wait3A_71] : memref<1024x512xf32, #tpu.memory_space<hbm>> -> memref<1024x512xf32, #tpu.memory_space<hbm>>
    tpu.wait_indirect_dma semaphore(%arg7 : memref<!tpu.dma_semaphore, #tpu.memory_space<semaphore_mem>>) src(%dma_wait3A_72 : memref<1024x512xf32, #tpu.memory_space<hbm>>) dst(%dma_wait3A_67 : memref<16x512xf32, #tpu.memory_space<vmem>>)
    %dma_wait3A_73 = arith.constant 16 : i32
    %dma_wait3A_74 = arith.constant 0 : i32
    %dma_wait3A_75 = tpu.memref_slice %arg6[%dma_wait3A_73, %dma_wait3A_74] : memref<128x512xf32, #tpu.memory_space<vmem>> -> memref<16x512xf32, #tpu.memory_space<vmem>>
    %dma_wait3A_76 = arith.constant 16 : i32
    %dma_wait3A_77 = tpu.memref_slice %arg5[%dma_wait3A_76] : memref<136xi32, #tpu.memory_space<vmem>> -> memref<16xi32, #tpu.memory_space<vmem>>
    %dma_wait3A_78 = arith.constant 0 : i32
    %dma_wait3A_79 = arith.constant 0 : i32
    %dma_wait3A_80 = tpu.memref_slice %arg2[%dma_wait3A_78, %dma_wait3A_79] : memref<1024x512xf32, #tpu.memory_space<hbm>> -> memref<1024x512xf32, #tpu.memory_space<hbm>>
    tpu.wait_indirect_dma semaphore(%arg7 : memref<!tpu.dma_semaphore, #tpu.memory_space<semaphore_mem>>) src(%dma_wait3A_80 : memref<1024x512xf32, #tpu.memory_space<hbm>>) dst(%dma_wait3A_75 : memref<16x512xf32, #tpu.memory_space<vmem>>)
    %dma_wait3A_81 = arith.constant 32 : i32
    %dma_wait3A_82 = arith.constant 0 : i32
    %dma_wait3A_83 = tpu.memref_slice %arg6[%dma_wait3A_81, %dma_wait3A_82] : memref<128x512xf32, #tpu.memory_space<vmem>> -> memref<16x512xf32, #tpu.memory_space<vmem>>
    %dma_wait3A_84 = arith.constant 32 : i32
    %dma_wait3A_85 = tpu.memref_slice %arg5[%dma_wait3A_84] : memref<136xi32, #tpu.memory_space<vmem>> -> memref<16xi32, #tpu.memory_space<vmem>>
    %dma_wait3A_86 = arith.constant 0 : i32
    %dma_wait3A_87 = arith.constant 0 : i32
    %dma_wait3A_88 = tpu.memref_slice %arg2[%dma_wait3A_86, %dma_wait3A_87] : memref<1024x512xf32, #tpu.memory_space<hbm>> -> memref<1024x512xf32, #tpu.memory_space<hbm>>
    tpu.wait_indirect_dma semaphore(%arg7 : memref<!tpu.dma_semaphore, #tpu.memory_space<semaphore_mem>>) src(%dma_wait3A_88 : memref<1024x512xf32, #tpu.memory_space<hbm>>) dst(%dma_wait3A_83 : memref<16x512xf32, #tpu.memory_space<vmem>>)
    %dma_wait3A_89 = arith.constant 48 : i32
    %dma_wait3A_90 = arith.constant 0 : i32
    %dma_wait3A_91 = tpu.memref_slice %arg6[%dma_wait3A_89, %dma_wait3A_90] : memref<128x512xf32, #tpu.memory_space<vmem>> -> memref<16x512xf32, #tpu.memory_space<vmem>>
    %dma_wait3A_92 = arith.constant 48 : i32
    %dma_wait3A_93 = tpu.memref_slice %arg5[%dma_wait3A_92] : memref<136xi32, #tpu.memory_space<vmem>> -> memref<16xi32, #tpu.memory_space<vmem>>
    %dma_wait3A_94 = arith.constant 0 : i32
    %dma_wait3A_95 = arith.constant 0 : i32
    %dma_wait3A_96 = tpu.memref_slice %arg2[%dma_wait3A_94, %dma_wait3A_95] : memref<1024x512xf32, #tpu.memory_space<hbm>> -> memref<1024x512xf32, #tpu.memory_space<hbm>>
    tpu.wait_indirect_dma semaphore(%arg7 : memref<!tpu.dma_semaphore, #tpu.memory_space<semaphore_mem>>) src(%dma_wait3A_96 : memref<1024x512xf32, #tpu.memory_space<hbm>>) dst(%dma_wait3A_91 : memref<16x512xf32, #tpu.memory_space<vmem>>)
    %dma_wait3A_97 = arith.constant 64 : i32
    %dma_wait3A_98 = arith.constant 0 : i32
    %dma_wait3A_99 = tpu.memref_slice %arg6[%dma_wait3A_97, %dma_wait3A_98] : memref<128x512xf32, #tpu.memory_space<vmem>> -> memref<16x512xf32, #tpu.memory_space<vmem>>
    %dma_wait3A_100 = arith.constant 64 : i32
    %dma_wait3A_101 = tpu.memref_slice %arg5[%dma_wait3A_100] : memref<136xi32, #tpu.memory_space<vmem>> -> memref<16xi32, #tpu.memory_space<vmem>>
    %dma_wait3A_102 = arith.constant 0 : i32
    %dma_wait3A_103 = arith.constant 0 : i32
    %dma_wait3A_104 = tpu.memref_slice %arg2[%dma_wait3A_102, %dma_wait3A_103] : memref<1024x512xf32, #tpu.memory_space<hbm>> -> memref<1024x512xf32, #tpu.memory_space<hbm>>
    tpu.wait_indirect_dma semaphore(%arg7 : memref<!tpu.dma_semaphore, #tpu.memory_space<semaphore_mem>>) src(%dma_wait3A_104 : memref<1024x512xf32, #tpu.memory_space<hbm>>) dst(%dma_wait3A_99 : memref<16x512xf32, #tpu.memory_space<vmem>>)
    %dma_wait3A_105 = arith.constant 80 : i32
    %dma_wait3A_106 = arith.constant 0 : i32
    %dma_wait3A_107 = tpu.memref_slice %arg6[%dma_wait3A_105, %dma_wait3A_106] : memref<128x512xf32, #tpu.memory_space<vmem>> -> memref<16x512xf32, #tpu.memory_space<vmem>>
    %dma_wait3A_108 = arith.constant 80 : i32
    %dma_wait3A_109 = tpu.memref_slice %arg5[%dma_wait3A_108] : memref<136xi32, #tpu.memory_space<vmem>> -> memref<16xi32, #tpu.memory_space<vmem>>
    %dma_wait3A_110 = arith.constant 0 : i32
    %dma_wait3A_111 = arith.constant 0 : i32
    %dma_wait3A_112 = tpu.memref_slice %arg2[%dma_wait3A_110, %dma_wait3A_111] : memref<1024x512xf32, #tpu.memory_space<hbm>> -> memref<1024x512xf32, #tpu.memory_space<hbm>>
    tpu.wait_indirect_dma semaphore(%arg7 : memref<!tpu.dma_semaphore, #tpu.memory_space<semaphore_mem>>) src(%dma_wait3A_112 : memref<1024x512xf32, #tpu.memory_space<hbm>>) dst(%dma_wait3A_107 : memref<16x512xf32, #tpu.memory_space<vmem>>)
    %dma_wait3A_113 = arith.constant 96 : i32
    %dma_wait3A_114 = arith.constant 0 : i32
    %dma_wait3A_115 = tpu.memref_slice %arg6[%dma_wait3A_113, %dma_wait3A_114] : memref<128x512xf32, #tpu.memory_space<vmem>> -> memref<16x512xf32, #tpu.memory_space<vmem>>
    %dma_wait3A_116 = arith.constant 96 : i32
    %dma_wait3A_117 = tpu.memref_slice %arg5[%dma_wait3A_116] : memref<136xi32, #tpu.memory_space<vmem>> -> memref<16xi32, #tpu.memory_space<vmem>>
    %dma_wait3A_118 = arith.constant 0 : i32
    %dma_wait3A_119 = arith.constant 0 : i32
    %dma_wait3A_120 = tpu.memref_slice %arg2[%dma_wait3A_118, %dma_wait3A_119] : memref<1024x512xf32, #tpu.memory_space<hbm>> -> memref<1024x512xf32, #tpu.memory_space<hbm>>
    tpu.wait_indirect_dma semaphore(%arg7 : memref<!tpu.dma_semaphore, #tpu.memory_space<semaphore_mem>>) src(%dma_wait3A_120 : memref<1024x512xf32, #tpu.memory_space<hbm>>) dst(%dma_wait3A_115 : memref<16x512xf32, #tpu.memory_space<vmem>>)
    %dma_wait3A_121 = arith.constant 112 : i32
    %dma_wait3A_122 = arith.constant 0 : i32
    %dma_wait3A_123 = tpu.memref_slice %arg6[%dma_wait3A_121, %dma_wait3A_122] : memref<128x512xf32, #tpu.memory_space<vmem>> -> memref<16x512xf32, #tpu.memory_space<vmem>>
    %dma_wait3A_124 = arith.constant 112 : i32
    %dma_wait3A_125 = tpu.memref_slice %arg5[%dma_wait3A_124] : memref<136xi32, #tpu.memory_space<vmem>> -> memref<16xi32, #tpu.memory_space<vmem>>
    %dma_wait3A_126 = arith.constant 0 : i32
    %dma_wait3A_127 = arith.constant 0 : i32
    %dma_wait3A_128 = tpu.memref_slice %arg2[%dma_wait3A_126, %dma_wait3A_127] : memref<1024x512xf32, #tpu.memory_space<hbm>> -> memref<1024x512xf32, #tpu.memory_space<hbm>>
    tpu.wait_indirect_dma semaphore(%arg7 : memref<!tpu.dma_semaphore, #tpu.memory_space<semaphore_mem>>) src(%dma_wait3A_128 : memref<1024x512xf32, #tpu.memory_space<hbm>>) dst(%dma_wait3A_123 : memref<16x512xf32, #tpu.memory_space<vmem>>)
    %add3A_129 = arith.constant 0 : i32
    %add3A_130 = arith.addi %mul3A_2, %add3A_129 : i32
    "tpu.region"() ({
      %run_scoped3A = tpu.sem_alloc : memref<!tpu.dma_semaphore, #tpu.memory_space<semaphore_mem>>
      %dma_start3A_149 = arith.constant 0 : i32
      %dma_start3A_150 = arith.constant 0 : i32
      %dma_start3A_151 = tpu.memref_slice %arg6[%dma_start3A_149, %dma_start3A_150] : memref<128x512xf32, #tpu.memory_space<vmem>> -> memref<128x512xf32, #tpu.memory_space<vmem>>
      %dma_start3A_152 = arith.constant 0 : i32
      %dma_start3A_153 = tpu.memref_slice %arg4[%add3A_130, %dma_start3A_152] : memref<4352x512xf32, #tpu.memory_space<hbm>> -> memref<128x512xf32, #tpu.memory_space<hbm>>
      %dma_start3A_154 = arith.constant 0 : i32
      %dma_start3A_155 = tpu.memref_slice %arg4[%add3A_130, %dma_start3A_154] : memref<4352x512xf32, #tpu.memory_space<hbm>> -> memref<128x512xf32, #tpu.memory_space<hbm>>
      %dma_start3A_156 = arith.constant 0 : i32
      %dma_start3A_157 = arith.constant 0 : i32
      %dma_start3A_158 = tpu.memref_slice %arg6[%dma_start3A_156, %dma_start3A_157] : memref<128x512xf32, #tpu.memory_space<vmem>> -> memref<128x512xf32, #tpu.memory_space<vmem>>
      tpu.enqueue_dma source(%dma_start3A_158 : memref<128x512xf32, #tpu.memory_space<vmem>>) target(%dma_start3A_155 : memref<128x512xf32, #tpu.memory_space<hbm>>) target_semaphore(%run_scoped3A : memref<!tpu.dma_semaphore, #tpu.memory_space<semaphore_mem>>)
      %dma_wait3A_159 = arith.constant 0 : i32
      %dma_wait3A_160 = arith.constant 0 : i32
      %dma_wait3A_161 = tpu.memref_slice %arg6[%dma_wait3A_159, %dma_wait3A_160] : memref<128x512xf32, #tpu.memory_space<vmem>> -> memref<128x512xf32, #tpu.memory_space<vmem>>
      %dma_wait3A_162 = arith.constant 0 : i32
      %dma_wait3A_163 = tpu.memref_slice %arg4[%add3A_130, %dma_wait3A_162] : memref<4352x512xf32, #tpu.memory_space<hbm>> -> memref<128x512xf32, #tpu.memory_space<hbm>>
      %dma_wait3A_164 = arith.constant 0 : i32
      %dma_wait3A_165 = tpu.memref_slice %arg4[%add3A_130, %dma_wait3A_164] : memref<4352x512xf32, #tpu.memory_space<hbm>> -> memref<128x512xf32, #tpu.memory_space<hbm>>
      %dma_wait3A_166 = arith.constant 0 : i32
      %dma_wait3A_167 = arith.constant 0 : i32
      %dma_wait3A_168 = tpu.memref_slice %arg6[%dma_wait3A_166, %dma_wait3A_167] : memref<128x512xf32, #tpu.memory_space<vmem>> -> memref<128x512xf32, #tpu.memory_space<vmem>>
      tpu.wait_dma2 semaphore(%run_scoped3A : memref<!tpu.dma_semaphore, #tpu.memory_space<semaphore_mem>>) src(%dma_wait3A_168 : memref<128x512xf32, #tpu.memory_space<vmem>>) dst(%dma_wait3A_165 : memref<128x512xf32, #tpu.memory_space<hbm>>)
      tpu.yield
    }) : () -> ()
    %dma_start3A_131 = arith.constant 0 : i32
    %dma_start3A_132 = arith.constant 0 : i32
    %dma_start3A_133 = tpu.memref_slice %arg6[%dma_start3A_131, %dma_start3A_132] : memref<128x512xf32, #tpu.memory_space<vmem>> -> memref<8x512xf32, #tpu.memory_space<vmem>>
    %dma_start3A_134 = arith.constant 128 : i32
    %dma_start3A_135 = tpu.memref_slice %arg5[%dma_start3A_134] : memref<136xi32, #tpu.memory_space<vmem>> -> memref<8xi32, #tpu.memory_space<vmem>>
    %dma_start3A_136 = arith.constant 0 : i32
    %dma_start3A_137 = arith.constant 0 : i32
    %dma_start3A_138 = tpu.memref_slice %arg2[%dma_start3A_136, %dma_start3A_137] : memref<1024x512xf32, #tpu.memory_space<hbm>> -> memref<1024x512xf32, #tpu.memory_space<hbm>>
    tpu.enqueue_indirect_dma source(%dma_start3A_138 : memref<1024x512xf32, #tpu.memory_space<hbm>>) target(%dma_start3A_133 : memref<8x512xf32, #tpu.memory_space<vmem>>) offsets(%dma_start3A_135 : memref<8xi32, #tpu.memory_space<vmem>>) semaphore(%arg7 : memref<!tpu.dma_semaphore, #tpu.memory_space<semaphore_mem>>)
    %dma_wait3A_139 = arith.constant 0 : i32
    %dma_wait3A_140 = arith.constant 0 : i32
    %dma_wait3A_141 = tpu.memref_slice %arg6[%dma_wait3A_139, %dma_wait3A_140] : memref<128x512xf32, #tpu.memory_space<vmem>> -> memref<8x512xf32, #tpu.memory_space<vmem>>
    %dma_wait3A_142 = arith.constant 128 : i32
    %dma_wait3A_143 = tpu.memref_slice %arg5[%dma_wait3A_142] : memref<136xi32, #tpu.memory_space<vmem>> -> memref<8xi32, #tpu.memory_space<vmem>>
    %dma_wait3A_144 = arith.constant 0 : i32
    %dma_wait3A_145 = arith.constant 0 : i32
    %dma_wait3A_146 = tpu.memref_slice %arg2[%dma_wait3A_144, %dma_wait3A_145] : memref<1024x512xf32, #tpu.memory_space<hbm>> -> memref<1024x512xf32, #tpu.memory_space<hbm>>
    tpu.wait_indirect_dma semaphore(%arg7 : memref<!tpu.dma_semaphore, #tpu.memory_space<semaphore_mem>>) src(%dma_wait3A_146 : memref<1024x512xf32, #tpu.memory_space<hbm>>) dst(%dma_wait3A_141 : memref<8x512xf32, #tpu.memory_space<vmem>>)
    %add3A_147 = arith.constant 128 : i32
    %add3A_148 = arith.addi %mul3A_2, %add3A_147 : i32
    "tpu.region"() ({
      %run_scoped3A = tpu.sem_alloc : memref<!tpu.dma_semaphore, #tpu.memory_space<semaphore_mem>>
      %dma_start3A_149 = arith.constant 0 : i32
      %dma_start3A_150 = arith.constant 0 : i32
      %dma_start3A_151 = tpu.memref_slice %arg6[%dma_start3A_149, %dma_start3A_150] : memref<128x512xf32, #tpu.memory_space<vmem>> -> memref<8x512xf32, #tpu.memory_space<vmem>>
      %dma_start3A_152 = arith.constant 0 : i32
      %dma_start3A_153 = tpu.memref_slice %arg4[%add3A_148, %dma_start3A_152] : memref<4352x512xf32, #tpu.memory_space<hbm>> -> memref<8x512xf32, #tpu.memory_space<hbm>>
      %dma_start3A_154 = arith.constant 0 : i32
      %dma_start3A_155 = tpu.memref_slice %arg4[%add3A_148, %dma_start3A_154] : memref<4352x512xf32, #tpu.memory_space<hbm>> -> memref<8x512xf32, #tpu.memory_space<hbm>>
      %dma_start3A_156 = arith.constant 0 : i32
      %dma_start3A_157 = arith.constant 0 : i32
      %dma_start3A_158 = tpu.memref_slice %arg6[%dma_start3A_156, %dma_start3A_157] : memref<128x512xf32, #tpu.memory_space<vmem>> -> memref<8x512xf32, #tpu.memory_space<vmem>>
      tpu.enqueue_dma source(%dma_start3A_158 : memref<8x512xf32, #tpu.memory_space<vmem>>) target(%dma_start3A_155 : memref<8x512xf32, #tpu.memory_space<hbm>>) target_semaphore(%run_scoped3A : memref<!tpu.dma_semaphore, #tpu.memory_space<semaphore_mem>>)
      %dma_wait3A_159 = arith.constant 0 : i32
      %dma_wait3A_160 = arith.constant 0 : i32
      %dma_wait3A_161 = tpu.memref_slice %arg6[%dma_wait3A_159, %dma_wait3A_160] : memref<128x512xf32, #tpu.memory_space<vmem>> -> memref<8x512xf32, #tpu.memory_space<vmem>>
      %dma_wait3A_162 = arith.constant 0 : i32
      %dma_wait3A_163 = tpu.memref_slice %arg4[%add3A_148, %dma_wait3A_162] : memref<4352x512xf32, #tpu.memory_space<hbm>> -> memref<8x512xf32, #tpu.memory_space<hbm>>
      %dma_wait3A_164 = arith.constant 0 : i32
      %dma_wait3A_165 = tpu.memref_slice %arg4[%add3A_148, %dma_wait3A_164] : memref<4352x512xf32, #tpu.memory_space<hbm>> -> memref<8x512xf32, #tpu.memory_space<hbm>>
      %dma_wait3A_166 = arith.constant 0 : i32
      %dma_wait3A_167 = arith.constant 0 : i32
      %dma_wait3A_168 = tpu.memref_slice %arg6[%dma_wait3A_166, %dma_wait3A_167] : memref<128x512xf32, #tpu.memory_space<vmem>> -> memref<8x512xf32, #tpu.memory_space<vmem>>
      tpu.wait_dma2 semaphore(%run_scoped3A : memref<!tpu.dma_semaphore, #tpu.memory_space<semaphore_mem>>) src(%dma_wait3A_168 : memref<8x512xf32, #tpu.memory_space<vmem>>) dst(%dma_wait3A_165 : memref<8x512xf32, #tpu.memory_space<hbm>>)
      tpu.yield
    }) : () -> ()
    return
  }
}

module attributes {stable_mosaic.version = 14 : i64} {
  func.func @_enc_kernel(%arg0: i32, %arg1: memref<544x2xf32, #tpu.memory_space<vmem>>, %arg2: memref<544x1xf32, #tpu.memory_space<vmem>>, %arg3: memref<1x512xf32, #tpu.memory_space<vmem>>, %arg4: memref<2x512xf32, #tpu.memory_space<vmem>>, %arg5: memref<1x512xf32, #tpu.memory_space<vmem>>, %arg6: memref<1x512xf32, #tpu.memory_space<vmem>>, %arg7: memref<1x512xf32, #tpu.memory_space<vmem>>, %arg8: memref<512x136xf32, #tpu.memory_space<vmem>>, %arg9: memref<512x1xf32, #tpu.memory_space<vmem>>, %arg10: memref<136x512xf32, #tpu.memory_space<vmem>>, %arg11: memref<136x1xf32, #tpu.memory_space<vmem>>, %arg12: memref<1x512xf32, #tpu.memory_space<vmem>>, %arg13: memref<1x512xf32, #tpu.memory_space<vmem>>, %arg14: memref<512x512xf32, #tpu.memory_space<vmem>>, %arg15: memref<1x512xf32, #tpu.memory_space<vmem>>, %arg16: memref<512x512xf32, #tpu.memory_space<vmem>>, %arg17: memref<1x512xf32, #tpu.memory_space<vmem>>, %arg18: memref<1x512xf32, #tpu.memory_space<vmem>>, %arg19: memref<1x512xf32, #tpu.memory_space<vmem>>, %arg20: memref<512x136xf32, #tpu.memory_space<vmem>>, %arg21: memref<512x1xf32, #tpu.memory_space<vmem>>, %arg22: memref<136x512xf32, #tpu.memory_space<vmem>>, %arg23: memref<136x1xf32, #tpu.memory_space<vmem>>, %arg24: memref<1x512xf32, #tpu.memory_space<vmem>>, %arg25: memref<1x512xf32, #tpu.memory_space<vmem>>, %arg26: memref<512x512xf32, #tpu.memory_space<vmem>>, %arg27: memref<1x512xf32, #tpu.memory_space<vmem>>, %arg28: memref<512x512xf32, #tpu.memory_space<vmem>>, %arg29: memref<1x512xf32, #tpu.memory_space<vmem>>, %arg30: memref<1x512xf32, #tpu.memory_space<vmem>>, %arg31: memref<1x512xf32, #tpu.memory_space<vmem>>, %arg32: memref<512x136xf32, #tpu.memory_space<vmem>>, %arg33: memref<512x1xf32, #tpu.memory_space<vmem>>, %arg34: memref<136x512xf32, #tpu.memory_space<vmem>>, %arg35: memref<136x1xf32, #tpu.memory_space<vmem>>, %arg36: memref<1x512xf32, #tpu.memory_space<vmem>>, %arg37: memref<1x512xf32, #tpu.memory_space<vmem>>, %arg38: memref<512x512xf32, #tpu.memory_space<vmem>>, %arg39: memref<1x512xf32, #tpu.memory_space<vmem>>, %arg40: memref<512x512xf32, #tpu.memory_space<vmem>>, %arg41: memref<1x512xf32, #tpu.memory_space<vmem>>, %arg42: memref<1x512xf32, #tpu.memory_space<vmem>>, %arg43: memref<1x512xf32, #tpu.memory_space<vmem>>, %arg44: memref<512x136xf32, #tpu.memory_space<vmem>>, %arg45: memref<512x1xf32, #tpu.memory_space<vmem>>, %arg46: memref<136x512xf32, #tpu.memory_space<vmem>>, %arg47: memref<136x1xf32, #tpu.memory_space<vmem>>, %arg48: memref<1x512xf32, #tpu.memory_space<vmem>>, %arg49: memref<1x512xf32, #tpu.memory_space<vmem>>, %arg50: memref<512x512xf32, #tpu.memory_space<vmem>>, %arg51: memref<1x512xf32, #tpu.memory_space<vmem>>, %arg52: memref<512x512xf32, #tpu.memory_space<vmem>>, %arg53: memref<1x512xf32, #tpu.memory_space<vmem>>, %arg54: memref<1x512xf32, #tpu.memory_space<vmem>>, %arg55: memref<1x512xf32, #tpu.memory_space<vmem>>, %arg56: memref<272x136xf32, #tpu.memory_space<vmem>>, %arg57: memref<272x1xf32, #tpu.memory_space<vmem>>, %arg58: memref<512x512xf32, #tpu.memory_space<vmem>>, %arg59: memref<1x512xf32, #tpu.memory_space<vmem>>, %arg60: memref<512x1024xf32, #tpu.memory_space<vmem>>, %arg61: memref<1088x512xf32, #tpu.memory_space<vmem>>, %arg62: memref<1088x1xi32, #tpu.memory_space<vmem>>, %arg63: memref<1x1024xf32, #tpu.memory_space<vmem>>) attributes {dimension_semantics = [#tpu.dimension_semantics<arbitrary>], iteration_bounds = array<i64: 4>, scalar_prefetch = 0 : i64, scratch_operands = 1 : i64, tpu.core_type = #tpu.core_type<tc>, window_params = [{transform_indices = @transform_0, window_bounds = array<i64: 544, 2>}, {transform_indices = @transform_1, window_bounds = array<i64: 544, 1>}, {pipeline_mode = #tpu.pipeline_mode<synchronous>, transform_indices = @transform_2, window_bounds = array<i64: 1, 512>}, {pipeline_mode = #tpu.pipeline_mode<synchronous>, transform_indices = @transform_3, window_bounds = array<i64: 2, 512>}, {pipeline_mode = #tpu.pipeline_mode<synchronous>, transform_indices = @transform_4, window_bounds = array<i64: 1, 512>}, {pipeline_mode = #tpu.pipeline_mode<synchronous>, transform_indices = @transform_5, window_bounds = array<i64: 1, 512>}, {pipeline_mode = #tpu.pipeline_mode<synchronous>, transform_indices = @transform_6, window_bounds = array<i64: 1, 512>}, {pipeline_mode = #tpu.pipeline_mode<synchronous>, transform_indices = @transform_7, window_bounds = array<i64: 512, 136>}, {pipeline_mode = #tpu.pipeline_mode<synchronous>, transform_indices = @transform_8, window_bounds = array<i64: 512, 1>}, {pipeline_mode = #tpu.pipeline_mode<synchronous>, transform_indices = @transform_9, window_bounds = array<i64: 136, 512>}, {pipeline_mode = #tpu.pipeline_mode<synchronous>, transform_indices = @transform_10, window_bounds = array<i64: 136, 1>}, {pipeline_mode = #tpu.pipeline_mode<synchronous>, transform_indices = @transform_11, window_bounds = array<i64: 1, 512>}, {pipeline_mode = #tpu.pipeline_mode<synchronous>, transform_indices = @transform_12, window_bounds = array<i64: 1, 512>}, {pipeline_mode = #tpu.pipeline_mode<synchronous>, transform_indices = @transform_13, window_bounds = array<i64: 512, 512>}, {pipeline_mode = #tpu.pipeline_mode<synchronous>, transform_indices = @transform_14, window_bounds = array<i64: 1, 512>}, {pipeline_mode = #tpu.pipeline_mode<synchronous>, transform_indices = @transform_15, window_bounds = array<i64: 512, 512>}, {pipeline_mode = #tpu.pipeline_mode<synchronous>, transform_indices = @transform_16, window_bounds = array<i64: 1, 512>}, {pipeline_mode = #tpu.pipeline_mode<synchronous>, transform_indices = @transform_17, window_bounds = array<i64: 1, 512>}, {pipeline_mode = #tpu.pipeline_mode<synchronous>, transform_indices = @transform_18, window_bounds = array<i64: 1, 512>}, {pipeline_mode = #tpu.pipeline_mode<synchronous>, transform_indices = @transform_19, window_bounds = array<i64: 512, 136>}, {pipeline_mode = #tpu.pipeline_mode<synchronous>, transform_indices = @transform_20, window_bounds = array<i64: 512, 1>}, {pipeline_mode = #tpu.pipeline_mode<synchronous>, transform_indices = @transform_21, window_bounds = array<i64: 136, 512>}, {pipeline_mode = #tpu.pipeline_mode<synchronous>, transform_indices = @transform_22, window_bounds = array<i64: 136, 1>}, {pipeline_mode = #tpu.pipeline_mode<synchronous>, transform_indices = @transform_23, window_bounds = array<i64: 1, 512>}, {pipeline_mode = #tpu.pipeline_mode<synchronous>, transform_indices = @transform_24, window_bounds = array<i64: 1, 512>}, {pipeline_mode = #tpu.pipeline_mode<synchronous>, transform_indices = @transform_25, window_bounds = array<i64: 512, 512>}, {pipeline_mode = #tpu.pipeline_mode<synchronous>, transform_indices = @transform_26, window_bounds = array<i64: 1, 512>}, {pipeline_mode = #tpu.pipeline_mode<synchronous>, transform_indices = @transform_27, window_bounds = array<i64: 512, 512>}, {pipeline_mode = #tpu.pipeline_mode<synchronous>, transform_indices = @transform_28, window_bounds = array<i64: 1, 512>}, {pipeline_mode = #tpu.pipeline_mode<synchronous>, transform_indices = @transform_29, window_bounds = array<i64: 1, 512>}, {pipeline_mode = #tpu.pipeline_mode<synchronous>, transform_indices = @transform_30, window_bounds = array<i64: 1, 512>}, {pipeline_mode = #tpu.pipeline_mode<synchronous>, transform_indices = @transform_31, window_bounds = array<i64: 512, 136>}, {pipeline_mode = #tpu.pipeline_mode<synchronous>, transform_indices = @transform_32, window_bounds = array<i64: 512, 1>}, {pipeline_mode = #tpu.pipeline_mode<synchronous>, transform_indices = @transform_33, window_bounds = array<i64: 136, 512>}, {pipeline_mode = #tpu.pipeline_mode<synchronous>, transform_indices = @transform_34, window_bounds = array<i64: 136, 1>}, {pipeline_mode = #tpu.pipeline_mode<synchronous>, transform_indices = @transform_35, window_bounds = array<i64: 1, 512>}, {pipeline_mode = #tpu.pipeline_mode<synchronous>, transform_indices = @transform_36, window_bounds = array<i64: 1, 512>}, {pipeline_mode = #tpu.pipeline_mode<synchronous>, transform_indices = @transform_37, window_bounds = array<i64: 512, 512>}, {pipeline_mode = #tpu.pipeline_mode<synchronous>, transform_indices = @transform_38, window_bounds = array<i64: 1, 512>}, {pipeline_mode = #tpu.pipeline_mode<synchronous>, transform_indices = @transform_39, window_bounds = array<i64: 512, 512>}, {pipeline_mode = #tpu.pipeline_mode<synchronous>, transform_indices = @transform_40, window_bounds = array<i64: 1, 512>}, {pipeline_mode = #tpu.pipeline_mode<synchronous>, transform_indices = @transform_41, window_bounds = array<i64: 1, 512>}, {pipeline_mode = #tpu.pipeline_mode<synchronous>, transform_indices = @transform_42, window_bounds = array<i64: 1, 512>}, {pipeline_mode = #tpu.pipeline_mode<synchronous>, transform_indices = @transform_43, window_bounds = array<i64: 512, 136>}, {pipeline_mode = #tpu.pipeline_mode<synchronous>, transform_indices = @transform_44, window_bounds = array<i64: 512, 1>}, {pipeline_mode = #tpu.pipeline_mode<synchronous>, transform_indices = @transform_45, window_bounds = array<i64: 136, 512>}, {pipeline_mode = #tpu.pipeline_mode<synchronous>, transform_indices = @transform_46, window_bounds = array<i64: 136, 1>}, {pipeline_mode = #tpu.pipeline_mode<synchronous>, transform_indices = @transform_47, window_bounds = array<i64: 1, 512>}, {pipeline_mode = #tpu.pipeline_mode<synchronous>, transform_indices = @transform_48, window_bounds = array<i64: 1, 512>}, {pipeline_mode = #tpu.pipeline_mode<synchronous>, transform_indices = @transform_49, window_bounds = array<i64: 512, 512>}, {pipeline_mode = #tpu.pipeline_mode<synchronous>, transform_indices = @transform_50, window_bounds = array<i64: 1, 512>}, {pipeline_mode = #tpu.pipeline_mode<synchronous>, transform_indices = @transform_51, window_bounds = array<i64: 512, 512>}, {pipeline_mode = #tpu.pipeline_mode<synchronous>, transform_indices = @transform_52, window_bounds = array<i64: 1, 512>}, {pipeline_mode = #tpu.pipeline_mode<synchronous>, transform_indices = @transform_53, window_bounds = array<i64: 1, 512>}, {pipeline_mode = #tpu.pipeline_mode<synchronous>, transform_indices = @transform_54, window_bounds = array<i64: 1, 512>}, {pipeline_mode = #tpu.pipeline_mode<synchronous>, transform_indices = @transform_55, window_bounds = array<i64: 272, 136>}, {pipeline_mode = #tpu.pipeline_mode<synchronous>, transform_indices = @transform_56, window_bounds = array<i64: 272, 1>}, {pipeline_mode = #tpu.pipeline_mode<synchronous>, transform_indices = @transform_57, window_bounds = array<i64: 512, 512>}, {pipeline_mode = #tpu.pipeline_mode<synchronous>, transform_indices = @transform_58, window_bounds = array<i64: 1, 512>}, {pipeline_mode = #tpu.pipeline_mode<synchronous>, transform_indices = @transform_59, window_bounds = array<i64: 512, 1024>}, {transform_indices = @transform_60, window_bounds = array<i64: 1088, 512>}, {transform_indices = @transform_61, window_bounds = array<i64: 1088, 1>}]} {
    %eq3A = arith.constant 0 : i32
    %eq3A_0 = arith.cmpi eq, %arg0, %eq3A : i32
    %convert_element_type3A = arith.extui %eq3A_0 : i1 to i32
    %cond3A = arith.constant 0 : i32
    %cond3A_1 = arith.cmpi ne, %convert_element_type3A, %cond3A : i32
    scf.if %cond3A_1 {
      %get3A_2443 = arith.constant 0 : index
      %get3A_2444 = arith.constant 0 : index
      %get3A_2445 = vector.load %arg60[%get3A_2443, %get3A_2444] : memref<512x1024xf32, #tpu.memory_space<vmem>>, vector<512x1024xf32>
      %get3A_2446 = arith.constant 0 : index
      %get3A_2447 = arith.constant 0 : index
      %get3A_2448 = vector.load %arg60[%get3A_2446, %get3A_2447] : memref<512x1024xf32, #tpu.memory_space<vmem>>, vector<512x1024xf32>
      %mul3A_2449 = arith.mulf %get3A_2445, %get3A_2448 : vector<512x1024xf32>
      %reduce_sum3A_2450 = arith.constant dense<0.000000e+00> : vector<1024xf32>
      %reduce_sum3A_2451 = vector.multi_reduction <add>, %mul3A_2449, %reduce_sum3A_2450 [0] : vector<512x1024xf32> to vector<1024xf32>
      %broadcast_in_dim3A_2452 = vector.shape_cast %reduce_sum3A_2451 : vector<1024xf32> to vector<1x1024xf32>
      %swap3A_2453 = arith.constant 0 : index
      %swap3A_2454 = arith.constant 0 : index
      %swap3A_2455 = vector.load %arg63[%swap3A_2453, %swap3A_2454] : memref<1x1024xf32, #tpu.memory_space<vmem>>, vector<1x1024xf32>
      tpu.vector_store %arg63[%swap3A_2453, %swap3A_2454], %broadcast_in_dim3A_2452 {strides = array<i32>} : memref<1x1024xf32, #tpu.memory_space<vmem>>, vector<1x1024xf32>,
    } else {
    }
    %get3A = arith.constant 0 : index
    %get3A_2 = arith.constant 0 : index
    %get3A_3 = vector.load %arg2[%get3A, %get3A_2] : memref<544x1xf32, #tpu.memory_space<vmem>>, vector<136x1xf32>
    %get3A_4 = arith.constant 0 : index
    %get3A_5 = arith.constant 0 : index
    %get3A_6 = vector.load %arg1[%get3A_4, %get3A_5] : memref<544x2xf32, #tpu.memory_space<vmem>>, vector<136x2xf32>
    %get3A_7 = arith.constant 0 : index
    %get3A_8 = arith.constant 0 : index
    %get3A_9 = vector.load %arg4[%get3A_7, %get3A_8] : memref<2x512xf32, #tpu.memory_space<vmem>>, vector<2x512xf32>
    %dot_general3A = arith.constant dense<0.000000e+00> : vector<136x512xf32>
    %dot_general3A_10 = tpu.matmul %get3A_6, %get3A_9, %dot_general3A {dimension_numbers = #tpu.dot_dimension_numbers<[1], [0], [0], [1], [0, 0, 1, 1], [], []>, transpose_lhs_hint = false} : vector<136x2xf32>, vector<2x512xf32>, vector<136x512xf32> -> vector<136x512xf32>
    %get3A_11 = arith.constant 0 : index
    %get3A_12 = arith.constant 0 : index
    %get3A_13 = vector.load %arg5[%get3A_11, %get3A_12] : memref<1x512xf32, #tpu.memory_space<vmem>>, vector<1x512xf32>
    %add3A = vector.broadcast %get3A_13 : vector<1x512xf32> to vector<136x512xf32>
    %add3A_14 = arith.addf %dot_general3A_10, %add3A : vector<136x512xf32>
    %mul3A = vector.broadcast %get3A_3 : vector<136x1xf32> to vector<136x512xf32>
    %mul3A_15 = arith.mulf %add3A_14, %mul3A : vector<136x512xf32>
    %get3A_16 = arith.constant 0 : index
    %get3A_17 = arith.constant 0 : index
    %get3A_18 = vector.load %arg3[%get3A_16, %get3A_17] : memref<1x512xf32, #tpu.memory_space<vmem>>, vector<1x512xf32>
    %sub3A = arith.constant 1.000000e+00 : f32
    %sub3A_19 = vector.broadcast %sub3A : f32 to vector<136x1xf32>
    %sub3A_20 = arith.subf %sub3A_19, %get3A_3 : vector<136x1xf32>
    %mul3A_21 = vector.broadcast %get3A_18 : vector<1x512xf32> to vector<136x512xf32>
    %mul3A_22 = vector.broadcast %sub3A_20 : vector<136x1xf32> to vector<136x512xf32>
    %mul3A_23 = arith.mulf %mul3A_21, %mul3A_22 : vector<136x512xf32>
    %add3A_24 = arith.addf %mul3A_15, %mul3A_23 : vector<136x512xf32>
    %get3A_25 = arith.constant 136 : index
    %get3A_26 = arith.constant 0 : index
    %get3A_27 = vector.load %arg2[%get3A_25, %get3A_26] : memref<544x1xf32, #tpu.memory_space<vmem>>, vector<136x1xf32>
    %get3A_28 = arith.constant 136 : index
    %get3A_29 = arith.constant 0 : index
    %get3A_30 = vector.load %arg1[%get3A_28, %get3A_29] : memref<544x2xf32, #tpu.memory_space<vmem>>, vector<136x2xf32>
    %get3A_31 = arith.constant 0 : index
    %get3A_32 = arith.constant 0 : index
    %get3A_33 = vector.load %arg4[%get3A_31, %get3A_32] : memref<2x512xf32, #tpu.memory_space<vmem>>, vector<2x512xf32>
    %dot_general3A_34 = arith.constant dense<0.000000e+00> : vector<136x512xf32>
    %dot_general3A_35 = tpu.matmul %get3A_30, %get3A_33, %dot_general3A_34 {dimension_numbers = #tpu.dot_dimension_numbers<[1], [0], [0], [1], [0, 0, 1, 1], [], []>, transpose_lhs_hint = false} : vector<136x2xf32>, vector<2x512xf32>, vector<136x512xf32> -> vector<136x512xf32>
    %get3A_36 = arith.constant 0 : index
    %get3A_37 = arith.constant 0 : index
    %get3A_38 = vector.load %arg5[%get3A_36, %get3A_37] : memref<1x512xf32, #tpu.memory_space<vmem>>, vector<1x512xf32>
    %add3A_39 = vector.broadcast %get3A_38 : vector<1x512xf32> to vector<136x512xf32>
    %add3A_40 = arith.addf %dot_general3A_35, %add3A_39 : vector<136x512xf32>
    %mul3A_41 = vector.broadcast %get3A_27 : vector<136x1xf32> to vector<136x512xf32>
    %mul3A_42 = arith.mulf %add3A_40, %mul3A_41 : vector<136x512xf32>
    %get3A_43 = arith.constant 0 : index
    %get3A_44 = arith.constant 0 : index
    %get3A_45 = vector.load %arg3[%get3A_43, %get3A_44] : memref<1x512xf32, #tpu.memory_space<vmem>>, vector<1x512xf32>
    %sub3A_46 = arith.constant 1.000000e+00 : f32
    %sub3A_47 = vector.broadcast %sub3A_46 : f32 to vector<136x1xf32>
    %sub3A_48 = arith.subf %sub3A_47, %get3A_27 : vector<136x1xf32>
    %mul3A_49 = vector.broadcast %get3A_45 : vector<1x512xf32> to vector<136x512xf32>
    %mul3A_50 = vector.broadcast %sub3A_48 : vector<136x1xf32> to vector<136x512xf32>
    %mul3A_51 = arith.mulf %mul3A_49, %mul3A_50 : vector<136x512xf32>
    %add3A_52 = arith.addf %mul3A_42, %mul3A_51 : vector<136x512xf32>
    %get3A_53 = arith.constant 272 : index
    %get3A_54 = arith.constant 0 : index
    %get3A_55 = vector.load %arg2[%get3A_53, %get3A_54] : memref<544x1xf32, #tpu.memory_space<vmem>>, vector<136x1xf32>
    %get3A_56 = arith.constant 272 : index
    %get3A_57 = arith.constant 0 : index
    %get3A_58 = vector.load %arg1[%get3A_56, %get3A_57] : memref<544x2xf32, #tpu.memory_space<vmem>>, vector<136x2xf32>
    %get3A_59 = arith.constant 0 : index
    %get3A_60 = arith.constant 0 : index
    %get3A_61 = vector.load %arg4[%get3A_59, %get3A_60] : memref<2x512xf32, #tpu.memory_space<vmem>>, vector<2x512xf32>
    %dot_general3A_62 = arith.constant dense<0.000000e+00> : vector<136x512xf32>
    %dot_general3A_63 = tpu.matmul %get3A_58, %get3A_61, %dot_general3A_62 {dimension_numbers = #tpu.dot_dimension_numbers<[1], [0], [0], [1], [0, 0, 1, 1], [], []>, transpose_lhs_hint = false} : vector<136x2xf32>, vector<2x512xf32>, vector<136x512xf32> -> vector<136x512xf32>
    %get3A_64 = arith.constant 0 : index
    %get3A_65 = arith.constant 0 : index
    %get3A_66 = vector.load %arg5[%get3A_64, %get3A_65] : memref<1x512xf32, #tpu.memory_space<vmem>>, vector<1x512xf32>
    %add3A_67 = vector.broadcast %get3A_66 : vector<1x512xf32> to vector<136x512xf32>
    %add3A_68 = arith.addf %dot_general3A_63, %add3A_67 : vector<136x512xf32>
    %mul3A_69 = vector.broadcast %get3A_55 : vector<136x1xf32> to vector<136x512xf32>
    %mul3A_70 = arith.mulf %add3A_68, %mul3A_69 : vector<136x512xf32>
    %get3A_71 = arith.constant 0 : index
    %get3A_72 = arith.constant 0 : index
    %get3A_73 = vector.load %arg3[%get3A_71, %get3A_72] : memref<1x512xf32, #tpu.memory_space<vmem>>, vector<1x512xf32>
    %sub3A_74 = arith.constant 1.000000e+00 : f32
    %sub3A_75 = vector.broadcast %sub3A_74 : f32 to vector<136x1xf32>
    %sub3A_76 = arith.subf %sub3A_75, %get3A_55 : vector<136x1xf32>
    %mul3A_77 = vector.broadcast %get3A_73 : vector<1x512xf32> to vector<136x512xf32>
    %mul3A_78 = vector.broadcast %sub3A_76 : vector<136x1xf32> to vector<136x512xf32>
    %mul3A_79 = arith.mulf %mul3A_77, %mul3A_78 : vector<136x512xf32>
    %add3A_80 = arith.addf %mul3A_70, %mul3A_79 : vector<136x512xf32>
    %get3A_81 = arith.constant 408 : index
    %get3A_82 = arith.constant 0 : index
    %get3A_83 = vector.load %arg2[%get3A_81, %get3A_82] : memref<544x1xf32, #tpu.memory_space<vmem>>, vector<136x1xf32>
    %get3A_84 = arith.constant 408 : index
    %get3A_85 = arith.constant 0 : index
    %get3A_86 = vector.load %arg1[%get3A_84, %get3A_85] : memref<544x2xf32, #tpu.memory_space<vmem>>, vector<136x2xf32>
    %get3A_87 = arith.constant 0 : index
    %get3A_88 = arith.constant 0 : index
    %get3A_89 = vector.load %arg4[%get3A_87, %get3A_88] : memref<2x512xf32, #tpu.memory_space<vmem>>, vector<2x512xf32>
    %dot_general3A_90 = arith.constant dense<0.000000e+00> : vector<136x512xf32>
    %dot_general3A_91 = tpu.matmul %get3A_86, %get3A_89, %dot_general3A_90 {dimension_numbers = #tpu.dot_dimension_numbers<[1], [0], [0], [1], [0, 0, 1, 1], [], []>, transpose_lhs_hint = false} : vector<136x2xf32>, vector<2x512xf32>, vector<136x512xf32> -> vector<136x512xf32>
    %get3A_92 = arith.constant 0 : index
    %get3A_93 = arith.constant 0 : index
    %get3A_94 = vector.load %arg5[%get3A_92, %get3A_93] : memref<1x512xf32, #tpu.memory_space<vmem>>, vector<1x512xf32>
    %add3A_95 = vector.broadcast %get3A_94 : vector<1x512xf32> to vector<136x512xf32>
    %add3A_96 = arith.addf %dot_general3A_91, %add3A_95 : vector<136x512xf32>
    %mul3A_97 = vector.broadcast %get3A_83 : vector<136x1xf32> to vector<136x512xf32>
    %mul3A_98 = arith.mulf %add3A_96, %mul3A_97 : vector<136x512xf32>
    %get3A_99 = arith.constant 0 : index
    %get3A_100 = arith.constant 0 : index
    %get3A_101 = vector.load %arg3[%get3A_99, %get3A_100] : memref<1x512xf32, #tpu.memory_space<vmem>>, vector<1x512xf32>
    %sub3A_102 = arith.constant 1.000000e+00 : f32
    %sub3A_103 = vector.broadcast %sub3A_102 : f32 to vector<136x1xf32>
    %sub3A_104 = arith.subf %sub3A_103, %get3A_83 : vector<136x1xf32>
    %mul3A_105 = vector.broadcast %get3A_101 : vector<1x512xf32> to vector<136x512xf32>
    %mul3A_106 = vector.broadcast %sub3A_104 : vector<136x1xf32> to vector<136x512xf32>
    %mul3A_107 = arith.mulf %mul3A_105, %mul3A_106 : vector<136x512xf32>
    %add3A_108 = arith.addf %mul3A_98, %mul3A_107 : vector<136x512xf32>
    %get3A_109 = arith.constant 0 : index
    %get3A_110 = arith.constant 0 : index
    %get3A_111 = vector.load %arg6[%get3A_109, %get3A_110] : memref<1x512xf32, #tpu.memory_space<vmem>>, vector<1x512xf32>
    %get3A_112 = arith.constant 0 : index
    %get3A_113 = arith.constant 0 : index
    %get3A_114 = vector.load %arg7[%get3A_112, %get3A_113] : memref<1x512xf32, #tpu.memory_space<vmem>>, vector<1x512xf32>
    %reduce_sum3A = arith.constant dense<0.000000e+00> : vector<136xf32>
    %reduce_sum3A_115 = vector.multi_reduction <add>, %add3A_24, %reduce_sum3A [1] : vector<136x512xf32> to vector<136xf32>
    %broadcast_in_dim3A = vector.shape_cast %reduce_sum3A_115 : vector<136xf32> to vector<136x1xf32>
    %div3A = arith.constant 5.120000e+02 : f32
    %div3A_116 = vector.broadcast %div3A : f32 to vector<136x1xf32>
    %div3A_117 = arith.divf %broadcast_in_dim3A, %div3A_116 : vector<136x1xf32>
    %sub3A_118 = vector.broadcast %div3A_117 : vector<136x1xf32> to vector<136x512xf32>
    %sub3A_119 = arith.subf %add3A_24, %sub3A_118 : vector<136x512xf32>
    %integer_pow3A = arith.mulf %sub3A_119, %sub3A_119 : vector<136x512xf32>
    %reduce_sum3A_120 = arith.constant dense<0.000000e+00> : vector<136xf32>
    %reduce_sum3A_121 = vector.multi_reduction <add>, %integer_pow3A, %reduce_sum3A_120 [1] : vector<136x512xf32> to vector<136xf32>
    %broadcast_in_dim3A_122 = vector.shape_cast %reduce_sum3A_121 : vector<136xf32> to vector<136x1xf32>
    %div3A_123 = arith.constant 5.120000e+02 : f32
    %div3A_124 = vector.broadcast %div3A_123 : f32 to vector<136x1xf32>
    %div3A_125 = arith.divf %broadcast_in_dim3A_122, %div3A_124 : vector<136x1xf32>
    %sub3A_126 = vector.broadcast %div3A_117 : vector<136x1xf32> to vector<136x512xf32>
    %sub3A_127 = arith.subf %add3A_24, %sub3A_126 : vector<136x512xf32>
    %add3A_128 = arith.constant 9.99999974E-6 : f32
    %add3A_129 = vector.broadcast %add3A_128 : f32 to vector<136x1xf32>
    %add3A_130 = arith.addf %div3A_125, %add3A_129 : vector<136x1xf32>
    %sqrt3A = math.sqrt %add3A_130 : vector<136x1xf32>
    %div3A_131 = vector.broadcast %sqrt3A : vector<136x1xf32> to vector<136x512xf32>
    %div3A_132 = arith.divf %sub3A_127, %div3A_131 : vector<136x512xf32>
    %mul3A_133 = vector.broadcast %get3A_111 : vector<1x512xf32> to vector<136x512xf32>
    %mul3A_134 = arith.mulf %div3A_132, %mul3A_133 : vector<136x512xf32>
    %add3A_135 = vector.broadcast %get3A_114 : vector<1x512xf32> to vector<136x512xf32>
    %add3A_136 = arith.addf %mul3A_134, %add3A_135 : vector<136x512xf32>
    %get3A_137 = arith.constant 0 : index
    %get3A_138 = arith.constant 0 : index
    %get3A_139 = vector.load %arg6[%get3A_137, %get3A_138] : memref<1x512xf32, #tpu.memory_space<vmem>>, vector<1x512xf32>
    %get3A_140 = arith.constant 0 : index
    %get3A_141 = arith.constant 0 : index
    %get3A_142 = vector.load %arg7[%get3A_140, %get3A_141] : memref<1x512xf32, #tpu.memory_space<vmem>>, vector<1x512xf32>
    %reduce_sum3A_143 = arith.constant dense<0.000000e+00> : vector<136xf32>
    %reduce_sum3A_144 = vector.multi_reduction <add>, %add3A_52, %reduce_sum3A_143 [1] : vector<136x512xf32> to vector<136xf32>
    %broadcast_in_dim3A_145 = vector.shape_cast %reduce_sum3A_144 : vector<136xf32> to vector<136x1xf32>
    %div3A_146 = arith.constant 5.120000e+02 : f32
    %div3A_147 = vector.broadcast %div3A_146 : f32 to vector<136x1xf32>
    %div3A_148 = arith.divf %broadcast_in_dim3A_145, %div3A_147 : vector<136x1xf32>
    %sub3A_149 = vector.broadcast %div3A_148 : vector<136x1xf32> to vector<136x512xf32>
    %sub3A_150 = arith.subf %add3A_52, %sub3A_149 : vector<136x512xf32>
    %integer_pow3A_151 = arith.mulf %sub3A_150, %sub3A_150 : vector<136x512xf32>
    %reduce_sum3A_152 = arith.constant dense<0.000000e+00> : vector<136xf32>
    %reduce_sum3A_153 = vector.multi_reduction <add>, %integer_pow3A_151, %reduce_sum3A_152 [1] : vector<136x512xf32> to vector<136xf32>
    %broadcast_in_dim3A_154 = vector.shape_cast %reduce_sum3A_153 : vector<136xf32> to vector<136x1xf32>
    %div3A_155 = arith.constant 5.120000e+02 : f32
    %div3A_156 = vector.broadcast %div3A_155 : f32 to vector<136x1xf32>
    %div3A_157 = arith.divf %broadcast_in_dim3A_154, %div3A_156 : vector<136x1xf32>
    %sub3A_158 = vector.broadcast %div3A_148 : vector<136x1xf32> to vector<136x512xf32>
    %sub3A_159 = arith.subf %add3A_52, %sub3A_158 : vector<136x512xf32>
    %add3A_160 = arith.constant 9.99999974E-6 : f32
    %add3A_161 = vector.broadcast %add3A_160 : f32 to vector<136x1xf32>
    %add3A_162 = arith.addf %div3A_157, %add3A_161 : vector<136x1xf32>
    %sqrt3A_163 = math.sqrt %add3A_162 : vector<136x1xf32>
    %div3A_164 = vector.broadcast %sqrt3A_163 : vector<136x1xf32> to vector<136x512xf32>
    %div3A_165 = arith.divf %sub3A_159, %div3A_164 : vector<136x512xf32>
    %mul3A_166 = vector.broadcast %get3A_139 : vector<1x512xf32> to vector<136x512xf32>
    %mul3A_167 = arith.mulf %div3A_165, %mul3A_166 : vector<136x512xf32>
    %add3A_168 = vector.broadcast %get3A_142 : vector<1x512xf32> to vector<136x512xf32>
    %add3A_169 = arith.addf %mul3A_167, %add3A_168 : vector<136x512xf32>
    %get3A_170 = arith.constant 0 : index
    %get3A_171 = arith.constant 0 : index
    %get3A_172 = vector.load %arg6[%get3A_170, %get3A_171] : memref<1x512xf32, #tpu.memory_space<vmem>>, vector<1x512xf32>
    %get3A_173 = arith.constant 0 : index
    %get3A_174 = arith.constant 0 : index
    %get3A_175 = vector.load %arg7[%get3A_173, %get3A_174] : memref<1x512xf32, #tpu.memory_space<vmem>>, vector<1x512xf32>
    %reduce_sum3A_176 = arith.constant dense<0.000000e+00> : vector<136xf32>
    %reduce_sum3A_177 = vector.multi_reduction <add>, %add3A_80, %reduce_sum3A_176 [1] : vector<136x512xf32> to vector<136xf32>
    %broadcast_in_dim3A_178 = vector.shape_cast %reduce_sum3A_177 : vector<136xf32> to vector<136x1xf32>
    %div3A_179 = arith.constant 5.120000e+02 : f32
    %div3A_180 = vector.broadcast %div3A_179 : f32 to vector<136x1xf32>
    %div3A_181 = arith.divf %broadcast_in_dim3A_178, %div3A_180 : vector<136x1xf32>
    %sub3A_182 = vector.broadcast %div3A_181 : vector<136x1xf32> to vector<136x512xf32>
    %sub3A_183 = arith.subf %add3A_80, %sub3A_182 : vector<136x512xf32>
    %integer_pow3A_184 = arith.mulf %sub3A_183, %sub3A_183 : vector<136x512xf32>
    %reduce_sum3A_185 = arith.constant dense<0.000000e+00> : vector<136xf32>
    %reduce_sum3A_186 = vector.multi_reduction <add>, %integer_pow3A_184, %reduce_sum3A_185 [1] : vector<136x512xf32> to vector<136xf32>
    %broadcast_in_dim3A_187 = vector.shape_cast %reduce_sum3A_186 : vector<136xf32> to vector<136x1xf32>
    %div3A_188 = arith.constant 5.120000e+02 : f32
    %div3A_189 = vector.broadcast %div3A_188 : f32 to vector<136x1xf32>
    %div3A_190 = arith.divf %broadcast_in_dim3A_187, %div3A_189 : vector<136x1xf32>
    %sub3A_191 = vector.broadcast %div3A_181 : vector<136x1xf32> to vector<136x512xf32>
    %sub3A_192 = arith.subf %add3A_80, %sub3A_191 : vector<136x512xf32>
    %add3A_193 = arith.constant 9.99999974E-6 : f32
    %add3A_194 = vector.broadcast %add3A_193 : f32 to vector<136x1xf32>
    %add3A_195 = arith.addf %div3A_190, %add3A_194 : vector<136x1xf32>
    %sqrt3A_196 = math.sqrt %add3A_195 : vector<136x1xf32>
    %div3A_197 = vector.broadcast %sqrt3A_196 : vector<136x1xf32> to vector<136x512xf32>
    %div3A_198 = arith.divf %sub3A_192, %div3A_197 : vector<136x512xf32>
    %mul3A_199 = vector.broadcast %get3A_172 : vector<1x512xf32> to vector<136x512xf32>
    %mul3A_200 = arith.mulf %div3A_198, %mul3A_199 : vector<136x512xf32>
    %add3A_201 = vector.broadcast %get3A_175 : vector<1x512xf32> to vector<136x512xf32>
    %add3A_202 = arith.addf %mul3A_200, %add3A_201 : vector<136x512xf32>
    %get3A_203 = arith.constant 0 : index
    %get3A_204 = arith.constant 0 : index
    %get3A_205 = vector.load %arg6[%get3A_203, %get3A_204] : memref<1x512xf32, #tpu.memory_space<vmem>>, vector<1x512xf32>
    %get3A_206 = arith.constant 0 : index
    %get3A_207 = arith.constant 0 : index
    %get3A_208 = vector.load %arg7[%get3A_206, %get3A_207] : memref<1x512xf32, #tpu.memory_space<vmem>>, vector<1x512xf32>
    %reduce_sum3A_209 = arith.constant dense<0.000000e+00> : vector<136xf32>
    %reduce_sum3A_210 = vector.multi_reduction <add>, %add3A_108, %reduce_sum3A_209 [1] : vector<136x512xf32> to vector<136xf32>
    %broadcast_in_dim3A_211 = vector.shape_cast %reduce_sum3A_210 : vector<136xf32> to vector<136x1xf32>
    %div3A_212 = arith.constant 5.120000e+02 : f32
    %div3A_213 = vector.broadcast %div3A_212 : f32 to vector<136x1xf32>
    %div3A_214 = arith.divf %broadcast_in_dim3A_211, %div3A_213 : vector<136x1xf32>
    %sub3A_215 = vector.broadcast %div3A_214 : vector<136x1xf32> to vector<136x512xf32>
    %sub3A_216 = arith.subf %add3A_108, %sub3A_215 : vector<136x512xf32>
    %integer_pow3A_217 = arith.mulf %sub3A_216, %sub3A_216 : vector<136x512xf32>
    %reduce_sum3A_218 = arith.constant dense<0.000000e+00> : vector<136xf32>
    %reduce_sum3A_219 = vector.multi_reduction <add>, %integer_pow3A_217, %reduce_sum3A_218 [1] : vector<136x512xf32> to vector<136xf32>
    %broadcast_in_dim3A_220 = vector.shape_cast %reduce_sum3A_219 : vector<136xf32> to vector<136x1xf32>
    %div3A_221 = arith.constant 5.120000e+02 : f32
    %div3A_222 = vector.broadcast %div3A_221 : f32 to vector<136x1xf32>
    %div3A_223 = arith.divf %broadcast_in_dim3A_220, %div3A_222 : vector<136x1xf32>
    %sub3A_224 = vector.broadcast %div3A_214 : vector<136x1xf32> to vector<136x512xf32>
    %sub3A_225 = arith.subf %add3A_108, %sub3A_224 : vector<136x512xf32>
    %add3A_226 = arith.constant 9.99999974E-6 : f32
    %add3A_227 = vector.broadcast %add3A_226 : f32 to vector<136x1xf32>
    %add3A_228 = arith.addf %div3A_223, %add3A_227 : vector<136x1xf32>
    %sqrt3A_229 = math.sqrt %add3A_228 : vector<136x1xf32>
    %div3A_230 = vector.broadcast %sqrt3A_229 : vector<136x1xf32> to vector<136x512xf32>
    %div3A_231 = arith.divf %sub3A_225, %div3A_230 : vector<136x512xf32>
    %mul3A_232 = vector.broadcast %get3A_205 : vector<1x512xf32> to vector<136x512xf32>
    %mul3A_233 = arith.mulf %div3A_231, %mul3A_232 : vector<136x512xf32>
    %add3A_234 = vector.broadcast %get3A_208 : vector<1x512xf32> to vector<136x512xf32>
    %add3A_235 = arith.addf %mul3A_233, %add3A_234 : vector<136x512xf32>
    %get3A_236 = arith.constant 0 : index
    %get3A_237 = arith.constant 0 : index
    %get3A_238 = vector.load %arg8[%get3A_236, %get3A_237] : memref<512x136xf32, #tpu.memory_space<vmem>>, vector<512x136xf32>
    %dot_general3A_239 = arith.constant dense<0.000000e+00> : vector<512x512xf32>
    %dot_general3A_240 = tpu.matmul %get3A_238, %add3A_136, %dot_general3A_239 {dimension_numbers = #tpu.dot_dimension_numbers<[1], [0], [0], [1], [0, 0, 1, 1], [], []>, transpose_lhs_hint = false} : vector<512x136xf32>, vector<136x512xf32>, vector<512x512xf32> -> vector<512x512xf32>
    %get3A_241 = arith.constant 0 : index
    %get3A_242 = arith.constant 0 : index
    %get3A_243 = vector.load %arg9[%get3A_241, %get3A_242] : memref<512x1xf32, #tpu.memory_space<vmem>>, vector<512x1xf32>
    %add3A_244 = vector.broadcast %get3A_243 : vector<512x1xf32> to vector<512x512xf32>
    %add3A_245 = arith.addf %dot_general3A_240, %add3A_244 : vector<512x512xf32>
    %mul3A_246 = arith.constant 5.000000e-01 : f32
    %mul3A_247 = vector.broadcast %mul3A_246 : f32 to vector<512x512xf32>
    %mul3A_248 = arith.mulf %add3A_245, %mul3A_247 : vector<512x512xf32>
    %mul3A_249 = arith.constant 0.707106769 : f32
    %mul3A_250 = vector.broadcast %mul3A_249 : f32 to vector<512x512xf32>
    %mul3A_251 = arith.mulf %add3A_245, %mul3A_250 : vector<512x512xf32>
    %erf3A = math.erf %mul3A_251 : vector<512x512xf32>
    %add3A_252 = arith.constant 1.000000e+00 : f32
    %add3A_253 = vector.broadcast %add3A_252 : f32 to vector<512x512xf32>
    %add3A_254 = arith.addf %add3A_253, %erf3A : vector<512x512xf32>
    %mul3A_255 = arith.mulf %mul3A_248, %add3A_254 : vector<512x512xf32>
    %get3A_256 = arith.constant 0 : index
    %get3A_257 = arith.constant 0 : index
    %get3A_258 = vector.load %arg8[%get3A_256, %get3A_257] : memref<512x136xf32, #tpu.memory_space<vmem>>, vector<512x136xf32>
    %dot_general3A_259 = arith.constant dense<0.000000e+00> : vector<512x512xf32>
    %dot_general3A_260 = tpu.matmul %get3A_258, %add3A_169, %dot_general3A_259 {dimension_numbers = #tpu.dot_dimension_numbers<[1], [0], [0], [1], [0, 0, 1, 1], [], []>, transpose_lhs_hint = false} : vector<512x136xf32>, vector<136x512xf32>, vector<512x512xf32> -> vector<512x512xf32>
    %get3A_261 = arith.constant 0 : index
    %get3A_262 = arith.constant 0 : index
    %get3A_263 = vector.load %arg9[%get3A_261, %get3A_262] : memref<512x1xf32, #tpu.memory_space<vmem>>, vector<512x1xf32>
    %add3A_264 = vector.broadcast %get3A_263 : vector<512x1xf32> to vector<512x512xf32>
    %add3A_265 = arith.addf %dot_general3A_260, %add3A_264 : vector<512x512xf32>
    %mul3A_266 = arith.constant 5.000000e-01 : f32
    %mul3A_267 = vector.broadcast %mul3A_266 : f32 to vector<512x512xf32>
    %mul3A_268 = arith.mulf %add3A_265, %mul3A_267 : vector<512x512xf32>
    %mul3A_269 = arith.constant 0.707106769 : f32
    %mul3A_270 = vector.broadcast %mul3A_269 : f32 to vector<512x512xf32>
    %mul3A_271 = arith.mulf %add3A_265, %mul3A_270 : vector<512x512xf32>
    %erf3A_272 = math.erf %mul3A_271 : vector<512x512xf32>
    %add3A_273 = arith.constant 1.000000e+00 : f32
    %add3A_274 = vector.broadcast %add3A_273 : f32 to vector<512x512xf32>
    %add3A_275 = arith.addf %add3A_274, %erf3A_272 : vector<512x512xf32>
    %mul3A_276 = arith.mulf %mul3A_268, %add3A_275 : vector<512x512xf32>
    %get3A_277 = arith.constant 0 : index
    %get3A_278 = arith.constant 0 : index
    %get3A_279 = vector.load %arg8[%get3A_277, %get3A_278] : memref<512x136xf32, #tpu.memory_space<vmem>>, vector<512x136xf32>
    %dot_general3A_280 = arith.constant dense<0.000000e+00> : vector<512x512xf32>
    %dot_general3A_281 = tpu.matmul %get3A_279, %add3A_202, %dot_general3A_280 {dimension_numbers = #tpu.dot_dimension_numbers<[1], [0], [0], [1], [0, 0, 1, 1], [], []>, transpose_lhs_hint = false} : vector<512x136xf32>, vector<136x512xf32>, vector<512x512xf32> -> vector<512x512xf32>
    %get3A_282 = arith.constant 0 : index
    %get3A_283 = arith.constant 0 : index
    %get3A_284 = vector.load %arg9[%get3A_282, %get3A_283] : memref<512x1xf32, #tpu.memory_space<vmem>>, vector<512x1xf32>
    %add3A_285 = vector.broadcast %get3A_284 : vector<512x1xf32> to vector<512x512xf32>
    %add3A_286 = arith.addf %dot_general3A_281, %add3A_285 : vector<512x512xf32>
    %mul3A_287 = arith.constant 5.000000e-01 : f32
    %mul3A_288 = vector.broadcast %mul3A_287 : f32 to vector<512x512xf32>
    %mul3A_289 = arith.mulf %add3A_286, %mul3A_288 : vector<512x512xf32>
    %mul3A_290 = arith.constant 0.707106769 : f32
    %mul3A_291 = vector.broadcast %mul3A_290 : f32 to vector<512x512xf32>
    %mul3A_292 = arith.mulf %add3A_286, %mul3A_291 : vector<512x512xf32>
    %erf3A_293 = math.erf %mul3A_292 : vector<512x512xf32>
    %add3A_294 = arith.constant 1.000000e+00 : f32
    %add3A_295 = vector.broadcast %add3A_294 : f32 to vector<512x512xf32>
    %add3A_296 = arith.addf %add3A_295, %erf3A_293 : vector<512x512xf32>
    %mul3A_297 = arith.mulf %mul3A_289, %add3A_296 : vector<512x512xf32>
    %get3A_298 = arith.constant 0 : index
    %get3A_299 = arith.constant 0 : index
    %get3A_300 = vector.load %arg8[%get3A_298, %get3A_299] : memref<512x136xf32, #tpu.memory_space<vmem>>, vector<512x136xf32>
    %dot_general3A_301 = arith.constant dense<0.000000e+00> : vector<512x512xf32>
    %dot_general3A_302 = tpu.matmul %get3A_300, %add3A_235, %dot_general3A_301 {dimension_numbers = #tpu.dot_dimension_numbers<[1], [0], [0], [1], [0, 0, 1, 1], [], []>, transpose_lhs_hint = false} : vector<512x136xf32>, vector<136x512xf32>, vector<512x512xf32> -> vector<512x512xf32>
    %get3A_303 = arith.constant 0 : index
    %get3A_304 = arith.constant 0 : index
    %get3A_305 = vector.load %arg9[%get3A_303, %get3A_304] : memref<512x1xf32, #tpu.memory_space<vmem>>, vector<512x1xf32>
    %add3A_306 = vector.broadcast %get3A_305 : vector<512x1xf32> to vector<512x512xf32>
    %add3A_307 = arith.addf %dot_general3A_302, %add3A_306 : vector<512x512xf32>
    %mul3A_308 = arith.constant 5.000000e-01 : f32
    %mul3A_309 = vector.broadcast %mul3A_308 : f32 to vector<512x512xf32>
    %mul3A_310 = arith.mulf %add3A_307, %mul3A_309 : vector<512x512xf32>
    %mul3A_311 = arith.constant 0.707106769 : f32
    %mul3A_312 = vector.broadcast %mul3A_311 : f32 to vector<512x512xf32>
    %mul3A_313 = arith.mulf %add3A_307, %mul3A_312 : vector<512x512xf32>
    %erf3A_314 = math.erf %mul3A_313 : vector<512x512xf32>
    %add3A_315 = arith.constant 1.000000e+00 : f32
    %add3A_316 = vector.broadcast %add3A_315 : f32 to vector<512x512xf32>
    %add3A_317 = arith.addf %add3A_316, %erf3A_314 : vector<512x512xf32>
    %mul3A_318 = arith.mulf %mul3A_310, %add3A_317 : vector<512x512xf32>
    %get3A_319 = arith.constant 0 : index
    %get3A_320 = arith.constant 0 : index
    %get3A_321 = vector.load %arg10[%get3A_319, %get3A_320] : memref<136x512xf32, #tpu.memory_space<vmem>>, vector<136x512xf32>
    %dot_general3A_322 = arith.constant dense<0.000000e+00> : vector<136x512xf32>
    %dot_general3A_323 = tpu.matmul %get3A_321, %mul3A_255, %dot_general3A_322 {dimension_numbers = #tpu.dot_dimension_numbers<[1], [0], [0], [1], [0, 0, 1, 1], [], []>, transpose_lhs_hint = false} : vector<136x512xf32>, vector<512x512xf32>, vector<136x512xf32> -> vector<136x512xf32>
    %get3A_324 = arith.constant 0 : index
    %get3A_325 = arith.constant 0 : index
    %get3A_326 = vector.load %arg11[%get3A_324, %get3A_325] : memref<136x1xf32, #tpu.memory_space<vmem>>, vector<136x1xf32>
    %add3A_327 = vector.broadcast %get3A_326 : vector<136x1xf32> to vector<136x512xf32>
    %add3A_328 = arith.addf %dot_general3A_323, %add3A_327 : vector<136x512xf32>
    %get3A_329 = arith.constant 0 : index
    %get3A_330 = arith.constant 0 : index
    %get3A_331 = vector.load %arg10[%get3A_329, %get3A_330] : memref<136x512xf32, #tpu.memory_space<vmem>>, vector<136x512xf32>
    %dot_general3A_332 = arith.constant dense<0.000000e+00> : vector<136x512xf32>
    %dot_general3A_333 = tpu.matmul %get3A_331, %mul3A_276, %dot_general3A_332 {dimension_numbers = #tpu.dot_dimension_numbers<[1], [0], [0], [1], [0, 0, 1, 1], [], []>, transpose_lhs_hint = false} : vector<136x512xf32>, vector<512x512xf32>, vector<136x512xf32> -> vector<136x512xf32>
    %get3A_334 = arith.constant 0 : index
    %get3A_335 = arith.constant 0 : index
    %get3A_336 = vector.load %arg11[%get3A_334, %get3A_335] : memref<136x1xf32, #tpu.memory_space<vmem>>, vector<136x1xf32>
    %add3A_337 = vector.broadcast %get3A_336 : vector<136x1xf32> to vector<136x512xf32>
    %add3A_338 = arith.addf %dot_general3A_333, %add3A_337 : vector<136x512xf32>
    %get3A_339 = arith.constant 0 : index
    %get3A_340 = arith.constant 0 : index
    %get3A_341 = vector.load %arg10[%get3A_339, %get3A_340] : memref<136x512xf32, #tpu.memory_space<vmem>>, vector<136x512xf32>
    %dot_general3A_342 = arith.constant dense<0.000000e+00> : vector<136x512xf32>
    %dot_general3A_343 = tpu.matmul %get3A_341, %mul3A_297, %dot_general3A_342 {dimension_numbers = #tpu.dot_dimension_numbers<[1], [0], [0], [1], [0, 0, 1, 1], [], []>, transpose_lhs_hint = false} : vector<136x512xf32>, vector<512x512xf32>, vector<136x512xf32> -> vector<136x512xf32>
    %get3A_344 = arith.constant 0 : index
    %get3A_345 = arith.constant 0 : index
    %get3A_346 = vector.load %arg11[%get3A_344, %get3A_345] : memref<136x1xf32, #tpu.memory_space<vmem>>, vector<136x1xf32>
    %add3A_347 = vector.broadcast %get3A_346 : vector<136x1xf32> to vector<136x512xf32>
    %add3A_348 = arith.addf %dot_general3A_343, %add3A_347 : vector<136x512xf32>
    %get3A_349 = arith.constant 0 : index
    %get3A_350 = arith.constant 0 : index
    %get3A_351 = vector.load %arg10[%get3A_349, %get3A_350] : memref<136x512xf32, #tpu.memory_space<vmem>>, vector<136x512xf32>
    %dot_general3A_352 = arith.constant dense<0.000000e+00> : vector<136x512xf32>
    %dot_general3A_353 = tpu.matmul %get3A_351, %mul3A_318, %dot_general3A_352 {dimension_numbers = #tpu.dot_dimension_numbers<[1], [0], [0], [1], [0, 0, 1, 1], [], []>, transpose_lhs_hint = false} : vector<136x512xf32>, vector<512x512xf32>, vector<136x512xf32> -> vector<136x512xf32>
    %get3A_354 = arith.constant 0 : index
    %get3A_355 = arith.constant 0 : index
    %get3A_356 = vector.load %arg11[%get3A_354, %get3A_355] : memref<136x1xf32, #tpu.memory_space<vmem>>, vector<136x1xf32>
    %add3A_357 = vector.broadcast %get3A_356 : vector<136x1xf32> to vector<136x512xf32>
    %add3A_358 = arith.addf %dot_general3A_353, %add3A_357 : vector<136x512xf32>
    %add3A_359 = arith.addf %add3A_24, %add3A_328 : vector<136x512xf32>
    %get3A_360 = arith.constant 0 : index
    %get3A_361 = arith.constant 0 : index
    %get3A_362 = vector.load %arg12[%get3A_360, %get3A_361] : memref<1x512xf32, #tpu.memory_space<vmem>>, vector<1x512xf32>
    %get3A_363 = arith.constant 0 : index
    %get3A_364 = arith.constant 0 : index
    %get3A_365 = vector.load %arg13[%get3A_363, %get3A_364] : memref<1x512xf32, #tpu.memory_space<vmem>>, vector<1x512xf32>
    %reduce_sum3A_366 = arith.constant dense<0.000000e+00> : vector<136xf32>
    %reduce_sum3A_367 = vector.multi_reduction <add>, %add3A_359, %reduce_sum3A_366 [1] : vector<136x512xf32> to vector<136xf32>
    %broadcast_in_dim3A_368 = vector.shape_cast %reduce_sum3A_367 : vector<136xf32> to vector<136x1xf32>
    %div3A_369 = arith.constant 5.120000e+02 : f32
    %div3A_370 = vector.broadcast %div3A_369 : f32 to vector<136x1xf32>
    %div3A_371 = arith.divf %broadcast_in_dim3A_368, %div3A_370 : vector<136x1xf32>
    %sub3A_372 = vector.broadcast %div3A_371 : vector<136x1xf32> to vector<136x512xf32>
    %sub3A_373 = arith.subf %add3A_359, %sub3A_372 : vector<136x512xf32>
    %integer_pow3A_374 = arith.mulf %sub3A_373, %sub3A_373 : vector<136x512xf32>
    %reduce_sum3A_375 = arith.constant dense<0.000000e+00> : vector<136xf32>
    %reduce_sum3A_376 = vector.multi_reduction <add>, %integer_pow3A_374, %reduce_sum3A_375 [1] : vector<136x512xf32> to vector<136xf32>
    %broadcast_in_dim3A_377 = vector.shape_cast %reduce_sum3A_376 : vector<136xf32> to vector<136x1xf32>
    %div3A_378 = arith.constant 5.120000e+02 : f32
    %div3A_379 = vector.broadcast %div3A_378 : f32 to vector<136x1xf32>
    %div3A_380 = arith.divf %broadcast_in_dim3A_377, %div3A_379 : vector<136x1xf32>
    %sub3A_381 = vector.broadcast %div3A_371 : vector<136x1xf32> to vector<136x512xf32>
    %sub3A_382 = arith.subf %add3A_359, %sub3A_381 : vector<136x512xf32>
    %add3A_383 = arith.constant 9.99999974E-6 : f32
    %add3A_384 = vector.broadcast %add3A_383 : f32 to vector<136x1xf32>
    %add3A_385 = arith.addf %div3A_380, %add3A_384 : vector<136x1xf32>
    %sqrt3A_386 = math.sqrt %add3A_385 : vector<136x1xf32>
    %div3A_387 = vector.broadcast %sqrt3A_386 : vector<136x1xf32> to vector<136x512xf32>
    %div3A_388 = arith.divf %sub3A_382, %div3A_387 : vector<136x512xf32>
    %mul3A_389 = vector.broadcast %get3A_362 : vector<1x512xf32> to vector<136x512xf32>
    %mul3A_390 = arith.mulf %div3A_388, %mul3A_389 : vector<136x512xf32>
    %add3A_391 = vector.broadcast %get3A_365 : vector<1x512xf32> to vector<136x512xf32>
    %add3A_392 = arith.addf %mul3A_390, %add3A_391 : vector<136x512xf32>
    %add3A_393 = arith.addf %add3A_52, %add3A_338 : vector<136x512xf32>
    %get3A_394 = arith.constant 0 : index
    %get3A_395 = arith.constant 0 : index
    %get3A_396 = vector.load %arg12[%get3A_394, %get3A_395] : memref<1x512xf32, #tpu.memory_space<vmem>>, vector<1x512xf32>
    %get3A_397 = arith.constant 0 : index
    %get3A_398 = arith.constant 0 : index
    %get3A_399 = vector.load %arg13[%get3A_397, %get3A_398] : memref<1x512xf32, #tpu.memory_space<vmem>>, vector<1x512xf32>
    %reduce_sum3A_400 = arith.constant dense<0.000000e+00> : vector<136xf32>
    %reduce_sum3A_401 = vector.multi_reduction <add>, %add3A_393, %reduce_sum3A_400 [1] : vector<136x512xf32> to vector<136xf32>
    %broadcast_in_dim3A_402 = vector.shape_cast %reduce_sum3A_401 : vector<136xf32> to vector<136x1xf32>
    %div3A_403 = arith.constant 5.120000e+02 : f32
    %div3A_404 = vector.broadcast %div3A_403 : f32 to vector<136x1xf32>
    %div3A_405 = arith.divf %broadcast_in_dim3A_402, %div3A_404 : vector<136x1xf32>
    %sub3A_406 = vector.broadcast %div3A_405 : vector<136x1xf32> to vector<136x512xf32>
    %sub3A_407 = arith.subf %add3A_393, %sub3A_406 : vector<136x512xf32>
    %integer_pow3A_408 = arith.mulf %sub3A_407, %sub3A_407 : vector<136x512xf32>
    %reduce_sum3A_409 = arith.constant dense<0.000000e+00> : vector<136xf32>
    %reduce_sum3A_410 = vector.multi_reduction <add>, %integer_pow3A_408, %reduce_sum3A_409 [1] : vector<136x512xf32> to vector<136xf32>
    %broadcast_in_dim3A_411 = vector.shape_cast %reduce_sum3A_410 : vector<136xf32> to vector<136x1xf32>
    %div3A_412 = arith.constant 5.120000e+02 : f32
    %div3A_413 = vector.broadcast %div3A_412 : f32 to vector<136x1xf32>
    %div3A_414 = arith.divf %broadcast_in_dim3A_411, %div3A_413 : vector<136x1xf32>
    %sub3A_415 = vector.broadcast %div3A_405 : vector<136x1xf32> to vector<136x512xf32>
    %sub3A_416 = arith.subf %add3A_393, %sub3A_415 : vector<136x512xf32>
    %add3A_417 = arith.constant 9.99999974E-6 : f32
    %add3A_418 = vector.broadcast %add3A_417 : f32 to vector<136x1xf32>
    %add3A_419 = arith.addf %div3A_414, %add3A_418 : vector<136x1xf32>
    %sqrt3A_420 = math.sqrt %add3A_419 : vector<136x1xf32>
    %div3A_421 = vector.broadcast %sqrt3A_420 : vector<136x1xf32> to vector<136x512xf32>
    %div3A_422 = arith.divf %sub3A_416, %div3A_421 : vector<136x512xf32>
    %mul3A_423 = vector.broadcast %get3A_396 : vector<1x512xf32> to vector<136x512xf32>
    %mul3A_424 = arith.mulf %div3A_422, %mul3A_423 : vector<136x512xf32>
    %add3A_425 = vector.broadcast %get3A_399 : vector<1x512xf32> to vector<136x512xf32>
    %add3A_426 = arith.addf %mul3A_424, %add3A_425 : vector<136x512xf32>
    %add3A_427 = arith.addf %add3A_80, %add3A_348 : vector<136x512xf32>
    %get3A_428 = arith.constant 0 : index
    %get3A_429 = arith.constant 0 : index
    %get3A_430 = vector.load %arg12[%get3A_428, %get3A_429] : memref<1x512xf32, #tpu.memory_space<vmem>>, vector<1x512xf32>
    %get3A_431 = arith.constant 0 : index
    %get3A_432 = arith.constant 0 : index
    %get3A_433 = vector.load %arg13[%get3A_431, %get3A_432] : memref<1x512xf32, #tpu.memory_space<vmem>>, vector<1x512xf32>
    %reduce_sum3A_434 = arith.constant dense<0.000000e+00> : vector<136xf32>
    %reduce_sum3A_435 = vector.multi_reduction <add>, %add3A_427, %reduce_sum3A_434 [1] : vector<136x512xf32> to vector<136xf32>
    %broadcast_in_dim3A_436 = vector.shape_cast %reduce_sum3A_435 : vector<136xf32> to vector<136x1xf32>
    %div3A_437 = arith.constant 5.120000e+02 : f32
    %div3A_438 = vector.broadcast %div3A_437 : f32 to vector<136x1xf32>
    %div3A_439 = arith.divf %broadcast_in_dim3A_436, %div3A_438 : vector<136x1xf32>
    %sub3A_440 = vector.broadcast %div3A_439 : vector<136x1xf32> to vector<136x512xf32>
    %sub3A_441 = arith.subf %add3A_427, %sub3A_440 : vector<136x512xf32>
    %integer_pow3A_442 = arith.mulf %sub3A_441, %sub3A_441 : vector<136x512xf32>
    %reduce_sum3A_443 = arith.constant dense<0.000000e+00> : vector<136xf32>
    %reduce_sum3A_444 = vector.multi_reduction <add>, %integer_pow3A_442, %reduce_sum3A_443 [1] : vector<136x512xf32> to vector<136xf32>
    %broadcast_in_dim3A_445 = vector.shape_cast %reduce_sum3A_444 : vector<136xf32> to vector<136x1xf32>
    %div3A_446 = arith.constant 5.120000e+02 : f32
    %div3A_447 = vector.broadcast %div3A_446 : f32 to vector<136x1xf32>
    %div3A_448 = arith.divf %broadcast_in_dim3A_445, %div3A_447 : vector<136x1xf32>
    %sub3A_449 = vector.broadcast %div3A_439 : vector<136x1xf32> to vector<136x512xf32>
    %sub3A_450 = arith.subf %add3A_427, %sub3A_449 : vector<136x512xf32>
    %add3A_451 = arith.constant 9.99999974E-6 : f32
    %add3A_452 = vector.broadcast %add3A_451 : f32 to vector<136x1xf32>
    %add3A_453 = arith.addf %div3A_448, %add3A_452 : vector<136x1xf32>
    %sqrt3A_454 = math.sqrt %add3A_453 : vector<136x1xf32>
    %div3A_455 = vector.broadcast %sqrt3A_454 : vector<136x1xf32> to vector<136x512xf32>
    %div3A_456 = arith.divf %sub3A_450, %div3A_455 : vector<136x512xf32>
    %mul3A_457 = vector.broadcast %get3A_430 : vector<1x512xf32> to vector<136x512xf32>
    %mul3A_458 = arith.mulf %div3A_456, %mul3A_457 : vector<136x512xf32>
    %add3A_459 = vector.broadcast %get3A_433 : vector<1x512xf32> to vector<136x512xf32>
    %add3A_460 = arith.addf %mul3A_458, %add3A_459 : vector<136x512xf32>
    %add3A_461 = arith.addf %add3A_108, %add3A_358 : vector<136x512xf32>
    %get3A_462 = arith.constant 0 : index
    %get3A_463 = arith.constant 0 : index
    %get3A_464 = vector.load %arg12[%get3A_462, %get3A_463] : memref<1x512xf32, #tpu.memory_space<vmem>>, vector<1x512xf32>
    %get3A_465 = arith.constant 0 : index
    %get3A_466 = arith.constant 0 : index
    %get3A_467 = vector.load %arg13[%get3A_465, %get3A_466] : memref<1x512xf32, #tpu.memory_space<vmem>>, vector<1x512xf32>
    %reduce_sum3A_468 = arith.constant dense<0.000000e+00> : vector<136xf32>
    %reduce_sum3A_469 = vector.multi_reduction <add>, %add3A_461, %reduce_sum3A_468 [1] : vector<136x512xf32> to vector<136xf32>
    %broadcast_in_dim3A_470 = vector.shape_cast %reduce_sum3A_469 : vector<136xf32> to vector<136x1xf32>
    %div3A_471 = arith.constant 5.120000e+02 : f32
    %div3A_472 = vector.broadcast %div3A_471 : f32 to vector<136x1xf32>
    %div3A_473 = arith.divf %broadcast_in_dim3A_470, %div3A_472 : vector<136x1xf32>
    %sub3A_474 = vector.broadcast %div3A_473 : vector<136x1xf32> to vector<136x512xf32>
    %sub3A_475 = arith.subf %add3A_461, %sub3A_474 : vector<136x512xf32>
    %integer_pow3A_476 = arith.mulf %sub3A_475, %sub3A_475 : vector<136x512xf32>
    %reduce_sum3A_477 = arith.constant dense<0.000000e+00> : vector<136xf32>
    %reduce_sum3A_478 = vector.multi_reduction <add>, %integer_pow3A_476, %reduce_sum3A_477 [1] : vector<136x512xf32> to vector<136xf32>
    %broadcast_in_dim3A_479 = vector.shape_cast %reduce_sum3A_478 : vector<136xf32> to vector<136x1xf32>
    %div3A_480 = arith.constant 5.120000e+02 : f32
    %div3A_481 = vector.broadcast %div3A_480 : f32 to vector<136x1xf32>
    %div3A_482 = arith.divf %broadcast_in_dim3A_479, %div3A_481 : vector<136x1xf32>
    %sub3A_483 = vector.broadcast %div3A_473 : vector<136x1xf32> to vector<136x512xf32>
    %sub3A_484 = arith.subf %add3A_461, %sub3A_483 : vector<136x512xf32>
    %add3A_485 = arith.constant 9.99999974E-6 : f32
    %add3A_486 = vector.broadcast %add3A_485 : f32 to vector<136x1xf32>
    %add3A_487 = arith.addf %div3A_482, %add3A_486 : vector<136x1xf32>
    %sqrt3A_488 = math.sqrt %add3A_487 : vector<136x1xf32>
    %div3A_489 = vector.broadcast %sqrt3A_488 : vector<136x1xf32> to vector<136x512xf32>
    %div3A_490 = arith.divf %sub3A_484, %div3A_489 : vector<136x512xf32>
    %mul3A_491 = vector.broadcast %get3A_464 : vector<1x512xf32> to vector<136x512xf32>
    %mul3A_492 = arith.mulf %div3A_490, %mul3A_491 : vector<136x512xf32>
    %add3A_493 = vector.broadcast %get3A_467 : vector<1x512xf32> to vector<136x512xf32>
    %add3A_494 = arith.addf %mul3A_492, %add3A_493 : vector<136x512xf32>
    %get3A_495 = arith.constant 0 : index
    %get3A_496 = arith.constant 0 : index
    %get3A_497 = vector.load %arg14[%get3A_495, %get3A_496] : memref<512x512xf32, #tpu.memory_space<vmem>>, vector<512x512xf32>
    %dot_general3A_498 = arith.constant dense<0.000000e+00> : vector<136x512xf32>
    %dot_general3A_499 = tpu.matmul %add3A_392, %get3A_497, %dot_general3A_498 {dimension_numbers = #tpu.dot_dimension_numbers<[1], [0], [0], [1], [0, 0, 1, 1], [], []>, transpose_lhs_hint = false} : vector<136x512xf32>, vector<512x512xf32>, vector<136x512xf32> -> vector<136x512xf32>
    %get3A_500 = arith.constant 0 : index
    %get3A_501 = arith.constant 0 : index
    %get3A_502 = vector.load %arg15[%get3A_500, %get3A_501] : memref<1x512xf32, #tpu.memory_space<vmem>>, vector<1x512xf32>
    %add3A_503 = vector.broadcast %get3A_502 : vector<1x512xf32> to vector<136x512xf32>
    %add3A_504 = arith.addf %dot_general3A_499, %add3A_503 : vector<136x512xf32>
    %mul3A_505 = arith.constant 5.000000e-01 : f32
    %mul3A_506 = vector.broadcast %mul3A_505 : f32 to vector<136x512xf32>
    %mul3A_507 = arith.mulf %add3A_504, %mul3A_506 : vector<136x512xf32>
    %mul3A_508 = arith.constant 0.707106769 : f32
    %mul3A_509 = vector.broadcast %mul3A_508 : f32 to vector<136x512xf32>
    %mul3A_510 = arith.mulf %add3A_504, %mul3A_509 : vector<136x512xf32>
    %erf3A_511 = math.erf %mul3A_510 : vector<136x512xf32>
    %add3A_512 = arith.constant 1.000000e+00 : f32
    %add3A_513 = vector.broadcast %add3A_512 : f32 to vector<136x512xf32>
    %add3A_514 = arith.addf %add3A_513, %erf3A_511 : vector<136x512xf32>
    %mul3A_515 = arith.mulf %mul3A_507, %add3A_514 : vector<136x512xf32>
    %get3A_516 = arith.constant 0 : index
    %get3A_517 = arith.constant 0 : index
    %get3A_518 = vector.load %arg14[%get3A_516, %get3A_517] : memref<512x512xf32, #tpu.memory_space<vmem>>, vector<512x512xf32>
    %dot_general3A_519 = arith.constant dense<0.000000e+00> : vector<136x512xf32>
    %dot_general3A_520 = tpu.matmul %add3A_426, %get3A_518, %dot_general3A_519 {dimension_numbers = #tpu.dot_dimension_numbers<[1], [0], [0], [1], [0, 0, 1, 1], [], []>, transpose_lhs_hint = false} : vector<136x512xf32>, vector<512x512xf32>, vector<136x512xf32> -> vector<136x512xf32>
    %get3A_521 = arith.constant 0 : index
    %get3A_522 = arith.constant 0 : index
    %get3A_523 = vector.load %arg15[%get3A_521, %get3A_522] : memref<1x512xf32, #tpu.memory_space<vmem>>, vector<1x512xf32>
    %add3A_524 = vector.broadcast %get3A_523 : vector<1x512xf32> to vector<136x512xf32>
    %add3A_525 = arith.addf %dot_general3A_520, %add3A_524 : vector<136x512xf32>
    %mul3A_526 = arith.constant 5.000000e-01 : f32
    %mul3A_527 = vector.broadcast %mul3A_526 : f32 to vector<136x512xf32>
    %mul3A_528 = arith.mulf %add3A_525, %mul3A_527 : vector<136x512xf32>
    %mul3A_529 = arith.constant 0.707106769 : f32
    %mul3A_530 = vector.broadcast %mul3A_529 : f32 to vector<136x512xf32>
    %mul3A_531 = arith.mulf %add3A_525, %mul3A_530 : vector<136x512xf32>
    %erf3A_532 = math.erf %mul3A_531 : vector<136x512xf32>
    %add3A_533 = arith.constant 1.000000e+00 : f32
    %add3A_534 = vector.broadcast %add3A_533 : f32 to vector<136x512xf32>
    %add3A_535 = arith.addf %add3A_534, %erf3A_532 : vector<136x512xf32>
    %mul3A_536 = arith.mulf %mul3A_528, %add3A_535 : vector<136x512xf32>
    %get3A_537 = arith.constant 0 : index
    %get3A_538 = arith.constant 0 : index
    %get3A_539 = vector.load %arg14[%get3A_537, %get3A_538] : memref<512x512xf32, #tpu.memory_space<vmem>>, vector<512x512xf32>
    %dot_general3A_540 = arith.constant dense<0.000000e+00> : vector<136x512xf32>
    %dot_general3A_541 = tpu.matmul %add3A_460, %get3A_539, %dot_general3A_540 {dimension_numbers = #tpu.dot_dimension_numbers<[1], [0], [0], [1], [0, 0, 1, 1], [], []>, transpose_lhs_hint = false} : vector<136x512xf32>, vector<512x512xf32>, vector<136x512xf32> -> vector<136x512xf32>
    %get3A_542 = arith.constant 0 : index
    %get3A_543 = arith.constant 0 : index
    %get3A_544 = vector.load %arg15[%get3A_542, %get3A_543] : memref<1x512xf32, #tpu.memory_space<vmem>>, vector<1x512xf32>
    %add3A_545 = vector.broadcast %get3A_544 : vector<1x512xf32> to vector<136x512xf32>
    %add3A_546 = arith.addf %dot_general3A_541, %add3A_545 : vector<136x512xf32>
    %mul3A_547 = arith.constant 5.000000e-01 : f32
    %mul3A_548 = vector.broadcast %mul3A_547 : f32 to vector<136x512xf32>
    %mul3A_549 = arith.mulf %add3A_546, %mul3A_548 : vector<136x512xf32>
    %mul3A_550 = arith.constant 0.707106769 : f32
    %mul3A_551 = vector.broadcast %mul3A_550 : f32 to vector<136x512xf32>
    %mul3A_552 = arith.mulf %add3A_546, %mul3A_551 : vector<136x512xf32>
    %erf3A_553 = math.erf %mul3A_552 : vector<136x512xf32>
    %add3A_554 = arith.constant 1.000000e+00 : f32
    %add3A_555 = vector.broadcast %add3A_554 : f32 to vector<136x512xf32>
    %add3A_556 = arith.addf %add3A_555, %erf3A_553 : vector<136x512xf32>
    %mul3A_557 = arith.mulf %mul3A_549, %add3A_556 : vector<136x512xf32>
    %get3A_558 = arith.constant 0 : index
    %get3A_559 = arith.constant 0 : index
    %get3A_560 = vector.load %arg14[%get3A_558, %get3A_559] : memref<512x512xf32, #tpu.memory_space<vmem>>, vector<512x512xf32>
    %dot_general3A_561 = arith.constant dense<0.000000e+00> : vector<136x512xf32>
    %dot_general3A_562 = tpu.matmul %add3A_494, %get3A_560, %dot_general3A_561 {dimension_numbers = #tpu.dot_dimension_numbers<[1], [0], [0], [1], [0, 0, 1, 1], [], []>, transpose_lhs_hint = false} : vector<136x512xf32>, vector<512x512xf32>, vector<136x512xf32> -> vector<136x512xf32>
    %get3A_563 = arith.constant 0 : index
    %get3A_564 = arith.constant 0 : index
    %get3A_565 = vector.load %arg15[%get3A_563, %get3A_564] : memref<1x512xf32, #tpu.memory_space<vmem>>, vector<1x512xf32>
    %add3A_566 = vector.broadcast %get3A_565 : vector<1x512xf32> to vector<136x512xf32>
    %add3A_567 = arith.addf %dot_general3A_562, %add3A_566 : vector<136x512xf32>
    %mul3A_568 = arith.constant 5.000000e-01 : f32
    %mul3A_569 = vector.broadcast %mul3A_568 : f32 to vector<136x512xf32>
    %mul3A_570 = arith.mulf %add3A_567, %mul3A_569 : vector<136x512xf32>
    %mul3A_571 = arith.constant 0.707106769 : f32
    %mul3A_572 = vector.broadcast %mul3A_571 : f32 to vector<136x512xf32>
    %mul3A_573 = arith.mulf %add3A_567, %mul3A_572 : vector<136x512xf32>
    %erf3A_574 = math.erf %mul3A_573 : vector<136x512xf32>
    %add3A_575 = arith.constant 1.000000e+00 : f32
    %add3A_576 = vector.broadcast %add3A_575 : f32 to vector<136x512xf32>
    %add3A_577 = arith.addf %add3A_576, %erf3A_574 : vector<136x512xf32>
    %mul3A_578 = arith.mulf %mul3A_570, %add3A_577 : vector<136x512xf32>
    %get3A_579 = arith.constant 0 : index
    %get3A_580 = arith.constant 0 : index
    %get3A_581 = vector.load %arg16[%get3A_579, %get3A_580] : memref<512x512xf32, #tpu.memory_space<vmem>>, vector<512x512xf32>
    %dot_general3A_582 = arith.constant dense<0.000000e+00> : vector<136x512xf32>
    %dot_general3A_583 = tpu.matmul %mul3A_515, %get3A_581, %dot_general3A_582 {dimension_numbers = #tpu.dot_dimension_numbers<[1], [0], [0], [1], [0, 0, 1, 1], [], []>, transpose_lhs_hint = false} : vector<136x512xf32>, vector<512x512xf32>, vector<136x512xf32> -> vector<136x512xf32>
    %get3A_584 = arith.constant 0 : index
    %get3A_585 = arith.constant 0 : index
    %get3A_586 = vector.load %arg17[%get3A_584, %get3A_585] : memref<1x512xf32, #tpu.memory_space<vmem>>, vector<1x512xf32>
    %add3A_587 = vector.broadcast %get3A_586 : vector<1x512xf32> to vector<136x512xf32>
    %add3A_588 = arith.addf %dot_general3A_583, %add3A_587 : vector<136x512xf32>
    %get3A_589 = arith.constant 0 : index
    %get3A_590 = arith.constant 0 : index
    %get3A_591 = vector.load %arg16[%get3A_589, %get3A_590] : memref<512x512xf32, #tpu.memory_space<vmem>>, vector<512x512xf32>
    %dot_general3A_592 = arith.constant dense<0.000000e+00> : vector<136x512xf32>
    %dot_general3A_593 = tpu.matmul %mul3A_536, %get3A_591, %dot_general3A_592 {dimension_numbers = #tpu.dot_dimension_numbers<[1], [0], [0], [1], [0, 0, 1, 1], [], []>, transpose_lhs_hint = false} : vector<136x512xf32>, vector<512x512xf32>, vector<136x512xf32> -> vector<136x512xf32>
    %get3A_594 = arith.constant 0 : index
    %get3A_595 = arith.constant 0 : index
    %get3A_596 = vector.load %arg17[%get3A_594, %get3A_595] : memref<1x512xf32, #tpu.memory_space<vmem>>, vector<1x512xf32>
    %add3A_597 = vector.broadcast %get3A_596 : vector<1x512xf32> to vector<136x512xf32>
    %add3A_598 = arith.addf %dot_general3A_593, %add3A_597 : vector<136x512xf32>
    %get3A_599 = arith.constant 0 : index
    %get3A_600 = arith.constant 0 : index
    %get3A_601 = vector.load %arg16[%get3A_599, %get3A_600] : memref<512x512xf32, #tpu.memory_space<vmem>>, vector<512x512xf32>
    %dot_general3A_602 = arith.constant dense<0.000000e+00> : vector<136x512xf32>
    %dot_general3A_603 = tpu.matmul %mul3A_557, %get3A_601, %dot_general3A_602 {dimension_numbers = #tpu.dot_dimension_numbers<[1], [0], [0], [1], [0, 0, 1, 1], [], []>, transpose_lhs_hint = false} : vector<136x512xf32>, vector<512x512xf32>, vector<136x512xf32> -> vector<136x512xf32>
    %get3A_604 = arith.constant 0 : index
    %get3A_605 = arith.constant 0 : index
    %get3A_606 = vector.load %arg17[%get3A_604, %get3A_605] : memref<1x512xf32, #tpu.memory_space<vmem>>, vector<1x512xf32>
    %add3A_607 = vector.broadcast %get3A_606 : vector<1x512xf32> to vector<136x512xf32>
    %add3A_608 = arith.addf %dot_general3A_603, %add3A_607 : vector<136x512xf32>
    %get3A_609 = arith.constant 0 : index
    %get3A_610 = arith.constant 0 : index
    %get3A_611 = vector.load %arg16[%get3A_609, %get3A_610] : memref<512x512xf32, #tpu.memory_space<vmem>>, vector<512x512xf32>
    %dot_general3A_612 = arith.constant dense<0.000000e+00> : vector<136x512xf32>
    %dot_general3A_613 = tpu.matmul %mul3A_578, %get3A_611, %dot_general3A_612 {dimension_numbers = #tpu.dot_dimension_numbers<[1], [0], [0], [1], [0, 0, 1, 1], [], []>, transpose_lhs_hint = false} : vector<136x512xf32>, vector<512x512xf32>, vector<136x512xf32> -> vector<136x512xf32>
    %get3A_614 = arith.constant 0 : index
    %get3A_615 = arith.constant 0 : index
    %get3A_616 = vector.load %arg17[%get3A_614, %get3A_615] : memref<1x512xf32, #tpu.memory_space<vmem>>, vector<1x512xf32>
    %add3A_617 = vector.broadcast %get3A_616 : vector<1x512xf32> to vector<136x512xf32>
    %add3A_618 = arith.addf %dot_general3A_613, %add3A_617 : vector<136x512xf32>
    %add3A_619 = arith.addf %add3A_24, %add3A_328 : vector<136x512xf32>
    %add3A_620 = arith.addf %add3A_619, %add3A_588 : vector<136x512xf32>
    %add3A_621 = arith.addf %add3A_52, %add3A_338 : vector<136x512xf32>
    %add3A_622 = arith.addf %add3A_621, %add3A_598 : vector<136x512xf32>
    %add3A_623 = arith.addf %add3A_80, %add3A_348 : vector<136x512xf32>
    %add3A_624 = arith.addf %add3A_623, %add3A_608 : vector<136x512xf32>
    %add3A_625 = arith.addf %add3A_108, %add3A_358 : vector<136x512xf32>
    %add3A_626 = arith.addf %add3A_625, %add3A_618 : vector<136x512xf32>
    %get3A_627 = arith.constant 0 : index
    %get3A_628 = arith.constant 0 : index
    %get3A_629 = vector.load %arg18[%get3A_627, %get3A_628] : memref<1x512xf32, #tpu.memory_space<vmem>>, vector<1x512xf32>
    %get3A_630 = arith.constant 0 : index
    %get3A_631 = arith.constant 0 : index
    %get3A_632 = vector.load %arg19[%get3A_630, %get3A_631] : memref<1x512xf32, #tpu.memory_space<vmem>>, vector<1x512xf32>
    %reduce_sum3A_633 = arith.constant dense<0.000000e+00> : vector<136xf32>
    %reduce_sum3A_634 = vector.multi_reduction <add>, %add3A_620, %reduce_sum3A_633 [1] : vector<136x512xf32> to vector<136xf32>
    %broadcast_in_dim3A_635 = vector.shape_cast %reduce_sum3A_634 : vector<136xf32> to vector<136x1xf32>
    %div3A_636 = arith.constant 5.120000e+02 : f32
    %div3A_637 = vector.broadcast %div3A_636 : f32 to vector<136x1xf32>
    %div3A_638 = arith.divf %broadcast_in_dim3A_635, %div3A_637 : vector<136x1xf32>
    %sub3A_639 = vector.broadcast %div3A_638 : vector<136x1xf32> to vector<136x512xf32>
    %sub3A_640 = arith.subf %add3A_620, %sub3A_639 : vector<136x512xf32>
    %integer_pow3A_641 = arith.mulf %sub3A_640, %sub3A_640 : vector<136x512xf32>
    %reduce_sum3A_642 = arith.constant dense<0.000000e+00> : vector<136xf32>
    %reduce_sum3A_643 = vector.multi_reduction <add>, %integer_pow3A_641, %reduce_sum3A_642 [1] : vector<136x512xf32> to vector<136xf32>
    %broadcast_in_dim3A_644 = vector.shape_cast %reduce_sum3A_643 : vector<136xf32> to vector<136x1xf32>
    %div3A_645 = arith.constant 5.120000e+02 : f32
    %div3A_646 = vector.broadcast %div3A_645 : f32 to vector<136x1xf32>
    %div3A_647 = arith.divf %broadcast_in_dim3A_644, %div3A_646 : vector<136x1xf32>
    %sub3A_648 = vector.broadcast %div3A_638 : vector<136x1xf32> to vector<136x512xf32>
    %sub3A_649 = arith.subf %add3A_620, %sub3A_648 : vector<136x512xf32>
    %add3A_650 = arith.constant 9.99999974E-6 : f32
    %add3A_651 = vector.broadcast %add3A_650 : f32 to vector<136x1xf32>
    %add3A_652 = arith.addf %div3A_647, %add3A_651 : vector<136x1xf32>
    %sqrt3A_653 = math.sqrt %add3A_652 : vector<136x1xf32>
    %div3A_654 = vector.broadcast %sqrt3A_653 : vector<136x1xf32> to vector<136x512xf32>
    %div3A_655 = arith.divf %sub3A_649, %div3A_654 : vector<136x512xf32>
    %mul3A_656 = vector.broadcast %get3A_629 : vector<1x512xf32> to vector<136x512xf32>
    %mul3A_657 = arith.mulf %div3A_655, %mul3A_656 : vector<136x512xf32>
    %add3A_658 = vector.broadcast %get3A_632 : vector<1x512xf32> to vector<136x512xf32>
    %add3A_659 = arith.addf %mul3A_657, %add3A_658 : vector<136x512xf32>
    %get3A_660 = arith.constant 0 : index
    %get3A_661 = arith.constant 0 : index
    %get3A_662 = vector.load %arg18[%get3A_660, %get3A_661] : memref<1x512xf32, #tpu.memory_space<vmem>>, vector<1x512xf32>
    %get3A_663 = arith.constant 0 : index
    %get3A_664 = arith.constant 0 : index
    %get3A_665 = vector.load %arg19[%get3A_663, %get3A_664] : memref<1x512xf32, #tpu.memory_space<vmem>>, vector<1x512xf32>
    %reduce_sum3A_666 = arith.constant dense<0.000000e+00> : vector<136xf32>
    %reduce_sum3A_667 = vector.multi_reduction <add>, %add3A_622, %reduce_sum3A_666 [1] : vector<136x512xf32> to vector<136xf32>
    %broadcast_in_dim3A_668 = vector.shape_cast %reduce_sum3A_667 : vector<136xf32> to vector<136x1xf32>
    %div3A_669 = arith.constant 5.120000e+02 : f32
    %div3A_670 = vector.broadcast %div3A_669 : f32 to vector<136x1xf32>
    %div3A_671 = arith.divf %broadcast_in_dim3A_668, %div3A_670 : vector<136x1xf32>
    %sub3A_672 = vector.broadcast %div3A_671 : vector<136x1xf32> to vector<136x512xf32>
    %sub3A_673 = arith.subf %add3A_622, %sub3A_672 : vector<136x512xf32>
    %integer_pow3A_674 = arith.mulf %sub3A_673, %sub3A_673 : vector<136x512xf32>
    %reduce_sum3A_675 = arith.constant dense<0.000000e+00> : vector<136xf32>
    %reduce_sum3A_676 = vector.multi_reduction <add>, %integer_pow3A_674, %reduce_sum3A_675 [1] : vector<136x512xf32> to vector<136xf32>
    %broadcast_in_dim3A_677 = vector.shape_cast %reduce_sum3A_676 : vector<136xf32> to vector<136x1xf32>
    %div3A_678 = arith.constant 5.120000e+02 : f32
    %div3A_679 = vector.broadcast %div3A_678 : f32 to vector<136x1xf32>
    %div3A_680 = arith.divf %broadcast_in_dim3A_677, %div3A_679 : vector<136x1xf32>
    %sub3A_681 = vector.broadcast %div3A_671 : vector<136x1xf32> to vector<136x512xf32>
    %sub3A_682 = arith.subf %add3A_622, %sub3A_681 : vector<136x512xf32>
    %add3A_683 = arith.constant 9.99999974E-6 : f32
    %add3A_684 = vector.broadcast %add3A_683 : f32 to vector<136x1xf32>
    %add3A_685 = arith.addf %div3A_680, %add3A_684 : vector<136x1xf32>
    %sqrt3A_686 = math.sqrt %add3A_685 : vector<136x1xf32>
    %div3A_687 = vector.broadcast %sqrt3A_686 : vector<136x1xf32> to vector<136x512xf32>
    %div3A_688 = arith.divf %sub3A_682, %div3A_687 : vector<136x512xf32>
    %mul3A_689 = vector.broadcast %get3A_662 : vector<1x512xf32> to vector<136x512xf32>
    %mul3A_690 = arith.mulf %div3A_688, %mul3A_689 : vector<136x512xf32>
    %add3A_691 = vector.broadcast %get3A_665 : vector<1x512xf32> to vector<136x512xf32>
    %add3A_692 = arith.addf %mul3A_690, %add3A_691 : vector<136x512xf32>
    %get3A_693 = arith.constant 0 : index
    %get3A_694 = arith.constant 0 : index
    %get3A_695 = vector.load %arg18[%get3A_693, %get3A_694] : memref<1x512xf32, #tpu.memory_space<vmem>>, vector<1x512xf32>
    %get3A_696 = arith.constant 0 : index
    %get3A_697 = arith.constant 0 : index
    %get3A_698 = vector.load %arg19[%get3A_696, %get3A_697] : memref<1x512xf32, #tpu.memory_space<vmem>>, vector<1x512xf32>
    %reduce_sum3A_699 = arith.constant dense<0.000000e+00> : vector<136xf32>
    %reduce_sum3A_700 = vector.multi_reduction <add>, %add3A_624, %reduce_sum3A_699 [1] : vector<136x512xf32> to vector<136xf32>
    %broadcast_in_dim3A_701 = vector.shape_cast %reduce_sum3A_700 : vector<136xf32> to vector<136x1xf32>
    %div3A_702 = arith.constant 5.120000e+02 : f32
    %div3A_703 = vector.broadcast %div3A_702 : f32 to vector<136x1xf32>
    %div3A_704 = arith.divf %broadcast_in_dim3A_701, %div3A_703 : vector<136x1xf32>
    %sub3A_705 = vector.broadcast %div3A_704 : vector<136x1xf32> to vector<136x512xf32>
    %sub3A_706 = arith.subf %add3A_624, %sub3A_705 : vector<136x512xf32>
    %integer_pow3A_707 = arith.mulf %sub3A_706, %sub3A_706 : vector<136x512xf32>
    %reduce_sum3A_708 = arith.constant dense<0.000000e+00> : vector<136xf32>
    %reduce_sum3A_709 = vector.multi_reduction <add>, %integer_pow3A_707, %reduce_sum3A_708 [1] : vector<136x512xf32> to vector<136xf32>
    %broadcast_in_dim3A_710 = vector.shape_cast %reduce_sum3A_709 : vector<136xf32> to vector<136x1xf32>
    %div3A_711 = arith.constant 5.120000e+02 : f32
    %div3A_712 = vector.broadcast %div3A_711 : f32 to vector<136x1xf32>
    %div3A_713 = arith.divf %broadcast_in_dim3A_710, %div3A_712 : vector<136x1xf32>
    %sub3A_714 = vector.broadcast %div3A_704 : vector<136x1xf32> to vector<136x512xf32>
    %sub3A_715 = arith.subf %add3A_624, %sub3A_714 : vector<136x512xf32>
    %add3A_716 = arith.constant 9.99999974E-6 : f32
    %add3A_717 = vector.broadcast %add3A_716 : f32 to vector<136x1xf32>
    %add3A_718 = arith.addf %div3A_713, %add3A_717 : vector<136x1xf32>
    %sqrt3A_719 = math.sqrt %add3A_718 : vector<136x1xf32>
    %div3A_720 = vector.broadcast %sqrt3A_719 : vector<136x1xf32> to vector<136x512xf32>
    %div3A_721 = arith.divf %sub3A_715, %div3A_720 : vector<136x512xf32>
    %mul3A_722 = vector.broadcast %get3A_695 : vector<1x512xf32> to vector<136x512xf32>
    %mul3A_723 = arith.mulf %div3A_721, %mul3A_722 : vector<136x512xf32>
    %add3A_724 = vector.broadcast %get3A_698 : vector<1x512xf32> to vector<136x512xf32>
    %add3A_725 = arith.addf %mul3A_723, %add3A_724 : vector<136x512xf32>
    %get3A_726 = arith.constant 0 : index
    %get3A_727 = arith.constant 0 : index
    %get3A_728 = vector.load %arg18[%get3A_726, %get3A_727] : memref<1x512xf32, #tpu.memory_space<vmem>>, vector<1x512xf32>
    %get3A_729 = arith.constant 0 : index
    %get3A_730 = arith.constant 0 : index
    %get3A_731 = vector.load %arg19[%get3A_729, %get3A_730] : memref<1x512xf32, #tpu.memory_space<vmem>>, vector<1x512xf32>
    %reduce_sum3A_732 = arith.constant dense<0.000000e+00> : vector<136xf32>
    %reduce_sum3A_733 = vector.multi_reduction <add>, %add3A_626, %reduce_sum3A_732 [1] : vector<136x512xf32> to vector<136xf32>
    %broadcast_in_dim3A_734 = vector.shape_cast %reduce_sum3A_733 : vector<136xf32> to vector<136x1xf32>
    %div3A_735 = arith.constant 5.120000e+02 : f32
    %div3A_736 = vector.broadcast %div3A_735 : f32 to vector<136x1xf32>
    %div3A_737 = arith.divf %broadcast_in_dim3A_734, %div3A_736 : vector<136x1xf32>
    %sub3A_738 = vector.broadcast %div3A_737 : vector<136x1xf32> to vector<136x512xf32>
    %sub3A_739 = arith.subf %add3A_626, %sub3A_738 : vector<136x512xf32>
    %integer_pow3A_740 = arith.mulf %sub3A_739, %sub3A_739 : vector<136x512xf32>
    %reduce_sum3A_741 = arith.constant dense<0.000000e+00> : vector<136xf32>
    %reduce_sum3A_742 = vector.multi_reduction <add>, %integer_pow3A_740, %reduce_sum3A_741 [1] : vector<136x512xf32> to vector<136xf32>
    %broadcast_in_dim3A_743 = vector.shape_cast %reduce_sum3A_742 : vector<136xf32> to vector<136x1xf32>
    %div3A_744 = arith.constant 5.120000e+02 : f32
    %div3A_745 = vector.broadcast %div3A_744 : f32 to vector<136x1xf32>
    %div3A_746 = arith.divf %broadcast_in_dim3A_743, %div3A_745 : vector<136x1xf32>
    %sub3A_747 = vector.broadcast %div3A_737 : vector<136x1xf32> to vector<136x512xf32>
    %sub3A_748 = arith.subf %add3A_626, %sub3A_747 : vector<136x512xf32>
    %add3A_749 = arith.constant 9.99999974E-6 : f32
    %add3A_750 = vector.broadcast %add3A_749 : f32 to vector<136x1xf32>
    %add3A_751 = arith.addf %div3A_746, %add3A_750 : vector<136x1xf32>
    %sqrt3A_752 = math.sqrt %add3A_751 : vector<136x1xf32>
    %div3A_753 = vector.broadcast %sqrt3A_752 : vector<136x1xf32> to vector<136x512xf32>
    %div3A_754 = arith.divf %sub3A_748, %div3A_753 : vector<136x512xf32>
    %mul3A_755 = vector.broadcast %get3A_728 : vector<1x512xf32> to vector<136x512xf32>
    %mul3A_756 = arith.mulf %div3A_754, %mul3A_755 : vector<136x512xf32>
    %add3A_757 = vector.broadcast %get3A_731 : vector<1x512xf32> to vector<136x512xf32>
    %add3A_758 = arith.addf %mul3A_756, %add3A_757 : vector<136x512xf32>
    %get3A_759 = arith.constant 0 : index
    %get3A_760 = arith.constant 0 : index
    %get3A_761 = vector.load %arg20[%get3A_759, %get3A_760] : memref<512x136xf32, #tpu.memory_space<vmem>>, vector<512x136xf32>
    %dot_general3A_762 = arith.constant dense<0.000000e+00> : vector<512x512xf32>
    %dot_general3A_763 = tpu.matmul %get3A_761, %add3A_659, %dot_general3A_762 {dimension_numbers = #tpu.dot_dimension_numbers<[1], [0], [0], [1], [0, 0, 1, 1], [], []>, transpose_lhs_hint = false} : vector<512x136xf32>, vector<136x512xf32>, vector<512x512xf32> -> vector<512x512xf32>
    %get3A_764 = arith.constant 0 : index
    %get3A_765 = arith.constant 0 : index
    %get3A_766 = vector.load %arg21[%get3A_764, %get3A_765] : memref<512x1xf32, #tpu.memory_space<vmem>>, vector<512x1xf32>
    %add3A_767 = vector.broadcast %get3A_766 : vector<512x1xf32> to vector<512x512xf32>
    %add3A_768 = arith.addf %dot_general3A_763, %add3A_767 : vector<512x512xf32>
    %mul3A_769 = arith.constant 5.000000e-01 : f32
    %mul3A_770 = vector.broadcast %mul3A_769 : f32 to vector<512x512xf32>
    %mul3A_771 = arith.mulf %add3A_768, %mul3A_770 : vector<512x512xf32>
    %mul3A_772 = arith.constant 0.707106769 : f32
    %mul3A_773 = vector.broadcast %mul3A_772 : f32 to vector<512x512xf32>
    %mul3A_774 = arith.mulf %add3A_768, %mul3A_773 : vector<512x512xf32>
    %erf3A_775 = math.erf %mul3A_774 : vector<512x512xf32>
    %add3A_776 = arith.constant 1.000000e+00 : f32
    %add3A_777 = vector.broadcast %add3A_776 : f32 to vector<512x512xf32>
    %add3A_778 = arith.addf %add3A_777, %erf3A_775 : vector<512x512xf32>
    %mul3A_779 = arith.mulf %mul3A_771, %add3A_778 : vector<512x512xf32>
    %get3A_780 = arith.constant 0 : index
    %get3A_781 = arith.constant 0 : index
    %get3A_782 = vector.load %arg20[%get3A_780, %get3A_781] : memref<512x136xf32, #tpu.memory_space<vmem>>, vector<512x136xf32>
    %dot_general3A_783 = arith.constant dense<0.000000e+00> : vector<512x512xf32>
    %dot_general3A_784 = tpu.matmul %get3A_782, %add3A_692, %dot_general3A_783 {dimension_numbers = #tpu.dot_dimension_numbers<[1], [0], [0], [1], [0, 0, 1, 1], [], []>, transpose_lhs_hint = false} : vector<512x136xf32>, vector<136x512xf32>, vector<512x512xf32> -> vector<512x512xf32>
    %get3A_785 = arith.constant 0 : index
    %get3A_786 = arith.constant 0 : index
    %get3A_787 = vector.load %arg21[%get3A_785, %get3A_786] : memref<512x1xf32, #tpu.memory_space<vmem>>, vector<512x1xf32>
    %add3A_788 = vector.broadcast %get3A_787 : vector<512x1xf32> to vector<512x512xf32>
    %add3A_789 = arith.addf %dot_general3A_784, %add3A_788 : vector<512x512xf32>
    %mul3A_790 = arith.constant 5.000000e-01 : f32
    %mul3A_791 = vector.broadcast %mul3A_790 : f32 to vector<512x512xf32>
    %mul3A_792 = arith.mulf %add3A_789, %mul3A_791 : vector<512x512xf32>
    %mul3A_793 = arith.constant 0.707106769 : f32
    %mul3A_794 = vector.broadcast %mul3A_793 : f32 to vector<512x512xf32>
    %mul3A_795 = arith.mulf %add3A_789, %mul3A_794 : vector<512x512xf32>
    %erf3A_796 = math.erf %mul3A_795 : vector<512x512xf32>
    %add3A_797 = arith.constant 1.000000e+00 : f32
    %add3A_798 = vector.broadcast %add3A_797 : f32 to vector<512x512xf32>
    %add3A_799 = arith.addf %add3A_798, %erf3A_796 : vector<512x512xf32>
    %mul3A_800 = arith.mulf %mul3A_792, %add3A_799 : vector<512x512xf32>
    %get3A_801 = arith.constant 0 : index
    %get3A_802 = arith.constant 0 : index
    %get3A_803 = vector.load %arg20[%get3A_801, %get3A_802] : memref<512x136xf32, #tpu.memory_space<vmem>>, vector<512x136xf32>
    %dot_general3A_804 = arith.constant dense<0.000000e+00> : vector<512x512xf32>
    %dot_general3A_805 = tpu.matmul %get3A_803, %add3A_725, %dot_general3A_804 {dimension_numbers = #tpu.dot_dimension_numbers<[1], [0], [0], [1], [0, 0, 1, 1], [], []>, transpose_lhs_hint = false} : vector<512x136xf32>, vector<136x512xf32>, vector<512x512xf32> -> vector<512x512xf32>
    %get3A_806 = arith.constant 0 : index
    %get3A_807 = arith.constant 0 : index
    %get3A_808 = vector.load %arg21[%get3A_806, %get3A_807] : memref<512x1xf32, #tpu.memory_space<vmem>>, vector<512x1xf32>
    %add3A_809 = vector.broadcast %get3A_808 : vector<512x1xf32> to vector<512x512xf32>
    %add3A_810 = arith.addf %dot_general3A_805, %add3A_809 : vector<512x512xf32>
    %mul3A_811 = arith.constant 5.000000e-01 : f32
    %mul3A_812 = vector.broadcast %mul3A_811 : f32 to vector<512x512xf32>
    %mul3A_813 = arith.mulf %add3A_810, %mul3A_812 : vector<512x512xf32>
    %mul3A_814 = arith.constant 0.707106769 : f32
    %mul3A_815 = vector.broadcast %mul3A_814 : f32 to vector<512x512xf32>
    %mul3A_816 = arith.mulf %add3A_810, %mul3A_815 : vector<512x512xf32>
    %erf3A_817 = math.erf %mul3A_816 : vector<512x512xf32>
    %add3A_818 = arith.constant 1.000000e+00 : f32
    %add3A_819 = vector.broadcast %add3A_818 : f32 to vector<512x512xf32>
    %add3A_820 = arith.addf %add3A_819, %erf3A_817 : vector<512x512xf32>
    %mul3A_821 = arith.mulf %mul3A_813, %add3A_820 : vector<512x512xf32>
    %get3A_822 = arith.constant 0 : index
    %get3A_823 = arith.constant 0 : index
    %get3A_824 = vector.load %arg20[%get3A_822, %get3A_823] : memref<512x136xf32, #tpu.memory_space<vmem>>, vector<512x136xf32>
    %dot_general3A_825 = arith.constant dense<0.000000e+00> : vector<512x512xf32>
    %dot_general3A_826 = tpu.matmul %get3A_824, %add3A_758, %dot_general3A_825 {dimension_numbers = #tpu.dot_dimension_numbers<[1], [0], [0], [1], [0, 0, 1, 1], [], []>, transpose_lhs_hint = false} : vector<512x136xf32>, vector<136x512xf32>, vector<512x512xf32> -> vector<512x512xf32>
    %get3A_827 = arith.constant 0 : index
    %get3A_828 = arith.constant 0 : index
    %get3A_829 = vector.load %arg21[%get3A_827, %get3A_828] : memref<512x1xf32, #tpu.memory_space<vmem>>, vector<512x1xf32>
    %add3A_830 = vector.broadcast %get3A_829 : vector<512x1xf32> to vector<512x512xf32>
    %add3A_831 = arith.addf %dot_general3A_826, %add3A_830 : vector<512x512xf32>
    %mul3A_832 = arith.constant 5.000000e-01 : f32
    %mul3A_833 = vector.broadcast %mul3A_832 : f32 to vector<512x512xf32>
    %mul3A_834 = arith.mulf %add3A_831, %mul3A_833 : vector<512x512xf32>
    %mul3A_835 = arith.constant 0.707106769 : f32
    %mul3A_836 = vector.broadcast %mul3A_835 : f32 to vector<512x512xf32>
    %mul3A_837 = arith.mulf %add3A_831, %mul3A_836 : vector<512x512xf32>
    %erf3A_838 = math.erf %mul3A_837 : vector<512x512xf32>
    %add3A_839 = arith.constant 1.000000e+00 : f32
    %add3A_840 = vector.broadcast %add3A_839 : f32 to vector<512x512xf32>
    %add3A_841 = arith.addf %add3A_840, %erf3A_838 : vector<512x512xf32>
    %mul3A_842 = arith.mulf %mul3A_834, %add3A_841 : vector<512x512xf32>
    %get3A_843 = arith.constant 0 : index
    %get3A_844 = arith.constant 0 : index
    %get3A_845 = vector.load %arg22[%get3A_843, %get3A_844] : memref<136x512xf32, #tpu.memory_space<vmem>>, vector<136x512xf32>
    %dot_general3A_846 = arith.constant dense<0.000000e+00> : vector<136x512xf32>
    %dot_general3A_847 = tpu.matmul %get3A_845, %mul3A_779, %dot_general3A_846 {dimension_numbers = #tpu.dot_dimension_numbers<[1], [0], [0], [1], [0, 0, 1, 1], [], []>, transpose_lhs_hint = false} : vector<136x512xf32>, vector<512x512xf32>, vector<136x512xf32> -> vector<136x512xf32>
    %get3A_848 = arith.constant 0 : index
    %get3A_849 = arith.constant 0 : index
    %get3A_850 = vector.load %arg23[%get3A_848, %get3A_849] : memref<136x1xf32, #tpu.memory_space<vmem>>, vector<136x1xf32>
    %add3A_851 = vector.broadcast %get3A_850 : vector<136x1xf32> to vector<136x512xf32>
    %add3A_852 = arith.addf %dot_general3A_847, %add3A_851 : vector<136x512xf32>
    %get3A_853 = arith.constant 0 : index
    %get3A_854 = arith.constant 0 : index
    %get3A_855 = vector.load %arg22[%get3A_853, %get3A_854] : memref<136x512xf32, #tpu.memory_space<vmem>>, vector<136x512xf32>
    %dot_general3A_856 = arith.constant dense<0.000000e+00> : vector<136x512xf32>
    %dot_general3A_857 = tpu.matmul %get3A_855, %mul3A_800, %dot_general3A_856 {dimension_numbers = #tpu.dot_dimension_numbers<[1], [0], [0], [1], [0, 0, 1, 1], [], []>, transpose_lhs_hint = false} : vector<136x512xf32>, vector<512x512xf32>, vector<136x512xf32> -> vector<136x512xf32>
    %get3A_858 = arith.constant 0 : index
    %get3A_859 = arith.constant 0 : index
    %get3A_860 = vector.load %arg23[%get3A_858, %get3A_859] : memref<136x1xf32, #tpu.memory_space<vmem>>, vector<136x1xf32>
    %add3A_861 = vector.broadcast %get3A_860 : vector<136x1xf32> to vector<136x512xf32>
    %add3A_862 = arith.addf %dot_general3A_857, %add3A_861 : vector<136x512xf32>
    %get3A_863 = arith.constant 0 : index
    %get3A_864 = arith.constant 0 : index
    %get3A_865 = vector.load %arg22[%get3A_863, %get3A_864] : memref<136x512xf32, #tpu.memory_space<vmem>>, vector<136x512xf32>
    %dot_general3A_866 = arith.constant dense<0.000000e+00> : vector<136x512xf32>
    %dot_general3A_867 = tpu.matmul %get3A_865, %mul3A_821, %dot_general3A_866 {dimension_numbers = #tpu.dot_dimension_numbers<[1], [0], [0], [1], [0, 0, 1, 1], [], []>, transpose_lhs_hint = false} : vector<136x512xf32>, vector<512x512xf32>, vector<136x512xf32> -> vector<136x512xf32>
    %get3A_868 = arith.constant 0 : index
    %get3A_869 = arith.constant 0 : index
    %get3A_870 = vector.load %arg23[%get3A_868, %get3A_869] : memref<136x1xf32, #tpu.memory_space<vmem>>, vector<136x1xf32>
    %add3A_871 = vector.broadcast %get3A_870 : vector<136x1xf32> to vector<136x512xf32>
    %add3A_872 = arith.addf %dot_general3A_867, %add3A_871 : vector<136x512xf32>
    %get3A_873 = arith.constant 0 : index
    %get3A_874 = arith.constant 0 : index
    %get3A_875 = vector.load %arg22[%get3A_873, %get3A_874] : memref<136x512xf32, #tpu.memory_space<vmem>>, vector<136x512xf32>
    %dot_general3A_876 = arith.constant dense<0.000000e+00> : vector<136x512xf32>
    %dot_general3A_877 = tpu.matmul %get3A_875, %mul3A_842, %dot_general3A_876 {dimension_numbers = #tpu.dot_dimension_numbers<[1], [0], [0], [1], [0, 0, 1, 1], [], []>, transpose_lhs_hint = false} : vector<136x512xf32>, vector<512x512xf32>, vector<136x512xf32> -> vector<136x512xf32>
    %get3A_878 = arith.constant 0 : index
    %get3A_879 = arith.constant 0 : index
    %get3A_880 = vector.load %arg23[%get3A_878, %get3A_879] : memref<136x1xf32, #tpu.memory_space<vmem>>, vector<136x1xf32>
    %add3A_881 = vector.broadcast %get3A_880 : vector<136x1xf32> to vector<136x512xf32>
    %add3A_882 = arith.addf %dot_general3A_877, %add3A_881 : vector<136x512xf32>
    %add3A_883 = arith.addf %add3A_620, %add3A_852 : vector<136x512xf32>
    %get3A_884 = arith.constant 0 : index
    %get3A_885 = arith.constant 0 : index
    %get3A_886 = vector.load %arg24[%get3A_884, %get3A_885] : memref<1x512xf32, #tpu.memory_space<vmem>>, vector<1x512xf32>
    %get3A_887 = arith.constant 0 : index
    %get3A_888 = arith.constant 0 : index
    %get3A_889 = vector.load %arg25[%get3A_887, %get3A_888] : memref<1x512xf32, #tpu.memory_space<vmem>>, vector<1x512xf32>
    %reduce_sum3A_890 = arith.constant dense<0.000000e+00> : vector<136xf32>
    %reduce_sum3A_891 = vector.multi_reduction <add>, %add3A_883, %reduce_sum3A_890 [1] : vector<136x512xf32> to vector<136xf32>
    %broadcast_in_dim3A_892 = vector.shape_cast %reduce_sum3A_891 : vector<136xf32> to vector<136x1xf32>
    %div3A_893 = arith.constant 5.120000e+02 : f32
    %div3A_894 = vector.broadcast %div3A_893 : f32 to vector<136x1xf32>
    %div3A_895 = arith.divf %broadcast_in_dim3A_892, %div3A_894 : vector<136x1xf32>
    %sub3A_896 = vector.broadcast %div3A_895 : vector<136x1xf32> to vector<136x512xf32>
    %sub3A_897 = arith.subf %add3A_883, %sub3A_896 : vector<136x512xf32>
    %integer_pow3A_898 = arith.mulf %sub3A_897, %sub3A_897 : vector<136x512xf32>
    %reduce_sum3A_899 = arith.constant dense<0.000000e+00> : vector<136xf32>
    %reduce_sum3A_900 = vector.multi_reduction <add>, %integer_pow3A_898, %reduce_sum3A_899 [1] : vector<136x512xf32> to vector<136xf32>
    %broadcast_in_dim3A_901 = vector.shape_cast %reduce_sum3A_900 : vector<136xf32> to vector<136x1xf32>
    %div3A_902 = arith.constant 5.120000e+02 : f32
    %div3A_903 = vector.broadcast %div3A_902 : f32 to vector<136x1xf32>
    %div3A_904 = arith.divf %broadcast_in_dim3A_901, %div3A_903 : vector<136x1xf32>
    %sub3A_905 = vector.broadcast %div3A_895 : vector<136x1xf32> to vector<136x512xf32>
    %sub3A_906 = arith.subf %add3A_883, %sub3A_905 : vector<136x512xf32>
    %add3A_907 = arith.constant 9.99999974E-6 : f32
    %add3A_908 = vector.broadcast %add3A_907 : f32 to vector<136x1xf32>
    %add3A_909 = arith.addf %div3A_904, %add3A_908 : vector<136x1xf32>
    %sqrt3A_910 = math.sqrt %add3A_909 : vector<136x1xf32>
    %div3A_911 = vector.broadcast %sqrt3A_910 : vector<136x1xf32> to vector<136x512xf32>
    %div3A_912 = arith.divf %sub3A_906, %div3A_911 : vector<136x512xf32>
    %mul3A_913 = vector.broadcast %get3A_886 : vector<1x512xf32> to vector<136x512xf32>
    %mul3A_914 = arith.mulf %div3A_912, %mul3A_913 : vector<136x512xf32>
    %add3A_915 = vector.broadcast %get3A_889 : vector<1x512xf32> to vector<136x512xf32>
    %add3A_916 = arith.addf %mul3A_914, %add3A_915 : vector<136x512xf32>
    %add3A_917 = arith.addf %add3A_622, %add3A_862 : vector<136x512xf32>
    %get3A_918 = arith.constant 0 : index
    %get3A_919 = arith.constant 0 : index
    %get3A_920 = vector.load %arg24[%get3A_918, %get3A_919] : memref<1x512xf32, #tpu.memory_space<vmem>>, vector<1x512xf32>
    %get3A_921 = arith.constant 0 : index
    %get3A_922 = arith.constant 0 : index
    %get3A_923 = vector.load %arg25[%get3A_921, %get3A_922] : memref<1x512xf32, #tpu.memory_space<vmem>>, vector<1x512xf32>
    %reduce_sum3A_924 = arith.constant dense<0.000000e+00> : vector<136xf32>
    %reduce_sum3A_925 = vector.multi_reduction <add>, %add3A_917, %reduce_sum3A_924 [1] : vector<136x512xf32> to vector<136xf32>
    %broadcast_in_dim3A_926 = vector.shape_cast %reduce_sum3A_925 : vector<136xf32> to vector<136x1xf32>
    %div3A_927 = arith.constant 5.120000e+02 : f32
    %div3A_928 = vector.broadcast %div3A_927 : f32 to vector<136x1xf32>
    %div3A_929 = arith.divf %broadcast_in_dim3A_926, %div3A_928 : vector<136x1xf32>
    %sub3A_930 = vector.broadcast %div3A_929 : vector<136x1xf32> to vector<136x512xf32>
    %sub3A_931 = arith.subf %add3A_917, %sub3A_930 : vector<136x512xf32>
    %integer_pow3A_932 = arith.mulf %sub3A_931, %sub3A_931 : vector<136x512xf32>
    %reduce_sum3A_933 = arith.constant dense<0.000000e+00> : vector<136xf32>
    %reduce_sum3A_934 = vector.multi_reduction <add>, %integer_pow3A_932, %reduce_sum3A_933 [1] : vector<136x512xf32> to vector<136xf32>
    %broadcast_in_dim3A_935 = vector.shape_cast %reduce_sum3A_934 : vector<136xf32> to vector<136x1xf32>
    %div3A_936 = arith.constant 5.120000e+02 : f32
    %div3A_937 = vector.broadcast %div3A_936 : f32 to vector<136x1xf32>
    %div3A_938 = arith.divf %broadcast_in_dim3A_935, %div3A_937 : vector<136x1xf32>
    %sub3A_939 = vector.broadcast %div3A_929 : vector<136x1xf32> to vector<136x512xf32>
    %sub3A_940 = arith.subf %add3A_917, %sub3A_939 : vector<136x512xf32>
    %add3A_941 = arith.constant 9.99999974E-6 : f32
    %add3A_942 = vector.broadcast %add3A_941 : f32 to vector<136x1xf32>
    %add3A_943 = arith.addf %div3A_938, %add3A_942 : vector<136x1xf32>
    %sqrt3A_944 = math.sqrt %add3A_943 : vector<136x1xf32>
    %div3A_945 = vector.broadcast %sqrt3A_944 : vector<136x1xf32> to vector<136x512xf32>
    %div3A_946 = arith.divf %sub3A_940, %div3A_945 : vector<136x512xf32>
    %mul3A_947 = vector.broadcast %get3A_920 : vector<1x512xf32> to vector<136x512xf32>
    %mul3A_948 = arith.mulf %div3A_946, %mul3A_947 : vector<136x512xf32>
    %add3A_949 = vector.broadcast %get3A_923 : vector<1x512xf32> to vector<136x512xf32>
    %add3A_950 = arith.addf %mul3A_948, %add3A_949 : vector<136x512xf32>
    %add3A_951 = arith.addf %add3A_624, %add3A_872 : vector<136x512xf32>
    %get3A_952 = arith.constant 0 : index
    %get3A_953 = arith.constant 0 : index
    %get3A_954 = vector.load %arg24[%get3A_952, %get3A_953] : memref<1x512xf32, #tpu.memory_space<vmem>>, vector<1x512xf32>
    %get3A_955 = arith.constant 0 : index
    %get3A_956 = arith.constant 0 : index
    %get3A_957 = vector.load %arg25[%get3A_955, %get3A_956] : memref<1x512xf32, #tpu.memory_space<vmem>>, vector<1x512xf32>
    %reduce_sum3A_958 = arith.constant dense<0.000000e+00> : vector<136xf32>
    %reduce_sum3A_959 = vector.multi_reduction <add>, %add3A_951, %reduce_sum3A_958 [1] : vector<136x512xf32> to vector<136xf32>
    %broadcast_in_dim3A_960 = vector.shape_cast %reduce_sum3A_959 : vector<136xf32> to vector<136x1xf32>
    %div3A_961 = arith.constant 5.120000e+02 : f32
    %div3A_962 = vector.broadcast %div3A_961 : f32 to vector<136x1xf32>
    %div3A_963 = arith.divf %broadcast_in_dim3A_960, %div3A_962 : vector<136x1xf32>
    %sub3A_964 = vector.broadcast %div3A_963 : vector<136x1xf32> to vector<136x512xf32>
    %sub3A_965 = arith.subf %add3A_951, %sub3A_964 : vector<136x512xf32>
    %integer_pow3A_966 = arith.mulf %sub3A_965, %sub3A_965 : vector<136x512xf32>
    %reduce_sum3A_967 = arith.constant dense<0.000000e+00> : vector<136xf32>
    %reduce_sum3A_968 = vector.multi_reduction <add>, %integer_pow3A_966, %reduce_sum3A_967 [1] : vector<136x512xf32> to vector<136xf32>
    %broadcast_in_dim3A_969 = vector.shape_cast %reduce_sum3A_968 : vector<136xf32> to vector<136x1xf32>
    %div3A_970 = arith.constant 5.120000e+02 : f32
    %div3A_971 = vector.broadcast %div3A_970 : f32 to vector<136x1xf32>
    %div3A_972 = arith.divf %broadcast_in_dim3A_969, %div3A_971 : vector<136x1xf32>
    %sub3A_973 = vector.broadcast %div3A_963 : vector<136x1xf32> to vector<136x512xf32>
    %sub3A_974 = arith.subf %add3A_951, %sub3A_973 : vector<136x512xf32>
    %add3A_975 = arith.constant 9.99999974E-6 : f32
    %add3A_976 = vector.broadcast %add3A_975 : f32 to vector<136x1xf32>
    %add3A_977 = arith.addf %div3A_972, %add3A_976 : vector<136x1xf32>
    %sqrt3A_978 = math.sqrt %add3A_977 : vector<136x1xf32>
    %div3A_979 = vector.broadcast %sqrt3A_978 : vector<136x1xf32> to vector<136x512xf32>
    %div3A_980 = arith.divf %sub3A_974, %div3A_979 : vector<136x512xf32>
    %mul3A_981 = vector.broadcast %get3A_954 : vector<1x512xf32> to vector<136x512xf32>
    %mul3A_982 = arith.mulf %div3A_980, %mul3A_981 : vector<136x512xf32>
    %add3A_983 = vector.broadcast %get3A_957 : vector<1x512xf32> to vector<136x512xf32>
    %add3A_984 = arith.addf %mul3A_982, %add3A_983 : vector<136x512xf32>
    %add3A_985 = arith.addf %add3A_626, %add3A_882 : vector<136x512xf32>
    %get3A_986 = arith.constant 0 : index
    %get3A_987 = arith.constant 0 : index
    %get3A_988 = vector.load %arg24[%get3A_986, %get3A_987] : memref<1x512xf32, #tpu.memory_space<vmem>>, vector<1x512xf32>
    %get3A_989 = arith.constant 0 : index
    %get3A_990 = arith.constant 0 : index
    %get3A_991 = vector.load %arg25[%get3A_989, %get3A_990] : memref<1x512xf32, #tpu.memory_space<vmem>>, vector<1x512xf32>
    %reduce_sum3A_992 = arith.constant dense<0.000000e+00> : vector<136xf32>
    %reduce_sum3A_993 = vector.multi_reduction <add>, %add3A_985, %reduce_sum3A_992 [1] : vector<136x512xf32> to vector<136xf32>
    %broadcast_in_dim3A_994 = vector.shape_cast %reduce_sum3A_993 : vector<136xf32> to vector<136x1xf32>
    %div3A_995 = arith.constant 5.120000e+02 : f32
    %div3A_996 = vector.broadcast %div3A_995 : f32 to vector<136x1xf32>
    %div3A_997 = arith.divf %broadcast_in_dim3A_994, %div3A_996 : vector<136x1xf32>
    %sub3A_998 = vector.broadcast %div3A_997 : vector<136x1xf32> to vector<136x512xf32>
    %sub3A_999 = arith.subf %add3A_985, %sub3A_998 : vector<136x512xf32>
    %integer_pow3A_1000 = arith.mulf %sub3A_999, %sub3A_999 : vector<136x512xf32>
    %reduce_sum3A_1001 = arith.constant dense<0.000000e+00> : vector<136xf32>
    %reduce_sum3A_1002 = vector.multi_reduction <add>, %integer_pow3A_1000, %reduce_sum3A_1001 [1] : vector<136x512xf32> to vector<136xf32>
    %broadcast_in_dim3A_1003 = vector.shape_cast %reduce_sum3A_1002 : vector<136xf32> to vector<136x1xf32>
    %div3A_1004 = arith.constant 5.120000e+02 : f32
    %div3A_1005 = vector.broadcast %div3A_1004 : f32 to vector<136x1xf32>
    %div3A_1006 = arith.divf %broadcast_in_dim3A_1003, %div3A_1005 : vector<136x1xf32>
    %sub3A_1007 = vector.broadcast %div3A_997 : vector<136x1xf32> to vector<136x512xf32>
    %sub3A_1008 = arith.subf %add3A_985, %sub3A_1007 : vector<136x512xf32>
    %add3A_1009 = arith.constant 9.99999974E-6 : f32
    %add3A_1010 = vector.broadcast %add3A_1009 : f32 to vector<136x1xf32>
    %add3A_1011 = arith.addf %div3A_1006, %add3A_1010 : vector<136x1xf32>
    %sqrt3A_1012 = math.sqrt %add3A_1011 : vector<136x1xf32>
    %div3A_1013 = vector.broadcast %sqrt3A_1012 : vector<136x1xf32> to vector<136x512xf32>
    %div3A_1014 = arith.divf %sub3A_1008, %div3A_1013 : vector<136x512xf32>
    %mul3A_1015 = vector.broadcast %get3A_988 : vector<1x512xf32> to vector<136x512xf32>
    %mul3A_1016 = arith.mulf %div3A_1014, %mul3A_1015 : vector<136x512xf32>
    %add3A_1017 = vector.broadcast %get3A_991 : vector<1x512xf32> to vector<136x512xf32>
    %add3A_1018 = arith.addf %mul3A_1016, %add3A_1017 : vector<136x512xf32>
    %get3A_1019 = arith.constant 0 : index
    %get3A_1020 = arith.constant 0 : index
    %get3A_1021 = vector.load %arg26[%get3A_1019, %get3A_1020] : memref<512x512xf32, #tpu.memory_space<vmem>>, vector<512x512xf32>
    %dot_general3A_1022 = arith.constant dense<0.000000e+00> : vector<136x512xf32>
    %dot_general3A_1023 = tpu.matmul %add3A_916, %get3A_1021, %dot_general3A_1022 {dimension_numbers = #tpu.dot_dimension_numbers<[1], [0], [0], [1], [0, 0, 1, 1], [], []>, transpose_lhs_hint = false} : vector<136x512xf32>, vector<512x512xf32>, vector<136x512xf32> -> vector<136x512xf32>
    %get3A_1024 = arith.constant 0 : index
    %get3A_1025 = arith.constant 0 : index
    %get3A_1026 = vector.load %arg27[%get3A_1024, %get3A_1025] : memref<1x512xf32, #tpu.memory_space<vmem>>, vector<1x512xf32>
    %add3A_1027 = vector.broadcast %get3A_1026 : vector<1x512xf32> to vector<136x512xf32>
    %add3A_1028 = arith.addf %dot_general3A_1023, %add3A_1027 : vector<136x512xf32>
    %mul3A_1029 = arith.constant 5.000000e-01 : f32
    %mul3A_1030 = vector.broadcast %mul3A_1029 : f32 to vector<136x512xf32>
    %mul3A_1031 = arith.mulf %add3A_1028, %mul3A_1030 : vector<136x512xf32>
    %mul3A_1032 = arith.constant 0.707106769 : f32
    %mul3A_1033 = vector.broadcast %mul3A_1032 : f32 to vector<136x512xf32>
    %mul3A_1034 = arith.mulf %add3A_1028, %mul3A_1033 : vector<136x512xf32>
    %erf3A_1035 = math.erf %mul3A_1034 : vector<136x512xf32>
    %add3A_1036 = arith.constant 1.000000e+00 : f32
    %add3A_1037 = vector.broadcast %add3A_1036 : f32 to vector<136x512xf32>
    %add3A_1038 = arith.addf %add3A_1037, %erf3A_1035 : vector<136x512xf32>
    %mul3A_1039 = arith.mulf %mul3A_1031, %add3A_1038 : vector<136x512xf32>
    %get3A_1040 = arith.constant 0 : index
    %get3A_1041 = arith.constant 0 : index
    %get3A_1042 = vector.load %arg26[%get3A_1040, %get3A_1041] : memref<512x512xf32, #tpu.memory_space<vmem>>, vector<512x512xf32>
    %dot_general3A_1043 = arith.constant dense<0.000000e+00> : vector<136x512xf32>
    %dot_general3A_1044 = tpu.matmul %add3A_950, %get3A_1042, %dot_general3A_1043 {dimension_numbers = #tpu.dot_dimension_numbers<[1], [0], [0], [1], [0, 0, 1, 1], [], []>, transpose_lhs_hint = false} : vector<136x512xf32>, vector<512x512xf32>, vector<136x512xf32> -> vector<136x512xf32>
    %get3A_1045 = arith.constant 0 : index
    %get3A_1046 = arith.constant 0 : index
    %get3A_1047 = vector.load %arg27[%get3A_1045, %get3A_1046] : memref<1x512xf32, #tpu.memory_space<vmem>>, vector<1x512xf32>
    %add3A_1048 = vector.broadcast %get3A_1047 : vector<1x512xf32> to vector<136x512xf32>
    %add3A_1049 = arith.addf %dot_general3A_1044, %add3A_1048 : vector<136x512xf32>
    %mul3A_1050 = arith.constant 5.000000e-01 : f32
    %mul3A_1051 = vector.broadcast %mul3A_1050 : f32 to vector<136x512xf32>
    %mul3A_1052 = arith.mulf %add3A_1049, %mul3A_1051 : vector<136x512xf32>
    %mul3A_1053 = arith.constant 0.707106769 : f32
    %mul3A_1054 = vector.broadcast %mul3A_1053 : f32 to vector<136x512xf32>
    %mul3A_1055 = arith.mulf %add3A_1049, %mul3A_1054 : vector<136x512xf32>
    %erf3A_1056 = math.erf %mul3A_1055 : vector<136x512xf32>
    %add3A_1057 = arith.constant 1.000000e+00 : f32
    %add3A_1058 = vector.broadcast %add3A_1057 : f32 to vector<136x512xf32>
    %add3A_1059 = arith.addf %add3A_1058, %erf3A_1056 : vector<136x512xf32>
    %mul3A_1060 = arith.mulf %mul3A_1052, %add3A_1059 : vector<136x512xf32>
    %get3A_1061 = arith.constant 0 : index
    %get3A_1062 = arith.constant 0 : index
    %get3A_1063 = vector.load %arg26[%get3A_1061, %get3A_1062] : memref<512x512xf32, #tpu.memory_space<vmem>>, vector<512x512xf32>
    %dot_general3A_1064 = arith.constant dense<0.000000e+00> : vector<136x512xf32>
    %dot_general3A_1065 = tpu.matmul %add3A_984, %get3A_1063, %dot_general3A_1064 {dimension_numbers = #tpu.dot_dimension_numbers<[1], [0], [0], [1], [0, 0, 1, 1], [], []>, transpose_lhs_hint = false} : vector<136x512xf32>, vector<512x512xf32>, vector<136x512xf32> -> vector<136x512xf32>
    %get3A_1066 = arith.constant 0 : index
    %get3A_1067 = arith.constant 0 : index
    %get3A_1068 = vector.load %arg27[%get3A_1066, %get3A_1067] : memref<1x512xf32, #tpu.memory_space<vmem>>, vector<1x512xf32>
    %add3A_1069 = vector.broadcast %get3A_1068 : vector<1x512xf32> to vector<136x512xf32>
    %add3A_1070 = arith.addf %dot_general3A_1065, %add3A_1069 : vector<136x512xf32>
    %mul3A_1071 = arith.constant 5.000000e-01 : f32
    %mul3A_1072 = vector.broadcast %mul3A_1071 : f32 to vector<136x512xf32>
    %mul3A_1073 = arith.mulf %add3A_1070, %mul3A_1072 : vector<136x512xf32>
    %mul3A_1074 = arith.constant 0.707106769 : f32
    %mul3A_1075 = vector.broadcast %mul3A_1074 : f32 to vector<136x512xf32>
    %mul3A_1076 = arith.mulf %add3A_1070, %mul3A_1075 : vector<136x512xf32>
    %erf3A_1077 = math.erf %mul3A_1076 : vector<136x512xf32>
    %add3A_1078 = arith.constant 1.000000e+00 : f32
    %add3A_1079 = vector.broadcast %add3A_1078 : f32 to vector<136x512xf32>
    %add3A_1080 = arith.addf %add3A_1079, %erf3A_1077 : vector<136x512xf32>
    %mul3A_1081 = arith.mulf %mul3A_1073, %add3A_1080 : vector<136x512xf32>
    %get3A_1082 = arith.constant 0 : index
    %get3A_1083 = arith.constant 0 : index
    %get3A_1084 = vector.load %arg26[%get3A_1082, %get3A_1083] : memref<512x512xf32, #tpu.memory_space<vmem>>, vector<512x512xf32>
    %dot_general3A_1085 = arith.constant dense<0.000000e+00> : vector<136x512xf32>
    %dot_general3A_1086 = tpu.matmul %add3A_1018, %get3A_1084, %dot_general3A_1085 {dimension_numbers = #tpu.dot_dimension_numbers<[1], [0], [0], [1], [0, 0, 1, 1], [], []>, transpose_lhs_hint = false} : vector<136x512xf32>, vector<512x512xf32>, vector<136x512xf32> -> vector<136x512xf32>
    %get3A_1087 = arith.constant 0 : index
    %get3A_1088 = arith.constant 0 : index
    %get3A_1089 = vector.load %arg27[%get3A_1087, %get3A_1088] : memref<1x512xf32, #tpu.memory_space<vmem>>, vector<1x512xf32>
    %add3A_1090 = vector.broadcast %get3A_1089 : vector<1x512xf32> to vector<136x512xf32>
    %add3A_1091 = arith.addf %dot_general3A_1086, %add3A_1090 : vector<136x512xf32>
    %mul3A_1092 = arith.constant 5.000000e-01 : f32
    %mul3A_1093 = vector.broadcast %mul3A_1092 : f32 to vector<136x512xf32>
    %mul3A_1094 = arith.mulf %add3A_1091, %mul3A_1093 : vector<136x512xf32>
    %mul3A_1095 = arith.constant 0.707106769 : f32
    %mul3A_1096 = vector.broadcast %mul3A_1095 : f32 to vector<136x512xf32>
    %mul3A_1097 = arith.mulf %add3A_1091, %mul3A_1096 : vector<136x512xf32>
    %erf3A_1098 = math.erf %mul3A_1097 : vector<136x512xf32>
    %add3A_1099 = arith.constant 1.000000e+00 : f32
    %add3A_1100 = vector.broadcast %add3A_1099 : f32 to vector<136x512xf32>
    %add3A_1101 = arith.addf %add3A_1100, %erf3A_1098 : vector<136x512xf32>
    %mul3A_1102 = arith.mulf %mul3A_1094, %add3A_1101 : vector<136x512xf32>
    %get3A_1103 = arith.constant 0 : index
    %get3A_1104 = arith.constant 0 : index
    %get3A_1105 = vector.load %arg28[%get3A_1103, %get3A_1104] : memref<512x512xf32, #tpu.memory_space<vmem>>, vector<512x512xf32>
    %dot_general3A_1106 = arith.constant dense<0.000000e+00> : vector<136x512xf32>
    %dot_general3A_1107 = tpu.matmul %mul3A_1039, %get3A_1105, %dot_general3A_1106 {dimension_numbers = #tpu.dot_dimension_numbers<[1], [0], [0], [1], [0, 0, 1, 1], [], []>, transpose_lhs_hint = false} : vector<136x512xf32>, vector<512x512xf32>, vector<136x512xf32> -> vector<136x512xf32>
    %get3A_1108 = arith.constant 0 : index
    %get3A_1109 = arith.constant 0 : index
    %get3A_1110 = vector.load %arg29[%get3A_1108, %get3A_1109] : memref<1x512xf32, #tpu.memory_space<vmem>>, vector<1x512xf32>
    %add3A_1111 = vector.broadcast %get3A_1110 : vector<1x512xf32> to vector<136x512xf32>
    %add3A_1112 = arith.addf %dot_general3A_1107, %add3A_1111 : vector<136x512xf32>
    %get3A_1113 = arith.constant 0 : index
    %get3A_1114 = arith.constant 0 : index
    %get3A_1115 = vector.load %arg28[%get3A_1113, %get3A_1114] : memref<512x512xf32, #tpu.memory_space<vmem>>, vector<512x512xf32>
    %dot_general3A_1116 = arith.constant dense<0.000000e+00> : vector<136x512xf32>
    %dot_general3A_1117 = tpu.matmul %mul3A_1060, %get3A_1115, %dot_general3A_1116 {dimension_numbers = #tpu.dot_dimension_numbers<[1], [0], [0], [1], [0, 0, 1, 1], [], []>, transpose_lhs_hint = false} : vector<136x512xf32>, vector<512x512xf32>, vector<136x512xf32> -> vector<136x512xf32>
    %get3A_1118 = arith.constant 0 : index
    %get3A_1119 = arith.constant 0 : index
    %get3A_1120 = vector.load %arg29[%get3A_1118, %get3A_1119] : memref<1x512xf32, #tpu.memory_space<vmem>>, vector<1x512xf32>
    %add3A_1121 = vector.broadcast %get3A_1120 : vector<1x512xf32> to vector<136x512xf32>
    %add3A_1122 = arith.addf %dot_general3A_1117, %add3A_1121 : vector<136x512xf32>
    %get3A_1123 = arith.constant 0 : index
    %get3A_1124 = arith.constant 0 : index
    %get3A_1125 = vector.load %arg28[%get3A_1123, %get3A_1124] : memref<512x512xf32, #tpu.memory_space<vmem>>, vector<512x512xf32>
    %dot_general3A_1126 = arith.constant dense<0.000000e+00> : vector<136x512xf32>
    %dot_general3A_1127 = tpu.matmul %mul3A_1081, %get3A_1125, %dot_general3A_1126 {dimension_numbers = #tpu.dot_dimension_numbers<[1], [0], [0], [1], [0, 0, 1, 1], [], []>, transpose_lhs_hint = false} : vector<136x512xf32>, vector<512x512xf32>, vector<136x512xf32> -> vector<136x512xf32>
    %get3A_1128 = arith.constant 0 : index
    %get3A_1129 = arith.constant 0 : index
    %get3A_1130 = vector.load %arg29[%get3A_1128, %get3A_1129] : memref<1x512xf32, #tpu.memory_space<vmem>>, vector<1x512xf32>
    %add3A_1131 = vector.broadcast %get3A_1130 : vector<1x512xf32> to vector<136x512xf32>
    %add3A_1132 = arith.addf %dot_general3A_1127, %add3A_1131 : vector<136x512xf32>
    %get3A_1133 = arith.constant 0 : index
    %get3A_1134 = arith.constant 0 : index
    %get3A_1135 = vector.load %arg28[%get3A_1133, %get3A_1134] : memref<512x512xf32, #tpu.memory_space<vmem>>, vector<512x512xf32>
    %dot_general3A_1136 = arith.constant dense<0.000000e+00> : vector<136x512xf32>
    %dot_general3A_1137 = tpu.matmul %mul3A_1102, %get3A_1135, %dot_general3A_1136 {dimension_numbers = #tpu.dot_dimension_numbers<[1], [0], [0], [1], [0, 0, 1, 1], [], []>, transpose_lhs_hint = false} : vector<136x512xf32>, vector<512x512xf32>, vector<136x512xf32> -> vector<136x512xf32>
    %get3A_1138 = arith.constant 0 : index
    %get3A_1139 = arith.constant 0 : index
    %get3A_1140 = vector.load %arg29[%get3A_1138, %get3A_1139] : memref<1x512xf32, #tpu.memory_space<vmem>>, vector<1x512xf32>
    %add3A_1141 = vector.broadcast %get3A_1140 : vector<1x512xf32> to vector<136x512xf32>
    %add3A_1142 = arith.addf %dot_general3A_1137, %add3A_1141 : vector<136x512xf32>
    %add3A_1143 = arith.addf %add3A_620, %add3A_852 : vector<136x512xf32>
    %add3A_1144 = arith.addf %add3A_1143, %add3A_1112 : vector<136x512xf32>
    %add3A_1145 = arith.addf %add3A_622, %add3A_862 : vector<136x512xf32>
    %add3A_1146 = arith.addf %add3A_1145, %add3A_1122 : vector<136x512xf32>
    %add3A_1147 = arith.addf %add3A_624, %add3A_872 : vector<136x512xf32>
    %add3A_1148 = arith.addf %add3A_1147, %add3A_1132 : vector<136x512xf32>
    %add3A_1149 = arith.addf %add3A_626, %add3A_882 : vector<136x512xf32>
    %add3A_1150 = arith.addf %add3A_1149, %add3A_1142 : vector<136x512xf32>
    %get3A_1151 = arith.constant 0 : index
    %get3A_1152 = arith.constant 0 : index
    %get3A_1153 = vector.load %arg30[%get3A_1151, %get3A_1152] : memref<1x512xf32, #tpu.memory_space<vmem>>, vector<1x512xf32>
    %get3A_1154 = arith.constant 0 : index
    %get3A_1155 = arith.constant 0 : index
    %get3A_1156 = vector.load %arg31[%get3A_1154, %get3A_1155] : memref<1x512xf32, #tpu.memory_space<vmem>>, vector<1x512xf32>
    %reduce_sum3A_1157 = arith.constant dense<0.000000e+00> : vector<136xf32>
    %reduce_sum3A_1158 = vector.multi_reduction <add>, %add3A_1144, %reduce_sum3A_1157 [1] : vector<136x512xf32> to vector<136xf32>
    %broadcast_in_dim3A_1159 = vector.shape_cast %reduce_sum3A_1158 : vector<136xf32> to vector<136x1xf32>
    %div3A_1160 = arith.constant 5.120000e+02 : f32
    %div3A_1161 = vector.broadcast %div3A_1160 : f32 to vector<136x1xf32>
    %div3A_1162 = arith.divf %broadcast_in_dim3A_1159, %div3A_1161 : vector<136x1xf32>
    %sub3A_1163 = vector.broadcast %div3A_1162 : vector<136x1xf32> to vector<136x512xf32>
    %sub3A_1164 = arith.subf %add3A_1144, %sub3A_1163 : vector<136x512xf32>
    %integer_pow3A_1165 = arith.mulf %sub3A_1164, %sub3A_1164 : vector<136x512xf32>
    %reduce_sum3A_1166 = arith.constant dense<0.000000e+00> : vector<136xf32>
    %reduce_sum3A_1167 = vector.multi_reduction <add>, %integer_pow3A_1165, %reduce_sum3A_1166 [1] : vector<136x512xf32> to vector<136xf32>
    %broadcast_in_dim3A_1168 = vector.shape_cast %reduce_sum3A_1167 : vector<136xf32> to vector<136x1xf32>
    %div3A_1169 = arith.constant 5.120000e+02 : f32
    %div3A_1170 = vector.broadcast %div3A_1169 : f32 to vector<136x1xf32>
    %div3A_1171 = arith.divf %broadcast_in_dim3A_1168, %div3A_1170 : vector<136x1xf32>
    %sub3A_1172 = vector.broadcast %div3A_1162 : vector<136x1xf32> to vector<136x512xf32>
    %sub3A_1173 = arith.subf %add3A_1144, %sub3A_1172 : vector<136x512xf32>
    %add3A_1174 = arith.constant 9.99999974E-6 : f32
    %add3A_1175 = vector.broadcast %add3A_1174 : f32 to vector<136x1xf32>
    %add3A_1176 = arith.addf %div3A_1171, %add3A_1175 : vector<136x1xf32>
    %sqrt3A_1177 = math.sqrt %add3A_1176 : vector<136x1xf32>
    %div3A_1178 = vector.broadcast %sqrt3A_1177 : vector<136x1xf32> to vector<136x512xf32>
    %div3A_1179 = arith.divf %sub3A_1173, %div3A_1178 : vector<136x512xf32>
    %mul3A_1180 = vector.broadcast %get3A_1153 : vector<1x512xf32> to vector<136x512xf32>
    %mul3A_1181 = arith.mulf %div3A_1179, %mul3A_1180 : vector<136x512xf32>
    %add3A_1182 = vector.broadcast %get3A_1156 : vector<1x512xf32> to vector<136x512xf32>
    %add3A_1183 = arith.addf %mul3A_1181, %add3A_1182 : vector<136x512xf32>
    %get3A_1184 = arith.constant 0 : index
    %get3A_1185 = arith.constant 0 : index
    %get3A_1186 = vector.load %arg30[%get3A_1184, %get3A_1185] : memref<1x512xf32, #tpu.memory_space<vmem>>, vector<1x512xf32>
    %get3A_1187 = arith.constant 0 : index
    %get3A_1188 = arith.constant 0 : index
    %get3A_1189 = vector.load %arg31[%get3A_1187, %get3A_1188] : memref<1x512xf32, #tpu.memory_space<vmem>>, vector<1x512xf32>
    %reduce_sum3A_1190 = arith.constant dense<0.000000e+00> : vector<136xf32>
    %reduce_sum3A_1191 = vector.multi_reduction <add>, %add3A_1146, %reduce_sum3A_1190 [1] : vector<136x512xf32> to vector<136xf32>
    %broadcast_in_dim3A_1192 = vector.shape_cast %reduce_sum3A_1191 : vector<136xf32> to vector<136x1xf32>
    %div3A_1193 = arith.constant 5.120000e+02 : f32
    %div3A_1194 = vector.broadcast %div3A_1193 : f32 to vector<136x1xf32>
    %div3A_1195 = arith.divf %broadcast_in_dim3A_1192, %div3A_1194 : vector<136x1xf32>
    %sub3A_1196 = vector.broadcast %div3A_1195 : vector<136x1xf32> to vector<136x512xf32>
    %sub3A_1197 = arith.subf %add3A_1146, %sub3A_1196 : vector<136x512xf32>
    %integer_pow3A_1198 = arith.mulf %sub3A_1197, %sub3A_1197 : vector<136x512xf32>
    %reduce_sum3A_1199 = arith.constant dense<0.000000e+00> : vector<136xf32>
    %reduce_sum3A_1200 = vector.multi_reduction <add>, %integer_pow3A_1198, %reduce_sum3A_1199 [1] : vector<136x512xf32> to vector<136xf32>
    %broadcast_in_dim3A_1201 = vector.shape_cast %reduce_sum3A_1200 : vector<136xf32> to vector<136x1xf32>
    %div3A_1202 = arith.constant 5.120000e+02 : f32
    %div3A_1203 = vector.broadcast %div3A_1202 : f32 to vector<136x1xf32>
    %div3A_1204 = arith.divf %broadcast_in_dim3A_1201, %div3A_1203 : vector<136x1xf32>
    %sub3A_1205 = vector.broadcast %div3A_1195 : vector<136x1xf32> to vector<136x512xf32>
    %sub3A_1206 = arith.subf %add3A_1146, %sub3A_1205 : vector<136x512xf32>
    %add3A_1207 = arith.constant 9.99999974E-6 : f32
    %add3A_1208 = vector.broadcast %add3A_1207 : f32 to vector<136x1xf32>
    %add3A_1209 = arith.addf %div3A_1204, %add3A_1208 : vector<136x1xf32>
    %sqrt3A_1210 = math.sqrt %add3A_1209 : vector<136x1xf32>
    %div3A_1211 = vector.broadcast %sqrt3A_1210 : vector<136x1xf32> to vector<136x512xf32>
    %div3A_1212 = arith.divf %sub3A_1206, %div3A_1211 : vector<136x512xf32>
    %mul3A_1213 = vector.broadcast %get3A_1186 : vector<1x512xf32> to vector<136x512xf32>
    %mul3A_1214 = arith.mulf %div3A_1212, %mul3A_1213 : vector<136x512xf32>
    %add3A_1215 = vector.broadcast %get3A_1189 : vector<1x512xf32> to vector<136x512xf32>
    %add3A_1216 = arith.addf %mul3A_1214, %add3A_1215 : vector<136x512xf32>
    %get3A_1217 = arith.constant 0 : index
    %get3A_1218 = arith.constant 0 : index
    %get3A_1219 = vector.load %arg30[%get3A_1217, %get3A_1218] : memref<1x512xf32, #tpu.memory_space<vmem>>, vector<1x512xf32>
    %get3A_1220 = arith.constant 0 : index
    %get3A_1221 = arith.constant 0 : index
    %get3A_1222 = vector.load %arg31[%get3A_1220, %get3A_1221] : memref<1x512xf32, #tpu.memory_space<vmem>>, vector<1x512xf32>
    %reduce_sum3A_1223 = arith.constant dense<0.000000e+00> : vector<136xf32>
    %reduce_sum3A_1224 = vector.multi_reduction <add>, %add3A_1148, %reduce_sum3A_1223 [1] : vector<136x512xf32> to vector<136xf32>
    %broadcast_in_dim3A_1225 = vector.shape_cast %reduce_sum3A_1224 : vector<136xf32> to vector<136x1xf32>
    %div3A_1226 = arith.constant 5.120000e+02 : f32
    %div3A_1227 = vector.broadcast %div3A_1226 : f32 to vector<136x1xf32>
    %div3A_1228 = arith.divf %broadcast_in_dim3A_1225, %div3A_1227 : vector<136x1xf32>
    %sub3A_1229 = vector.broadcast %div3A_1228 : vector<136x1xf32> to vector<136x512xf32>
    %sub3A_1230 = arith.subf %add3A_1148, %sub3A_1229 : vector<136x512xf32>
    %integer_pow3A_1231 = arith.mulf %sub3A_1230, %sub3A_1230 : vector<136x512xf32>
    %reduce_sum3A_1232 = arith.constant dense<0.000000e+00> : vector<136xf32>
    %reduce_sum3A_1233 = vector.multi_reduction <add>, %integer_pow3A_1231, %reduce_sum3A_1232 [1] : vector<136x512xf32> to vector<136xf32>
    %broadcast_in_dim3A_1234 = vector.shape_cast %reduce_sum3A_1233 : vector<136xf32> to vector<136x1xf32>
    %div3A_1235 = arith.constant 5.120000e+02 : f32
    %div3A_1236 = vector.broadcast %div3A_1235 : f32 to vector<136x1xf32>
    %div3A_1237 = arith.divf %broadcast_in_dim3A_1234, %div3A_1236 : vector<136x1xf32>
    %sub3A_1238 = vector.broadcast %div3A_1228 : vector<136x1xf32> to vector<136x512xf32>
    %sub3A_1239 = arith.subf %add3A_1148, %sub3A_1238 : vector<136x512xf32>
    %add3A_1240 = arith.constant 9.99999974E-6 : f32
    %add3A_1241 = vector.broadcast %add3A_1240 : f32 to vector<136x1xf32>
    %add3A_1242 = arith.addf %div3A_1237, %add3A_1241 : vector<136x1xf32>
    %sqrt3A_1243 = math.sqrt %add3A_1242 : vector<136x1xf32>
    %div3A_1244 = vector.broadcast %sqrt3A_1243 : vector<136x1xf32> to vector<136x512xf32>
    %div3A_1245 = arith.divf %sub3A_1239, %div3A_1244 : vector<136x512xf32>
    %mul3A_1246 = vector.broadcast %get3A_1219 : vector<1x512xf32> to vector<136x512xf32>
    %mul3A_1247 = arith.mulf %div3A_1245, %mul3A_1246 : vector<136x512xf32>
    %add3A_1248 = vector.broadcast %get3A_1222 : vector<1x512xf32> to vector<136x512xf32>
    %add3A_1249 = arith.addf %mul3A_1247, %add3A_1248 : vector<136x512xf32>
    %get3A_1250 = arith.constant 0 : index
    %get3A_1251 = arith.constant 0 : index
    %get3A_1252 = vector.load %arg30[%get3A_1250, %get3A_1251] : memref<1x512xf32, #tpu.memory_space<vmem>>, vector<1x512xf32>
    %get3A_1253 = arith.constant 0 : index
    %get3A_1254 = arith.constant 0 : index
    %get3A_1255 = vector.load %arg31[%get3A_1253, %get3A_1254] : memref<1x512xf32, #tpu.memory_space<vmem>>, vector<1x512xf32>
    %reduce_sum3A_1256 = arith.constant dense<0.000000e+00> : vector<136xf32>
    %reduce_sum3A_1257 = vector.multi_reduction <add>, %add3A_1150, %reduce_sum3A_1256 [1] : vector<136x512xf32> to vector<136xf32>
    %broadcast_in_dim3A_1258 = vector.shape_cast %reduce_sum3A_1257 : vector<136xf32> to vector<136x1xf32>
    %div3A_1259 = arith.constant 5.120000e+02 : f32
    %div3A_1260 = vector.broadcast %div3A_1259 : f32 to vector<136x1xf32>
    %div3A_1261 = arith.divf %broadcast_in_dim3A_1258, %div3A_1260 : vector<136x1xf32>
    %sub3A_1262 = vector.broadcast %div3A_1261 : vector<136x1xf32> to vector<136x512xf32>
    %sub3A_1263 = arith.subf %add3A_1150, %sub3A_1262 : vector<136x512xf32>
    %integer_pow3A_1264 = arith.mulf %sub3A_1263, %sub3A_1263 : vector<136x512xf32>
    %reduce_sum3A_1265 = arith.constant dense<0.000000e+00> : vector<136xf32>
    %reduce_sum3A_1266 = vector.multi_reduction <add>, %integer_pow3A_1264, %reduce_sum3A_1265 [1] : vector<136x512xf32> to vector<136xf32>
    %broadcast_in_dim3A_1267 = vector.shape_cast %reduce_sum3A_1266 : vector<136xf32> to vector<136x1xf32>
    %div3A_1268 = arith.constant 5.120000e+02 : f32
    %div3A_1269 = vector.broadcast %div3A_1268 : f32 to vector<136x1xf32>
    %div3A_1270 = arith.divf %broadcast_in_dim3A_1267, %div3A_1269 : vector<136x1xf32>
    %sub3A_1271 = vector.broadcast %div3A_1261 : vector<136x1xf32> to vector<136x512xf32>
    %sub3A_1272 = arith.subf %add3A_1150, %sub3A_1271 : vector<136x512xf32>
    %add3A_1273 = arith.constant 9.99999974E-6 : f32
    %add3A_1274 = vector.broadcast %add3A_1273 : f32 to vector<136x1xf32>
    %add3A_1275 = arith.addf %div3A_1270, %add3A_1274 : vector<136x1xf32>
    %sqrt3A_1276 = math.sqrt %add3A_1275 : vector<136x1xf32>
    %div3A_1277 = vector.broadcast %sqrt3A_1276 : vector<136x1xf32> to vector<136x512xf32>
    %div3A_1278 = arith.divf %sub3A_1272, %div3A_1277 : vector<136x512xf32>
    %mul3A_1279 = vector.broadcast %get3A_1252 : vector<1x512xf32> to vector<136x512xf32>
    %mul3A_1280 = arith.mulf %div3A_1278, %mul3A_1279 : vector<136x512xf32>
    %add3A_1281 = vector.broadcast %get3A_1255 : vector<1x512xf32> to vector<136x512xf32>
    %add3A_1282 = arith.addf %mul3A_1280, %add3A_1281 : vector<136x512xf32>
    %get3A_1283 = arith.constant 0 : index
    %get3A_1284 = arith.constant 0 : index
    %get3A_1285 = vector.load %arg32[%get3A_1283, %get3A_1284] : memref<512x136xf32, #tpu.memory_space<vmem>>, vector<512x136xf32>
    %dot_general3A_1286 = arith.constant dense<0.000000e+00> : vector<512x512xf32>
    %dot_general3A_1287 = tpu.matmul %get3A_1285, %add3A_1183, %dot_general3A_1286 {dimension_numbers = #tpu.dot_dimension_numbers<[1], [0], [0], [1], [0, 0, 1, 1], [], []>, transpose_lhs_hint = false} : vector<512x136xf32>, vector<136x512xf32>, vector<512x512xf32> -> vector<512x512xf32>
    %get3A_1288 = arith.constant 0 : index
    %get3A_1289 = arith.constant 0 : index
    %get3A_1290 = vector.load %arg33[%get3A_1288, %get3A_1289] : memref<512x1xf32, #tpu.memory_space<vmem>>, vector<512x1xf32>
    %add3A_1291 = vector.broadcast %get3A_1290 : vector<512x1xf32> to vector<512x512xf32>
    %add3A_1292 = arith.addf %dot_general3A_1287, %add3A_1291 : vector<512x512xf32>
    %mul3A_1293 = arith.constant 5.000000e-01 : f32
    %mul3A_1294 = vector.broadcast %mul3A_1293 : f32 to vector<512x512xf32>
    %mul3A_1295 = arith.mulf %add3A_1292, %mul3A_1294 : vector<512x512xf32>
    %mul3A_1296 = arith.constant 0.707106769 : f32
    %mul3A_1297 = vector.broadcast %mul3A_1296 : f32 to vector<512x512xf32>
    %mul3A_1298 = arith.mulf %add3A_1292, %mul3A_1297 : vector<512x512xf32>
    %erf3A_1299 = math.erf %mul3A_1298 : vector<512x512xf32>
    %add3A_1300 = arith.constant 1.000000e+00 : f32
    %add3A_1301 = vector.broadcast %add3A_1300 : f32 to vector<512x512xf32>
    %add3A_1302 = arith.addf %add3A_1301, %erf3A_1299 : vector<512x512xf32>
    %mul3A_1303 = arith.mulf %mul3A_1295, %add3A_1302 : vector<512x512xf32>
    %get3A_1304 = arith.constant 0 : index
    %get3A_1305 = arith.constant 0 : index
    %get3A_1306 = vector.load %arg32[%get3A_1304, %get3A_1305] : memref<512x136xf32, #tpu.memory_space<vmem>>, vector<512x136xf32>
    %dot_general3A_1307 = arith.constant dense<0.000000e+00> : vector<512x512xf32>
    %dot_general3A_1308 = tpu.matmul %get3A_1306, %add3A_1216, %dot_general3A_1307 {dimension_numbers = #tpu.dot_dimension_numbers<[1], [0], [0], [1], [0, 0, 1, 1], [], []>, transpose_lhs_hint = false} : vector<512x136xf32>, vector<136x512xf32>, vector<512x512xf32> -> vector<512x512xf32>
    %get3A_1309 = arith.constant 0 : index
    %get3A_1310 = arith.constant 0 : index
    %get3A_1311 = vector.load %arg33[%get3A_1309, %get3A_1310] : memref<512x1xf32, #tpu.memory_space<vmem>>, vector<512x1xf32>
    %add3A_1312 = vector.broadcast %get3A_1311 : vector<512x1xf32> to vector<512x512xf32>
    %add3A_1313 = arith.addf %dot_general3A_1308, %add3A_1312 : vector<512x512xf32>
    %mul3A_1314 = arith.constant 5.000000e-01 : f32
    %mul3A_1315 = vector.broadcast %mul3A_1314 : f32 to vector<512x512xf32>
    %mul3A_1316 = arith.mulf %add3A_1313, %mul3A_1315 : vector<512x512xf32>
    %mul3A_1317 = arith.constant 0.707106769 : f32
    %mul3A_1318 = vector.broadcast %mul3A_1317 : f32 to vector<512x512xf32>
    %mul3A_1319 = arith.mulf %add3A_1313, %mul3A_1318 : vector<512x512xf32>
    %erf3A_1320 = math.erf %mul3A_1319 : vector<512x512xf32>
    %add3A_1321 = arith.constant 1.000000e+00 : f32
    %add3A_1322 = vector.broadcast %add3A_1321 : f32 to vector<512x512xf32>
    %add3A_1323 = arith.addf %add3A_1322, %erf3A_1320 : vector<512x512xf32>
    %mul3A_1324 = arith.mulf %mul3A_1316, %add3A_1323 : vector<512x512xf32>
    %get3A_1325 = arith.constant 0 : index
    %get3A_1326 = arith.constant 0 : index
    %get3A_1327 = vector.load %arg32[%get3A_1325, %get3A_1326] : memref<512x136xf32, #tpu.memory_space<vmem>>, vector<512x136xf32>
    %dot_general3A_1328 = arith.constant dense<0.000000e+00> : vector<512x512xf32>
    %dot_general3A_1329 = tpu.matmul %get3A_1327, %add3A_1249, %dot_general3A_1328 {dimension_numbers = #tpu.dot_dimension_numbers<[1], [0], [0], [1], [0, 0, 1, 1], [], []>, transpose_lhs_hint = false} : vector<512x136xf32>, vector<136x512xf32>, vector<512x512xf32> -> vector<512x512xf32>
    %get3A_1330 = arith.constant 0 : index
    %get3A_1331 = arith.constant 0 : index
    %get3A_1332 = vector.load %arg33[%get3A_1330, %get3A_1331] : memref<512x1xf32, #tpu.memory_space<vmem>>, vector<512x1xf32>
    %add3A_1333 = vector.broadcast %get3A_1332 : vector<512x1xf32> to vector<512x512xf32>
    %add3A_1334 = arith.addf %dot_general3A_1329, %add3A_1333 : vector<512x512xf32>
    %mul3A_1335 = arith.constant 5.000000e-01 : f32
    %mul3A_1336 = vector.broadcast %mul3A_1335 : f32 to vector<512x512xf32>
    %mul3A_1337 = arith.mulf %add3A_1334, %mul3A_1336 : vector<512x512xf32>
    %mul3A_1338 = arith.constant 0.707106769 : f32
    %mul3A_1339 = vector.broadcast %mul3A_1338 : f32 to vector<512x512xf32>
    %mul3A_1340 = arith.mulf %add3A_1334, %mul3A_1339 : vector<512x512xf32>
    %erf3A_1341 = math.erf %mul3A_1340 : vector<512x512xf32>
    %add3A_1342 = arith.constant 1.000000e+00 : f32
    %add3A_1343 = vector.broadcast %add3A_1342 : f32 to vector<512x512xf32>
    %add3A_1344 = arith.addf %add3A_1343, %erf3A_1341 : vector<512x512xf32>
    %mul3A_1345 = arith.mulf %mul3A_1337, %add3A_1344 : vector<512x512xf32>
    %get3A_1346 = arith.constant 0 : index
    %get3A_1347 = arith.constant 0 : index
    %get3A_1348 = vector.load %arg32[%get3A_1346, %get3A_1347] : memref<512x136xf32, #tpu.memory_space<vmem>>, vector<512x136xf32>
    %dot_general3A_1349 = arith.constant dense<0.000000e+00> : vector<512x512xf32>
    %dot_general3A_1350 = tpu.matmul %get3A_1348, %add3A_1282, %dot_general3A_1349 {dimension_numbers = #tpu.dot_dimension_numbers<[1], [0], [0], [1], [0, 0, 1, 1], [], []>, transpose_lhs_hint = false} : vector<512x136xf32>, vector<136x512xf32>, vector<512x512xf32> -> vector<512x512xf32>
    %get3A_1351 = arith.constant 0 : index
    %get3A_1352 = arith.constant 0 : index
    %get3A_1353 = vector.load %arg33[%get3A_1351, %get3A_1352] : memref<512x1xf32, #tpu.memory_space<vmem>>, vector<512x1xf32>
    %add3A_1354 = vector.broadcast %get3A_1353 : vector<512x1xf32> to vector<512x512xf32>
    %add3A_1355 = arith.addf %dot_general3A_1350, %add3A_1354 : vector<512x512xf32>
    %mul3A_1356 = arith.constant 5.000000e-01 : f32
    %mul3A_1357 = vector.broadcast %mul3A_1356 : f32 to vector<512x512xf32>
    %mul3A_1358 = arith.mulf %add3A_1355, %mul3A_1357 : vector<512x512xf32>
    %mul3A_1359 = arith.constant 0.707106769 : f32
    %mul3A_1360 = vector.broadcast %mul3A_1359 : f32 to vector<512x512xf32>
    %mul3A_1361 = arith.mulf %add3A_1355, %mul3A_1360 : vector<512x512xf32>
    %erf3A_1362 = math.erf %mul3A_1361 : vector<512x512xf32>
    %add3A_1363 = arith.constant 1.000000e+00 : f32
    %add3A_1364 = vector.broadcast %add3A_1363 : f32 to vector<512x512xf32>
    %add3A_1365 = arith.addf %add3A_1364, %erf3A_1362 : vector<512x512xf32>
    %mul3A_1366 = arith.mulf %mul3A_1358, %add3A_1365 : vector<512x512xf32>
    %get3A_1367 = arith.constant 0 : index
    %get3A_1368 = arith.constant 0 : index
    %get3A_1369 = vector.load %arg34[%get3A_1367, %get3A_1368] : memref<136x512xf32, #tpu.memory_space<vmem>>, vector<136x512xf32>
    %dot_general3A_1370 = arith.constant dense<0.000000e+00> : vector<136x512xf32>
    %dot_general3A_1371 = tpu.matmul %get3A_1369, %mul3A_1303, %dot_general3A_1370 {dimension_numbers = #tpu.dot_dimension_numbers<[1], [0], [0], [1], [0, 0, 1, 1], [], []>, transpose_lhs_hint = false} : vector<136x512xf32>, vector<512x512xf32>, vector<136x512xf32> -> vector<136x512xf32>
    %get3A_1372 = arith.constant 0 : index
    %get3A_1373 = arith.constant 0 : index
    %get3A_1374 = vector.load %arg35[%get3A_1372, %get3A_1373] : memref<136x1xf32, #tpu.memory_space<vmem>>, vector<136x1xf32>
    %add3A_1375 = vector.broadcast %get3A_1374 : vector<136x1xf32> to vector<136x512xf32>
    %add3A_1376 = arith.addf %dot_general3A_1371, %add3A_1375 : vector<136x512xf32>
    %get3A_1377 = arith.constant 0 : index
    %get3A_1378 = arith.constant 0 : index
    %get3A_1379 = vector.load %arg34[%get3A_1377, %get3A_1378] : memref<136x512xf32, #tpu.memory_space<vmem>>, vector<136x512xf32>
    %dot_general3A_1380 = arith.constant dense<0.000000e+00> : vector<136x512xf32>
    %dot_general3A_1381 = tpu.matmul %get3A_1379, %mul3A_1324, %dot_general3A_1380 {dimension_numbers = #tpu.dot_dimension_numbers<[1], [0], [0], [1], [0, 0, 1, 1], [], []>, transpose_lhs_hint = false} : vector<136x512xf32>, vector<512x512xf32>, vector<136x512xf32> -> vector<136x512xf32>
    %get3A_1382 = arith.constant 0 : index
    %get3A_1383 = arith.constant 0 : index
    %get3A_1384 = vector.load %arg35[%get3A_1382, %get3A_1383] : memref<136x1xf32, #tpu.memory_space<vmem>>, vector<136x1xf32>
    %add3A_1385 = vector.broadcast %get3A_1384 : vector<136x1xf32> to vector<136x512xf32>
    %add3A_1386 = arith.addf %dot_general3A_1381, %add3A_1385 : vector<136x512xf32>
    %get3A_1387 = arith.constant 0 : index
    %get3A_1388 = arith.constant 0 : index
    %get3A_1389 = vector.load %arg34[%get3A_1387, %get3A_1388] : memref<136x512xf32, #tpu.memory_space<vmem>>, vector<136x512xf32>
    %dot_general3A_1390 = arith.constant dense<0.000000e+00> : vector<136x512xf32>
    %dot_general3A_1391 = tpu.matmul %get3A_1389, %mul3A_1345, %dot_general3A_1390 {dimension_numbers = #tpu.dot_dimension_numbers<[1], [0], [0], [1], [0, 0, 1, 1], [], []>, transpose_lhs_hint = false} : vector<136x512xf32>, vector<512x512xf32>, vector<136x512xf32> -> vector<136x512xf32>
    %get3A_1392 = arith.constant 0 : index
    %get3A_1393 = arith.constant 0 : index
    %get3A_1394 = vector.load %arg35[%get3A_1392, %get3A_1393] : memref<136x1xf32, #tpu.memory_space<vmem>>, vector<136x1xf32>
    %add3A_1395 = vector.broadcast %get3A_1394 : vector<136x1xf32> to vector<136x512xf32>
    %add3A_1396 = arith.addf %dot_general3A_1391, %add3A_1395 : vector<136x512xf32>
    %get3A_1397 = arith.constant 0 : index
    %get3A_1398 = arith.constant 0 : index
    %get3A_1399 = vector.load %arg34[%get3A_1397, %get3A_1398] : memref<136x512xf32, #tpu.memory_space<vmem>>, vector<136x512xf32>
    %dot_general3A_1400 = arith.constant dense<0.000000e+00> : vector<136x512xf32>
    %dot_general3A_1401 = tpu.matmul %get3A_1399, %mul3A_1366, %dot_general3A_1400 {dimension_numbers = #tpu.dot_dimension_numbers<[1], [0], [0], [1], [0, 0, 1, 1], [], []>, transpose_lhs_hint = false} : vector<136x512xf32>, vector<512x512xf32>, vector<136x512xf32> -> vector<136x512xf32>
    %get3A_1402 = arith.constant 0 : index
    %get3A_1403 = arith.constant 0 : index
    %get3A_1404 = vector.load %arg35[%get3A_1402, %get3A_1403] : memref<136x1xf32, #tpu.memory_space<vmem>>, vector<136x1xf32>
    %add3A_1405 = vector.broadcast %get3A_1404 : vector<136x1xf32> to vector<136x512xf32>
    %add3A_1406 = arith.addf %dot_general3A_1401, %add3A_1405 : vector<136x512xf32>
    %add3A_1407 = arith.addf %add3A_1144, %add3A_1376 : vector<136x512xf32>
    %get3A_1408 = arith.constant 0 : index
    %get3A_1409 = arith.constant 0 : index
    %get3A_1410 = vector.load %arg36[%get3A_1408, %get3A_1409] : memref<1x512xf32, #tpu.memory_space<vmem>>, vector<1x512xf32>
    %get3A_1411 = arith.constant 0 : index
    %get3A_1412 = arith.constant 0 : index
    %get3A_1413 = vector.load %arg37[%get3A_1411, %get3A_1412] : memref<1x512xf32, #tpu.memory_space<vmem>>, vector<1x512xf32>
    %reduce_sum3A_1414 = arith.constant dense<0.000000e+00> : vector<136xf32>
    %reduce_sum3A_1415 = vector.multi_reduction <add>, %add3A_1407, %reduce_sum3A_1414 [1] : vector<136x512xf32> to vector<136xf32>
    %broadcast_in_dim3A_1416 = vector.shape_cast %reduce_sum3A_1415 : vector<136xf32> to vector<136x1xf32>
    %div3A_1417 = arith.constant 5.120000e+02 : f32
    %div3A_1418 = vector.broadcast %div3A_1417 : f32 to vector<136x1xf32>
    %div3A_1419 = arith.divf %broadcast_in_dim3A_1416, %div3A_1418 : vector<136x1xf32>
    %sub3A_1420 = vector.broadcast %div3A_1419 : vector<136x1xf32> to vector<136x512xf32>
    %sub3A_1421 = arith.subf %add3A_1407, %sub3A_1420 : vector<136x512xf32>
    %integer_pow3A_1422 = arith.mulf %sub3A_1421, %sub3A_1421 : vector<136x512xf32>
    %reduce_sum3A_1423 = arith.constant dense<0.000000e+00> : vector<136xf32>
    %reduce_sum3A_1424 = vector.multi_reduction <add>, %integer_pow3A_1422, %reduce_sum3A_1423 [1] : vector<136x512xf32> to vector<136xf32>
    %broadcast_in_dim3A_1425 = vector.shape_cast %reduce_sum3A_1424 : vector<136xf32> to vector<136x1xf32>
    %div3A_1426 = arith.constant 5.120000e+02 : f32
    %div3A_1427 = vector.broadcast %div3A_1426 : f32 to vector<136x1xf32>
    %div3A_1428 = arith.divf %broadcast_in_dim3A_1425, %div3A_1427 : vector<136x1xf32>
    %sub3A_1429 = vector.broadcast %div3A_1419 : vector<136x1xf32> to vector<136x512xf32>
    %sub3A_1430 = arith.subf %add3A_1407, %sub3A_1429 : vector<136x512xf32>
    %add3A_1431 = arith.constant 9.99999974E-6 : f32
    %add3A_1432 = vector.broadcast %add3A_1431 : f32 to vector<136x1xf32>
    %add3A_1433 = arith.addf %div3A_1428, %add3A_1432 : vector<136x1xf32>
    %sqrt3A_1434 = math.sqrt %add3A_1433 : vector<136x1xf32>
    %div3A_1435 = vector.broadcast %sqrt3A_1434 : vector<136x1xf32> to vector<136x512xf32>
    %div3A_1436 = arith.divf %sub3A_1430, %div3A_1435 : vector<136x512xf32>
    %mul3A_1437 = vector.broadcast %get3A_1410 : vector<1x512xf32> to vector<136x512xf32>
    %mul3A_1438 = arith.mulf %div3A_1436, %mul3A_1437 : vector<136x512xf32>
    %add3A_1439 = vector.broadcast %get3A_1413 : vector<1x512xf32> to vector<136x512xf32>
    %add3A_1440 = arith.addf %mul3A_1438, %add3A_1439 : vector<136x512xf32>
    %add3A_1441 = arith.addf %add3A_1146, %add3A_1386 : vector<136x512xf32>
    %get3A_1442 = arith.constant 0 : index
    %get3A_1443 = arith.constant 0 : index
    %get3A_1444 = vector.load %arg36[%get3A_1442, %get3A_1443] : memref<1x512xf32, #tpu.memory_space<vmem>>, vector<1x512xf32>
    %get3A_1445 = arith.constant 0 : index
    %get3A_1446 = arith.constant 0 : index
    %get3A_1447 = vector.load %arg37[%get3A_1445, %get3A_1446] : memref<1x512xf32, #tpu.memory_space<vmem>>, vector<1x512xf32>
    %reduce_sum3A_1448 = arith.constant dense<0.000000e+00> : vector<136xf32>
    %reduce_sum3A_1449 = vector.multi_reduction <add>, %add3A_1441, %reduce_sum3A_1448 [1] : vector<136x512xf32> to vector<136xf32>
    %broadcast_in_dim3A_1450 = vector.shape_cast %reduce_sum3A_1449 : vector<136xf32> to vector<136x1xf32>
    %div3A_1451 = arith.constant 5.120000e+02 : f32
    %div3A_1452 = vector.broadcast %div3A_1451 : f32 to vector<136x1xf32>
    %div3A_1453 = arith.divf %broadcast_in_dim3A_1450, %div3A_1452 : vector<136x1xf32>
    %sub3A_1454 = vector.broadcast %div3A_1453 : vector<136x1xf32> to vector<136x512xf32>
    %sub3A_1455 = arith.subf %add3A_1441, %sub3A_1454 : vector<136x512xf32>
    %integer_pow3A_1456 = arith.mulf %sub3A_1455, %sub3A_1455 : vector<136x512xf32>
    %reduce_sum3A_1457 = arith.constant dense<0.000000e+00> : vector<136xf32>
    %reduce_sum3A_1458 = vector.multi_reduction <add>, %integer_pow3A_1456, %reduce_sum3A_1457 [1] : vector<136x512xf32> to vector<136xf32>
    %broadcast_in_dim3A_1459 = vector.shape_cast %reduce_sum3A_1458 : vector<136xf32> to vector<136x1xf32>
    %div3A_1460 = arith.constant 5.120000e+02 : f32
    %div3A_1461 = vector.broadcast %div3A_1460 : f32 to vector<136x1xf32>
    %div3A_1462 = arith.divf %broadcast_in_dim3A_1459, %div3A_1461 : vector<136x1xf32>
    %sub3A_1463 = vector.broadcast %div3A_1453 : vector<136x1xf32> to vector<136x512xf32>
    %sub3A_1464 = arith.subf %add3A_1441, %sub3A_1463 : vector<136x512xf32>
    %add3A_1465 = arith.constant 9.99999974E-6 : f32
    %add3A_1466 = vector.broadcast %add3A_1465 : f32 to vector<136x1xf32>
    %add3A_1467 = arith.addf %div3A_1462, %add3A_1466 : vector<136x1xf32>
    %sqrt3A_1468 = math.sqrt %add3A_1467 : vector<136x1xf32>
    %div3A_1469 = vector.broadcast %sqrt3A_1468 : vector<136x1xf32> to vector<136x512xf32>
    %div3A_1470 = arith.divf %sub3A_1464, %div3A_1469 : vector<136x512xf32>
    %mul3A_1471 = vector.broadcast %get3A_1444 : vector<1x512xf32> to vector<136x512xf32>
    %mul3A_1472 = arith.mulf %div3A_1470, %mul3A_1471 : vector<136x512xf32>
    %add3A_1473 = vector.broadcast %get3A_1447 : vector<1x512xf32> to vector<136x512xf32>
    %add3A_1474 = arith.addf %mul3A_1472, %add3A_1473 : vector<136x512xf32>
    %add3A_1475 = arith.addf %add3A_1148, %add3A_1396 : vector<136x512xf32>
    %get3A_1476 = arith.constant 0 : index
    %get3A_1477 = arith.constant 0 : index
    %get3A_1478 = vector.load %arg36[%get3A_1476, %get3A_1477] : memref<1x512xf32, #tpu.memory_space<vmem>>, vector<1x512xf32>
    %get3A_1479 = arith.constant 0 : index
    %get3A_1480 = arith.constant 0 : index
    %get3A_1481 = vector.load %arg37[%get3A_1479, %get3A_1480] : memref<1x512xf32, #tpu.memory_space<vmem>>, vector<1x512xf32>
    %reduce_sum3A_1482 = arith.constant dense<0.000000e+00> : vector<136xf32>
    %reduce_sum3A_1483 = vector.multi_reduction <add>, %add3A_1475, %reduce_sum3A_1482 [1] : vector<136x512xf32> to vector<136xf32>
    %broadcast_in_dim3A_1484 = vector.shape_cast %reduce_sum3A_1483 : vector<136xf32> to vector<136x1xf32>
    %div3A_1485 = arith.constant 5.120000e+02 : f32
    %div3A_1486 = vector.broadcast %div3A_1485 : f32 to vector<136x1xf32>
    %div3A_1487 = arith.divf %broadcast_in_dim3A_1484, %div3A_1486 : vector<136x1xf32>
    %sub3A_1488 = vector.broadcast %div3A_1487 : vector<136x1xf32> to vector<136x512xf32>
    %sub3A_1489 = arith.subf %add3A_1475, %sub3A_1488 : vector<136x512xf32>
    %integer_pow3A_1490 = arith.mulf %sub3A_1489, %sub3A_1489 : vector<136x512xf32>
    %reduce_sum3A_1491 = arith.constant dense<0.000000e+00> : vector<136xf32>
    %reduce_sum3A_1492 = vector.multi_reduction <add>, %integer_pow3A_1490, %reduce_sum3A_1491 [1] : vector<136x512xf32> to vector<136xf32>
    %broadcast_in_dim3A_1493 = vector.shape_cast %reduce_sum3A_1492 : vector<136xf32> to vector<136x1xf32>
    %div3A_1494 = arith.constant 5.120000e+02 : f32
    %div3A_1495 = vector.broadcast %div3A_1494 : f32 to vector<136x1xf32>
    %div3A_1496 = arith.divf %broadcast_in_dim3A_1493, %div3A_1495 : vector<136x1xf32>
    %sub3A_1497 = vector.broadcast %div3A_1487 : vector<136x1xf32> to vector<136x512xf32>
    %sub3A_1498 = arith.subf %add3A_1475, %sub3A_1497 : vector<136x512xf32>
    %add3A_1499 = arith.constant 9.99999974E-6 : f32
    %add3A_1500 = vector.broadcast %add3A_1499 : f32 to vector<136x1xf32>
    %add3A_1501 = arith.addf %div3A_1496, %add3A_1500 : vector<136x1xf32>
    %sqrt3A_1502 = math.sqrt %add3A_1501 : vector<136x1xf32>
    %div3A_1503 = vector.broadcast %sqrt3A_1502 : vector<136x1xf32> to vector<136x512xf32>
    %div3A_1504 = arith.divf %sub3A_1498, %div3A_1503 : vector<136x512xf32>
    %mul3A_1505 = vector.broadcast %get3A_1478 : vector<1x512xf32> to vector<136x512xf32>
    %mul3A_1506 = arith.mulf %div3A_1504, %mul3A_1505 : vector<136x512xf32>
    %add3A_1507 = vector.broadcast %get3A_1481 : vector<1x512xf32> to vector<136x512xf32>
    %add3A_1508 = arith.addf %mul3A_1506, %add3A_1507 : vector<136x512xf32>
    %add3A_1509 = arith.addf %add3A_1150, %add3A_1406 : vector<136x512xf32>
    %get3A_1510 = arith.constant 0 : index
    %get3A_1511 = arith.constant 0 : index
    %get3A_1512 = vector.load %arg36[%get3A_1510, %get3A_1511] : memref<1x512xf32, #tpu.memory_space<vmem>>, vector<1x512xf32>
    %get3A_1513 = arith.constant 0 : index
    %get3A_1514 = arith.constant 0 : index
    %get3A_1515 = vector.load %arg37[%get3A_1513, %get3A_1514] : memref<1x512xf32, #tpu.memory_space<vmem>>, vector<1x512xf32>
    %reduce_sum3A_1516 = arith.constant dense<0.000000e+00> : vector<136xf32>
    %reduce_sum3A_1517 = vector.multi_reduction <add>, %add3A_1509, %reduce_sum3A_1516 [1] : vector<136x512xf32> to vector<136xf32>
    %broadcast_in_dim3A_1518 = vector.shape_cast %reduce_sum3A_1517 : vector<136xf32> to vector<136x1xf32>
    %div3A_1519 = arith.constant 5.120000e+02 : f32
    %div3A_1520 = vector.broadcast %div3A_1519 : f32 to vector<136x1xf32>
    %div3A_1521 = arith.divf %broadcast_in_dim3A_1518, %div3A_1520 : vector<136x1xf32>
    %sub3A_1522 = vector.broadcast %div3A_1521 : vector<136x1xf32> to vector<136x512xf32>
    %sub3A_1523 = arith.subf %add3A_1509, %sub3A_1522 : vector<136x512xf32>
    %integer_pow3A_1524 = arith.mulf %sub3A_1523, %sub3A_1523 : vector<136x512xf32>
    %reduce_sum3A_1525 = arith.constant dense<0.000000e+00> : vector<136xf32>
    %reduce_sum3A_1526 = vector.multi_reduction <add>, %integer_pow3A_1524, %reduce_sum3A_1525 [1] : vector<136x512xf32> to vector<136xf32>
    %broadcast_in_dim3A_1527 = vector.shape_cast %reduce_sum3A_1526 : vector<136xf32> to vector<136x1xf32>
    %div3A_1528 = arith.constant 5.120000e+02 : f32
    %div3A_1529 = vector.broadcast %div3A_1528 : f32 to vector<136x1xf32>
    %div3A_1530 = arith.divf %broadcast_in_dim3A_1527, %div3A_1529 : vector<136x1xf32>
    %sub3A_1531 = vector.broadcast %div3A_1521 : vector<136x1xf32> to vector<136x512xf32>
    %sub3A_1532 = arith.subf %add3A_1509, %sub3A_1531 : vector<136x512xf32>
    %add3A_1533 = arith.constant 9.99999974E-6 : f32
    %add3A_1534 = vector.broadcast %add3A_1533 : f32 to vector<136x1xf32>
    %add3A_1535 = arith.addf %div3A_1530, %add3A_1534 : vector<136x1xf32>
    %sqrt3A_1536 = math.sqrt %add3A_1535 : vector<136x1xf32>
    %div3A_1537 = vector.broadcast %sqrt3A_1536 : vector<136x1xf32> to vector<136x512xf32>
    %div3A_1538 = arith.divf %sub3A_1532, %div3A_1537 : vector<136x512xf32>
    %mul3A_1539 = vector.broadcast %get3A_1512 : vector<1x512xf32> to vector<136x512xf32>
    %mul3A_1540 = arith.mulf %div3A_1538, %mul3A_1539 : vector<136x512xf32>
    %add3A_1541 = vector.broadcast %get3A_1515 : vector<1x512xf32> to vector<136x512xf32>
    %add3A_1542 = arith.addf %mul3A_1540, %add3A_1541 : vector<136x512xf32>
    %get3A_1543 = arith.constant 0 : index
    %get3A_1544 = arith.constant 0 : index
    %get3A_1545 = vector.load %arg38[%get3A_1543, %get3A_1544] : memref<512x512xf32, #tpu.memory_space<vmem>>, vector<512x512xf32>
    %dot_general3A_1546 = arith.constant dense<0.000000e+00> : vector<136x512xf32>
    %dot_general3A_1547 = tpu.matmul %add3A_1440, %get3A_1545, %dot_general3A_1546 {dimension_numbers = #tpu.dot_dimension_numbers<[1], [0], [0], [1], [0, 0, 1, 1], [], []>, transpose_lhs_hint = false} : vector<136x512xf32>, vector<512x512xf32>, vector<136x512xf32> -> vector<136x512xf32>
    %get3A_1548 = arith.constant 0 : index
    %get3A_1549 = arith.constant 0 : index
    %get3A_1550 = vector.load %arg39[%get3A_1548, %get3A_1549] : memref<1x512xf32, #tpu.memory_space<vmem>>, vector<1x512xf32>
    %add3A_1551 = vector.broadcast %get3A_1550 : vector<1x512xf32> to vector<136x512xf32>
    %add3A_1552 = arith.addf %dot_general3A_1547, %add3A_1551 : vector<136x512xf32>
    %mul3A_1553 = arith.constant 5.000000e-01 : f32
    %mul3A_1554 = vector.broadcast %mul3A_1553 : f32 to vector<136x512xf32>
    %mul3A_1555 = arith.mulf %add3A_1552, %mul3A_1554 : vector<136x512xf32>
    %mul3A_1556 = arith.constant 0.707106769 : f32
    %mul3A_1557 = vector.broadcast %mul3A_1556 : f32 to vector<136x512xf32>
    %mul3A_1558 = arith.mulf %add3A_1552, %mul3A_1557 : vector<136x512xf32>
    %erf3A_1559 = math.erf %mul3A_1558 : vector<136x512xf32>
    %add3A_1560 = arith.constant 1.000000e+00 : f32
    %add3A_1561 = vector.broadcast %add3A_1560 : f32 to vector<136x512xf32>
    %add3A_1562 = arith.addf %add3A_1561, %erf3A_1559 : vector<136x512xf32>
    %mul3A_1563 = arith.mulf %mul3A_1555, %add3A_1562 : vector<136x512xf32>
    %get3A_1564 = arith.constant 0 : index
    %get3A_1565 = arith.constant 0 : index
    %get3A_1566 = vector.load %arg38[%get3A_1564, %get3A_1565] : memref<512x512xf32, #tpu.memory_space<vmem>>, vector<512x512xf32>
    %dot_general3A_1567 = arith.constant dense<0.000000e+00> : vector<136x512xf32>
    %dot_general3A_1568 = tpu.matmul %add3A_1474, %get3A_1566, %dot_general3A_1567 {dimension_numbers = #tpu.dot_dimension_numbers<[1], [0], [0], [1], [0, 0, 1, 1], [], []>, transpose_lhs_hint = false} : vector<136x512xf32>, vector<512x512xf32>, vector<136x512xf32> -> vector<136x512xf32>
    %get3A_1569 = arith.constant 0 : index
    %get3A_1570 = arith.constant 0 : index
    %get3A_1571 = vector.load %arg39[%get3A_1569, %get3A_1570] : memref<1x512xf32, #tpu.memory_space<vmem>>, vector<1x512xf32>
    %add3A_1572 = vector.broadcast %get3A_1571 : vector<1x512xf32> to vector<136x512xf32>
    %add3A_1573 = arith.addf %dot_general3A_1568, %add3A_1572 : vector<136x512xf32>
    %mul3A_1574 = arith.constant 5.000000e-01 : f32
    %mul3A_1575 = vector.broadcast %mul3A_1574 : f32 to vector<136x512xf32>
    %mul3A_1576 = arith.mulf %add3A_1573, %mul3A_1575 : vector<136x512xf32>
    %mul3A_1577 = arith.constant 0.707106769 : f32
    %mul3A_1578 = vector.broadcast %mul3A_1577 : f32 to vector<136x512xf32>
    %mul3A_1579 = arith.mulf %add3A_1573, %mul3A_1578 : vector<136x512xf32>
    %erf3A_1580 = math.erf %mul3A_1579 : vector<136x512xf32>
    %add3A_1581 = arith.constant 1.000000e+00 : f32
    %add3A_1582 = vector.broadcast %add3A_1581 : f32 to vector<136x512xf32>
    %add3A_1583 = arith.addf %add3A_1582, %erf3A_1580 : vector<136x512xf32>
    %mul3A_1584 = arith.mulf %mul3A_1576, %add3A_1583 : vector<136x512xf32>
    %get3A_1585 = arith.constant 0 : index
    %get3A_1586 = arith.constant 0 : index
    %get3A_1587 = vector.load %arg38[%get3A_1585, %get3A_1586] : memref<512x512xf32, #tpu.memory_space<vmem>>, vector<512x512xf32>
    %dot_general3A_1588 = arith.constant dense<0.000000e+00> : vector<136x512xf32>
    %dot_general3A_1589 = tpu.matmul %add3A_1508, %get3A_1587, %dot_general3A_1588 {dimension_numbers = #tpu.dot_dimension_numbers<[1], [0], [0], [1], [0, 0, 1, 1], [], []>, transpose_lhs_hint = false} : vector<136x512xf32>, vector<512x512xf32>, vector<136x512xf32> -> vector<136x512xf32>
    %get3A_1590 = arith.constant 0 : index
    %get3A_1591 = arith.constant 0 : index
    %get3A_1592 = vector.load %arg39[%get3A_1590, %get3A_1591] : memref<1x512xf32, #tpu.memory_space<vmem>>, vector<1x512xf32>
    %add3A_1593 = vector.broadcast %get3A_1592 : vector<1x512xf32> to vector<136x512xf32>
    %add3A_1594 = arith.addf %dot_general3A_1589, %add3A_1593 : vector<136x512xf32>
    %mul3A_1595 = arith.constant 5.000000e-01 : f32
    %mul3A_1596 = vector.broadcast %mul3A_1595 : f32 to vector<136x512xf32>
    %mul3A_1597 = arith.mulf %add3A_1594, %mul3A_1596 : vector<136x512xf32>
    %mul3A_1598 = arith.constant 0.707106769 : f32
    %mul3A_1599 = vector.broadcast %mul3A_1598 : f32 to vector<136x512xf32>
    %mul3A_1600 = arith.mulf %add3A_1594, %mul3A_1599 : vector<136x512xf32>
    %erf3A_1601 = math.erf %mul3A_1600 : vector<136x512xf32>
    %add3A_1602 = arith.constant 1.000000e+00 : f32
    %add3A_1603 = vector.broadcast %add3A_1602 : f32 to vector<136x512xf32>
    %add3A_1604 = arith.addf %add3A_1603, %erf3A_1601 : vector<136x512xf32>
    %mul3A_1605 = arith.mulf %mul3A_1597, %add3A_1604 : vector<136x512xf32>
    %get3A_1606 = arith.constant 0 : index
    %get3A_1607 = arith.constant 0 : index
    %get3A_1608 = vector.load %arg38[%get3A_1606, %get3A_1607] : memref<512x512xf32, #tpu.memory_space<vmem>>, vector<512x512xf32>
    %dot_general3A_1609 = arith.constant dense<0.000000e+00> : vector<136x512xf32>
    %dot_general3A_1610 = tpu.matmul %add3A_1542, %get3A_1608, %dot_general3A_1609 {dimension_numbers = #tpu.dot_dimension_numbers<[1], [0], [0], [1], [0, 0, 1, 1], [], []>, transpose_lhs_hint = false} : vector<136x512xf32>, vector<512x512xf32>, vector<136x512xf32> -> vector<136x512xf32>
    %get3A_1611 = arith.constant 0 : index
    %get3A_1612 = arith.constant 0 : index
    %get3A_1613 = vector.load %arg39[%get3A_1611, %get3A_1612] : memref<1x512xf32, #tpu.memory_space<vmem>>, vector<1x512xf32>
    %add3A_1614 = vector.broadcast %get3A_1613 : vector<1x512xf32> to vector<136x512xf32>
    %add3A_1615 = arith.addf %dot_general3A_1610, %add3A_1614 : vector<136x512xf32>
    %mul3A_1616 = arith.constant 5.000000e-01 : f32
    %mul3A_1617 = vector.broadcast %mul3A_1616 : f32 to vector<136x512xf32>
    %mul3A_1618 = arith.mulf %add3A_1615, %mul3A_1617 : vector<136x512xf32>
    %mul3A_1619 = arith.constant 0.707106769 : f32
    %mul3A_1620 = vector.broadcast %mul3A_1619 : f32 to vector<136x512xf32>
    %mul3A_1621 = arith.mulf %add3A_1615, %mul3A_1620 : vector<136x512xf32>
    %erf3A_1622 = math.erf %mul3A_1621 : vector<136x512xf32>
    %add3A_1623 = arith.constant 1.000000e+00 : f32
    %add3A_1624 = vector.broadcast %add3A_1623 : f32 to vector<136x512xf32>
    %add3A_1625 = arith.addf %add3A_1624, %erf3A_1622 : vector<136x512xf32>
    %mul3A_1626 = arith.mulf %mul3A_1618, %add3A_1625 : vector<136x512xf32>
    %get3A_1627 = arith.constant 0 : index
    %get3A_1628 = arith.constant 0 : index
    %get3A_1629 = vector.load %arg40[%get3A_1627, %get3A_1628] : memref<512x512xf32, #tpu.memory_space<vmem>>, vector<512x512xf32>
    %dot_general3A_1630 = arith.constant dense<0.000000e+00> : vector<136x512xf32>
    %dot_general3A_1631 = tpu.matmul %mul3A_1563, %get3A_1629, %dot_general3A_1630 {dimension_numbers = #tpu.dot_dimension_numbers<[1], [0], [0], [1], [0, 0, 1, 1], [], []>, transpose_lhs_hint = false} : vector<136x512xf32>, vector<512x512xf32>, vector<136x512xf32> -> vector<136x512xf32>
    %get3A_1632 = arith.constant 0 : index
    %get3A_1633 = arith.constant 0 : index
    %get3A_1634 = vector.load %arg41[%get3A_1632, %get3A_1633] : memref<1x512xf32, #tpu.memory_space<vmem>>, vector<1x512xf32>
    %add3A_1635 = vector.broadcast %get3A_1634 : vector<1x512xf32> to vector<136x512xf32>
    %add3A_1636 = arith.addf %dot_general3A_1631, %add3A_1635 : vector<136x512xf32>
    %get3A_1637 = arith.constant 0 : index
    %get3A_1638 = arith.constant 0 : index
    %get3A_1639 = vector.load %arg40[%get3A_1637, %get3A_1638] : memref<512x512xf32, #tpu.memory_space<vmem>>, vector<512x512xf32>
    %dot_general3A_1640 = arith.constant dense<0.000000e+00> : vector<136x512xf32>
    %dot_general3A_1641 = tpu.matmul %mul3A_1584, %get3A_1639, %dot_general3A_1640 {dimension_numbers = #tpu.dot_dimension_numbers<[1], [0], [0], [1], [0, 0, 1, 1], [], []>, transpose_lhs_hint = false} : vector<136x512xf32>, vector<512x512xf32>, vector<136x512xf32> -> vector<136x512xf32>
    %get3A_1642 = arith.constant 0 : index
    %get3A_1643 = arith.constant 0 : index
    %get3A_1644 = vector.load %arg41[%get3A_1642, %get3A_1643] : memref<1x512xf32, #tpu.memory_space<vmem>>, vector<1x512xf32>
    %add3A_1645 = vector.broadcast %get3A_1644 : vector<1x512xf32> to vector<136x512xf32>
    %add3A_1646 = arith.addf %dot_general3A_1641, %add3A_1645 : vector<136x512xf32>
    %get3A_1647 = arith.constant 0 : index
    %get3A_1648 = arith.constant 0 : index
    %get3A_1649 = vector.load %arg40[%get3A_1647, %get3A_1648] : memref<512x512xf32, #tpu.memory_space<vmem>>, vector<512x512xf32>
    %dot_general3A_1650 = arith.constant dense<0.000000e+00> : vector<136x512xf32>
    %dot_general3A_1651 = tpu.matmul %mul3A_1605, %get3A_1649, %dot_general3A_1650 {dimension_numbers = #tpu.dot_dimension_numbers<[1], [0], [0], [1], [0, 0, 1, 1], [], []>, transpose_lhs_hint = false} : vector<136x512xf32>, vector<512x512xf32>, vector<136x512xf32> -> vector<136x512xf32>
    %get3A_1652 = arith.constant 0 : index
    %get3A_1653 = arith.constant 0 : index
    %get3A_1654 = vector.load %arg41[%get3A_1652, %get3A_1653] : memref<1x512xf32, #tpu.memory_space<vmem>>, vector<1x512xf32>
    %add3A_1655 = vector.broadcast %get3A_1654 : vector<1x512xf32> to vector<136x512xf32>
    %add3A_1656 = arith.addf %dot_general3A_1651, %add3A_1655 : vector<136x512xf32>
    %get3A_1657 = arith.constant 0 : index
    %get3A_1658 = arith.constant 0 : index
    %get3A_1659 = vector.load %arg40[%get3A_1657, %get3A_1658] : memref<512x512xf32, #tpu.memory_space<vmem>>, vector<512x512xf32>
    %dot_general3A_1660 = arith.constant dense<0.000000e+00> : vector<136x512xf32>
    %dot_general3A_1661 = tpu.matmul %mul3A_1626, %get3A_1659, %dot_general3A_1660 {dimension_numbers = #tpu.dot_dimension_numbers<[1], [0], [0], [1], [0, 0, 1, 1], [], []>, transpose_lhs_hint = false} : vector<136x512xf32>, vector<512x512xf32>, vector<136x512xf32> -> vector<136x512xf32>
    %get3A_1662 = arith.constant 0 : index
    %get3A_1663 = arith.constant 0 : index
    %get3A_1664 = vector.load %arg41[%get3A_1662, %get3A_1663] : memref<1x512xf32, #tpu.memory_space<vmem>>, vector<1x512xf32>
    %add3A_1665 = vector.broadcast %get3A_1664 : vector<1x512xf32> to vector<136x512xf32>
    %add3A_1666 = arith.addf %dot_general3A_1661, %add3A_1665 : vector<136x512xf32>
    %add3A_1667 = arith.addf %add3A_1144, %add3A_1376 : vector<136x512xf32>
    %add3A_1668 = arith.addf %add3A_1667, %add3A_1636 : vector<136x512xf32>
    %add3A_1669 = arith.addf %add3A_1146, %add3A_1386 : vector<136x512xf32>
    %add3A_1670 = arith.addf %add3A_1669, %add3A_1646 : vector<136x512xf32>
    %add3A_1671 = arith.addf %add3A_1148, %add3A_1396 : vector<136x512xf32>
    %add3A_1672 = arith.addf %add3A_1671, %add3A_1656 : vector<136x512xf32>
    %add3A_1673 = arith.addf %add3A_1150, %add3A_1406 : vector<136x512xf32>
    %add3A_1674 = arith.addf %add3A_1673, %add3A_1666 : vector<136x512xf32>
    %get3A_1675 = arith.constant 0 : index
    %get3A_1676 = arith.constant 0 : index
    %get3A_1677 = vector.load %arg42[%get3A_1675, %get3A_1676] : memref<1x512xf32, #tpu.memory_space<vmem>>, vector<1x512xf32>
    %get3A_1678 = arith.constant 0 : index
    %get3A_1679 = arith.constant 0 : index
    %get3A_1680 = vector.load %arg43[%get3A_1678, %get3A_1679] : memref<1x512xf32, #tpu.memory_space<vmem>>, vector<1x512xf32>
    %reduce_sum3A_1681 = arith.constant dense<0.000000e+00> : vector<136xf32>
    %reduce_sum3A_1682 = vector.multi_reduction <add>, %add3A_1668, %reduce_sum3A_1681 [1] : vector<136x512xf32> to vector<136xf32>
    %broadcast_in_dim3A_1683 = vector.shape_cast %reduce_sum3A_1682 : vector<136xf32> to vector<136x1xf32>
    %div3A_1684 = arith.constant 5.120000e+02 : f32
    %div3A_1685 = vector.broadcast %div3A_1684 : f32 to vector<136x1xf32>
    %div3A_1686 = arith.divf %broadcast_in_dim3A_1683, %div3A_1685 : vector<136x1xf32>
    %sub3A_1687 = vector.broadcast %div3A_1686 : vector<136x1xf32> to vector<136x512xf32>
    %sub3A_1688 = arith.subf %add3A_1668, %sub3A_1687 : vector<136x512xf32>
    %integer_pow3A_1689 = arith.mulf %sub3A_1688, %sub3A_1688 : vector<136x512xf32>
    %reduce_sum3A_1690 = arith.constant dense<0.000000e+00> : vector<136xf32>
    %reduce_sum3A_1691 = vector.multi_reduction <add>, %integer_pow3A_1689, %reduce_sum3A_1690 [1] : vector<136x512xf32> to vector<136xf32>
    %broadcast_in_dim3A_1692 = vector.shape_cast %reduce_sum3A_1691 : vector<136xf32> to vector<136x1xf32>
    %div3A_1693 = arith.constant 5.120000e+02 : f32
    %div3A_1694 = vector.broadcast %div3A_1693 : f32 to vector<136x1xf32>
    %div3A_1695 = arith.divf %broadcast_in_dim3A_1692, %div3A_1694 : vector<136x1xf32>
    %sub3A_1696 = vector.broadcast %div3A_1686 : vector<136x1xf32> to vector<136x512xf32>
    %sub3A_1697 = arith.subf %add3A_1668, %sub3A_1696 : vector<136x512xf32>
    %add3A_1698 = arith.constant 9.99999974E-6 : f32
    %add3A_1699 = vector.broadcast %add3A_1698 : f32 to vector<136x1xf32>
    %add3A_1700 = arith.addf %div3A_1695, %add3A_1699 : vector<136x1xf32>
    %sqrt3A_1701 = math.sqrt %add3A_1700 : vector<136x1xf32>
    %div3A_1702 = vector.broadcast %sqrt3A_1701 : vector<136x1xf32> to vector<136x512xf32>
    %div3A_1703 = arith.divf %sub3A_1697, %div3A_1702 : vector<136x512xf32>
    %mul3A_1704 = vector.broadcast %get3A_1677 : vector<1x512xf32> to vector<136x512xf32>
    %mul3A_1705 = arith.mulf %div3A_1703, %mul3A_1704 : vector<136x512xf32>
    %add3A_1706 = vector.broadcast %get3A_1680 : vector<1x512xf32> to vector<136x512xf32>
    %add3A_1707 = arith.addf %mul3A_1705, %add3A_1706 : vector<136x512xf32>
    %get3A_1708 = arith.constant 0 : index
    %get3A_1709 = arith.constant 0 : index
    %get3A_1710 = vector.load %arg42[%get3A_1708, %get3A_1709] : memref<1x512xf32, #tpu.memory_space<vmem>>, vector<1x512xf32>
    %get3A_1711 = arith.constant 0 : index
    %get3A_1712 = arith.constant 0 : index
    %get3A_1713 = vector.load %arg43[%get3A_1711, %get3A_1712] : memref<1x512xf32, #tpu.memory_space<vmem>>, vector<1x512xf32>
    %reduce_sum3A_1714 = arith.constant dense<0.000000e+00> : vector<136xf32>
    %reduce_sum3A_1715 = vector.multi_reduction <add>, %add3A_1670, %reduce_sum3A_1714 [1] : vector<136x512xf32> to vector<136xf32>
    %broadcast_in_dim3A_1716 = vector.shape_cast %reduce_sum3A_1715 : vector<136xf32> to vector<136x1xf32>
    %div3A_1717 = arith.constant 5.120000e+02 : f32
    %div3A_1718 = vector.broadcast %div3A_1717 : f32 to vector<136x1xf32>
    %div3A_1719 = arith.divf %broadcast_in_dim3A_1716, %div3A_1718 : vector<136x1xf32>
    %sub3A_1720 = vector.broadcast %div3A_1719 : vector<136x1xf32> to vector<136x512xf32>
    %sub3A_1721 = arith.subf %add3A_1670, %sub3A_1720 : vector<136x512xf32>
    %integer_pow3A_1722 = arith.mulf %sub3A_1721, %sub3A_1721 : vector<136x512xf32>
    %reduce_sum3A_1723 = arith.constant dense<0.000000e+00> : vector<136xf32>
    %reduce_sum3A_1724 = vector.multi_reduction <add>, %integer_pow3A_1722, %reduce_sum3A_1723 [1] : vector<136x512xf32> to vector<136xf32>
    %broadcast_in_dim3A_1725 = vector.shape_cast %reduce_sum3A_1724 : vector<136xf32> to vector<136x1xf32>
    %div3A_1726 = arith.constant 5.120000e+02 : f32
    %div3A_1727 = vector.broadcast %div3A_1726 : f32 to vector<136x1xf32>
    %div3A_1728 = arith.divf %broadcast_in_dim3A_1725, %div3A_1727 : vector<136x1xf32>
    %sub3A_1729 = vector.broadcast %div3A_1719 : vector<136x1xf32> to vector<136x512xf32>
    %sub3A_1730 = arith.subf %add3A_1670, %sub3A_1729 : vector<136x512xf32>
    %add3A_1731 = arith.constant 9.99999974E-6 : f32
    %add3A_1732 = vector.broadcast %add3A_1731 : f32 to vector<136x1xf32>
    %add3A_1733 = arith.addf %div3A_1728, %add3A_1732 : vector<136x1xf32>
    %sqrt3A_1734 = math.sqrt %add3A_1733 : vector<136x1xf32>
    %div3A_1735 = vector.broadcast %sqrt3A_1734 : vector<136x1xf32> to vector<136x512xf32>
    %div3A_1736 = arith.divf %sub3A_1730, %div3A_1735 : vector<136x512xf32>
    %mul3A_1737 = vector.broadcast %get3A_1710 : vector<1x512xf32> to vector<136x512xf32>
    %mul3A_1738 = arith.mulf %div3A_1736, %mul3A_1737 : vector<136x512xf32>
    %add3A_1739 = vector.broadcast %get3A_1713 : vector<1x512xf32> to vector<136x512xf32>
    %add3A_1740 = arith.addf %mul3A_1738, %add3A_1739 : vector<136x512xf32>
    %get3A_1741 = arith.constant 0 : index
    %get3A_1742 = arith.constant 0 : index
    %get3A_1743 = vector.load %arg42[%get3A_1741, %get3A_1742] : memref<1x512xf32, #tpu.memory_space<vmem>>, vector<1x512xf32>
    %get3A_1744 = arith.constant 0 : index
    %get3A_1745 = arith.constant 0 : index
    %get3A_1746 = vector.load %arg43[%get3A_1744, %get3A_1745] : memref<1x512xf32, #tpu.memory_space<vmem>>, vector<1x512xf32>
    %reduce_sum3A_1747 = arith.constant dense<0.000000e+00> : vector<136xf32>
    %reduce_sum3A_1748 = vector.multi_reduction <add>, %add3A_1672, %reduce_sum3A_1747 [1] : vector<136x512xf32> to vector<136xf32>
    %broadcast_in_dim3A_1749 = vector.shape_cast %reduce_sum3A_1748 : vector<136xf32> to vector<136x1xf32>
    %div3A_1750 = arith.constant 5.120000e+02 : f32
    %div3A_1751 = vector.broadcast %div3A_1750 : f32 to vector<136x1xf32>
    %div3A_1752 = arith.divf %broadcast_in_dim3A_1749, %div3A_1751 : vector<136x1xf32>
    %sub3A_1753 = vector.broadcast %div3A_1752 : vector<136x1xf32> to vector<136x512xf32>
    %sub3A_1754 = arith.subf %add3A_1672, %sub3A_1753 : vector<136x512xf32>
    %integer_pow3A_1755 = arith.mulf %sub3A_1754, %sub3A_1754 : vector<136x512xf32>
    %reduce_sum3A_1756 = arith.constant dense<0.000000e+00> : vector<136xf32>
    %reduce_sum3A_1757 = vector.multi_reduction <add>, %integer_pow3A_1755, %reduce_sum3A_1756 [1] : vector<136x512xf32> to vector<136xf32>
    %broadcast_in_dim3A_1758 = vector.shape_cast %reduce_sum3A_1757 : vector<136xf32> to vector<136x1xf32>
    %div3A_1759 = arith.constant 5.120000e+02 : f32
    %div3A_1760 = vector.broadcast %div3A_1759 : f32 to vector<136x1xf32>
    %div3A_1761 = arith.divf %broadcast_in_dim3A_1758, %div3A_1760 : vector<136x1xf32>
    %sub3A_1762 = vector.broadcast %div3A_1752 : vector<136x1xf32> to vector<136x512xf32>
    %sub3A_1763 = arith.subf %add3A_1672, %sub3A_1762 : vector<136x512xf32>
    %add3A_1764 = arith.constant 9.99999974E-6 : f32
    %add3A_1765 = vector.broadcast %add3A_1764 : f32 to vector<136x1xf32>
    %add3A_1766 = arith.addf %div3A_1761, %add3A_1765 : vector<136x1xf32>
    %sqrt3A_1767 = math.sqrt %add3A_1766 : vector<136x1xf32>
    %div3A_1768 = vector.broadcast %sqrt3A_1767 : vector<136x1xf32> to vector<136x512xf32>
    %div3A_1769 = arith.divf %sub3A_1763, %div3A_1768 : vector<136x512xf32>
    %mul3A_1770 = vector.broadcast %get3A_1743 : vector<1x512xf32> to vector<136x512xf32>
    %mul3A_1771 = arith.mulf %div3A_1769, %mul3A_1770 : vector<136x512xf32>
    %add3A_1772 = vector.broadcast %get3A_1746 : vector<1x512xf32> to vector<136x512xf32>
    %add3A_1773 = arith.addf %mul3A_1771, %add3A_1772 : vector<136x512xf32>
    %get3A_1774 = arith.constant 0 : index
    %get3A_1775 = arith.constant 0 : index
    %get3A_1776 = vector.load %arg42[%get3A_1774, %get3A_1775] : memref<1x512xf32, #tpu.memory_space<vmem>>, vector<1x512xf32>
    %get3A_1777 = arith.constant 0 : index
    %get3A_1778 = arith.constant 0 : index
    %get3A_1779 = vector.load %arg43[%get3A_1777, %get3A_1778] : memref<1x512xf32, #tpu.memory_space<vmem>>, vector<1x512xf32>
    %reduce_sum3A_1780 = arith.constant dense<0.000000e+00> : vector<136xf32>
    %reduce_sum3A_1781 = vector.multi_reduction <add>, %add3A_1674, %reduce_sum3A_1780 [1] : vector<136x512xf32> to vector<136xf32>
    %broadcast_in_dim3A_1782 = vector.shape_cast %reduce_sum3A_1781 : vector<136xf32> to vector<136x1xf32>
    %div3A_1783 = arith.constant 5.120000e+02 : f32
    %div3A_1784 = vector.broadcast %div3A_1783 : f32 to vector<136x1xf32>
    %div3A_1785 = arith.divf %broadcast_in_dim3A_1782, %div3A_1784 : vector<136x1xf32>
    %sub3A_1786 = vector.broadcast %div3A_1785 : vector<136x1xf32> to vector<136x512xf32>
    %sub3A_1787 = arith.subf %add3A_1674, %sub3A_1786 : vector<136x512xf32>
    %integer_pow3A_1788 = arith.mulf %sub3A_1787, %sub3A_1787 : vector<136x512xf32>
    %reduce_sum3A_1789 = arith.constant dense<0.000000e+00> : vector<136xf32>
    %reduce_sum3A_1790 = vector.multi_reduction <add>, %integer_pow3A_1788, %reduce_sum3A_1789 [1] : vector<136x512xf32> to vector<136xf32>
    %broadcast_in_dim3A_1791 = vector.shape_cast %reduce_sum3A_1790 : vector<136xf32> to vector<136x1xf32>
    %div3A_1792 = arith.constant 5.120000e+02 : f32
    %div3A_1793 = vector.broadcast %div3A_1792 : f32 to vector<136x1xf32>
    %div3A_1794 = arith.divf %broadcast_in_dim3A_1791, %div3A_1793 : vector<136x1xf32>
    %sub3A_1795 = vector.broadcast %div3A_1785 : vector<136x1xf32> to vector<136x512xf32>
    %sub3A_1796 = arith.subf %add3A_1674, %sub3A_1795 : vector<136x512xf32>
    %add3A_1797 = arith.constant 9.99999974E-6 : f32
    %add3A_1798 = vector.broadcast %add3A_1797 : f32 to vector<136x1xf32>
    %add3A_1799 = arith.addf %div3A_1794, %add3A_1798 : vector<136x1xf32>
    %sqrt3A_1800 = math.sqrt %add3A_1799 : vector<136x1xf32>
    %div3A_1801 = vector.broadcast %sqrt3A_1800 : vector<136x1xf32> to vector<136x512xf32>
    %div3A_1802 = arith.divf %sub3A_1796, %div3A_1801 : vector<136x512xf32>
    %mul3A_1803 = vector.broadcast %get3A_1776 : vector<1x512xf32> to vector<136x512xf32>
    %mul3A_1804 = arith.mulf %div3A_1802, %mul3A_1803 : vector<136x512xf32>
    %add3A_1805 = vector.broadcast %get3A_1779 : vector<1x512xf32> to vector<136x512xf32>
    %add3A_1806 = arith.addf %mul3A_1804, %add3A_1805 : vector<136x512xf32>
    %get3A_1807 = arith.constant 0 : index
    %get3A_1808 = arith.constant 0 : index
    %get3A_1809 = vector.load %arg44[%get3A_1807, %get3A_1808] : memref<512x136xf32, #tpu.memory_space<vmem>>, vector<512x136xf32>
    %dot_general3A_1810 = arith.constant dense<0.000000e+00> : vector<512x512xf32>
    %dot_general3A_1811 = tpu.matmul %get3A_1809, %add3A_1707, %dot_general3A_1810 {dimension_numbers = #tpu.dot_dimension_numbers<[1], [0], [0], [1], [0, 0, 1, 1], [], []>, transpose_lhs_hint = false} : vector<512x136xf32>, vector<136x512xf32>, vector<512x512xf32> -> vector<512x512xf32>
    %get3A_1812 = arith.constant 0 : index
    %get3A_1813 = arith.constant 0 : index
    %get3A_1814 = vector.load %arg45[%get3A_1812, %get3A_1813] : memref<512x1xf32, #tpu.memory_space<vmem>>, vector<512x1xf32>
    %add3A_1815 = vector.broadcast %get3A_1814 : vector<512x1xf32> to vector<512x512xf32>
    %add3A_1816 = arith.addf %dot_general3A_1811, %add3A_1815 : vector<512x512xf32>
    %mul3A_1817 = arith.constant 5.000000e-01 : f32
    %mul3A_1818 = vector.broadcast %mul3A_1817 : f32 to vector<512x512xf32>
    %mul3A_1819 = arith.mulf %add3A_1816, %mul3A_1818 : vector<512x512xf32>
    %mul3A_1820 = arith.constant 0.707106769 : f32
    %mul3A_1821 = vector.broadcast %mul3A_1820 : f32 to vector<512x512xf32>
    %mul3A_1822 = arith.mulf %add3A_1816, %mul3A_1821 : vector<512x512xf32>
    %erf3A_1823 = math.erf %mul3A_1822 : vector<512x512xf32>
    %add3A_1824 = arith.constant 1.000000e+00 : f32
    %add3A_1825 = vector.broadcast %add3A_1824 : f32 to vector<512x512xf32>
    %add3A_1826 = arith.addf %add3A_1825, %erf3A_1823 : vector<512x512xf32>
    %mul3A_1827 = arith.mulf %mul3A_1819, %add3A_1826 : vector<512x512xf32>
    %get3A_1828 = arith.constant 0 : index
    %get3A_1829 = arith.constant 0 : index
    %get3A_1830 = vector.load %arg44[%get3A_1828, %get3A_1829] : memref<512x136xf32, #tpu.memory_space<vmem>>, vector<512x136xf32>
    %dot_general3A_1831 = arith.constant dense<0.000000e+00> : vector<512x512xf32>
    %dot_general3A_1832 = tpu.matmul %get3A_1830, %add3A_1740, %dot_general3A_1831 {dimension_numbers = #tpu.dot_dimension_numbers<[1], [0], [0], [1], [0, 0, 1, 1], [], []>, transpose_lhs_hint = false} : vector<512x136xf32>, vector<136x512xf32>, vector<512x512xf32> -> vector<512x512xf32>
    %get3A_1833 = arith.constant 0 : index
    %get3A_1834 = arith.constant 0 : index
    %get3A_1835 = vector.load %arg45[%get3A_1833, %get3A_1834] : memref<512x1xf32, #tpu.memory_space<vmem>>, vector<512x1xf32>
    %add3A_1836 = vector.broadcast %get3A_1835 : vector<512x1xf32> to vector<512x512xf32>
    %add3A_1837 = arith.addf %dot_general3A_1832, %add3A_1836 : vector<512x512xf32>
    %mul3A_1838 = arith.constant 5.000000e-01 : f32
    %mul3A_1839 = vector.broadcast %mul3A_1838 : f32 to vector<512x512xf32>
    %mul3A_1840 = arith.mulf %add3A_1837, %mul3A_1839 : vector<512x512xf32>
    %mul3A_1841 = arith.constant 0.707106769 : f32
    %mul3A_1842 = vector.broadcast %mul3A_1841 : f32 to vector<512x512xf32>
    %mul3A_1843 = arith.mulf %add3A_1837, %mul3A_1842 : vector<512x512xf32>
    %erf3A_1844 = math.erf %mul3A_1843 : vector<512x512xf32>
    %add3A_1845 = arith.constant 1.000000e+00 : f32
    %add3A_1846 = vector.broadcast %add3A_1845 : f32 to vector<512x512xf32>
    %add3A_1847 = arith.addf %add3A_1846, %erf3A_1844 : vector<512x512xf32>
    %mul3A_1848 = arith.mulf %mul3A_1840, %add3A_1847 : vector<512x512xf32>
    %get3A_1849 = arith.constant 0 : index
    %get3A_1850 = arith.constant 0 : index
    %get3A_1851 = vector.load %arg44[%get3A_1849, %get3A_1850] : memref<512x136xf32, #tpu.memory_space<vmem>>, vector<512x136xf32>
    %dot_general3A_1852 = arith.constant dense<0.000000e+00> : vector<512x512xf32>
    %dot_general3A_1853 = tpu.matmul %get3A_1851, %add3A_1773, %dot_general3A_1852 {dimension_numbers = #tpu.dot_dimension_numbers<[1], [0], [0], [1], [0, 0, 1, 1], [], []>, transpose_lhs_hint = false} : vector<512x136xf32>, vector<136x512xf32>, vector<512x512xf32> -> vector<512x512xf32>
    %get3A_1854 = arith.constant 0 : index
    %get3A_1855 = arith.constant 0 : index
    %get3A_1856 = vector.load %arg45[%get3A_1854, %get3A_1855] : memref<512x1xf32, #tpu.memory_space<vmem>>, vector<512x1xf32>
    %add3A_1857 = vector.broadcast %get3A_1856 : vector<512x1xf32> to vector<512x512xf32>
    %add3A_1858 = arith.addf %dot_general3A_1853, %add3A_1857 : vector<512x512xf32>
    %mul3A_1859 = arith.constant 5.000000e-01 : f32
    %mul3A_1860 = vector.broadcast %mul3A_1859 : f32 to vector<512x512xf32>
    %mul3A_1861 = arith.mulf %add3A_1858, %mul3A_1860 : vector<512x512xf32>
    %mul3A_1862 = arith.constant 0.707106769 : f32
    %mul3A_1863 = vector.broadcast %mul3A_1862 : f32 to vector<512x512xf32>
    %mul3A_1864 = arith.mulf %add3A_1858, %mul3A_1863 : vector<512x512xf32>
    %erf3A_1865 = math.erf %mul3A_1864 : vector<512x512xf32>
    %add3A_1866 = arith.constant 1.000000e+00 : f32
    %add3A_1867 = vector.broadcast %add3A_1866 : f32 to vector<512x512xf32>
    %add3A_1868 = arith.addf %add3A_1867, %erf3A_1865 : vector<512x512xf32>
    %mul3A_1869 = arith.mulf %mul3A_1861, %add3A_1868 : vector<512x512xf32>
    %get3A_1870 = arith.constant 0 : index
    %get3A_1871 = arith.constant 0 : index
    %get3A_1872 = vector.load %arg44[%get3A_1870, %get3A_1871] : memref<512x136xf32, #tpu.memory_space<vmem>>, vector<512x136xf32>
    %dot_general3A_1873 = arith.constant dense<0.000000e+00> : vector<512x512xf32>
    %dot_general3A_1874 = tpu.matmul %get3A_1872, %add3A_1806, %dot_general3A_1873 {dimension_numbers = #tpu.dot_dimension_numbers<[1], [0], [0], [1], [0, 0, 1, 1], [], []>, transpose_lhs_hint = false} : vector<512x136xf32>, vector<136x512xf32>, vector<512x512xf32> -> vector<512x512xf32>
    %get3A_1875 = arith.constant 0 : index
    %get3A_1876 = arith.constant 0 : index
    %get3A_1877 = vector.load %arg45[%get3A_1875, %get3A_1876] : memref<512x1xf32, #tpu.memory_space<vmem>>, vector<512x1xf32>
    %add3A_1878 = vector.broadcast %get3A_1877 : vector<512x1xf32> to vector<512x512xf32>
    %add3A_1879 = arith.addf %dot_general3A_1874, %add3A_1878 : vector<512x512xf32>
    %mul3A_1880 = arith.constant 5.000000e-01 : f32
    %mul3A_1881 = vector.broadcast %mul3A_1880 : f32 to vector<512x512xf32>
    %mul3A_1882 = arith.mulf %add3A_1879, %mul3A_1881 : vector<512x512xf32>
    %mul3A_1883 = arith.constant 0.707106769 : f32
    %mul3A_1884 = vector.broadcast %mul3A_1883 : f32 to vector<512x512xf32>
    %mul3A_1885 = arith.mulf %add3A_1879, %mul3A_1884 : vector<512x512xf32>
    %erf3A_1886 = math.erf %mul3A_1885 : vector<512x512xf32>
    %add3A_1887 = arith.constant 1.000000e+00 : f32
    %add3A_1888 = vector.broadcast %add3A_1887 : f32 to vector<512x512xf32>
    %add3A_1889 = arith.addf %add3A_1888, %erf3A_1886 : vector<512x512xf32>
    %mul3A_1890 = arith.mulf %mul3A_1882, %add3A_1889 : vector<512x512xf32>
    %get3A_1891 = arith.constant 0 : index
    %get3A_1892 = arith.constant 0 : index
    %get3A_1893 = vector.load %arg46[%get3A_1891, %get3A_1892] : memref<136x512xf32, #tpu.memory_space<vmem>>, vector<136x512xf32>
    %dot_general3A_1894 = arith.constant dense<0.000000e+00> : vector<136x512xf32>
    %dot_general3A_1895 = tpu.matmul %get3A_1893, %mul3A_1827, %dot_general3A_1894 {dimension_numbers = #tpu.dot_dimension_numbers<[1], [0], [0], [1], [0, 0, 1, 1], [], []>, transpose_lhs_hint = false} : vector<136x512xf32>, vector<512x512xf32>, vector<136x512xf32> -> vector<136x512xf32>
    %get3A_1896 = arith.constant 0 : index
    %get3A_1897 = arith.constant 0 : index
    %get3A_1898 = vector.load %arg47[%get3A_1896, %get3A_1897] : memref<136x1xf32, #tpu.memory_space<vmem>>, vector<136x1xf32>
    %add3A_1899 = vector.broadcast %get3A_1898 : vector<136x1xf32> to vector<136x512xf32>
    %add3A_1900 = arith.addf %dot_general3A_1895, %add3A_1899 : vector<136x512xf32>
    %get3A_1901 = arith.constant 0 : index
    %get3A_1902 = arith.constant 0 : index
    %get3A_1903 = vector.load %arg46[%get3A_1901, %get3A_1902] : memref<136x512xf32, #tpu.memory_space<vmem>>, vector<136x512xf32>
    %dot_general3A_1904 = arith.constant dense<0.000000e+00> : vector<136x512xf32>
    %dot_general3A_1905 = tpu.matmul %get3A_1903, %mul3A_1848, %dot_general3A_1904 {dimension_numbers = #tpu.dot_dimension_numbers<[1], [0], [0], [1], [0, 0, 1, 1], [], []>, transpose_lhs_hint = false} : vector<136x512xf32>, vector<512x512xf32>, vector<136x512xf32> -> vector<136x512xf32>
    %get3A_1906 = arith.constant 0 : index
    %get3A_1907 = arith.constant 0 : index
    %get3A_1908 = vector.load %arg47[%get3A_1906, %get3A_1907] : memref<136x1xf32, #tpu.memory_space<vmem>>, vector<136x1xf32>
    %add3A_1909 = vector.broadcast %get3A_1908 : vector<136x1xf32> to vector<136x512xf32>
    %add3A_1910 = arith.addf %dot_general3A_1905, %add3A_1909 : vector<136x512xf32>
    %get3A_1911 = arith.constant 0 : index
    %get3A_1912 = arith.constant 0 : index
    %get3A_1913 = vector.load %arg46[%get3A_1911, %get3A_1912] : memref<136x512xf32, #tpu.memory_space<vmem>>, vector<136x512xf32>
    %dot_general3A_1914 = arith.constant dense<0.000000e+00> : vector<136x512xf32>
    %dot_general3A_1915 = tpu.matmul %get3A_1913, %mul3A_1869, %dot_general3A_1914 {dimension_numbers = #tpu.dot_dimension_numbers<[1], [0], [0], [1], [0, 0, 1, 1], [], []>, transpose_lhs_hint = false} : vector<136x512xf32>, vector<512x512xf32>, vector<136x512xf32> -> vector<136x512xf32>
    %get3A_1916 = arith.constant 0 : index
    %get3A_1917 = arith.constant 0 : index
    %get3A_1918 = vector.load %arg47[%get3A_1916, %get3A_1917] : memref<136x1xf32, #tpu.memory_space<vmem>>, vector<136x1xf32>
    %add3A_1919 = vector.broadcast %get3A_1918 : vector<136x1xf32> to vector<136x512xf32>
    %add3A_1920 = arith.addf %dot_general3A_1915, %add3A_1919 : vector<136x512xf32>
    %get3A_1921 = arith.constant 0 : index
    %get3A_1922 = arith.constant 0 : index
    %get3A_1923 = vector.load %arg46[%get3A_1921, %get3A_1922] : memref<136x512xf32, #tpu.memory_space<vmem>>, vector<136x512xf32>
    %dot_general3A_1924 = arith.constant dense<0.000000e+00> : vector<136x512xf32>
    %dot_general3A_1925 = tpu.matmul %get3A_1923, %mul3A_1890, %dot_general3A_1924 {dimension_numbers = #tpu.dot_dimension_numbers<[1], [0], [0], [1], [0, 0, 1, 1], [], []>, transpose_lhs_hint = false} : vector<136x512xf32>, vector<512x512xf32>, vector<136x512xf32> -> vector<136x512xf32>
    %get3A_1926 = arith.constant 0 : index
    %get3A_1927 = arith.constant 0 : index
    %get3A_1928 = vector.load %arg47[%get3A_1926, %get3A_1927] : memref<136x1xf32, #tpu.memory_space<vmem>>, vector<136x1xf32>
    %add3A_1929 = vector.broadcast %get3A_1928 : vector<136x1xf32> to vector<136x512xf32>
    %add3A_1930 = arith.addf %dot_general3A_1925, %add3A_1929 : vector<136x512xf32>
    %add3A_1931 = arith.addf %add3A_1668, %add3A_1900 : vector<136x512xf32>
    %get3A_1932 = arith.constant 0 : index
    %get3A_1933 = arith.constant 0 : index
    %get3A_1934 = vector.load %arg48[%get3A_1932, %get3A_1933] : memref<1x512xf32, #tpu.memory_space<vmem>>, vector<1x512xf32>
    %get3A_1935 = arith.constant 0 : index
    %get3A_1936 = arith.constant 0 : index
    %get3A_1937 = vector.load %arg49[%get3A_1935, %get3A_1936] : memref<1x512xf32, #tpu.memory_space<vmem>>, vector<1x512xf32>
    %reduce_sum3A_1938 = arith.constant dense<0.000000e+00> : vector<136xf32>
    %reduce_sum3A_1939 = vector.multi_reduction <add>, %add3A_1931, %reduce_sum3A_1938 [1] : vector<136x512xf32> to vector<136xf32>
    %broadcast_in_dim3A_1940 = vector.shape_cast %reduce_sum3A_1939 : vector<136xf32> to vector<136x1xf32>
    %div3A_1941 = arith.constant 5.120000e+02 : f32
    %div3A_1942 = vector.broadcast %div3A_1941 : f32 to vector<136x1xf32>
    %div3A_1943 = arith.divf %broadcast_in_dim3A_1940, %div3A_1942 : vector<136x1xf32>
    %sub3A_1944 = vector.broadcast %div3A_1943 : vector<136x1xf32> to vector<136x512xf32>
    %sub3A_1945 = arith.subf %add3A_1931, %sub3A_1944 : vector<136x512xf32>
    %integer_pow3A_1946 = arith.mulf %sub3A_1945, %sub3A_1945 : vector<136x512xf32>
    %reduce_sum3A_1947 = arith.constant dense<0.000000e+00> : vector<136xf32>
    %reduce_sum3A_1948 = vector.multi_reduction <add>, %integer_pow3A_1946, %reduce_sum3A_1947 [1] : vector<136x512xf32> to vector<136xf32>
    %broadcast_in_dim3A_1949 = vector.shape_cast %reduce_sum3A_1948 : vector<136xf32> to vector<136x1xf32>
    %div3A_1950 = arith.constant 5.120000e+02 : f32
    %div3A_1951 = vector.broadcast %div3A_1950 : f32 to vector<136x1xf32>
    %div3A_1952 = arith.divf %broadcast_in_dim3A_1949, %div3A_1951 : vector<136x1xf32>
    %sub3A_1953 = vector.broadcast %div3A_1943 : vector<136x1xf32> to vector<136x512xf32>
    %sub3A_1954 = arith.subf %add3A_1931, %sub3A_1953 : vector<136x512xf32>
    %add3A_1955 = arith.constant 9.99999974E-6 : f32
    %add3A_1956 = vector.broadcast %add3A_1955 : f32 to vector<136x1xf32>
    %add3A_1957 = arith.addf %div3A_1952, %add3A_1956 : vector<136x1xf32>
    %sqrt3A_1958 = math.sqrt %add3A_1957 : vector<136x1xf32>
    %div3A_1959 = vector.broadcast %sqrt3A_1958 : vector<136x1xf32> to vector<136x512xf32>
    %div3A_1960 = arith.divf %sub3A_1954, %div3A_1959 : vector<136x512xf32>
    %mul3A_1961 = vector.broadcast %get3A_1934 : vector<1x512xf32> to vector<136x512xf32>
    %mul3A_1962 = arith.mulf %div3A_1960, %mul3A_1961 : vector<136x512xf32>
    %add3A_1963 = vector.broadcast %get3A_1937 : vector<1x512xf32> to vector<136x512xf32>
    %add3A_1964 = arith.addf %mul3A_1962, %add3A_1963 : vector<136x512xf32>
    %add3A_1965 = arith.addf %add3A_1670, %add3A_1910 : vector<136x512xf32>
    %get3A_1966 = arith.constant 0 : index
    %get3A_1967 = arith.constant 0 : index
    %get3A_1968 = vector.load %arg48[%get3A_1966, %get3A_1967] : memref<1x512xf32, #tpu.memory_space<vmem>>, vector<1x512xf32>
    %get3A_1969 = arith.constant 0 : index
    %get3A_1970 = arith.constant 0 : index
    %get3A_1971 = vector.load %arg49[%get3A_1969, %get3A_1970] : memref<1x512xf32, #tpu.memory_space<vmem>>, vector<1x512xf32>
    %reduce_sum3A_1972 = arith.constant dense<0.000000e+00> : vector<136xf32>
    %reduce_sum3A_1973 = vector.multi_reduction <add>, %add3A_1965, %reduce_sum3A_1972 [1] : vector<136x512xf32> to vector<136xf32>
    %broadcast_in_dim3A_1974 = vector.shape_cast %reduce_sum3A_1973 : vector<136xf32> to vector<136x1xf32>
    %div3A_1975 = arith.constant 5.120000e+02 : f32
    %div3A_1976 = vector.broadcast %div3A_1975 : f32 to vector<136x1xf32>
    %div3A_1977 = arith.divf %broadcast_in_dim3A_1974, %div3A_1976 : vector<136x1xf32>
    %sub3A_1978 = vector.broadcast %div3A_1977 : vector<136x1xf32> to vector<136x512xf32>
    %sub3A_1979 = arith.subf %add3A_1965, %sub3A_1978 : vector<136x512xf32>
    %integer_pow3A_1980 = arith.mulf %sub3A_1979, %sub3A_1979 : vector<136x512xf32>
    %reduce_sum3A_1981 = arith.constant dense<0.000000e+00> : vector<136xf32>
    %reduce_sum3A_1982 = vector.multi_reduction <add>, %integer_pow3A_1980, %reduce_sum3A_1981 [1] : vector<136x512xf32> to vector<136xf32>
    %broadcast_in_dim3A_1983 = vector.shape_cast %reduce_sum3A_1982 : vector<136xf32> to vector<136x1xf32>
    %div3A_1984 = arith.constant 5.120000e+02 : f32
    %div3A_1985 = vector.broadcast %div3A_1984 : f32 to vector<136x1xf32>
    %div3A_1986 = arith.divf %broadcast_in_dim3A_1983, %div3A_1985 : vector<136x1xf32>
    %sub3A_1987 = vector.broadcast %div3A_1977 : vector<136x1xf32> to vector<136x512xf32>
    %sub3A_1988 = arith.subf %add3A_1965, %sub3A_1987 : vector<136x512xf32>
    %add3A_1989 = arith.constant 9.99999974E-6 : f32
    %add3A_1990 = vector.broadcast %add3A_1989 : f32 to vector<136x1xf32>
    %add3A_1991 = arith.addf %div3A_1986, %add3A_1990 : vector<136x1xf32>
    %sqrt3A_1992 = math.sqrt %add3A_1991 : vector<136x1xf32>
    %div3A_1993 = vector.broadcast %sqrt3A_1992 : vector<136x1xf32> to vector<136x512xf32>
    %div3A_1994 = arith.divf %sub3A_1988, %div3A_1993 : vector<136x512xf32>
    %mul3A_1995 = vector.broadcast %get3A_1968 : vector<1x512xf32> to vector<136x512xf32>
    %mul3A_1996 = arith.mulf %div3A_1994, %mul3A_1995 : vector<136x512xf32>
    %add3A_1997 = vector.broadcast %get3A_1971 : vector<1x512xf32> to vector<136x512xf32>
    %add3A_1998 = arith.addf %mul3A_1996, %add3A_1997 : vector<136x512xf32>
    %add3A_1999 = arith.addf %add3A_1672, %add3A_1920 : vector<136x512xf32>
    %get3A_2000 = arith.constant 0 : index
    %get3A_2001 = arith.constant 0 : index
    %get3A_2002 = vector.load %arg48[%get3A_2000, %get3A_2001] : memref<1x512xf32, #tpu.memory_space<vmem>>, vector<1x512xf32>
    %get3A_2003 = arith.constant 0 : index
    %get3A_2004 = arith.constant 0 : index
    %get3A_2005 = vector.load %arg49[%get3A_2003, %get3A_2004] : memref<1x512xf32, #tpu.memory_space<vmem>>, vector<1x512xf32>
    %reduce_sum3A_2006 = arith.constant dense<0.000000e+00> : vector<136xf32>
    %reduce_sum3A_2007 = vector.multi_reduction <add>, %add3A_1999, %reduce_sum3A_2006 [1] : vector<136x512xf32> to vector<136xf32>
    %broadcast_in_dim3A_2008 = vector.shape_cast %reduce_sum3A_2007 : vector<136xf32> to vector<136x1xf32>
    %div3A_2009 = arith.constant 5.120000e+02 : f32
    %div3A_2010 = vector.broadcast %div3A_2009 : f32 to vector<136x1xf32>
    %div3A_2011 = arith.divf %broadcast_in_dim3A_2008, %div3A_2010 : vector<136x1xf32>
    %sub3A_2012 = vector.broadcast %div3A_2011 : vector<136x1xf32> to vector<136x512xf32>
    %sub3A_2013 = arith.subf %add3A_1999, %sub3A_2012 : vector<136x512xf32>
    %integer_pow3A_2014 = arith.mulf %sub3A_2013, %sub3A_2013 : vector<136x512xf32>
    %reduce_sum3A_2015 = arith.constant dense<0.000000e+00> : vector<136xf32>
    %reduce_sum3A_2016 = vector.multi_reduction <add>, %integer_pow3A_2014, %reduce_sum3A_2015 [1] : vector<136x512xf32> to vector<136xf32>
    %broadcast_in_dim3A_2017 = vector.shape_cast %reduce_sum3A_2016 : vector<136xf32> to vector<136x1xf32>
    %div3A_2018 = arith.constant 5.120000e+02 : f32
    %div3A_2019 = vector.broadcast %div3A_2018 : f32 to vector<136x1xf32>
    %div3A_2020 = arith.divf %broadcast_in_dim3A_2017, %div3A_2019 : vector<136x1xf32>
    %sub3A_2021 = vector.broadcast %div3A_2011 : vector<136x1xf32> to vector<136x512xf32>
    %sub3A_2022 = arith.subf %add3A_1999, %sub3A_2021 : vector<136x512xf32>
    %add3A_2023 = arith.constant 9.99999974E-6 : f32
    %add3A_2024 = vector.broadcast %add3A_2023 : f32 to vector<136x1xf32>
    %add3A_2025 = arith.addf %div3A_2020, %add3A_2024 : vector<136x1xf32>
    %sqrt3A_2026 = math.sqrt %add3A_2025 : vector<136x1xf32>
    %div3A_2027 = vector.broadcast %sqrt3A_2026 : vector<136x1xf32> to vector<136x512xf32>
    %div3A_2028 = arith.divf %sub3A_2022, %div3A_2027 : vector<136x512xf32>
    %mul3A_2029 = vector.broadcast %get3A_2002 : vector<1x512xf32> to vector<136x512xf32>
    %mul3A_2030 = arith.mulf %div3A_2028, %mul3A_2029 : vector<136x512xf32>
    %add3A_2031 = vector.broadcast %get3A_2005 : vector<1x512xf32> to vector<136x512xf32>
    %add3A_2032 = arith.addf %mul3A_2030, %add3A_2031 : vector<136x512xf32>
    %add3A_2033 = arith.addf %add3A_1674, %add3A_1930 : vector<136x512xf32>
    %get3A_2034 = arith.constant 0 : index
    %get3A_2035 = arith.constant 0 : index
    %get3A_2036 = vector.load %arg48[%get3A_2034, %get3A_2035] : memref<1x512xf32, #tpu.memory_space<vmem>>, vector<1x512xf32>
    %get3A_2037 = arith.constant 0 : index
    %get3A_2038 = arith.constant 0 : index
    %get3A_2039 = vector.load %arg49[%get3A_2037, %get3A_2038] : memref<1x512xf32, #tpu.memory_space<vmem>>, vector<1x512xf32>
    %reduce_sum3A_2040 = arith.constant dense<0.000000e+00> : vector<136xf32>
    %reduce_sum3A_2041 = vector.multi_reduction <add>, %add3A_2033, %reduce_sum3A_2040 [1] : vector<136x512xf32> to vector<136xf32>
    %broadcast_in_dim3A_2042 = vector.shape_cast %reduce_sum3A_2041 : vector<136xf32> to vector<136x1xf32>
    %div3A_2043 = arith.constant 5.120000e+02 : f32
    %div3A_2044 = vector.broadcast %div3A_2043 : f32 to vector<136x1xf32>
    %div3A_2045 = arith.divf %broadcast_in_dim3A_2042, %div3A_2044 : vector<136x1xf32>
    %sub3A_2046 = vector.broadcast %div3A_2045 : vector<136x1xf32> to vector<136x512xf32>
    %sub3A_2047 = arith.subf %add3A_2033, %sub3A_2046 : vector<136x512xf32>
    %integer_pow3A_2048 = arith.mulf %sub3A_2047, %sub3A_2047 : vector<136x512xf32>
    %reduce_sum3A_2049 = arith.constant dense<0.000000e+00> : vector<136xf32>
    %reduce_sum3A_2050 = vector.multi_reduction <add>, %integer_pow3A_2048, %reduce_sum3A_2049 [1] : vector<136x512xf32> to vector<136xf32>
    %broadcast_in_dim3A_2051 = vector.shape_cast %reduce_sum3A_2050 : vector<136xf32> to vector<136x1xf32>
    %div3A_2052 = arith.constant 5.120000e+02 : f32
    %div3A_2053 = vector.broadcast %div3A_2052 : f32 to vector<136x1xf32>
    %div3A_2054 = arith.divf %broadcast_in_dim3A_2051, %div3A_2053 : vector<136x1xf32>
    %sub3A_2055 = vector.broadcast %div3A_2045 : vector<136x1xf32> to vector<136x512xf32>
    %sub3A_2056 = arith.subf %add3A_2033, %sub3A_2055 : vector<136x512xf32>
    %add3A_2057 = arith.constant 9.99999974E-6 : f32
    %add3A_2058 = vector.broadcast %add3A_2057 : f32 to vector<136x1xf32>
    %add3A_2059 = arith.addf %div3A_2054, %add3A_2058 : vector<136x1xf32>
    %sqrt3A_2060 = math.sqrt %add3A_2059 : vector<136x1xf32>
    %div3A_2061 = vector.broadcast %sqrt3A_2060 : vector<136x1xf32> to vector<136x512xf32>
    %div3A_2062 = arith.divf %sub3A_2056, %div3A_2061 : vector<136x512xf32>
    %mul3A_2063 = vector.broadcast %get3A_2036 : vector<1x512xf32> to vector<136x512xf32>
    %mul3A_2064 = arith.mulf %div3A_2062, %mul3A_2063 : vector<136x512xf32>
    %add3A_2065 = vector.broadcast %get3A_2039 : vector<1x512xf32> to vector<136x512xf32>
    %add3A_2066 = arith.addf %mul3A_2064, %add3A_2065 : vector<136x512xf32>
    %get3A_2067 = arith.constant 0 : index
    %get3A_2068 = arith.constant 0 : index
    %get3A_2069 = vector.load %arg50[%get3A_2067, %get3A_2068] : memref<512x512xf32, #tpu.memory_space<vmem>>, vector<512x512xf32>
    %dot_general3A_2070 = arith.constant dense<0.000000e+00> : vector<136x512xf32>
    %dot_general3A_2071 = tpu.matmul %add3A_1964, %get3A_2069, %dot_general3A_2070 {dimension_numbers = #tpu.dot_dimension_numbers<[1], [0], [0], [1], [0, 0, 1, 1], [], []>, transpose_lhs_hint = false} : vector<136x512xf32>, vector<512x512xf32>, vector<136x512xf32> -> vector<136x512xf32>
    %get3A_2072 = arith.constant 0 : index
    %get3A_2073 = arith.constant 0 : index
    %get3A_2074 = vector.load %arg51[%get3A_2072, %get3A_2073] : memref<1x512xf32, #tpu.memory_space<vmem>>, vector<1x512xf32>
    %add3A_2075 = vector.broadcast %get3A_2074 : vector<1x512xf32> to vector<136x512xf32>
    %add3A_2076 = arith.addf %dot_general3A_2071, %add3A_2075 : vector<136x512xf32>
    %mul3A_2077 = arith.constant 5.000000e-01 : f32
    %mul3A_2078 = vector.broadcast %mul3A_2077 : f32 to vector<136x512xf32>
    %mul3A_2079 = arith.mulf %add3A_2076, %mul3A_2078 : vector<136x512xf32>
    %mul3A_2080 = arith.constant 0.707106769 : f32
    %mul3A_2081 = vector.broadcast %mul3A_2080 : f32 to vector<136x512xf32>
    %mul3A_2082 = arith.mulf %add3A_2076, %mul3A_2081 : vector<136x512xf32>
    %erf3A_2083 = math.erf %mul3A_2082 : vector<136x512xf32>
    %add3A_2084 = arith.constant 1.000000e+00 : f32
    %add3A_2085 = vector.broadcast %add3A_2084 : f32 to vector<136x512xf32>
    %add3A_2086 = arith.addf %add3A_2085, %erf3A_2083 : vector<136x512xf32>
    %mul3A_2087 = arith.mulf %mul3A_2079, %add3A_2086 : vector<136x512xf32>
    %get3A_2088 = arith.constant 0 : index
    %get3A_2089 = arith.constant 0 : index
    %get3A_2090 = vector.load %arg50[%get3A_2088, %get3A_2089] : memref<512x512xf32, #tpu.memory_space<vmem>>, vector<512x512xf32>
    %dot_general3A_2091 = arith.constant dense<0.000000e+00> : vector<136x512xf32>
    %dot_general3A_2092 = tpu.matmul %add3A_1998, %get3A_2090, %dot_general3A_2091 {dimension_numbers = #tpu.dot_dimension_numbers<[1], [0], [0], [1], [0, 0, 1, 1], [], []>, transpose_lhs_hint = false} : vector<136x512xf32>, vector<512x512xf32>, vector<136x512xf32> -> vector<136x512xf32>
    %get3A_2093 = arith.constant 0 : index
    %get3A_2094 = arith.constant 0 : index
    %get3A_2095 = vector.load %arg51[%get3A_2093, %get3A_2094] : memref<1x512xf32, #tpu.memory_space<vmem>>, vector<1x512xf32>
    %add3A_2096 = vector.broadcast %get3A_2095 : vector<1x512xf32> to vector<136x512xf32>
    %add3A_2097 = arith.addf %dot_general3A_2092, %add3A_2096 : vector<136x512xf32>
    %mul3A_2098 = arith.constant 5.000000e-01 : f32
    %mul3A_2099 = vector.broadcast %mul3A_2098 : f32 to vector<136x512xf32>
    %mul3A_2100 = arith.mulf %add3A_2097, %mul3A_2099 : vector<136x512xf32>
    %mul3A_2101 = arith.constant 0.707106769 : f32
    %mul3A_2102 = vector.broadcast %mul3A_2101 : f32 to vector<136x512xf32>
    %mul3A_2103 = arith.mulf %add3A_2097, %mul3A_2102 : vector<136x512xf32>
    %erf3A_2104 = math.erf %mul3A_2103 : vector<136x512xf32>
    %add3A_2105 = arith.constant 1.000000e+00 : f32
    %add3A_2106 = vector.broadcast %add3A_2105 : f32 to vector<136x512xf32>
    %add3A_2107 = arith.addf %add3A_2106, %erf3A_2104 : vector<136x512xf32>
    %mul3A_2108 = arith.mulf %mul3A_2100, %add3A_2107 : vector<136x512xf32>
    %get3A_2109 = arith.constant 0 : index
    %get3A_2110 = arith.constant 0 : index
    %get3A_2111 = vector.load %arg50[%get3A_2109, %get3A_2110] : memref<512x512xf32, #tpu.memory_space<vmem>>, vector<512x512xf32>
    %dot_general3A_2112 = arith.constant dense<0.000000e+00> : vector<136x512xf32>
    %dot_general3A_2113 = tpu.matmul %add3A_2032, %get3A_2111, %dot_general3A_2112 {dimension_numbers = #tpu.dot_dimension_numbers<[1], [0], [0], [1], [0, 0, 1, 1], [], []>, transpose_lhs_hint = false} : vector<136x512xf32>, vector<512x512xf32>, vector<136x512xf32> -> vector<136x512xf32>
    %get3A_2114 = arith.constant 0 : index
    %get3A_2115 = arith.constant 0 : index
    %get3A_2116 = vector.load %arg51[%get3A_2114, %get3A_2115] : memref<1x512xf32, #tpu.memory_space<vmem>>, vector<1x512xf32>
    %add3A_2117 = vector.broadcast %get3A_2116 : vector<1x512xf32> to vector<136x512xf32>
    %add3A_2118 = arith.addf %dot_general3A_2113, %add3A_2117 : vector<136x512xf32>
    %mul3A_2119 = arith.constant 5.000000e-01 : f32
    %mul3A_2120 = vector.broadcast %mul3A_2119 : f32 to vector<136x512xf32>
    %mul3A_2121 = arith.mulf %add3A_2118, %mul3A_2120 : vector<136x512xf32>
    %mul3A_2122 = arith.constant 0.707106769 : f32
    %mul3A_2123 = vector.broadcast %mul3A_2122 : f32 to vector<136x512xf32>
    %mul3A_2124 = arith.mulf %add3A_2118, %mul3A_2123 : vector<136x512xf32>
    %erf3A_2125 = math.erf %mul3A_2124 : vector<136x512xf32>
    %add3A_2126 = arith.constant 1.000000e+00 : f32
    %add3A_2127 = vector.broadcast %add3A_2126 : f32 to vector<136x512xf32>
    %add3A_2128 = arith.addf %add3A_2127, %erf3A_2125 : vector<136x512xf32>
    %mul3A_2129 = arith.mulf %mul3A_2121, %add3A_2128 : vector<136x512xf32>
    %get3A_2130 = arith.constant 0 : index
    %get3A_2131 = arith.constant 0 : index
    %get3A_2132 = vector.load %arg50[%get3A_2130, %get3A_2131] : memref<512x512xf32, #tpu.memory_space<vmem>>, vector<512x512xf32>
    %dot_general3A_2133 = arith.constant dense<0.000000e+00> : vector<136x512xf32>
    %dot_general3A_2134 = tpu.matmul %add3A_2066, %get3A_2132, %dot_general3A_2133 {dimension_numbers = #tpu.dot_dimension_numbers<[1], [0], [0], [1], [0, 0, 1, 1], [], []>, transpose_lhs_hint = false} : vector<136x512xf32>, vector<512x512xf32>, vector<136x512xf32> -> vector<136x512xf32>
    %get3A_2135 = arith.constant 0 : index
    %get3A_2136 = arith.constant 0 : index
    %get3A_2137 = vector.load %arg51[%get3A_2135, %get3A_2136] : memref<1x512xf32, #tpu.memory_space<vmem>>, vector<1x512xf32>
    %add3A_2138 = vector.broadcast %get3A_2137 : vector<1x512xf32> to vector<136x512xf32>
    %add3A_2139 = arith.addf %dot_general3A_2134, %add3A_2138 : vector<136x512xf32>
    %mul3A_2140 = arith.constant 5.000000e-01 : f32
    %mul3A_2141 = vector.broadcast %mul3A_2140 : f32 to vector<136x512xf32>
    %mul3A_2142 = arith.mulf %add3A_2139, %mul3A_2141 : vector<136x512xf32>
    %mul3A_2143 = arith.constant 0.707106769 : f32
    %mul3A_2144 = vector.broadcast %mul3A_2143 : f32 to vector<136x512xf32>
    %mul3A_2145 = arith.mulf %add3A_2139, %mul3A_2144 : vector<136x512xf32>
    %erf3A_2146 = math.erf %mul3A_2145 : vector<136x512xf32>
    %add3A_2147 = arith.constant 1.000000e+00 : f32
    %add3A_2148 = vector.broadcast %add3A_2147 : f32 to vector<136x512xf32>
    %add3A_2149 = arith.addf %add3A_2148, %erf3A_2146 : vector<136x512xf32>
    %mul3A_2150 = arith.mulf %mul3A_2142, %add3A_2149 : vector<136x512xf32>
    %get3A_2151 = arith.constant 0 : index
    %get3A_2152 = arith.constant 0 : index
    %get3A_2153 = vector.load %arg52[%get3A_2151, %get3A_2152] : memref<512x512xf32, #tpu.memory_space<vmem>>, vector<512x512xf32>
    %dot_general3A_2154 = arith.constant dense<0.000000e+00> : vector<136x512xf32>
    %dot_general3A_2155 = tpu.matmul %mul3A_2087, %get3A_2153, %dot_general3A_2154 {dimension_numbers = #tpu.dot_dimension_numbers<[1], [0], [0], [1], [0, 0, 1, 1], [], []>, transpose_lhs_hint = false} : vector<136x512xf32>, vector<512x512xf32>, vector<136x512xf32> -> vector<136x512xf32>
    %get3A_2156 = arith.constant 0 : index
    %get3A_2157 = arith.constant 0 : index
    %get3A_2158 = vector.load %arg53[%get3A_2156, %get3A_2157] : memref<1x512xf32, #tpu.memory_space<vmem>>, vector<1x512xf32>
    %add3A_2159 = vector.broadcast %get3A_2158 : vector<1x512xf32> to vector<136x512xf32>
    %add3A_2160 = arith.addf %dot_general3A_2155, %add3A_2159 : vector<136x512xf32>
    %get3A_2161 = arith.constant 0 : index
    %get3A_2162 = arith.constant 0 : index
    %get3A_2163 = vector.load %arg52[%get3A_2161, %get3A_2162] : memref<512x512xf32, #tpu.memory_space<vmem>>, vector<512x512xf32>
    %dot_general3A_2164 = arith.constant dense<0.000000e+00> : vector<136x512xf32>
    %dot_general3A_2165 = tpu.matmul %mul3A_2108, %get3A_2163, %dot_general3A_2164 {dimension_numbers = #tpu.dot_dimension_numbers<[1], [0], [0], [1], [0, 0, 1, 1], [], []>, transpose_lhs_hint = false} : vector<136x512xf32>, vector<512x512xf32>, vector<136x512xf32> -> vector<136x512xf32>
    %get3A_2166 = arith.constant 0 : index
    %get3A_2167 = arith.constant 0 : index
    %get3A_2168 = vector.load %arg53[%get3A_2166, %get3A_2167] : memref<1x512xf32, #tpu.memory_space<vmem>>, vector<1x512xf32>
    %add3A_2169 = vector.broadcast %get3A_2168 : vector<1x512xf32> to vector<136x512xf32>
    %add3A_2170 = arith.addf %dot_general3A_2165, %add3A_2169 : vector<136x512xf32>
    %get3A_2171 = arith.constant 0 : index
    %get3A_2172 = arith.constant 0 : index
    %get3A_2173 = vector.load %arg52[%get3A_2171, %get3A_2172] : memref<512x512xf32, #tpu.memory_space<vmem>>, vector<512x512xf32>
    %dot_general3A_2174 = arith.constant dense<0.000000e+00> : vector<136x512xf32>
    %dot_general3A_2175 = tpu.matmul %mul3A_2129, %get3A_2173, %dot_general3A_2174 {dimension_numbers = #tpu.dot_dimension_numbers<[1], [0], [0], [1], [0, 0, 1, 1], [], []>, transpose_lhs_hint = false} : vector<136x512xf32>, vector<512x512xf32>, vector<136x512xf32> -> vector<136x512xf32>
    %get3A_2176 = arith.constant 0 : index
    %get3A_2177 = arith.constant 0 : index
    %get3A_2178 = vector.load %arg53[%get3A_2176, %get3A_2177] : memref<1x512xf32, #tpu.memory_space<vmem>>, vector<1x512xf32>
    %add3A_2179 = vector.broadcast %get3A_2178 : vector<1x512xf32> to vector<136x512xf32>
    %add3A_2180 = arith.addf %dot_general3A_2175, %add3A_2179 : vector<136x512xf32>
    %get3A_2181 = arith.constant 0 : index
    %get3A_2182 = arith.constant 0 : index
    %get3A_2183 = vector.load %arg52[%get3A_2181, %get3A_2182] : memref<512x512xf32, #tpu.memory_space<vmem>>, vector<512x512xf32>
    %dot_general3A_2184 = arith.constant dense<0.000000e+00> : vector<136x512xf32>
    %dot_general3A_2185 = tpu.matmul %mul3A_2150, %get3A_2183, %dot_general3A_2184 {dimension_numbers = #tpu.dot_dimension_numbers<[1], [0], [0], [1], [0, 0, 1, 1], [], []>, transpose_lhs_hint = false} : vector<136x512xf32>, vector<512x512xf32>, vector<136x512xf32> -> vector<136x512xf32>
    %get3A_2186 = arith.constant 0 : index
    %get3A_2187 = arith.constant 0 : index
    %get3A_2188 = vector.load %arg53[%get3A_2186, %get3A_2187] : memref<1x512xf32, #tpu.memory_space<vmem>>, vector<1x512xf32>
    %add3A_2189 = vector.broadcast %get3A_2188 : vector<1x512xf32> to vector<136x512xf32>
    %add3A_2190 = arith.addf %dot_general3A_2185, %add3A_2189 : vector<136x512xf32>
    %add3A_2191 = arith.addf %add3A_1668, %add3A_1900 : vector<136x512xf32>
    %add3A_2192 = arith.addf %add3A_2191, %add3A_2160 : vector<136x512xf32>
    %add3A_2193 = arith.addf %add3A_1670, %add3A_1910 : vector<136x512xf32>
    %add3A_2194 = arith.addf %add3A_2193, %add3A_2170 : vector<136x512xf32>
    %add3A_2195 = arith.addf %add3A_1672, %add3A_1920 : vector<136x512xf32>
    %add3A_2196 = arith.addf %add3A_2195, %add3A_2180 : vector<136x512xf32>
    %add3A_2197 = arith.addf %add3A_1674, %add3A_1930 : vector<136x512xf32>
    %add3A_2198 = arith.addf %add3A_2197, %add3A_2190 : vector<136x512xf32>
    %get3A_2199 = arith.constant 0 : index
    %get3A_2200 = arith.constant 0 : index
    %get3A_2201 = vector.load %arg54[%get3A_2199, %get3A_2200] : memref<1x512xf32, #tpu.memory_space<vmem>>, vector<1x512xf32>
    %get3A_2202 = arith.constant 0 : index
    %get3A_2203 = arith.constant 0 : index
    %get3A_2204 = vector.load %arg55[%get3A_2202, %get3A_2203] : memref<1x512xf32, #tpu.memory_space<vmem>>, vector<1x512xf32>
    %reduce_sum3A_2205 = arith.constant dense<0.000000e+00> : vector<136xf32>
    %reduce_sum3A_2206 = vector.multi_reduction <add>, %add3A_2192, %reduce_sum3A_2205 [1] : vector<136x512xf32> to vector<136xf32>
    %broadcast_in_dim3A_2207 = vector.shape_cast %reduce_sum3A_2206 : vector<136xf32> to vector<136x1xf32>
    %div3A_2208 = arith.constant 5.120000e+02 : f32
    %div3A_2209 = vector.broadcast %div3A_2208 : f32 to vector<136x1xf32>
    %div3A_2210 = arith.divf %broadcast_in_dim3A_2207, %div3A_2209 : vector<136x1xf32>
    %sub3A_2211 = vector.broadcast %div3A_2210 : vector<136x1xf32> to vector<136x512xf32>
    %sub3A_2212 = arith.subf %add3A_2192, %sub3A_2211 : vector<136x512xf32>
    %integer_pow3A_2213 = arith.mulf %sub3A_2212, %sub3A_2212 : vector<136x512xf32>
    %reduce_sum3A_2214 = arith.constant dense<0.000000e+00> : vector<136xf32>
    %reduce_sum3A_2215 = vector.multi_reduction <add>, %integer_pow3A_2213, %reduce_sum3A_2214 [1] : vector<136x512xf32> to vector<136xf32>
    %broadcast_in_dim3A_2216 = vector.shape_cast %reduce_sum3A_2215 : vector<136xf32> to vector<136x1xf32>
    %div3A_2217 = arith.constant 5.120000e+02 : f32
    %div3A_2218 = vector.broadcast %div3A_2217 : f32 to vector<136x1xf32>
    %div3A_2219 = arith.divf %broadcast_in_dim3A_2216, %div3A_2218 : vector<136x1xf32>
    %sub3A_2220 = vector.broadcast %div3A_2210 : vector<136x1xf32> to vector<136x512xf32>
    %sub3A_2221 = arith.subf %add3A_2192, %sub3A_2220 : vector<136x512xf32>
    %add3A_2222 = arith.constant 9.99999974E-6 : f32
    %add3A_2223 = vector.broadcast %add3A_2222 : f32 to vector<136x1xf32>
    %add3A_2224 = arith.addf %div3A_2219, %add3A_2223 : vector<136x1xf32>
    %sqrt3A_2225 = math.sqrt %add3A_2224 : vector<136x1xf32>
    %div3A_2226 = vector.broadcast %sqrt3A_2225 : vector<136x1xf32> to vector<136x512xf32>
    %div3A_2227 = arith.divf %sub3A_2221, %div3A_2226 : vector<136x512xf32>
    %mul3A_2228 = vector.broadcast %get3A_2201 : vector<1x512xf32> to vector<136x512xf32>
    %mul3A_2229 = arith.mulf %div3A_2227, %mul3A_2228 : vector<136x512xf32>
    %add3A_2230 = vector.broadcast %get3A_2204 : vector<1x512xf32> to vector<136x512xf32>
    %add3A_2231 = arith.addf %mul3A_2229, %add3A_2230 : vector<136x512xf32>
    %get3A_2232 = arith.constant 0 : index
    %get3A_2233 = arith.constant 0 : index
    %get3A_2234 = vector.load %arg54[%get3A_2232, %get3A_2233] : memref<1x512xf32, #tpu.memory_space<vmem>>, vector<1x512xf32>
    %get3A_2235 = arith.constant 0 : index
    %get3A_2236 = arith.constant 0 : index
    %get3A_2237 = vector.load %arg55[%get3A_2235, %get3A_2236] : memref<1x512xf32, #tpu.memory_space<vmem>>, vector<1x512xf32>
    %reduce_sum3A_2238 = arith.constant dense<0.000000e+00> : vector<136xf32>
    %reduce_sum3A_2239 = vector.multi_reduction <add>, %add3A_2194, %reduce_sum3A_2238 [1] : vector<136x512xf32> to vector<136xf32>
    %broadcast_in_dim3A_2240 = vector.shape_cast %reduce_sum3A_2239 : vector<136xf32> to vector<136x1xf32>
    %div3A_2241 = arith.constant 5.120000e+02 : f32
    %div3A_2242 = vector.broadcast %div3A_2241 : f32 to vector<136x1xf32>
    %div3A_2243 = arith.divf %broadcast_in_dim3A_2240, %div3A_2242 : vector<136x1xf32>
    %sub3A_2244 = vector.broadcast %div3A_2243 : vector<136x1xf32> to vector<136x512xf32>
    %sub3A_2245 = arith.subf %add3A_2194, %sub3A_2244 : vector<136x512xf32>
    %integer_pow3A_2246 = arith.mulf %sub3A_2245, %sub3A_2245 : vector<136x512xf32>
    %reduce_sum3A_2247 = arith.constant dense<0.000000e+00> : vector<136xf32>
    %reduce_sum3A_2248 = vector.multi_reduction <add>, %integer_pow3A_2246, %reduce_sum3A_2247 [1] : vector<136x512xf32> to vector<136xf32>
    %broadcast_in_dim3A_2249 = vector.shape_cast %reduce_sum3A_2248 : vector<136xf32> to vector<136x1xf32>
    %div3A_2250 = arith.constant 5.120000e+02 : f32
    %div3A_2251 = vector.broadcast %div3A_2250 : f32 to vector<136x1xf32>
    %div3A_2252 = arith.divf %broadcast_in_dim3A_2249, %div3A_2251 : vector<136x1xf32>
    %sub3A_2253 = vector.broadcast %div3A_2243 : vector<136x1xf32> to vector<136x512xf32>
    %sub3A_2254 = arith.subf %add3A_2194, %sub3A_2253 : vector<136x512xf32>
    %add3A_2255 = arith.constant 9.99999974E-6 : f32
    %add3A_2256 = vector.broadcast %add3A_2255 : f32 to vector<136x1xf32>
    %add3A_2257 = arith.addf %div3A_2252, %add3A_2256 : vector<136x1xf32>
    %sqrt3A_2258 = math.sqrt %add3A_2257 : vector<136x1xf32>
    %div3A_2259 = vector.broadcast %sqrt3A_2258 : vector<136x1xf32> to vector<136x512xf32>
    %div3A_2260 = arith.divf %sub3A_2254, %div3A_2259 : vector<136x512xf32>
    %mul3A_2261 = vector.broadcast %get3A_2234 : vector<1x512xf32> to vector<136x512xf32>
    %mul3A_2262 = arith.mulf %div3A_2260, %mul3A_2261 : vector<136x512xf32>
    %add3A_2263 = vector.broadcast %get3A_2237 : vector<1x512xf32> to vector<136x512xf32>
    %add3A_2264 = arith.addf %mul3A_2262, %add3A_2263 : vector<136x512xf32>
    %get3A_2265 = arith.constant 0 : index
    %get3A_2266 = arith.constant 0 : index
    %get3A_2267 = vector.load %arg54[%get3A_2265, %get3A_2266] : memref<1x512xf32, #tpu.memory_space<vmem>>, vector<1x512xf32>
    %get3A_2268 = arith.constant 0 : index
    %get3A_2269 = arith.constant 0 : index
    %get3A_2270 = vector.load %arg55[%get3A_2268, %get3A_2269] : memref<1x512xf32, #tpu.memory_space<vmem>>, vector<1x512xf32>
    %reduce_sum3A_2271 = arith.constant dense<0.000000e+00> : vector<136xf32>
    %reduce_sum3A_2272 = vector.multi_reduction <add>, %add3A_2196, %reduce_sum3A_2271 [1] : vector<136x512xf32> to vector<136xf32>
    %broadcast_in_dim3A_2273 = vector.shape_cast %reduce_sum3A_2272 : vector<136xf32> to vector<136x1xf32>
    %div3A_2274 = arith.constant 5.120000e+02 : f32
    %div3A_2275 = vector.broadcast %div3A_2274 : f32 to vector<136x1xf32>
    %div3A_2276 = arith.divf %broadcast_in_dim3A_2273, %div3A_2275 : vector<136x1xf32>
    %sub3A_2277 = vector.broadcast %div3A_2276 : vector<136x1xf32> to vector<136x512xf32>
    %sub3A_2278 = arith.subf %add3A_2196, %sub3A_2277 : vector<136x512xf32>
    %integer_pow3A_2279 = arith.mulf %sub3A_2278, %sub3A_2278 : vector<136x512xf32>
    %reduce_sum3A_2280 = arith.constant dense<0.000000e+00> : vector<136xf32>
    %reduce_sum3A_2281 = vector.multi_reduction <add>, %integer_pow3A_2279, %reduce_sum3A_2280 [1] : vector<136x512xf32> to vector<136xf32>
    %broadcast_in_dim3A_2282 = vector.shape_cast %reduce_sum3A_2281 : vector<136xf32> to vector<136x1xf32>
    %div3A_2283 = arith.constant 5.120000e+02 : f32
    %div3A_2284 = vector.broadcast %div3A_2283 : f32 to vector<136x1xf32>
    %div3A_2285 = arith.divf %broadcast_in_dim3A_2282, %div3A_2284 : vector<136x1xf32>
    %sub3A_2286 = vector.broadcast %div3A_2276 : vector<136x1xf32> to vector<136x512xf32>
    %sub3A_2287 = arith.subf %add3A_2196, %sub3A_2286 : vector<136x512xf32>
    %add3A_2288 = arith.constant 9.99999974E-6 : f32
    %add3A_2289 = vector.broadcast %add3A_2288 : f32 to vector<136x1xf32>
    %add3A_2290 = arith.addf %div3A_2285, %add3A_2289 : vector<136x1xf32>
    %sqrt3A_2291 = math.sqrt %add3A_2290 : vector<136x1xf32>
    %div3A_2292 = vector.broadcast %sqrt3A_2291 : vector<136x1xf32> to vector<136x512xf32>
    %div3A_2293 = arith.divf %sub3A_2287, %div3A_2292 : vector<136x512xf32>
    %mul3A_2294 = vector.broadcast %get3A_2267 : vector<1x512xf32> to vector<136x512xf32>
    %mul3A_2295 = arith.mulf %div3A_2293, %mul3A_2294 : vector<136x512xf32>
    %add3A_2296 = vector.broadcast %get3A_2270 : vector<1x512xf32> to vector<136x512xf32>
    %add3A_2297 = arith.addf %mul3A_2295, %add3A_2296 : vector<136x512xf32>
    %get3A_2298 = arith.constant 0 : index
    %get3A_2299 = arith.constant 0 : index
    %get3A_2300 = vector.load %arg54[%get3A_2298, %get3A_2299] : memref<1x512xf32, #tpu.memory_space<vmem>>, vector<1x512xf32>
    %get3A_2301 = arith.constant 0 : index
    %get3A_2302 = arith.constant 0 : index
    %get3A_2303 = vector.load %arg55[%get3A_2301, %get3A_2302] : memref<1x512xf32, #tpu.memory_space<vmem>>, vector<1x512xf32>
    %reduce_sum3A_2304 = arith.constant dense<0.000000e+00> : vector<136xf32>
    %reduce_sum3A_2305 = vector.multi_reduction <add>, %add3A_2198, %reduce_sum3A_2304 [1] : vector<136x512xf32> to vector<136xf32>
    %broadcast_in_dim3A_2306 = vector.shape_cast %reduce_sum3A_2305 : vector<136xf32> to vector<136x1xf32>
    %div3A_2307 = arith.constant 5.120000e+02 : f32
    %div3A_2308 = vector.broadcast %div3A_2307 : f32 to vector<136x1xf32>
    %div3A_2309 = arith.divf %broadcast_in_dim3A_2306, %div3A_2308 : vector<136x1xf32>
    %sub3A_2310 = vector.broadcast %div3A_2309 : vector<136x1xf32> to vector<136x512xf32>
    %sub3A_2311 = arith.subf %add3A_2198, %sub3A_2310 : vector<136x512xf32>
    %integer_pow3A_2312 = arith.mulf %sub3A_2311, %sub3A_2311 : vector<136x512xf32>
    %reduce_sum3A_2313 = arith.constant dense<0.000000e+00> : vector<136xf32>
    %reduce_sum3A_2314 = vector.multi_reduction <add>, %integer_pow3A_2312, %reduce_sum3A_2313 [1] : vector<136x512xf32> to vector<136xf32>
    %broadcast_in_dim3A_2315 = vector.shape_cast %reduce_sum3A_2314 : vector<136xf32> to vector<136x1xf32>
    %div3A_2316 = arith.constant 5.120000e+02 : f32
    %div3A_2317 = vector.broadcast %div3A_2316 : f32 to vector<136x1xf32>
    %div3A_2318 = arith.divf %broadcast_in_dim3A_2315, %div3A_2317 : vector<136x1xf32>
    %sub3A_2319 = vector.broadcast %div3A_2309 : vector<136x1xf32> to vector<136x512xf32>
    %sub3A_2320 = arith.subf %add3A_2198, %sub3A_2319 : vector<136x512xf32>
    %add3A_2321 = arith.constant 9.99999974E-6 : f32
    %add3A_2322 = vector.broadcast %add3A_2321 : f32 to vector<136x1xf32>
    %add3A_2323 = arith.addf %div3A_2318, %add3A_2322 : vector<136x1xf32>
    %sqrt3A_2324 = math.sqrt %add3A_2323 : vector<136x1xf32>
    %div3A_2325 = vector.broadcast %sqrt3A_2324 : vector<136x1xf32> to vector<136x512xf32>
    %div3A_2326 = arith.divf %sub3A_2320, %div3A_2325 : vector<136x512xf32>
    %mul3A_2327 = vector.broadcast %get3A_2300 : vector<1x512xf32> to vector<136x512xf32>
    %mul3A_2328 = arith.mulf %div3A_2326, %mul3A_2327 : vector<136x512xf32>
    %add3A_2329 = vector.broadcast %get3A_2303 : vector<1x512xf32> to vector<136x512xf32>
    %add3A_2330 = arith.addf %mul3A_2328, %add3A_2329 : vector<136x512xf32>
    %get3A_2331 = arith.constant 0 : index
    %get3A_2332 = arith.constant 0 : index
    %get3A_2333 = vector.load %arg56[%get3A_2331, %get3A_2332] : memref<272x136xf32, #tpu.memory_space<vmem>>, vector<272x136xf32>
    %dot_general3A_2334 = arith.constant dense<0.000000e+00> : vector<272x512xf32>
    %dot_general3A_2335 = tpu.matmul %get3A_2333, %add3A_2231, %dot_general3A_2334 {dimension_numbers = #tpu.dot_dimension_numbers<[1], [0], [0], [1], [0, 0, 1, 1], [], []>, transpose_lhs_hint = false} : vector<272x136xf32>, vector<136x512xf32>, vector<272x512xf32> -> vector<272x512xf32>
    %get3A_2336 = arith.constant 0 : index
    %get3A_2337 = arith.constant 0 : index
    %get3A_2338 = vector.load %arg57[%get3A_2336, %get3A_2337] : memref<272x1xf32, #tpu.memory_space<vmem>>, vector<272x1xf32>
    %add3A_2339 = vector.broadcast %get3A_2338 : vector<272x1xf32> to vector<272x512xf32>
    %add3A_2340 = arith.addf %dot_general3A_2335, %add3A_2339 : vector<272x512xf32>
    %get3A_2341 = arith.constant 0 : index
    %get3A_2342 = arith.constant 0 : index
    %get3A_2343 = vector.load %arg56[%get3A_2341, %get3A_2342] : memref<272x136xf32, #tpu.memory_space<vmem>>, vector<272x136xf32>
    %dot_general3A_2344 = arith.constant dense<0.000000e+00> : vector<272x512xf32>
    %dot_general3A_2345 = tpu.matmul %get3A_2343, %add3A_2264, %dot_general3A_2344 {dimension_numbers = #tpu.dot_dimension_numbers<[1], [0], [0], [1], [0, 0, 1, 1], [], []>, transpose_lhs_hint = false} : vector<272x136xf32>, vector<136x512xf32>, vector<272x512xf32> -> vector<272x512xf32>
    %get3A_2346 = arith.constant 0 : index
    %get3A_2347 = arith.constant 0 : index
    %get3A_2348 = vector.load %arg57[%get3A_2346, %get3A_2347] : memref<272x1xf32, #tpu.memory_space<vmem>>, vector<272x1xf32>
    %add3A_2349 = vector.broadcast %get3A_2348 : vector<272x1xf32> to vector<272x512xf32>
    %add3A_2350 = arith.addf %dot_general3A_2345, %add3A_2349 : vector<272x512xf32>
    %get3A_2351 = arith.constant 0 : index
    %get3A_2352 = arith.constant 0 : index
    %get3A_2353 = vector.load %arg56[%get3A_2351, %get3A_2352] : memref<272x136xf32, #tpu.memory_space<vmem>>, vector<272x136xf32>
    %dot_general3A_2354 = arith.constant dense<0.000000e+00> : vector<272x512xf32>
    %dot_general3A_2355 = tpu.matmul %get3A_2353, %add3A_2297, %dot_general3A_2354 {dimension_numbers = #tpu.dot_dimension_numbers<[1], [0], [0], [1], [0, 0, 1, 1], [], []>, transpose_lhs_hint = false} : vector<272x136xf32>, vector<136x512xf32>, vector<272x512xf32> -> vector<272x512xf32>
    %get3A_2356 = arith.constant 0 : index
    %get3A_2357 = arith.constant 0 : index
    %get3A_2358 = vector.load %arg57[%get3A_2356, %get3A_2357] : memref<272x1xf32, #tpu.memory_space<vmem>>, vector<272x1xf32>
    %add3A_2359 = vector.broadcast %get3A_2358 : vector<272x1xf32> to vector<272x512xf32>
    %add3A_2360 = arith.addf %dot_general3A_2355, %add3A_2359 : vector<272x512xf32>
    %get3A_2361 = arith.constant 0 : index
    %get3A_2362 = arith.constant 0 : index
    %get3A_2363 = vector.load %arg56[%get3A_2361, %get3A_2362] : memref<272x136xf32, #tpu.memory_space<vmem>>, vector<272x136xf32>
    %dot_general3A_2364 = arith.constant dense<0.000000e+00> : vector<272x512xf32>
    %dot_general3A_2365 = tpu.matmul %get3A_2363, %add3A_2330, %dot_general3A_2364 {dimension_numbers = #tpu.dot_dimension_numbers<[1], [0], [0], [1], [0, 0, 1, 1], [], []>, transpose_lhs_hint = false} : vector<272x136xf32>, vector<136x512xf32>, vector<272x512xf32> -> vector<272x512xf32>
    %get3A_2366 = arith.constant 0 : index
    %get3A_2367 = arith.constant 0 : index
    %get3A_2368 = vector.load %arg57[%get3A_2366, %get3A_2367] : memref<272x1xf32, #tpu.memory_space<vmem>>, vector<272x1xf32>
    %add3A_2369 = vector.broadcast %get3A_2368 : vector<272x1xf32> to vector<272x512xf32>
    %add3A_2370 = arith.addf %dot_general3A_2365, %add3A_2369 : vector<272x512xf32>
    %get3A_2371 = arith.constant 0 : index
    %get3A_2372 = arith.constant 0 : index
    %get3A_2373 = vector.load %arg58[%get3A_2371, %get3A_2372] : memref<512x512xf32, #tpu.memory_space<vmem>>, vector<512x512xf32>
    %dot_general3A_2374 = arith.constant dense<0.000000e+00> : vector<272x512xf32>
    %dot_general3A_2375 = tpu.matmul %add3A_2340, %get3A_2373, %dot_general3A_2374 {dimension_numbers = #tpu.dot_dimension_numbers<[1], [0], [0], [1], [0, 0, 1, 1], [], []>, transpose_lhs_hint = false} : vector<272x512xf32>, vector<512x512xf32>, vector<272x512xf32> -> vector<272x512xf32>
    %get3A_2376 = arith.constant 0 : index
    %get3A_2377 = arith.constant 0 : index
    %get3A_2378 = vector.load %arg59[%get3A_2376, %get3A_2377] : memref<1x512xf32, #tpu.memory_space<vmem>>, vector<1x512xf32>
    %add3A_2379 = vector.broadcast %get3A_2378 : vector<1x512xf32> to vector<272x512xf32>
    %add3A_2380 = arith.addf %dot_general3A_2375, %add3A_2379 : vector<272x512xf32>
    %get3A_2381 = arith.constant 0 : index
    %get3A_2382 = arith.constant 0 : index
    %get3A_2383 = vector.load %arg58[%get3A_2381, %get3A_2382] : memref<512x512xf32, #tpu.memory_space<vmem>>, vector<512x512xf32>
    %dot_general3A_2384 = arith.constant dense<0.000000e+00> : vector<272x512xf32>
    %dot_general3A_2385 = tpu.matmul %add3A_2350, %get3A_2383, %dot_general3A_2384 {dimension_numbers = #tpu.dot_dimension_numbers<[1], [0], [0], [1], [0, 0, 1, 1], [], []>, transpose_lhs_hint = false} : vector<272x512xf32>, vector<512x512xf32>, vector<272x512xf32> -> vector<272x512xf32>
    %get3A_2386 = arith.constant 0 : index
    %get3A_2387 = arith.constant 0 : index
    %get3A_2388 = vector.load %arg59[%get3A_2386, %get3A_2387] : memref<1x512xf32, #tpu.memory_space<vmem>>, vector<1x512xf32>
    %add3A_2389 = vector.broadcast %get3A_2388 : vector<1x512xf32> to vector<272x512xf32>
    %add3A_2390 = arith.addf %dot_general3A_2385, %add3A_2389 : vector<272x512xf32>
    %get3A_2391 = arith.constant 0 : index
    %get3A_2392 = arith.constant 0 : index
    %get3A_2393 = vector.load %arg58[%get3A_2391, %get3A_2392] : memref<512x512xf32, #tpu.memory_space<vmem>>, vector<512x512xf32>
    %dot_general3A_2394 = arith.constant dense<0.000000e+00> : vector<272x512xf32>
    %dot_general3A_2395 = tpu.matmul %add3A_2360, %get3A_2393, %dot_general3A_2394 {dimension_numbers = #tpu.dot_dimension_numbers<[1], [0], [0], [1], [0, 0, 1, 1], [], []>, transpose_lhs_hint = false} : vector<272x512xf32>, vector<512x512xf32>, vector<272x512xf32> -> vector<272x512xf32>
    %get3A_2396 = arith.constant 0 : index
    %get3A_2397 = arith.constant 0 : index
    %get3A_2398 = vector.load %arg59[%get3A_2396, %get3A_2397] : memref<1x512xf32, #tpu.memory_space<vmem>>, vector<1x512xf32>
    %add3A_2399 = vector.broadcast %get3A_2398 : vector<1x512xf32> to vector<272x512xf32>
    %add3A_2400 = arith.addf %dot_general3A_2395, %add3A_2399 : vector<272x512xf32>
    %get3A_2401 = arith.constant 0 : index
    %get3A_2402 = arith.constant 0 : index
    %get3A_2403 = vector.load %arg58[%get3A_2401, %get3A_2402] : memref<512x512xf32, #tpu.memory_space<vmem>>, vector<512x512xf32>
    %dot_general3A_2404 = arith.constant dense<0.000000e+00> : vector<272x512xf32>
    %dot_general3A_2405 = tpu.matmul %add3A_2370, %get3A_2403, %dot_general3A_2404 {dimension_numbers = #tpu.dot_dimension_numbers<[1], [0], [0], [1], [0, 0, 1, 1], [], []>, transpose_lhs_hint = false} : vector<272x512xf32>, vector<512x512xf32>, vector<272x512xf32> -> vector<272x512xf32>
    %get3A_2406 = arith.constant 0 : index
    %get3A_2407 = arith.constant 0 : index
    %get3A_2408 = vector.load %arg59[%get3A_2406, %get3A_2407] : memref<1x512xf32, #tpu.memory_space<vmem>>, vector<1x512xf32>
    %add3A_2409 = vector.broadcast %get3A_2408 : vector<1x512xf32> to vector<272x512xf32>
    %add3A_2410 = arith.addf %dot_general3A_2405, %add3A_2409 : vector<272x512xf32>
    %concatenate3A = tpu.concatenate %add3A_2380, %add3A_2390, %add3A_2400, %add3A_2410 in 0 : vector<272x512xf32>, vector<272x512xf32>, vector<272x512xf32>, vector<272x512xf32> -> vector<1088x512xf32>
    %mul3A_2411 = arith.mulf %concatenate3A, %concatenate3A : vector<1088x512xf32>
    %reduce_sum3A_2412 = arith.constant dense<0.000000e+00> : vector<1088xf32>
    %reduce_sum3A_2413 = vector.multi_reduction <add>, %mul3A_2411, %reduce_sum3A_2412 [1] : vector<1088x512xf32> to vector<1088xf32>
    %broadcast_in_dim3A_2414 = vector.shape_cast %reduce_sum3A_2413 : vector<1088xf32> to vector<1088x1xf32>
    %get3A_2415 = arith.constant 0 : index
    %get3A_2416 = arith.constant 0 : index
    %get3A_2417 = vector.load %arg60[%get3A_2415, %get3A_2416] : memref<512x1024xf32, #tpu.memory_space<vmem>>, vector<512x1024xf32>
    %dot_general3A_2418 = arith.constant dense<0.000000e+00> : vector<1088x1024xf32>
    %dot_general3A_2419 = tpu.matmul %concatenate3A, %get3A_2417, %dot_general3A_2418 {dimension_numbers = #tpu.dot_dimension_numbers<[1], [0], [0], [1], [0, 0, 1, 1], [], []>, transpose_lhs_hint = false} : vector<1088x512xf32>, vector<512x1024xf32>, vector<1088x1024xf32> -> vector<1088x1024xf32>
    %mul3A_2420 = arith.constant 2.000000e+00 : f32
    %mul3A_2421 = vector.broadcast %mul3A_2420 : f32 to vector<1088x1024xf32>
    %mul3A_2422 = arith.mulf %mul3A_2421, %dot_general3A_2419 : vector<1088x1024xf32>
    %sub3A_2423 = vector.broadcast %broadcast_in_dim3A_2414 : vector<1088x1xf32> to vector<1088x1024xf32>
    %sub3A_2424 = arith.subf %sub3A_2423, %mul3A_2422 : vector<1088x1024xf32>
    %get3A_2425 = arith.constant 0 : index
    %get3A_2426 = arith.constant 0 : index
    %get3A_2427 = vector.load %arg63[%get3A_2425, %get3A_2426] : memref<1x1024xf32, #tpu.memory_space<vmem>>, vector<1x1024xf32>
    %add3A_2428 = vector.broadcast %get3A_2427 : vector<1x1024xf32> to vector<1088x1024xf32>
    %add3A_2429 = arith.addf %sub3A_2424, %add3A_2428 : vector<1088x1024xf32>
    %reduce_min3A = arith.constant dense<0x7F800000> : vector<1088xf32>
    %reduce_min3A_2430 = vector.multi_reduction <minimumf>, %add3A_2429, %reduce_min3A [1] : vector<1088x1024xf32> to vector<1088xf32>
    %broadcast_in_dim3A_2431 = vector.shape_cast %reduce_min3A_2430 : vector<1088xf32> to vector<1088x1xf32>
    %iota3A = tpu.iota {dimensions = array<i32: 1>} : vector<1088x1024xi32>
    %eq3A_2432 = vector.broadcast %broadcast_in_dim3A_2431 : vector<1088x1xf32> to vector<1088x1024xf32>
    %eq3A_2433 = arith.cmpf oeq, %add3A_2429, %eq3A_2432 : vector<1088x1024xf32>
    %jit3A = arith.constant 1024 : i32
    %broadcast_in_dim3A_2434 = vector.broadcast %jit3A : i32 to vector<1088x1024xi32>
    %select_n3A = arith.select %eq3A_2433, %iota3A, %broadcast_in_dim3A_2434 : vector<1088x1024xi1>, vector<1088x1024xi32>
    %reduce_min3A_2435 = arith.constant dense<2147483647> : vector<1088xi32>
    %reduce_min3A_2436 = vector.multi_reduction <minsi>, %select_n3A, %reduce_min3A_2435 [1] : vector<1088x1024xi32> to vector<1088xi32>
    %broadcast_in_dim3A_2437 = vector.shape_cast %reduce_min3A_2436 : vector<1088xi32> to vector<1088x1xi32>
    %swap3A = arith.constant 0 : index
    %swap3A_2438 = arith.constant 0 : index
    %swap3A_2439 = vector.load %arg61[%swap3A, %swap3A_2438] : memref<1088x512xf32, #tpu.memory_space<vmem>>, vector<1088x512xf32>
    tpu.vector_store %arg61[%swap3A, %swap3A_2438], %concatenate3A {strides = array<i32>} : memref<1088x512xf32, #tpu.memory_space<vmem>>, vector<1088x512xf32>,
    %swap3A_2440 = arith.constant 0 : index
    %swap3A_2441 = arith.constant 0 : index
    %swap3A_2442 = vector.load %arg62[%swap3A_2440, %swap3A_2441] : memref<1088x1xi32, #tpu.memory_space<vmem>>, vector<1088x1xi32>
    tpu.vector_store %arg62[%swap3A_2440, %swap3A_2441], %broadcast_in_dim3A_2437 {strides = array<i32>} : memref<1088x1xi32, #tpu.memory_space<vmem>>, vector<1088x1xi32>,
    return
  }
  func.func @transform_0(%arg0: i32) -> (i32, i32) {
    %c0_i32 = arith.constant 0 : i32
    %c0_i32_0 = arith.constant 0 : i32
    return %arg0, %c0_i32 : i32, i32
  }
  func.func @transform_1(%arg0: i32) -> (i32, i32) {
    %c0_i32 = arith.constant 0 : i32
    %c0_i32_0 = arith.constant 0 : i32
    return %arg0, %c0_i32 : i32, i32
  }
  func.func @transform_2(%arg0: i32) -> (i32, i32) {
    %c0_i32 = arith.constant 0 : i32
    %c0_i32_0 = arith.constant 0 : i32
    %c0_i32_1 = arith.constant 0 : i32
    return %c0_i32, %c0_i32_0 : i32, i32
  }
  func.func @transform_3(%arg0: i32) -> (i32, i32) {
    %c0_i32 = arith.constant 0 : i32
    %c0_i32_0 = arith.constant 0 : i32
    %c0_i32_1 = arith.constant 0 : i32
    return %c0_i32, %c0_i32_0 : i32, i32
  }
  func.func @transform_4(%arg0: i32) -> (i32, i32) {
    %c0_i32 = arith.constant 0 : i32
    %c0_i32_0 = arith.constant 0 : i32
    %c0_i32_1 = arith.constant 0 : i32
    return %c0_i32, %c0_i32_0 : i32, i32
  }
  func.func @transform_5(%arg0: i32) -> (i32, i32) {
    %c0_i32 = arith.constant 0 : i32
    %c0_i32_0 = arith.constant 0 : i32
    %c0_i32_1 = arith.constant 0 : i32
    return %c0_i32, %c0_i32_0 : i32, i32
  }
  func.func @transform_6(%arg0: i32) -> (i32, i32) {
    %c0_i32 = arith.constant 0 : i32
    %c0_i32_0 = arith.constant 0 : i32
    %c0_i32_1 = arith.constant 0 : i32
    return %c0_i32, %c0_i32_0 : i32, i32
  }
  func.func @transform_7(%arg0: i32) -> (i32, i32) {
    %c0_i32 = arith.constant 0 : i32
    %c0_i32_0 = arith.constant 0 : i32
    %c0_i32_1 = arith.constant 0 : i32
    return %c0_i32, %c0_i32_0 : i32, i32
  }
  func.func @transform_8(%arg0: i32) -> (i32, i32) {
    %c0_i32 = arith.constant 0 : i32
    %c0_i32_0 = arith.constant 0 : i32
    %c0_i32_1 = arith.constant 0 : i32
    return %c0_i32, %c0_i32_0 : i32, i32
  }
  func.func @transform_9(%arg0: i32) -> (i32, i32) {
    %c0_i32 = arith.constant 0 : i32
    %c0_i32_0 = arith.constant 0 : i32
    %c0_i32_1 = arith.constant 0 : i32
    return %c0_i32, %c0_i32_0 : i32, i32
  }
  func.func @transform_10(%arg0: i32) -> (i32, i32) {
    %c0_i32 = arith.constant 0 : i32
    %c0_i32_0 = arith.constant 0 : i32
    %c0_i32_1 = arith.constant 0 : i32
    return %c0_i32, %c0_i32_0 : i32, i32
  }
  func.func @transform_11(%arg0: i32) -> (i32, i32) {
    %c0_i32 = arith.constant 0 : i32
    %c0_i32_0 = arith.constant 0 : i32
    %c0_i32_1 = arith.constant 0 : i32
    return %c0_i32, %c0_i32_0 : i32, i32
  }
  func.func @transform_12(%arg0: i32) -> (i32, i32) {
    %c0_i32 = arith.constant 0 : i32
    %c0_i32_0 = arith.constant 0 : i32
    %c0_i32_1 = arith.constant 0 : i32
    return %c0_i32, %c0_i32_0 : i32, i32
  }
  func.func @transform_13(%arg0: i32) -> (i32, i32) {
    %c0_i32 = arith.constant 0 : i32
    %c0_i32_0 = arith.constant 0 : i32
    %c0_i32_1 = arith.constant 0 : i32
    return %c0_i32, %c0_i32_0 : i32, i32
  }
  func.func @transform_14(%arg0: i32) -> (i32, i32) {
    %c0_i32 = arith.constant 0 : i32
    %c0_i32_0 = arith.constant 0 : i32
    %c0_i32_1 = arith.constant 0 : i32
    return %c0_i32, %c0_i32_0 : i32, i32
  }
  func.func @transform_15(%arg0: i32) -> (i32, i32) {
    %c0_i32 = arith.constant 0 : i32
    %c0_i32_0 = arith.constant 0 : i32
    %c0_i32_1 = arith.constant 0 : i32
    return %c0_i32, %c0_i32_0 : i32, i32
  }
  func.func @transform_16(%arg0: i32) -> (i32, i32) {
    %c0_i32 = arith.constant 0 : i32
    %c0_i32_0 = arith.constant 0 : i32
    %c0_i32_1 = arith.constant 0 : i32
    return %c0_i32, %c0_i32_0 : i32, i32
  }
  func.func @transform_17(%arg0: i32) -> (i32, i32) {
    %c0_i32 = arith.constant 0 : i32
    %c0_i32_0 = arith.constant 0 : i32
    %c0_i32_1 = arith.constant 0 : i32
    return %c0_i32, %c0_i32_0 : i32, i32
  }
  func.func @transform_18(%arg0: i32) -> (i32, i32) {
    %c0_i32 = arith.constant 0 : i32
    %c0_i32_0 = arith.constant 0 : i32
    %c0_i32_1 = arith.constant 0 : i32
    return %c0_i32, %c0_i32_0 : i32, i32
  }
  func.func @transform_19(%arg0: i32) -> (i32, i32) {
    %c0_i32 = arith.constant 0 : i32
    %c0_i32_0 = arith.constant 0 : i32
    %c0_i32_1 = arith.constant 0 : i32
    return %c0_i32, %c0_i32_0 : i32, i32
  }
  func.func @transform_20(%arg0: i32) -> (i32, i32) {
    %c0_i32 = arith.constant 0 : i32
    %c0_i32_0 = arith.constant 0 : i32
    %c0_i32_1 = arith.constant 0 : i32
    return %c0_i32, %c0_i32_0 : i32, i32
  }
  func.func @transform_21(%arg0: i32) -> (i32, i32) {
    %c0_i32 = arith.constant 0 : i32
    %c0_i32_0 = arith.constant 0 : i32
    %c0_i32_1 = arith.constant 0 : i32
    return %c0_i32, %c0_i32_0 : i32, i32
  }
  func.func @transform_22(%arg0: i32) -> (i32, i32) {
    %c0_i32 = arith.constant 0 : i32
    %c0_i32_0 = arith.constant 0 : i32
    %c0_i32_1 = arith.constant 0 : i32
    return %c0_i32, %c0_i32_0 : i32, i32
  }
  func.func @transform_23(%arg0: i32) -> (i32, i32) {
    %c0_i32 = arith.constant 0 : i32
    %c0_i32_0 = arith.constant 0 : i32
    %c0_i32_1 = arith.constant 0 : i32
    return %c0_i32, %c0_i32_0 : i32, i32
  }
  func.func @transform_24(%arg0: i32) -> (i32, i32) {
    %c0_i32 = arith.constant 0 : i32
    %c0_i32_0 = arith.constant 0 : i32
    %c0_i32_1 = arith.constant 0 : i32
    return %c0_i32, %c0_i32_0 : i32, i32
  }
  func.func @transform_25(%arg0: i32) -> (i32, i32) {
    %c0_i32 = arith.constant 0 : i32
    %c0_i32_0 = arith.constant 0 : i32
    %c0_i32_1 = arith.constant 0 : i32
    return %c0_i32, %c0_i32_0 : i32, i32
  }
  func.func @transform_26(%arg0: i32) -> (i32, i32) {
    %c0_i32 = arith.constant 0 : i32
    %c0_i32_0 = arith.constant 0 : i32
    %c0_i32_1 = arith.constant 0 : i32
    return %c0_i32, %c0_i32_0 : i32, i32
  }
  func.func @transform_27(%arg0: i32) -> (i32, i32) {
    %c0_i32 = arith.constant 0 : i32
    %c0_i32_0 = arith.constant 0 : i32
    %c0_i32_1 = arith.constant 0 : i32
    return %c0_i32, %c0_i32_0 : i32, i32
  }
  func.func @transform_28(%arg0: i32) -> (i32, i32) {
    %c0_i32 = arith.constant 0 : i32
    %c0_i32_0 = arith.constant 0 : i32
    %c0_i32_1 = arith.constant 0 : i32
    return %c0_i32, %c0_i32_0 : i32, i32
  }
  func.func @transform_29(%arg0: i32) -> (i32, i32) {
    %c0_i32 = arith.constant 0 : i32
    %c0_i32_0 = arith.constant 0 : i32
    %c0_i32_1 = arith.constant 0 : i32
    return %c0_i32, %c0_i32_0 : i32, i32
  }
  func.func @transform_30(%arg0: i32) -> (i32, i32) {
    %c0_i32 = arith.constant 0 : i32
    %c0_i32_0 = arith.constant 0 : i32
    %c0_i32_1 = arith.constant 0 : i32
    return %c0_i32, %c0_i32_0 : i32, i32
  }
  func.func @transform_31(%arg0: i32) -> (i32, i32) {
    %c0_i32 = arith.constant 0 : i32
    %c0_i32_0 = arith.constant 0 : i32
    %c0_i32_1 = arith.constant 0 : i32
    return %c0_i32, %c0_i32_0 : i32, i32
  }
  func.func @transform_32(%arg0: i32) -> (i32, i32) {
    %c0_i32 = arith.constant 0 : i32
    %c0_i32_0 = arith.constant 0 : i32
    %c0_i32_1 = arith.constant 0 : i32
    return %c0_i32, %c0_i32_0 : i32, i32
  }
  func.func @transform_33(%arg0: i32) -> (i32, i32) {
    %c0_i32 = arith.constant 0 : i32
    %c0_i32_0 = arith.constant 0 : i32
    %c0_i32_1 = arith.constant 0 : i32
    return %c0_i32, %c0_i32_0 : i32, i32
  }
  func.func @transform_34(%arg0: i32) -> (i32, i32) {
    %c0_i32 = arith.constant 0 : i32
    %c0_i32_0 = arith.constant 0 : i32
    %c0_i32_1 = arith.constant 0 : i32
    return %c0_i32, %c0_i32_0 : i32, i32
  }
  func.func @transform_35(%arg0: i32) -> (i32, i32) {
    %c0_i32 = arith.constant 0 : i32
    %c0_i32_0 = arith.constant 0 : i32
    %c0_i32_1 = arith.constant 0 : i32
    return %c0_i32, %c0_i32_0 : i32, i32
  }
  func.func @transform_36(%arg0: i32) -> (i32, i32) {
    %c0_i32 = arith.constant 0 : i32
    %c0_i32_0 = arith.constant 0 : i32
    %c0_i32_1 = arith.constant 0 : i32
    return %c0_i32, %c0_i32_0 : i32, i32
  }
  func.func @transform_37(%arg0: i32) -> (i32, i32) {
    %c0_i32 = arith.constant 0 : i32
    %c0_i32_0 = arith.constant 0 : i32
    %c0_i32_1 = arith.constant 0 : i32
    return %c0_i32, %c0_i32_0 : i32, i32
  }
  func.func @transform_38(%arg0: i32) -> (i32, i32) {
    %c0_i32 = arith.constant 0 : i32
    %c0_i32_0 = arith.constant 0 : i32
    %c0_i32_1 = arith.constant 0 : i32
    return %c0_i32, %c0_i32_0 : i32, i32
  }
  func.func @transform_39(%arg0: i32) -> (i32, i32) {
    %c0_i32 = arith.constant 0 : i32
    %c0_i32_0 = arith.constant 0 : i32
    %c0_i32_1 = arith.constant 0 : i32
    return %c0_i32, %c0_i32_0 : i32, i32
  }
  func.func @transform_40(%arg0: i32) -> (i32, i32) {
    %c0_i32 = arith.constant 0 : i32
    %c0_i32_0 = arith.constant 0 : i32
    %c0_i32_1 = arith.constant 0 : i32
    return %c0_i32, %c0_i32_0 : i32, i32
  }
  func.func @transform_41(%arg0: i32) -> (i32, i32) {
    %c0_i32 = arith.constant 0 : i32
    %c0_i32_0 = arith.constant 0 : i32
    %c0_i32_1 = arith.constant 0 : i32
    return %c0_i32, %c0_i32_0 : i32, i32
  }
  func.func @transform_42(%arg0: i32) -> (i32, i32) {
    %c0_i32 = arith.constant 0 : i32
    %c0_i32_0 = arith.constant 0 : i32
    %c0_i32_1 = arith.constant 0 : i32
    return %c0_i32, %c0_i32_0 : i32, i32
  }
  func.func @transform_43(%arg0: i32) -> (i32, i32) {
    %c0_i32 = arith.constant 0 : i32
    %c0_i32_0 = arith.constant 0 : i32
    %c0_i32_1 = arith.constant 0 : i32
    return %c0_i32, %c0_i32_0 : i32, i32
  }
  func.func @transform_44(%arg0: i32) -> (i32, i32) {
    %c0_i32 = arith.constant 0 : i32
    %c0_i32_0 = arith.constant 0 : i32
    %c0_i32_1 = arith.constant 0 : i32
    return %c0_i32, %c0_i32_0 : i32, i32
  }
  func.func @transform_45(%arg0: i32) -> (i32, i32) {
    %c0_i32 = arith.constant 0 : i32
    %c0_i32_0 = arith.constant 0 : i32
    %c0_i32_1 = arith.constant 0 : i32
    return %c0_i32, %c0_i32_0 : i32, i32
  }
  func.func @transform_46(%arg0: i32) -> (i32, i32) {
    %c0_i32 = arith.constant 0 : i32
    %c0_i32_0 = arith.constant 0 : i32
    %c0_i32_1 = arith.constant 0 : i32
    return %c0_i32, %c0_i32_0 : i32, i32
  }
  func.func @transform_47(%arg0: i32) -> (i32, i32) {
    %c0_i32 = arith.constant 0 : i32
    %c0_i32_0 = arith.constant 0 : i32
    %c0_i32_1 = arith.constant 0 : i32
    return %c0_i32, %c0_i32_0 : i32, i32
  }
  func.func @transform_48(%arg0: i32) -> (i32, i32) {
    %c0_i32 = arith.constant 0 : i32
    %c0_i32_0 = arith.constant 0 : i32
    %c0_i32_1 = arith.constant 0 : i32
    return %c0_i32, %c0_i32_0 : i32, i32
  }
  func.func @transform_49(%arg0: i32) -> (i32, i32) {
    %c0_i32 = arith.constant 0 : i32
    %c0_i32_0 = arith.constant 0 : i32
    %c0_i32_1 = arith.constant 0 : i32
    return %c0_i32, %c0_i32_0 : i32, i32
  }
  func.func @transform_50(%arg0: i32) -> (i32, i32) {
    %c0_i32 = arith.constant 0 : i32
    %c0_i32_0 = arith.constant 0 : i32
    %c0_i32_1 = arith.constant 0 : i32
    return %c0_i32, %c0_i32_0 : i32, i32
  }
  func.func @transform_51(%arg0: i32) -> (i32, i32) {
    %c0_i32 = arith.constant 0 : i32
    %c0_i32_0 = arith.constant 0 : i32
    %c0_i32_1 = arith.constant 0 : i32
    return %c0_i32, %c0_i32_0 : i32, i32
  }
  func.func @transform_52(%arg0: i32) -> (i32, i32) {
    %c0_i32 = arith.constant 0 : i32
    %c0_i32_0 = arith.constant 0 : i32
    %c0_i32_1 = arith.constant 0 : i32
    return %c0_i32, %c0_i32_0 : i32, i32
  }
  func.func @transform_53(%arg0: i32) -> (i32, i32) {
    %c0_i32 = arith.constant 0 : i32
    %c0_i32_0 = arith.constant 0 : i32
    %c0_i32_1 = arith.constant 0 : i32
    return %c0_i32, %c0_i32_0 : i32, i32
  }
  func.func @transform_54(%arg0: i32) -> (i32, i32) {
    %c0_i32 = arith.constant 0 : i32
    %c0_i32_0 = arith.constant 0 : i32
    %c0_i32_1 = arith.constant 0 : i32
    return %c0_i32, %c0_i32_0 : i32, i32
  }
  func.func @transform_55(%arg0: i32) -> (i32, i32) {
    %c0_i32 = arith.constant 0 : i32
    %c0_i32_0 = arith.constant 0 : i32
    %c0_i32_1 = arith.constant 0 : i32
    return %c0_i32, %c0_i32_0 : i32, i32
  }
  func.func @transform_56(%arg0: i32) -> (i32, i32) {
    %c0_i32 = arith.constant 0 : i32
    %c0_i32_0 = arith.constant 0 : i32
    %c0_i32_1 = arith.constant 0 : i32
    return %c0_i32, %c0_i32_0 : i32, i32
  }
  func.func @transform_57(%arg0: i32) -> (i32, i32) {
    %c0_i32 = arith.constant 0 : i32
    %c0_i32_0 = arith.constant 0 : i32
    %c0_i32_1 = arith.constant 0 : i32
    return %c0_i32, %c0_i32_0 : i32, i32
  }
  func.func @transform_58(%arg0: i32) -> (i32, i32) {
    %c0_i32 = arith.constant 0 : i32
    %c0_i32_0 = arith.constant 0 : i32
    %c0_i32_1 = arith.constant 0 : i32
    return %c0_i32, %c0_i32_0 : i32, i32
  }
  func.func @transform_59(%arg0: i32) -> (i32, i32) {
    %c0_i32 = arith.constant 0 : i32
    %c0_i32_0 = arith.constant 0 : i32
    %c0_i32_1 = arith.constant 0 : i32
    return %c0_i32, %c0_i32_0 : i32, i32
  }
  func.func @transform_60(%arg0: i32) -> (i32, i32) {
    %c0_i32 = arith.constant 0 : i32
    %c0_i32_0 = arith.constant 0 : i32
    return %arg0, %c0_i32 : i32, i32
  }
  func.func @transform_61(%arg0: i32) -> (i32, i32) {
    %c0_i32 = arith.constant 0 : i32
    %c0_i32_0 = arith.constant 0 : i32
    return %arg0, %c0_i32 : i32, i32
  }
}

module attributes {stable_mosaic.version = 14 : i64} {
  func.func @_dec_oh_kernel(%arg0: i32, %arg1: memref<1088x512xf32, #tpu.memory_space<vmem>>, %arg2: memref<1088x1xi32, #tpu.memory_space<vmem>>, %arg3: memref<1024x512xf32, #tpu.memory_space<vmem>>, %arg4: memref<136x272xf32, #tpu.memory_space<vmem>>, %arg5: memref<136x1xf32, #tpu.memory_space<vmem>>, %arg6: memref<512x32xf32, #tpu.memory_space<vmem>>, %arg7: memref<1x32xf32, #tpu.memory_space<vmem>>, %arg8: memref<1x32xf32, #tpu.memory_space<vmem>>, %arg9: memref<1x32xf32, #tpu.memory_space<vmem>>, %arg10: memref<512x136xf32, #tpu.memory_space<vmem>>, %arg11: memref<512x1xf32, #tpu.memory_space<vmem>>, %arg12: memref<136x512xf32, #tpu.memory_space<vmem>>, %arg13: memref<136x1xf32, #tpu.memory_space<vmem>>, %arg14: memref<1x32xf32, #tpu.memory_space<vmem>>, %arg15: memref<1x32xf32, #tpu.memory_space<vmem>>, %arg16: memref<32x64xf32, #tpu.memory_space<vmem>>, %arg17: memref<1x64xf32, #tpu.memory_space<vmem>>, %arg18: memref<64x32xf32, #tpu.memory_space<vmem>>, %arg19: memref<1x32xf32, #tpu.memory_space<vmem>>, %arg20: memref<1x32xf32, #tpu.memory_space<vmem>>, %arg21: memref<1x32xf32, #tpu.memory_space<vmem>>, %arg22: memref<32x2xf32, #tpu.memory_space<vmem>>, %arg23: memref<1x2xf32, #tpu.memory_space<vmem>>, %arg24: memref<544x2xf32, #tpu.memory_space<vmem>>, %arg25: memref<1x1xf32, #tpu.memory_space<vmem>>) attributes {dimension_semantics = [#tpu.dimension_semantics<arbitrary>], iteration_bounds = array<i64: 4>, scalar_prefetch = 0 : i64, scratch_operands = 0 : i64, tpu.core_type = #tpu.core_type<tc>, window_params = [{transform_indices = @transform_0, window_bounds = array<i64: 1088, 512>}, {transform_indices = @transform_1, window_bounds = array<i64: 1088, 1>}, {pipeline_mode = #tpu.pipeline_mode<synchronous>, transform_indices = @transform_2, window_bounds = array<i64: 1024, 512>}, {pipeline_mode = #tpu.pipeline_mode<synchronous>, transform_indices = @transform_3, window_bounds = array<i64: 136, 272>}, {pipeline_mode = #tpu.pipeline_mode<synchronous>, transform_indices = @transform_4, window_bounds = array<i64: 136, 1>}, {pipeline_mode = #tpu.pipeline_mode<synchronous>, transform_indices = @transform_5, window_bounds = array<i64: 512, 32>}, {pipeline_mode = #tpu.pipeline_mode<synchronous>, transform_indices = @transform_6, window_bounds = array<i64: 1, 32>}, {pipeline_mode = #tpu.pipeline_mode<synchronous>, transform_indices = @transform_7, window_bounds = array<i64: 1, 32>}, {pipeline_mode = #tpu.pipeline_mode<synchronous>, transform_indices = @transform_8, window_bounds = array<i64: 1, 32>}, {pipeline_mode = #tpu.pipeline_mode<synchronous>, transform_indices = @transform_9, window_bounds = array<i64: 512, 136>}, {pipeline_mode = #tpu.pipeline_mode<synchronous>, transform_indices = @transform_10, window_bounds = array<i64: 512, 1>}, {pipeline_mode = #tpu.pipeline_mode<synchronous>, transform_indices = @transform_11, window_bounds = array<i64: 136, 512>}, {pipeline_mode = #tpu.pipeline_mode<synchronous>, transform_indices = @transform_12, window_bounds = array<i64: 136, 1>}, {pipeline_mode = #tpu.pipeline_mode<synchronous>, transform_indices = @transform_13, window_bounds = array<i64: 1, 32>}, {pipeline_mode = #tpu.pipeline_mode<synchronous>, transform_indices = @transform_14, window_bounds = array<i64: 1, 32>}, {pipeline_mode = #tpu.pipeline_mode<synchronous>, transform_indices = @transform_15, window_bounds = array<i64: 32, 64>}, {pipeline_mode = #tpu.pipeline_mode<synchronous>, transform_indices = @transform_16, window_bounds = array<i64: 1, 64>}, {pipeline_mode = #tpu.pipeline_mode<synchronous>, transform_indices = @transform_17, window_bounds = array<i64: 64, 32>}, {pipeline_mode = #tpu.pipeline_mode<synchronous>, transform_indices = @transform_18, window_bounds = array<i64: 1, 32>}, {pipeline_mode = #tpu.pipeline_mode<synchronous>, transform_indices = @transform_19, window_bounds = array<i64: 1, 32>}, {pipeline_mode = #tpu.pipeline_mode<synchronous>, transform_indices = @transform_20, window_bounds = array<i64: 1, 32>}, {pipeline_mode = #tpu.pipeline_mode<synchronous>, transform_indices = @transform_21, window_bounds = array<i64: 32, 2>}, {pipeline_mode = #tpu.pipeline_mode<synchronous>, transform_indices = @transform_22, window_bounds = array<i64: 1, 2>}, {transform_indices = @transform_23, window_bounds = array<i64: 544, 2>}, {pipeline_mode = #tpu.pipeline_mode<synchronous>, transform_indices = @transform_24, window_bounds = array<i64: 1, 1>}]} {
    %iota3A = tpu.iota {dimensions = array<i32: 1>} : vector<1088x1024xi32>
    %get3A = arith.constant 0 : index
    %get3A_0 = arith.constant 0 : index
    %get3A_1 = vector.load %arg2[%get3A, %get3A_0] : memref<1088x1xi32, #tpu.memory_space<vmem>>, vector<1088x1xi32>
    %eq3A = vector.broadcast %get3A_1 : vector<1088x1xi32> to vector<1088x1024xi32>
    %eq3A_2 = arith.cmpi eq, %iota3A, %eq3A : vector<1088x1024xi32>
    %convert_element_type3A = arith.extui %eq3A_2 : vector<1088x1024xi1> to vector<1088x1024xi32>
    %convert_element_type3A_3 = arith.sitofp %convert_element_type3A : vector<1088x1024xi32> to vector<1088x1024xf32>
    %get3A_4 = arith.constant 0 : index
    %get3A_5 = arith.constant 0 : index
    %get3A_6 = vector.load %arg3[%get3A_4, %get3A_5] : memref<1024x512xf32, #tpu.memory_space<vmem>>, vector<1024x512xf32>
    %dot_general3A = arith.constant dense<0.000000e+00> : vector<1088x512xf32>
    %dot_general3A_7 = tpu.matmul %convert_element_type3A_3, %get3A_6, %dot_general3A {dimension_numbers = #tpu.dot_dimension_numbers<[1], [0], [0], [1], [0, 0, 1, 1], [], []>, transpose_lhs_hint = false} : vector<1088x1024xf32>, vector<1024x512xf32>, vector<1088x512xf32> -> vector<1088x512xf32>
    %get3A_8 = arith.constant 0 : index
    %get3A_9 = arith.constant 0 : index
    %get3A_10 = vector.load %arg1[%get3A_8, %get3A_9] : memref<1088x512xf32, #tpu.memory_space<vmem>>, vector<1088x512xf32>
    %slice3A = vector.extract_strided_slice %get3A_10 {offsets = [0, 0], sizes = [272, 512], strides = [1, 1]} : vector<1088x512xf32> to vector<272x512xf32>
    %slice3A_11 = vector.extract_strided_slice %get3A_10 {offsets = [272, 0], sizes = [272, 512], strides = [1, 1]} : vector<1088x512xf32> to vector<272x512xf32>
    %slice3A_12 = vector.extract_strided_slice %get3A_10 {offsets = [544, 0], sizes = [272, 512], strides = [1, 1]} : vector<1088x512xf32> to vector<272x512xf32>
    %slice3A_13 = vector.extract_strided_slice %get3A_10 {offsets = [816, 0], sizes = [272, 512], strides = [1, 1]} : vector<1088x512xf32> to vector<272x512xf32>
    %slice3A_14 = vector.extract_strided_slice %dot_general3A_7 {offsets = [0, 0], sizes = [272, 512], strides = [1, 1]} : vector<1088x512xf32> to vector<272x512xf32>
    %slice3A_15 = vector.extract_strided_slice %dot_general3A_7 {offsets = [272, 0], sizes = [272, 512], strides = [1, 1]} : vector<1088x512xf32> to vector<272x512xf32>
    %slice3A_16 = vector.extract_strided_slice %dot_general3A_7 {offsets = [544, 0], sizes = [272, 512], strides = [1, 1]} : vector<1088x512xf32> to vector<272x512xf32>
    %slice3A_17 = vector.extract_strided_slice %dot_general3A_7 {offsets = [816, 0], sizes = [272, 512], strides = [1, 1]} : vector<1088x512xf32> to vector<272x512xf32>
    %eq3A_18 = arith.constant 0 : i32
    %eq3A_19 = arith.cmpi eq, %arg0, %eq3A_18 : i32
    %convert_element_type3A_20 = arith.extui %eq3A_19 : i1 to i32
    %cond3A = arith.constant 0 : i32
    %cond3A_21 = arith.cmpi ne, %convert_element_type3A_20, %cond3A : i32
    scf.if %cond3A_21 {
      %broadcast_in_dim3A_850 = arith.constant 0.000000e+00 : f32
      %broadcast_in_dim3A_851 = vector.broadcast %broadcast_in_dim3A_850 : f32 to vector<1x1xf32>
      %swap3A_852 = arith.constant 0 : index
      %swap3A_853 = arith.constant 0 : index
      %swap3A_854 = vector.load %arg25[%swap3A_852, %swap3A_853] : memref<1x1xf32, #tpu.memory_space<vmem>>, vector<1x1xf32>
      tpu.vector_store %arg25[%swap3A_852, %swap3A_853], %broadcast_in_dim3A_851 {strides = array<i32>} : memref<1x1xf32, #tpu.memory_space<vmem>>, vector<1x1xf32>,
    } else {
    }
    %sub3A = arith.subf %slice3A, %slice3A_14 : vector<272x512xf32>
    %mul3A = arith.mulf %sub3A, %sub3A : vector<272x512xf32>
    %reduce_sum3A = vector.shape_cast %mul3A : vector<272x512xf32> to vector<1x272x512xf32>
    %reduce_sum3A_22 = arith.constant dense<0.000000e+00> : vector<1xf32>
    %reduce_sum3A_23 = vector.multi_reduction <add>, %reduce_sum3A, %reduce_sum3A_22 [1, 2] : vector<1x272x512xf32> to vector<1xf32>
    %reduce_sum3A_24 = vector.shape_cast %reduce_sum3A_23 : vector<1xf32> to vector<1x1x1xf32>
    %reduce_sum3A_25 = vector.extract %reduce_sum3A_24[0, 0, 0] : f32 from vector<1x1x1xf32>
    %broadcast_in_dim3A = vector.broadcast %reduce_sum3A_25 : f32 to vector<1x1xf32>
    %sub3A_26 = arith.subf %slice3A_11, %slice3A_15 : vector<272x512xf32>
    %mul3A_27 = arith.mulf %sub3A_26, %sub3A_26 : vector<272x512xf32>
    %reduce_sum3A_28 = vector.shape_cast %mul3A_27 : vector<272x512xf32> to vector<1x272x512xf32>
    %reduce_sum3A_29 = arith.constant dense<0.000000e+00> : vector<1xf32>
    %reduce_sum3A_30 = vector.multi_reduction <add>, %reduce_sum3A_28, %reduce_sum3A_29 [1, 2] : vector<1x272x512xf32> to vector<1xf32>
    %reduce_sum3A_31 = vector.shape_cast %reduce_sum3A_30 : vector<1xf32> to vector<1x1x1xf32>
    %reduce_sum3A_32 = vector.extract %reduce_sum3A_31[0, 0, 0] : f32 from vector<1x1x1xf32>
    %broadcast_in_dim3A_33 = vector.broadcast %reduce_sum3A_32 : f32 to vector<1x1xf32>
    %add3A = arith.addf %broadcast_in_dim3A, %broadcast_in_dim3A_33 : vector<1x1xf32>
    %sub3A_34 = arith.subf %slice3A_12, %slice3A_16 : vector<272x512xf32>
    %mul3A_35 = arith.mulf %sub3A_34, %sub3A_34 : vector<272x512xf32>
    %reduce_sum3A_36 = vector.shape_cast %mul3A_35 : vector<272x512xf32> to vector<1x272x512xf32>
    %reduce_sum3A_37 = arith.constant dense<0.000000e+00> : vector<1xf32>
    %reduce_sum3A_38 = vector.multi_reduction <add>, %reduce_sum3A_36, %reduce_sum3A_37 [1, 2] : vector<1x272x512xf32> to vector<1xf32>
    %reduce_sum3A_39 = vector.shape_cast %reduce_sum3A_38 : vector<1xf32> to vector<1x1x1xf32>
    %reduce_sum3A_40 = vector.extract %reduce_sum3A_39[0, 0, 0] : f32 from vector<1x1x1xf32>
    %broadcast_in_dim3A_41 = vector.broadcast %reduce_sum3A_40 : f32 to vector<1x1xf32>
    %add3A_42 = arith.addf %add3A, %broadcast_in_dim3A_41 : vector<1x1xf32>
    %sub3A_43 = arith.subf %slice3A_13, %slice3A_17 : vector<272x512xf32>
    %mul3A_44 = arith.mulf %sub3A_43, %sub3A_43 : vector<272x512xf32>
    %reduce_sum3A_45 = vector.shape_cast %mul3A_44 : vector<272x512xf32> to vector<1x272x512xf32>
    %reduce_sum3A_46 = arith.constant dense<0.000000e+00> : vector<1xf32>
    %reduce_sum3A_47 = vector.multi_reduction <add>, %reduce_sum3A_45, %reduce_sum3A_46 [1, 2] : vector<1x272x512xf32> to vector<1xf32>
    %reduce_sum3A_48 = vector.shape_cast %reduce_sum3A_47 : vector<1xf32> to vector<1x1x1xf32>
    %reduce_sum3A_49 = vector.extract %reduce_sum3A_48[0, 0, 0] : f32 from vector<1x1x1xf32>
    %broadcast_in_dim3A_50 = vector.broadcast %reduce_sum3A_49 : f32 to vector<1x1xf32>
    %add3A_51 = arith.addf %add3A_42, %broadcast_in_dim3A_50 : vector<1x1xf32>
    %get3A_52 = arith.constant 0 : index
    %get3A_53 = arith.constant 0 : index
    %get3A_54 = vector.load %arg25[%get3A_52, %get3A_53] : memref<1x1xf32, #tpu.memory_space<vmem>>, vector<1x1xf32>
    %add3A_55 = arith.addf %get3A_54, %add3A_51 : vector<1x1xf32>
    %swap3A = arith.constant 0 : index
    %swap3A_56 = arith.constant 0 : index
    %swap3A_57 = vector.load %arg25[%swap3A, %swap3A_56] : memref<1x1xf32, #tpu.memory_space<vmem>>, vector<1x1xf32>
    tpu.vector_store %arg25[%swap3A, %swap3A_56], %add3A_55 {strides = array<i32>} : memref<1x1xf32, #tpu.memory_space<vmem>>, vector<1x1xf32>,
    %get3A_58 = arith.constant 0 : index
    %get3A_59 = arith.constant 0 : index
    %get3A_60 = vector.load %arg4[%get3A_58, %get3A_59] : memref<136x272xf32, #tpu.memory_space<vmem>>, vector<136x272xf32>
    %sub3A_61 = arith.subf %slice3A_14, %slice3A : vector<272x512xf32>
    %add3A_62 = arith.addf %slice3A, %sub3A_61 : vector<272x512xf32>
    %dot_general3A_63 = arith.constant dense<0.000000e+00> : vector<136x512xf32>
    %dot_general3A_64 = tpu.matmul %get3A_60, %add3A_62, %dot_general3A_63 {dimension_numbers = #tpu.dot_dimension_numbers<[1], [0], [0], [1], [0, 0, 1, 1], [], []>, transpose_lhs_hint = false} : vector<136x272xf32>, vector<272x512xf32>, vector<136x512xf32> -> vector<136x512xf32>
    %get3A_65 = arith.constant 0 : index
    %get3A_66 = arith.constant 0 : index
    %get3A_67 = vector.load %arg5[%get3A_65, %get3A_66] : memref<136x1xf32, #tpu.memory_space<vmem>>, vector<136x1xf32>
    %add3A_68 = vector.broadcast %get3A_67 : vector<136x1xf32> to vector<136x512xf32>
    %add3A_69 = arith.addf %dot_general3A_64, %add3A_68 : vector<136x512xf32>
    %get3A_70 = arith.constant 0 : index
    %get3A_71 = arith.constant 0 : index
    %get3A_72 = vector.load %arg6[%get3A_70, %get3A_71] : memref<512x32xf32, #tpu.memory_space<vmem>>, vector<512x32xf32>
    %dot_general3A_73 = arith.constant dense<0.000000e+00> : vector<136x32xf32>
    %dot_general3A_74 = tpu.matmul %add3A_69, %get3A_72, %dot_general3A_73 {dimension_numbers = #tpu.dot_dimension_numbers<[1], [0], [0], [1], [0, 0, 1, 1], [], []>, transpose_lhs_hint = false} : vector<136x512xf32>, vector<512x32xf32>, vector<136x32xf32> -> vector<136x32xf32>
    %get3A_75 = arith.constant 0 : index
    %get3A_76 = arith.constant 0 : index
    %get3A_77 = vector.load %arg7[%get3A_75, %get3A_76] : memref<1x32xf32, #tpu.memory_space<vmem>>, vector<1x32xf32>
    %add3A_78 = vector.broadcast %get3A_77 : vector<1x32xf32> to vector<136x32xf32>
    %add3A_79 = arith.addf %dot_general3A_74, %add3A_78 : vector<136x32xf32>
    %get3A_80 = arith.constant 0 : index
    %get3A_81 = arith.constant 0 : index
    %get3A_82 = vector.load %arg4[%get3A_80, %get3A_81] : memref<136x272xf32, #tpu.memory_space<vmem>>, vector<136x272xf32>
    %sub3A_83 = arith.subf %slice3A_15, %slice3A_11 : vector<272x512xf32>
    %add3A_84 = arith.addf %slice3A_11, %sub3A_83 : vector<272x512xf32>
    %dot_general3A_85 = arith.constant dense<0.000000e+00> : vector<136x512xf32>
    %dot_general3A_86 = tpu.matmul %get3A_82, %add3A_84, %dot_general3A_85 {dimension_numbers = #tpu.dot_dimension_numbers<[1], [0], [0], [1], [0, 0, 1, 1], [], []>, transpose_lhs_hint = false} : vector<136x272xf32>, vector<272x512xf32>, vector<136x512xf32> -> vector<136x512xf32>
    %get3A_87 = arith.constant 0 : index
    %get3A_88 = arith.constant 0 : index
    %get3A_89 = vector.load %arg5[%get3A_87, %get3A_88] : memref<136x1xf32, #tpu.memory_space<vmem>>, vector<136x1xf32>
    %add3A_90 = vector.broadcast %get3A_89 : vector<136x1xf32> to vector<136x512xf32>
    %add3A_91 = arith.addf %dot_general3A_86, %add3A_90 : vector<136x512xf32>
    %get3A_92 = arith.constant 0 : index
    %get3A_93 = arith.constant 0 : index
    %get3A_94 = vector.load %arg6[%get3A_92, %get3A_93] : memref<512x32xf32, #tpu.memory_space<vmem>>, vector<512x32xf32>
    %dot_general3A_95 = arith.constant dense<0.000000e+00> : vector<136x32xf32>
    %dot_general3A_96 = tpu.matmul %add3A_91, %get3A_94, %dot_general3A_95 {dimension_numbers = #tpu.dot_dimension_numbers<[1], [0], [0], [1], [0, 0, 1, 1], [], []>, transpose_lhs_hint = false} : vector<136x512xf32>, vector<512x32xf32>, vector<136x32xf32> -> vector<136x32xf32>
    %get3A_97 = arith.constant 0 : index
    %get3A_98 = arith.constant 0 : index
    %get3A_99 = vector.load %arg7[%get3A_97, %get3A_98] : memref<1x32xf32, #tpu.memory_space<vmem>>, vector<1x32xf32>
    %add3A_100 = vector.broadcast %get3A_99 : vector<1x32xf32> to vector<136x32xf32>
    %add3A_101 = arith.addf %dot_general3A_96, %add3A_100 : vector<136x32xf32>
    %get3A_102 = arith.constant 0 : index
    %get3A_103 = arith.constant 0 : index
    %get3A_104 = vector.load %arg4[%get3A_102, %get3A_103] : memref<136x272xf32, #tpu.memory_space<vmem>>, vector<136x272xf32>
    %sub3A_105 = arith.subf %slice3A_16, %slice3A_12 : vector<272x512xf32>
    %add3A_106 = arith.addf %slice3A_12, %sub3A_105 : vector<272x512xf32>
    %dot_general3A_107 = arith.constant dense<0.000000e+00> : vector<136x512xf32>
    %dot_general3A_108 = tpu.matmul %get3A_104, %add3A_106, %dot_general3A_107 {dimension_numbers = #tpu.dot_dimension_numbers<[1], [0], [0], [1], [0, 0, 1, 1], [], []>, transpose_lhs_hint = false} : vector<136x272xf32>, vector<272x512xf32>, vector<136x512xf32> -> vector<136x512xf32>
    %get3A_109 = arith.constant 0 : index
    %get3A_110 = arith.constant 0 : index
    %get3A_111 = vector.load %arg5[%get3A_109, %get3A_110] : memref<136x1xf32, #tpu.memory_space<vmem>>, vector<136x1xf32>
    %add3A_112 = vector.broadcast %get3A_111 : vector<136x1xf32> to vector<136x512xf32>
    %add3A_113 = arith.addf %dot_general3A_108, %add3A_112 : vector<136x512xf32>
    %get3A_114 = arith.constant 0 : index
    %get3A_115 = arith.constant 0 : index
    %get3A_116 = vector.load %arg6[%get3A_114, %get3A_115] : memref<512x32xf32, #tpu.memory_space<vmem>>, vector<512x32xf32>
    %dot_general3A_117 = arith.constant dense<0.000000e+00> : vector<136x32xf32>
    %dot_general3A_118 = tpu.matmul %add3A_113, %get3A_116, %dot_general3A_117 {dimension_numbers = #tpu.dot_dimension_numbers<[1], [0], [0], [1], [0, 0, 1, 1], [], []>, transpose_lhs_hint = false} : vector<136x512xf32>, vector<512x32xf32>, vector<136x32xf32> -> vector<136x32xf32>
    %get3A_119 = arith.constant 0 : index
    %get3A_120 = arith.constant 0 : index
    %get3A_121 = vector.load %arg7[%get3A_119, %get3A_120] : memref<1x32xf32, #tpu.memory_space<vmem>>, vector<1x32xf32>
    %add3A_122 = vector.broadcast %get3A_121 : vector<1x32xf32> to vector<136x32xf32>
    %add3A_123 = arith.addf %dot_general3A_118, %add3A_122 : vector<136x32xf32>
    %get3A_124 = arith.constant 0 : index
    %get3A_125 = arith.constant 0 : index
    %get3A_126 = vector.load %arg4[%get3A_124, %get3A_125] : memref<136x272xf32, #tpu.memory_space<vmem>>, vector<136x272xf32>
    %sub3A_127 = arith.subf %slice3A_17, %slice3A_13 : vector<272x512xf32>
    %add3A_128 = arith.addf %slice3A_13, %sub3A_127 : vector<272x512xf32>
    %dot_general3A_129 = arith.constant dense<0.000000e+00> : vector<136x512xf32>
    %dot_general3A_130 = tpu.matmul %get3A_126, %add3A_128, %dot_general3A_129 {dimension_numbers = #tpu.dot_dimension_numbers<[1], [0], [0], [1], [0, 0, 1, 1], [], []>, transpose_lhs_hint = false} : vector<136x272xf32>, vector<272x512xf32>, vector<136x512xf32> -> vector<136x512xf32>
    %get3A_131 = arith.constant 0 : index
    %get3A_132 = arith.constant 0 : index
    %get3A_133 = vector.load %arg5[%get3A_131, %get3A_132] : memref<136x1xf32, #tpu.memory_space<vmem>>, vector<136x1xf32>
    %add3A_134 = vector.broadcast %get3A_133 : vector<136x1xf32> to vector<136x512xf32>
    %add3A_135 = arith.addf %dot_general3A_130, %add3A_134 : vector<136x512xf32>
    %get3A_136 = arith.constant 0 : index
    %get3A_137 = arith.constant 0 : index
    %get3A_138 = vector.load %arg6[%get3A_136, %get3A_137] : memref<512x32xf32, #tpu.memory_space<vmem>>, vector<512x32xf32>
    %dot_general3A_139 = arith.constant dense<0.000000e+00> : vector<136x32xf32>
    %dot_general3A_140 = tpu.matmul %add3A_135, %get3A_138, %dot_general3A_139 {dimension_numbers = #tpu.dot_dimension_numbers<[1], [0], [0], [1], [0, 0, 1, 1], [], []>, transpose_lhs_hint = false} : vector<136x512xf32>, vector<512x32xf32>, vector<136x32xf32> -> vector<136x32xf32>
    %get3A_141 = arith.constant 0 : index
    %get3A_142 = arith.constant 0 : index
    %get3A_143 = vector.load %arg7[%get3A_141, %get3A_142] : memref<1x32xf32, #tpu.memory_space<vmem>>, vector<1x32xf32>
    %add3A_144 = vector.broadcast %get3A_143 : vector<1x32xf32> to vector<136x32xf32>
    %add3A_145 = arith.addf %dot_general3A_140, %add3A_144 : vector<136x32xf32>
    %get3A_146 = arith.constant 0 : index
    %get3A_147 = arith.constant 0 : index
    %get3A_148 = vector.load %arg8[%get3A_146, %get3A_147] : memref<1x32xf32, #tpu.memory_space<vmem>>, vector<1x32xf32>
    %get3A_149 = arith.constant 0 : index
    %get3A_150 = arith.constant 0 : index
    %get3A_151 = vector.load %arg9[%get3A_149, %get3A_150] : memref<1x32xf32, #tpu.memory_space<vmem>>, vector<1x32xf32>
    %reduce_sum3A_152 = arith.constant dense<0.000000e+00> : vector<136xf32>
    %reduce_sum3A_153 = vector.multi_reduction <add>, %add3A_79, %reduce_sum3A_152 [1] : vector<136x32xf32> to vector<136xf32>
    %broadcast_in_dim3A_154 = vector.shape_cast %reduce_sum3A_153 : vector<136xf32> to vector<136x1xf32>
    %div3A = arith.constant 3.200000e+01 : f32
    %div3A_155 = vector.broadcast %div3A : f32 to vector<136x1xf32>
    %div3A_156 = arith.divf %broadcast_in_dim3A_154, %div3A_155 : vector<136x1xf32>
    %sub3A_157 = vector.broadcast %div3A_156 : vector<136x1xf32> to vector<136x32xf32>
    %sub3A_158 = arith.subf %add3A_79, %sub3A_157 : vector<136x32xf32>
    %integer_pow3A = arith.mulf %sub3A_158, %sub3A_158 : vector<136x32xf32>
    %reduce_sum3A_159 = arith.constant dense<0.000000e+00> : vector<136xf32>
    %reduce_sum3A_160 = vector.multi_reduction <add>, %integer_pow3A, %reduce_sum3A_159 [1] : vector<136x32xf32> to vector<136xf32>
    %broadcast_in_dim3A_161 = vector.shape_cast %reduce_sum3A_160 : vector<136xf32> to vector<136x1xf32>
    %div3A_162 = arith.constant 3.200000e+01 : f32
    %div3A_163 = vector.broadcast %div3A_162 : f32 to vector<136x1xf32>
    %div3A_164 = arith.divf %broadcast_in_dim3A_161, %div3A_163 : vector<136x1xf32>
    %sub3A_165 = vector.broadcast %div3A_156 : vector<136x1xf32> to vector<136x32xf32>
    %sub3A_166 = arith.subf %add3A_79, %sub3A_165 : vector<136x32xf32>
    %add3A_167 = arith.constant 9.99999974E-6 : f32
    %add3A_168 = vector.broadcast %add3A_167 : f32 to vector<136x1xf32>
    %add3A_169 = arith.addf %div3A_164, %add3A_168 : vector<136x1xf32>
    %sqrt3A = math.sqrt %add3A_169 : vector<136x1xf32>
    %div3A_170 = vector.broadcast %sqrt3A : vector<136x1xf32> to vector<136x32xf32>
    %div3A_171 = arith.divf %sub3A_166, %div3A_170 : vector<136x32xf32>
    %mul3A_172 = vector.broadcast %get3A_148 : vector<1x32xf32> to vector<136x32xf32>
    %mul3A_173 = arith.mulf %div3A_171, %mul3A_172 : vector<136x32xf32>
    %add3A_174 = vector.broadcast %get3A_151 : vector<1x32xf32> to vector<136x32xf32>
    %add3A_175 = arith.addf %mul3A_173, %add3A_174 : vector<136x32xf32>
    %get3A_176 = arith.constant 0 : index
    %get3A_177 = arith.constant 0 : index
    %get3A_178 = vector.load %arg8[%get3A_176, %get3A_177] : memref<1x32xf32, #tpu.memory_space<vmem>>, vector<1x32xf32>
    %get3A_179 = arith.constant 0 : index
    %get3A_180 = arith.constant 0 : index
    %get3A_181 = vector.load %arg9[%get3A_179, %get3A_180] : memref<1x32xf32, #tpu.memory_space<vmem>>, vector<1x32xf32>
    %reduce_sum3A_182 = arith.constant dense<0.000000e+00> : vector<136xf32>
    %reduce_sum3A_183 = vector.multi_reduction <add>, %add3A_101, %reduce_sum3A_182 [1] : vector<136x32xf32> to vector<136xf32>
    %broadcast_in_dim3A_184 = vector.shape_cast %reduce_sum3A_183 : vector<136xf32> to vector<136x1xf32>
    %div3A_185 = arith.constant 3.200000e+01 : f32
    %div3A_186 = vector.broadcast %div3A_185 : f32 to vector<136x1xf32>
    %div3A_187 = arith.divf %broadcast_in_dim3A_184, %div3A_186 : vector<136x1xf32>
    %sub3A_188 = vector.broadcast %div3A_187 : vector<136x1xf32> to vector<136x32xf32>
    %sub3A_189 = arith.subf %add3A_101, %sub3A_188 : vector<136x32xf32>
    %integer_pow3A_190 = arith.mulf %sub3A_189, %sub3A_189 : vector<136x32xf32>
    %reduce_sum3A_191 = arith.constant dense<0.000000e+00> : vector<136xf32>
    %reduce_sum3A_192 = vector.multi_reduction <add>, %integer_pow3A_190, %reduce_sum3A_191 [1] : vector<136x32xf32> to vector<136xf32>
    %broadcast_in_dim3A_193 = vector.shape_cast %reduce_sum3A_192 : vector<136xf32> to vector<136x1xf32>
    %div3A_194 = arith.constant 3.200000e+01 : f32
    %div3A_195 = vector.broadcast %div3A_194 : f32 to vector<136x1xf32>
    %div3A_196 = arith.divf %broadcast_in_dim3A_193, %div3A_195 : vector<136x1xf32>
    %sub3A_197 = vector.broadcast %div3A_187 : vector<136x1xf32> to vector<136x32xf32>
    %sub3A_198 = arith.subf %add3A_101, %sub3A_197 : vector<136x32xf32>
    %add3A_199 = arith.constant 9.99999974E-6 : f32
    %add3A_200 = vector.broadcast %add3A_199 : f32 to vector<136x1xf32>
    %add3A_201 = arith.addf %div3A_196, %add3A_200 : vector<136x1xf32>
    %sqrt3A_202 = math.sqrt %add3A_201 : vector<136x1xf32>
    %div3A_203 = vector.broadcast %sqrt3A_202 : vector<136x1xf32> to vector<136x32xf32>
    %div3A_204 = arith.divf %sub3A_198, %div3A_203 : vector<136x32xf32>
    %mul3A_205 = vector.broadcast %get3A_178 : vector<1x32xf32> to vector<136x32xf32>
    %mul3A_206 = arith.mulf %div3A_204, %mul3A_205 : vector<136x32xf32>
    %add3A_207 = vector.broadcast %get3A_181 : vector<1x32xf32> to vector<136x32xf32>
    %add3A_208 = arith.addf %mul3A_206, %add3A_207 : vector<136x32xf32>
    %get3A_209 = arith.constant 0 : index
    %get3A_210 = arith.constant 0 : index
    %get3A_211 = vector.load %arg8[%get3A_209, %get3A_210] : memref<1x32xf32, #tpu.memory_space<vmem>>, vector<1x32xf32>
    %get3A_212 = arith.constant 0 : index
    %get3A_213 = arith.constant 0 : index
    %get3A_214 = vector.load %arg9[%get3A_212, %get3A_213] : memref<1x32xf32, #tpu.memory_space<vmem>>, vector<1x32xf32>
    %reduce_sum3A_215 = arith.constant dense<0.000000e+00> : vector<136xf32>
    %reduce_sum3A_216 = vector.multi_reduction <add>, %add3A_123, %reduce_sum3A_215 [1] : vector<136x32xf32> to vector<136xf32>
    %broadcast_in_dim3A_217 = vector.shape_cast %reduce_sum3A_216 : vector<136xf32> to vector<136x1xf32>
    %div3A_218 = arith.constant 3.200000e+01 : f32
    %div3A_219 = vector.broadcast %div3A_218 : f32 to vector<136x1xf32>
    %div3A_220 = arith.divf %broadcast_in_dim3A_217, %div3A_219 : vector<136x1xf32>
    %sub3A_221 = vector.broadcast %div3A_220 : vector<136x1xf32> to vector<136x32xf32>
    %sub3A_222 = arith.subf %add3A_123, %sub3A_221 : vector<136x32xf32>
    %integer_pow3A_223 = arith.mulf %sub3A_222, %sub3A_222 : vector<136x32xf32>
    %reduce_sum3A_224 = arith.constant dense<0.000000e+00> : vector<136xf32>
    %reduce_sum3A_225 = vector.multi_reduction <add>, %integer_pow3A_223, %reduce_sum3A_224 [1] : vector<136x32xf32> to vector<136xf32>
    %broadcast_in_dim3A_226 = vector.shape_cast %reduce_sum3A_225 : vector<136xf32> to vector<136x1xf32>
    %div3A_227 = arith.constant 3.200000e+01 : f32
    %div3A_228 = vector.broadcast %div3A_227 : f32 to vector<136x1xf32>
    %div3A_229 = arith.divf %broadcast_in_dim3A_226, %div3A_228 : vector<136x1xf32>
    %sub3A_230 = vector.broadcast %div3A_220 : vector<136x1xf32> to vector<136x32xf32>
    %sub3A_231 = arith.subf %add3A_123, %sub3A_230 : vector<136x32xf32>
    %add3A_232 = arith.constant 9.99999974E-6 : f32
    %add3A_233 = vector.broadcast %add3A_232 : f32 to vector<136x1xf32>
    %add3A_234 = arith.addf %div3A_229, %add3A_233 : vector<136x1xf32>
    %sqrt3A_235 = math.sqrt %add3A_234 : vector<136x1xf32>
    %div3A_236 = vector.broadcast %sqrt3A_235 : vector<136x1xf32> to vector<136x32xf32>
    %div3A_237 = arith.divf %sub3A_231, %div3A_236 : vector<136x32xf32>
    %mul3A_238 = vector.broadcast %get3A_211 : vector<1x32xf32> to vector<136x32xf32>
    %mul3A_239 = arith.mulf %div3A_237, %mul3A_238 : vector<136x32xf32>
    %add3A_240 = vector.broadcast %get3A_214 : vector<1x32xf32> to vector<136x32xf32>
    %add3A_241 = arith.addf %mul3A_239, %add3A_240 : vector<136x32xf32>
    %get3A_242 = arith.constant 0 : index
    %get3A_243 = arith.constant 0 : index
    %get3A_244 = vector.load %arg8[%get3A_242, %get3A_243] : memref<1x32xf32, #tpu.memory_space<vmem>>, vector<1x32xf32>
    %get3A_245 = arith.constant 0 : index
    %get3A_246 = arith.constant 0 : index
    %get3A_247 = vector.load %arg9[%get3A_245, %get3A_246] : memref<1x32xf32, #tpu.memory_space<vmem>>, vector<1x32xf32>
    %reduce_sum3A_248 = arith.constant dense<0.000000e+00> : vector<136xf32>
    %reduce_sum3A_249 = vector.multi_reduction <add>, %add3A_145, %reduce_sum3A_248 [1] : vector<136x32xf32> to vector<136xf32>
    %broadcast_in_dim3A_250 = vector.shape_cast %reduce_sum3A_249 : vector<136xf32> to vector<136x1xf32>
    %div3A_251 = arith.constant 3.200000e+01 : f32
    %div3A_252 = vector.broadcast %div3A_251 : f32 to vector<136x1xf32>
    %div3A_253 = arith.divf %broadcast_in_dim3A_250, %div3A_252 : vector<136x1xf32>
    %sub3A_254 = vector.broadcast %div3A_253 : vector<136x1xf32> to vector<136x32xf32>
    %sub3A_255 = arith.subf %add3A_145, %sub3A_254 : vector<136x32xf32>
    %integer_pow3A_256 = arith.mulf %sub3A_255, %sub3A_255 : vector<136x32xf32>
    %reduce_sum3A_257 = arith.constant dense<0.000000e+00> : vector<136xf32>
    %reduce_sum3A_258 = vector.multi_reduction <add>, %integer_pow3A_256, %reduce_sum3A_257 [1] : vector<136x32xf32> to vector<136xf32>
    %broadcast_in_dim3A_259 = vector.shape_cast %reduce_sum3A_258 : vector<136xf32> to vector<136x1xf32>
    %div3A_260 = arith.constant 3.200000e+01 : f32
    %div3A_261 = vector.broadcast %div3A_260 : f32 to vector<136x1xf32>
    %div3A_262 = arith.divf %broadcast_in_dim3A_259, %div3A_261 : vector<136x1xf32>
    %sub3A_263 = vector.broadcast %div3A_253 : vector<136x1xf32> to vector<136x32xf32>
    %sub3A_264 = arith.subf %add3A_145, %sub3A_263 : vector<136x32xf32>
    %add3A_265 = arith.constant 9.99999974E-6 : f32
    %add3A_266 = vector.broadcast %add3A_265 : f32 to vector<136x1xf32>
    %add3A_267 = arith.addf %div3A_262, %add3A_266 : vector<136x1xf32>
    %sqrt3A_268 = math.sqrt %add3A_267 : vector<136x1xf32>
    %div3A_269 = vector.broadcast %sqrt3A_268 : vector<136x1xf32> to vector<136x32xf32>
    %div3A_270 = arith.divf %sub3A_264, %div3A_269 : vector<136x32xf32>
    %mul3A_271 = vector.broadcast %get3A_244 : vector<1x32xf32> to vector<136x32xf32>
    %mul3A_272 = arith.mulf %div3A_270, %mul3A_271 : vector<136x32xf32>
    %add3A_273 = vector.broadcast %get3A_247 : vector<1x32xf32> to vector<136x32xf32>
    %add3A_274 = arith.addf %mul3A_272, %add3A_273 : vector<136x32xf32>
    %get3A_275 = arith.constant 0 : index
    %get3A_276 = arith.constant 0 : index
    %get3A_277 = vector.load %arg10[%get3A_275, %get3A_276] : memref<512x136xf32, #tpu.memory_space<vmem>>, vector<512x136xf32>
    %dot_general3A_278 = arith.constant dense<0.000000e+00> : vector<512x32xf32>
    %dot_general3A_279 = tpu.matmul %get3A_277, %add3A_175, %dot_general3A_278 {dimension_numbers = #tpu.dot_dimension_numbers<[1], [0], [0], [1], [0, 0, 1, 1], [], []>, transpose_lhs_hint = false} : vector<512x136xf32>, vector<136x32xf32>, vector<512x32xf32> -> vector<512x32xf32>
    %get3A_280 = arith.constant 0 : index
    %get3A_281 = arith.constant 0 : index
    %get3A_282 = vector.load %arg11[%get3A_280, %get3A_281] : memref<512x1xf32, #tpu.memory_space<vmem>>, vector<512x1xf32>
    %add3A_283 = vector.broadcast %get3A_282 : vector<512x1xf32> to vector<512x32xf32>
    %add3A_284 = arith.addf %dot_general3A_279, %add3A_283 : vector<512x32xf32>
    %mul3A_285 = arith.constant 5.000000e-01 : f32
    %mul3A_286 = vector.broadcast %mul3A_285 : f32 to vector<512x32xf32>
    %mul3A_287 = arith.mulf %add3A_284, %mul3A_286 : vector<512x32xf32>
    %mul3A_288 = arith.constant 0.707106769 : f32
    %mul3A_289 = vector.broadcast %mul3A_288 : f32 to vector<512x32xf32>
    %mul3A_290 = arith.mulf %add3A_284, %mul3A_289 : vector<512x32xf32>
    %erf3A = math.erf %mul3A_290 : vector<512x32xf32>
    %add3A_291 = arith.constant 1.000000e+00 : f32
    %add3A_292 = vector.broadcast %add3A_291 : f32 to vector<512x32xf32>
    %add3A_293 = arith.addf %add3A_292, %erf3A : vector<512x32xf32>
    %mul3A_294 = arith.mulf %mul3A_287, %add3A_293 : vector<512x32xf32>
    %get3A_295 = arith.constant 0 : index
    %get3A_296 = arith.constant 0 : index
    %get3A_297 = vector.load %arg10[%get3A_295, %get3A_296] : memref<512x136xf32, #tpu.memory_space<vmem>>, vector<512x136xf32>
    %dot_general3A_298 = arith.constant dense<0.000000e+00> : vector<512x32xf32>
    %dot_general3A_299 = tpu.matmul %get3A_297, %add3A_208, %dot_general3A_298 {dimension_numbers = #tpu.dot_dimension_numbers<[1], [0], [0], [1], [0, 0, 1, 1], [], []>, transpose_lhs_hint = false} : vector<512x136xf32>, vector<136x32xf32>, vector<512x32xf32> -> vector<512x32xf32>
    %get3A_300 = arith.constant 0 : index
    %get3A_301 = arith.constant 0 : index
    %get3A_302 = vector.load %arg11[%get3A_300, %get3A_301] : memref<512x1xf32, #tpu.memory_space<vmem>>, vector<512x1xf32>
    %add3A_303 = vector.broadcast %get3A_302 : vector<512x1xf32> to vector<512x32xf32>
    %add3A_304 = arith.addf %dot_general3A_299, %add3A_303 : vector<512x32xf32>
    %mul3A_305 = arith.constant 5.000000e-01 : f32
    %mul3A_306 = vector.broadcast %mul3A_305 : f32 to vector<512x32xf32>
    %mul3A_307 = arith.mulf %add3A_304, %mul3A_306 : vector<512x32xf32>
    %mul3A_308 = arith.constant 0.707106769 : f32
    %mul3A_309 = vector.broadcast %mul3A_308 : f32 to vector<512x32xf32>
    %mul3A_310 = arith.mulf %add3A_304, %mul3A_309 : vector<512x32xf32>
    %erf3A_311 = math.erf %mul3A_310 : vector<512x32xf32>
    %add3A_312 = arith.constant 1.000000e+00 : f32
    %add3A_313 = vector.broadcast %add3A_312 : f32 to vector<512x32xf32>
    %add3A_314 = arith.addf %add3A_313, %erf3A_311 : vector<512x32xf32>
    %mul3A_315 = arith.mulf %mul3A_307, %add3A_314 : vector<512x32xf32>
    %get3A_316 = arith.constant 0 : index
    %get3A_317 = arith.constant 0 : index
    %get3A_318 = vector.load %arg10[%get3A_316, %get3A_317] : memref<512x136xf32, #tpu.memory_space<vmem>>, vector<512x136xf32>
    %dot_general3A_319 = arith.constant dense<0.000000e+00> : vector<512x32xf32>
    %dot_general3A_320 = tpu.matmul %get3A_318, %add3A_241, %dot_general3A_319 {dimension_numbers = #tpu.dot_dimension_numbers<[1], [0], [0], [1], [0, 0, 1, 1], [], []>, transpose_lhs_hint = false} : vector<512x136xf32>, vector<136x32xf32>, vector<512x32xf32> -> vector<512x32xf32>
    %get3A_321 = arith.constant 0 : index
    %get3A_322 = arith.constant 0 : index
    %get3A_323 = vector.load %arg11[%get3A_321, %get3A_322] : memref<512x1xf32, #tpu.memory_space<vmem>>, vector<512x1xf32>
    %add3A_324 = vector.broadcast %get3A_323 : vector<512x1xf32> to vector<512x32xf32>
    %add3A_325 = arith.addf %dot_general3A_320, %add3A_324 : vector<512x32xf32>
    %mul3A_326 = arith.constant 5.000000e-01 : f32
    %mul3A_327 = vector.broadcast %mul3A_326 : f32 to vector<512x32xf32>
    %mul3A_328 = arith.mulf %add3A_325, %mul3A_327 : vector<512x32xf32>
    %mul3A_329 = arith.constant 0.707106769 : f32
    %mul3A_330 = vector.broadcast %mul3A_329 : f32 to vector<512x32xf32>
    %mul3A_331 = arith.mulf %add3A_325, %mul3A_330 : vector<512x32xf32>
    %erf3A_332 = math.erf %mul3A_331 : vector<512x32xf32>
    %add3A_333 = arith.constant 1.000000e+00 : f32
    %add3A_334 = vector.broadcast %add3A_333 : f32 to vector<512x32xf32>
    %add3A_335 = arith.addf %add3A_334, %erf3A_332 : vector<512x32xf32>
    %mul3A_336 = arith.mulf %mul3A_328, %add3A_335 : vector<512x32xf32>
    %get3A_337 = arith.constant 0 : index
    %get3A_338 = arith.constant 0 : index
    %get3A_339 = vector.load %arg10[%get3A_337, %get3A_338] : memref<512x136xf32, #tpu.memory_space<vmem>>, vector<512x136xf32>
    %dot_general3A_340 = arith.constant dense<0.000000e+00> : vector<512x32xf32>
    %dot_general3A_341 = tpu.matmul %get3A_339, %add3A_274, %dot_general3A_340 {dimension_numbers = #tpu.dot_dimension_numbers<[1], [0], [0], [1], [0, 0, 1, 1], [], []>, transpose_lhs_hint = false} : vector<512x136xf32>, vector<136x32xf32>, vector<512x32xf32> -> vector<512x32xf32>
    %get3A_342 = arith.constant 0 : index
    %get3A_343 = arith.constant 0 : index
    %get3A_344 = vector.load %arg11[%get3A_342, %get3A_343] : memref<512x1xf32, #tpu.memory_space<vmem>>, vector<512x1xf32>
    %add3A_345 = vector.broadcast %get3A_344 : vector<512x1xf32> to vector<512x32xf32>
    %add3A_346 = arith.addf %dot_general3A_341, %add3A_345 : vector<512x32xf32>
    %mul3A_347 = arith.constant 5.000000e-01 : f32
    %mul3A_348 = vector.broadcast %mul3A_347 : f32 to vector<512x32xf32>
    %mul3A_349 = arith.mulf %add3A_346, %mul3A_348 : vector<512x32xf32>
    %mul3A_350 = arith.constant 0.707106769 : f32
    %mul3A_351 = vector.broadcast %mul3A_350 : f32 to vector<512x32xf32>
    %mul3A_352 = arith.mulf %add3A_346, %mul3A_351 : vector<512x32xf32>
    %erf3A_353 = math.erf %mul3A_352 : vector<512x32xf32>
    %add3A_354 = arith.constant 1.000000e+00 : f32
    %add3A_355 = vector.broadcast %add3A_354 : f32 to vector<512x32xf32>
    %add3A_356 = arith.addf %add3A_355, %erf3A_353 : vector<512x32xf32>
    %mul3A_357 = arith.mulf %mul3A_349, %add3A_356 : vector<512x32xf32>
    %get3A_358 = arith.constant 0 : index
    %get3A_359 = arith.constant 0 : index
    %get3A_360 = vector.load %arg12[%get3A_358, %get3A_359] : memref<136x512xf32, #tpu.memory_space<vmem>>, vector<136x512xf32>
    %dot_general3A_361 = arith.constant dense<0.000000e+00> : vector<136x32xf32>
    %dot_general3A_362 = tpu.matmul %get3A_360, %mul3A_294, %dot_general3A_361 {dimension_numbers = #tpu.dot_dimension_numbers<[1], [0], [0], [1], [0, 0, 1, 1], [], []>, transpose_lhs_hint = false} : vector<136x512xf32>, vector<512x32xf32>, vector<136x32xf32> -> vector<136x32xf32>
    %get3A_363 = arith.constant 0 : index
    %get3A_364 = arith.constant 0 : index
    %get3A_365 = vector.load %arg13[%get3A_363, %get3A_364] : memref<136x1xf32, #tpu.memory_space<vmem>>, vector<136x1xf32>
    %add3A_366 = vector.broadcast %get3A_365 : vector<136x1xf32> to vector<136x32xf32>
    %add3A_367 = arith.addf %dot_general3A_362, %add3A_366 : vector<136x32xf32>
    %get3A_368 = arith.constant 0 : index
    %get3A_369 = arith.constant 0 : index
    %get3A_370 = vector.load %arg12[%get3A_368, %get3A_369] : memref<136x512xf32, #tpu.memory_space<vmem>>, vector<136x512xf32>
    %dot_general3A_371 = arith.constant dense<0.000000e+00> : vector<136x32xf32>
    %dot_general3A_372 = tpu.matmul %get3A_370, %mul3A_315, %dot_general3A_371 {dimension_numbers = #tpu.dot_dimension_numbers<[1], [0], [0], [1], [0, 0, 1, 1], [], []>, transpose_lhs_hint = false} : vector<136x512xf32>, vector<512x32xf32>, vector<136x32xf32> -> vector<136x32xf32>
    %get3A_373 = arith.constant 0 : index
    %get3A_374 = arith.constant 0 : index
    %get3A_375 = vector.load %arg13[%get3A_373, %get3A_374] : memref<136x1xf32, #tpu.memory_space<vmem>>, vector<136x1xf32>
    %add3A_376 = vector.broadcast %get3A_375 : vector<136x1xf32> to vector<136x32xf32>
    %add3A_377 = arith.addf %dot_general3A_372, %add3A_376 : vector<136x32xf32>
    %get3A_378 = arith.constant 0 : index
    %get3A_379 = arith.constant 0 : index
    %get3A_380 = vector.load %arg12[%get3A_378, %get3A_379] : memref<136x512xf32, #tpu.memory_space<vmem>>, vector<136x512xf32>
    %dot_general3A_381 = arith.constant dense<0.000000e+00> : vector<136x32xf32>
    %dot_general3A_382 = tpu.matmul %get3A_380, %mul3A_336, %dot_general3A_381 {dimension_numbers = #tpu.dot_dimension_numbers<[1], [0], [0], [1], [0, 0, 1, 1], [], []>, transpose_lhs_hint = false} : vector<136x512xf32>, vector<512x32xf32>, vector<136x32xf32> -> vector<136x32xf32>
    %get3A_383 = arith.constant 0 : index
    %get3A_384 = arith.constant 0 : index
    %get3A_385 = vector.load %arg13[%get3A_383, %get3A_384] : memref<136x1xf32, #tpu.memory_space<vmem>>, vector<136x1xf32>
    %add3A_386 = vector.broadcast %get3A_385 : vector<136x1xf32> to vector<136x32xf32>
    %add3A_387 = arith.addf %dot_general3A_382, %add3A_386 : vector<136x32xf32>
    %get3A_388 = arith.constant 0 : index
    %get3A_389 = arith.constant 0 : index
    %get3A_390 = vector.load %arg12[%get3A_388, %get3A_389] : memref<136x512xf32, #tpu.memory_space<vmem>>, vector<136x512xf32>
    %dot_general3A_391 = arith.constant dense<0.000000e+00> : vector<136x32xf32>
    %dot_general3A_392 = tpu.matmul %get3A_390, %mul3A_357, %dot_general3A_391 {dimension_numbers = #tpu.dot_dimension_numbers<[1], [0], [0], [1], [0, 0, 1, 1], [], []>, transpose_lhs_hint = false} : vector<136x512xf32>, vector<512x32xf32>, vector<136x32xf32> -> vector<136x32xf32>
    %get3A_393 = arith.constant 0 : index
    %get3A_394 = arith.constant 0 : index
    %get3A_395 = vector.load %arg13[%get3A_393, %get3A_394] : memref<136x1xf32, #tpu.memory_space<vmem>>, vector<136x1xf32>
    %add3A_396 = vector.broadcast %get3A_395 : vector<136x1xf32> to vector<136x32xf32>
    %add3A_397 = arith.addf %dot_general3A_392, %add3A_396 : vector<136x32xf32>
    %add3A_398 = arith.addf %add3A_79, %add3A_367 : vector<136x32xf32>
    %get3A_399 = arith.constant 0 : index
    %get3A_400 = arith.constant 0 : index
    %get3A_401 = vector.load %arg14[%get3A_399, %get3A_400] : memref<1x32xf32, #tpu.memory_space<vmem>>, vector<1x32xf32>
    %get3A_402 = arith.constant 0 : index
    %get3A_403 = arith.constant 0 : index
    %get3A_404 = vector.load %arg15[%get3A_402, %get3A_403] : memref<1x32xf32, #tpu.memory_space<vmem>>, vector<1x32xf32>
    %reduce_sum3A_405 = arith.constant dense<0.000000e+00> : vector<136xf32>
    %reduce_sum3A_406 = vector.multi_reduction <add>, %add3A_398, %reduce_sum3A_405 [1] : vector<136x32xf32> to vector<136xf32>
    %broadcast_in_dim3A_407 = vector.shape_cast %reduce_sum3A_406 : vector<136xf32> to vector<136x1xf32>
    %div3A_408 = arith.constant 3.200000e+01 : f32
    %div3A_409 = vector.broadcast %div3A_408 : f32 to vector<136x1xf32>
    %div3A_410 = arith.divf %broadcast_in_dim3A_407, %div3A_409 : vector<136x1xf32>
    %sub3A_411 = vector.broadcast %div3A_410 : vector<136x1xf32> to vector<136x32xf32>
    %sub3A_412 = arith.subf %add3A_398, %sub3A_411 : vector<136x32xf32>
    %integer_pow3A_413 = arith.mulf %sub3A_412, %sub3A_412 : vector<136x32xf32>
    %reduce_sum3A_414 = arith.constant dense<0.000000e+00> : vector<136xf32>
    %reduce_sum3A_415 = vector.multi_reduction <add>, %integer_pow3A_413, %reduce_sum3A_414 [1] : vector<136x32xf32> to vector<136xf32>
    %broadcast_in_dim3A_416 = vector.shape_cast %reduce_sum3A_415 : vector<136xf32> to vector<136x1xf32>
    %div3A_417 = arith.constant 3.200000e+01 : f32
    %div3A_418 = vector.broadcast %div3A_417 : f32 to vector<136x1xf32>
    %div3A_419 = arith.divf %broadcast_in_dim3A_416, %div3A_418 : vector<136x1xf32>
    %sub3A_420 = vector.broadcast %div3A_410 : vector<136x1xf32> to vector<136x32xf32>
    %sub3A_421 = arith.subf %add3A_398, %sub3A_420 : vector<136x32xf32>
    %add3A_422 = arith.constant 9.99999974E-6 : f32
    %add3A_423 = vector.broadcast %add3A_422 : f32 to vector<136x1xf32>
    %add3A_424 = arith.addf %div3A_419, %add3A_423 : vector<136x1xf32>
    %sqrt3A_425 = math.sqrt %add3A_424 : vector<136x1xf32>
    %div3A_426 = vector.broadcast %sqrt3A_425 : vector<136x1xf32> to vector<136x32xf32>
    %div3A_427 = arith.divf %sub3A_421, %div3A_426 : vector<136x32xf32>
    %mul3A_428 = vector.broadcast %get3A_401 : vector<1x32xf32> to vector<136x32xf32>
    %mul3A_429 = arith.mulf %div3A_427, %mul3A_428 : vector<136x32xf32>
    %add3A_430 = vector.broadcast %get3A_404 : vector<1x32xf32> to vector<136x32xf32>
    %add3A_431 = arith.addf %mul3A_429, %add3A_430 : vector<136x32xf32>
    %add3A_432 = arith.addf %add3A_101, %add3A_377 : vector<136x32xf32>
    %get3A_433 = arith.constant 0 : index
    %get3A_434 = arith.constant 0 : index
    %get3A_435 = vector.load %arg14[%get3A_433, %get3A_434] : memref<1x32xf32, #tpu.memory_space<vmem>>, vector<1x32xf32>
    %get3A_436 = arith.constant 0 : index
    %get3A_437 = arith.constant 0 : index
    %get3A_438 = vector.load %arg15[%get3A_436, %get3A_437] : memref<1x32xf32, #tpu.memory_space<vmem>>, vector<1x32xf32>
    %reduce_sum3A_439 = arith.constant dense<0.000000e+00> : vector<136xf32>
    %reduce_sum3A_440 = vector.multi_reduction <add>, %add3A_432, %reduce_sum3A_439 [1] : vector<136x32xf32> to vector<136xf32>
    %broadcast_in_dim3A_441 = vector.shape_cast %reduce_sum3A_440 : vector<136xf32> to vector<136x1xf32>
    %div3A_442 = arith.constant 3.200000e+01 : f32
    %div3A_443 = vector.broadcast %div3A_442 : f32 to vector<136x1xf32>
    %div3A_444 = arith.divf %broadcast_in_dim3A_441, %div3A_443 : vector<136x1xf32>
    %sub3A_445 = vector.broadcast %div3A_444 : vector<136x1xf32> to vector<136x32xf32>
    %sub3A_446 = arith.subf %add3A_432, %sub3A_445 : vector<136x32xf32>
    %integer_pow3A_447 = arith.mulf %sub3A_446, %sub3A_446 : vector<136x32xf32>
    %reduce_sum3A_448 = arith.constant dense<0.000000e+00> : vector<136xf32>
    %reduce_sum3A_449 = vector.multi_reduction <add>, %integer_pow3A_447, %reduce_sum3A_448 [1] : vector<136x32xf32> to vector<136xf32>
    %broadcast_in_dim3A_450 = vector.shape_cast %reduce_sum3A_449 : vector<136xf32> to vector<136x1xf32>
    %div3A_451 = arith.constant 3.200000e+01 : f32
    %div3A_452 = vector.broadcast %div3A_451 : f32 to vector<136x1xf32>
    %div3A_453 = arith.divf %broadcast_in_dim3A_450, %div3A_452 : vector<136x1xf32>
    %sub3A_454 = vector.broadcast %div3A_444 : vector<136x1xf32> to vector<136x32xf32>
    %sub3A_455 = arith.subf %add3A_432, %sub3A_454 : vector<136x32xf32>
    %add3A_456 = arith.constant 9.99999974E-6 : f32
    %add3A_457 = vector.broadcast %add3A_456 : f32 to vector<136x1xf32>
    %add3A_458 = arith.addf %div3A_453, %add3A_457 : vector<136x1xf32>
    %sqrt3A_459 = math.sqrt %add3A_458 : vector<136x1xf32>
    %div3A_460 = vector.broadcast %sqrt3A_459 : vector<136x1xf32> to vector<136x32xf32>
    %div3A_461 = arith.divf %sub3A_455, %div3A_460 : vector<136x32xf32>
    %mul3A_462 = vector.broadcast %get3A_435 : vector<1x32xf32> to vector<136x32xf32>
    %mul3A_463 = arith.mulf %div3A_461, %mul3A_462 : vector<136x32xf32>
    %add3A_464 = vector.broadcast %get3A_438 : vector<1x32xf32> to vector<136x32xf32>
    %add3A_465 = arith.addf %mul3A_463, %add3A_464 : vector<136x32xf32>
    %add3A_466 = arith.addf %add3A_123, %add3A_387 : vector<136x32xf32>
    %get3A_467 = arith.constant 0 : index
    %get3A_468 = arith.constant 0 : index
    %get3A_469 = vector.load %arg14[%get3A_467, %get3A_468] : memref<1x32xf32, #tpu.memory_space<vmem>>, vector<1x32xf32>
    %get3A_470 = arith.constant 0 : index
    %get3A_471 = arith.constant 0 : index
    %get3A_472 = vector.load %arg15[%get3A_470, %get3A_471] : memref<1x32xf32, #tpu.memory_space<vmem>>, vector<1x32xf32>
    %reduce_sum3A_473 = arith.constant dense<0.000000e+00> : vector<136xf32>
    %reduce_sum3A_474 = vector.multi_reduction <add>, %add3A_466, %reduce_sum3A_473 [1] : vector<136x32xf32> to vector<136xf32>
    %broadcast_in_dim3A_475 = vector.shape_cast %reduce_sum3A_474 : vector<136xf32> to vector<136x1xf32>
    %div3A_476 = arith.constant 3.200000e+01 : f32
    %div3A_477 = vector.broadcast %div3A_476 : f32 to vector<136x1xf32>
    %div3A_478 = arith.divf %broadcast_in_dim3A_475, %div3A_477 : vector<136x1xf32>
    %sub3A_479 = vector.broadcast %div3A_478 : vector<136x1xf32> to vector<136x32xf32>
    %sub3A_480 = arith.subf %add3A_466, %sub3A_479 : vector<136x32xf32>
    %integer_pow3A_481 = arith.mulf %sub3A_480, %sub3A_480 : vector<136x32xf32>
    %reduce_sum3A_482 = arith.constant dense<0.000000e+00> : vector<136xf32>
    %reduce_sum3A_483 = vector.multi_reduction <add>, %integer_pow3A_481, %reduce_sum3A_482 [1] : vector<136x32xf32> to vector<136xf32>
    %broadcast_in_dim3A_484 = vector.shape_cast %reduce_sum3A_483 : vector<136xf32> to vector<136x1xf32>
    %div3A_485 = arith.constant 3.200000e+01 : f32
    %div3A_486 = vector.broadcast %div3A_485 : f32 to vector<136x1xf32>
    %div3A_487 = arith.divf %broadcast_in_dim3A_484, %div3A_486 : vector<136x1xf32>
    %sub3A_488 = vector.broadcast %div3A_478 : vector<136x1xf32> to vector<136x32xf32>
    %sub3A_489 = arith.subf %add3A_466, %sub3A_488 : vector<136x32xf32>
    %add3A_490 = arith.constant 9.99999974E-6 : f32
    %add3A_491 = vector.broadcast %add3A_490 : f32 to vector<136x1xf32>
    %add3A_492 = arith.addf %div3A_487, %add3A_491 : vector<136x1xf32>
    %sqrt3A_493 = math.sqrt %add3A_492 : vector<136x1xf32>
    %div3A_494 = vector.broadcast %sqrt3A_493 : vector<136x1xf32> to vector<136x32xf32>
    %div3A_495 = arith.divf %sub3A_489, %div3A_494 : vector<136x32xf32>
    %mul3A_496 = vector.broadcast %get3A_469 : vector<1x32xf32> to vector<136x32xf32>
    %mul3A_497 = arith.mulf %div3A_495, %mul3A_496 : vector<136x32xf32>
    %add3A_498 = vector.broadcast %get3A_472 : vector<1x32xf32> to vector<136x32xf32>
    %add3A_499 = arith.addf %mul3A_497, %add3A_498 : vector<136x32xf32>
    %add3A_500 = arith.addf %add3A_145, %add3A_397 : vector<136x32xf32>
    %get3A_501 = arith.constant 0 : index
    %get3A_502 = arith.constant 0 : index
    %get3A_503 = vector.load %arg14[%get3A_501, %get3A_502] : memref<1x32xf32, #tpu.memory_space<vmem>>, vector<1x32xf32>
    %get3A_504 = arith.constant 0 : index
    %get3A_505 = arith.constant 0 : index
    %get3A_506 = vector.load %arg15[%get3A_504, %get3A_505] : memref<1x32xf32, #tpu.memory_space<vmem>>, vector<1x32xf32>
    %reduce_sum3A_507 = arith.constant dense<0.000000e+00> : vector<136xf32>
    %reduce_sum3A_508 = vector.multi_reduction <add>, %add3A_500, %reduce_sum3A_507 [1] : vector<136x32xf32> to vector<136xf32>
    %broadcast_in_dim3A_509 = vector.shape_cast %reduce_sum3A_508 : vector<136xf32> to vector<136x1xf32>
    %div3A_510 = arith.constant 3.200000e+01 : f32
    %div3A_511 = vector.broadcast %div3A_510 : f32 to vector<136x1xf32>
    %div3A_512 = arith.divf %broadcast_in_dim3A_509, %div3A_511 : vector<136x1xf32>
    %sub3A_513 = vector.broadcast %div3A_512 : vector<136x1xf32> to vector<136x32xf32>
    %sub3A_514 = arith.subf %add3A_500, %sub3A_513 : vector<136x32xf32>
    %integer_pow3A_515 = arith.mulf %sub3A_514, %sub3A_514 : vector<136x32xf32>
    %reduce_sum3A_516 = arith.constant dense<0.000000e+00> : vector<136xf32>
    %reduce_sum3A_517 = vector.multi_reduction <add>, %integer_pow3A_515, %reduce_sum3A_516 [1] : vector<136x32xf32> to vector<136xf32>
    %broadcast_in_dim3A_518 = vector.shape_cast %reduce_sum3A_517 : vector<136xf32> to vector<136x1xf32>
    %div3A_519 = arith.constant 3.200000e+01 : f32
    %div3A_520 = vector.broadcast %div3A_519 : f32 to vector<136x1xf32>
    %div3A_521 = arith.divf %broadcast_in_dim3A_518, %div3A_520 : vector<136x1xf32>
    %sub3A_522 = vector.broadcast %div3A_512 : vector<136x1xf32> to vector<136x32xf32>
    %sub3A_523 = arith.subf %add3A_500, %sub3A_522 : vector<136x32xf32>
    %add3A_524 = arith.constant 9.99999974E-6 : f32
    %add3A_525 = vector.broadcast %add3A_524 : f32 to vector<136x1xf32>
    %add3A_526 = arith.addf %div3A_521, %add3A_525 : vector<136x1xf32>
    %sqrt3A_527 = math.sqrt %add3A_526 : vector<136x1xf32>
    %div3A_528 = vector.broadcast %sqrt3A_527 : vector<136x1xf32> to vector<136x32xf32>
    %div3A_529 = arith.divf %sub3A_523, %div3A_528 : vector<136x32xf32>
    %mul3A_530 = vector.broadcast %get3A_503 : vector<1x32xf32> to vector<136x32xf32>
    %mul3A_531 = arith.mulf %div3A_529, %mul3A_530 : vector<136x32xf32>
    %add3A_532 = vector.broadcast %get3A_506 : vector<1x32xf32> to vector<136x32xf32>
    %add3A_533 = arith.addf %mul3A_531, %add3A_532 : vector<136x32xf32>
    %get3A_534 = arith.constant 0 : index
    %get3A_535 = arith.constant 0 : index
    %get3A_536 = vector.load %arg16[%get3A_534, %get3A_535] : memref<32x64xf32, #tpu.memory_space<vmem>>, vector<32x64xf32>
    %dot_general3A_537 = arith.constant dense<0.000000e+00> : vector<136x64xf32>
    %dot_general3A_538 = tpu.matmul %add3A_431, %get3A_536, %dot_general3A_537 {dimension_numbers = #tpu.dot_dimension_numbers<[1], [0], [0], [1], [0, 0, 1, 1], [], []>, transpose_lhs_hint = false} : vector<136x32xf32>, vector<32x64xf32>, vector<136x64xf32> -> vector<136x64xf32>
    %get3A_539 = arith.constant 0 : index
    %get3A_540 = arith.constant 0 : index
    %get3A_541 = vector.load %arg17[%get3A_539, %get3A_540] : memref<1x64xf32, #tpu.memory_space<vmem>>, vector<1x64xf32>
    %add3A_542 = vector.broadcast %get3A_541 : vector<1x64xf32> to vector<136x64xf32>
    %add3A_543 = arith.addf %dot_general3A_538, %add3A_542 : vector<136x64xf32>
    %mul3A_544 = arith.constant 5.000000e-01 : f32
    %mul3A_545 = vector.broadcast %mul3A_544 : f32 to vector<136x64xf32>
    %mul3A_546 = arith.mulf %add3A_543, %mul3A_545 : vector<136x64xf32>
    %mul3A_547 = arith.constant 0.707106769 : f32
    %mul3A_548 = vector.broadcast %mul3A_547 : f32 to vector<136x64xf32>
    %mul3A_549 = arith.mulf %add3A_543, %mul3A_548 : vector<136x64xf32>
    %erf3A_550 = math.erf %mul3A_549 : vector<136x64xf32>
    %add3A_551 = arith.constant 1.000000e+00 : f32
    %add3A_552 = vector.broadcast %add3A_551 : f32 to vector<136x64xf32>
    %add3A_553 = arith.addf %add3A_552, %erf3A_550 : vector<136x64xf32>
    %mul3A_554 = arith.mulf %mul3A_546, %add3A_553 : vector<136x64xf32>
    %get3A_555 = arith.constant 0 : index
    %get3A_556 = arith.constant 0 : index
    %get3A_557 = vector.load %arg16[%get3A_555, %get3A_556] : memref<32x64xf32, #tpu.memory_space<vmem>>, vector<32x64xf32>
    %dot_general3A_558 = arith.constant dense<0.000000e+00> : vector<136x64xf32>
    %dot_general3A_559 = tpu.matmul %add3A_465, %get3A_557, %dot_general3A_558 {dimension_numbers = #tpu.dot_dimension_numbers<[1], [0], [0], [1], [0, 0, 1, 1], [], []>, transpose_lhs_hint = false} : vector<136x32xf32>, vector<32x64xf32>, vector<136x64xf32> -> vector<136x64xf32>
    %get3A_560 = arith.constant 0 : index
    %get3A_561 = arith.constant 0 : index
    %get3A_562 = vector.load %arg17[%get3A_560, %get3A_561] : memref<1x64xf32, #tpu.memory_space<vmem>>, vector<1x64xf32>
    %add3A_563 = vector.broadcast %get3A_562 : vector<1x64xf32> to vector<136x64xf32>
    %add3A_564 = arith.addf %dot_general3A_559, %add3A_563 : vector<136x64xf32>
    %mul3A_565 = arith.constant 5.000000e-01 : f32
    %mul3A_566 = vector.broadcast %mul3A_565 : f32 to vector<136x64xf32>
    %mul3A_567 = arith.mulf %add3A_564, %mul3A_566 : vector<136x64xf32>
    %mul3A_568 = arith.constant 0.707106769 : f32
    %mul3A_569 = vector.broadcast %mul3A_568 : f32 to vector<136x64xf32>
    %mul3A_570 = arith.mulf %add3A_564, %mul3A_569 : vector<136x64xf32>
    %erf3A_571 = math.erf %mul3A_570 : vector<136x64xf32>
    %add3A_572 = arith.constant 1.000000e+00 : f32
    %add3A_573 = vector.broadcast %add3A_572 : f32 to vector<136x64xf32>
    %add3A_574 = arith.addf %add3A_573, %erf3A_571 : vector<136x64xf32>
    %mul3A_575 = arith.mulf %mul3A_567, %add3A_574 : vector<136x64xf32>
    %get3A_576 = arith.constant 0 : index
    %get3A_577 = arith.constant 0 : index
    %get3A_578 = vector.load %arg16[%get3A_576, %get3A_577] : memref<32x64xf32, #tpu.memory_space<vmem>>, vector<32x64xf32>
    %dot_general3A_579 = arith.constant dense<0.000000e+00> : vector<136x64xf32>
    %dot_general3A_580 = tpu.matmul %add3A_499, %get3A_578, %dot_general3A_579 {dimension_numbers = #tpu.dot_dimension_numbers<[1], [0], [0], [1], [0, 0, 1, 1], [], []>, transpose_lhs_hint = false} : vector<136x32xf32>, vector<32x64xf32>, vector<136x64xf32> -> vector<136x64xf32>
    %get3A_581 = arith.constant 0 : index
    %get3A_582 = arith.constant 0 : index
    %get3A_583 = vector.load %arg17[%get3A_581, %get3A_582] : memref<1x64xf32, #tpu.memory_space<vmem>>, vector<1x64xf32>
    %add3A_584 = vector.broadcast %get3A_583 : vector<1x64xf32> to vector<136x64xf32>
    %add3A_585 = arith.addf %dot_general3A_580, %add3A_584 : vector<136x64xf32>
    %mul3A_586 = arith.constant 5.000000e-01 : f32
    %mul3A_587 = vector.broadcast %mul3A_586 : f32 to vector<136x64xf32>
    %mul3A_588 = arith.mulf %add3A_585, %mul3A_587 : vector<136x64xf32>
    %mul3A_589 = arith.constant 0.707106769 : f32
    %mul3A_590 = vector.broadcast %mul3A_589 : f32 to vector<136x64xf32>
    %mul3A_591 = arith.mulf %add3A_585, %mul3A_590 : vector<136x64xf32>
    %erf3A_592 = math.erf %mul3A_591 : vector<136x64xf32>
    %add3A_593 = arith.constant 1.000000e+00 : f32
    %add3A_594 = vector.broadcast %add3A_593 : f32 to vector<136x64xf32>
    %add3A_595 = arith.addf %add3A_594, %erf3A_592 : vector<136x64xf32>
    %mul3A_596 = arith.mulf %mul3A_588, %add3A_595 : vector<136x64xf32>
    %get3A_597 = arith.constant 0 : index
    %get3A_598 = arith.constant 0 : index
    %get3A_599 = vector.load %arg16[%get3A_597, %get3A_598] : memref<32x64xf32, #tpu.memory_space<vmem>>, vector<32x64xf32>
    %dot_general3A_600 = arith.constant dense<0.000000e+00> : vector<136x64xf32>
    %dot_general3A_601 = tpu.matmul %add3A_533, %get3A_599, %dot_general3A_600 {dimension_numbers = #tpu.dot_dimension_numbers<[1], [0], [0], [1], [0, 0, 1, 1], [], []>, transpose_lhs_hint = false} : vector<136x32xf32>, vector<32x64xf32>, vector<136x64xf32> -> vector<136x64xf32>
    %get3A_602 = arith.constant 0 : index
    %get3A_603 = arith.constant 0 : index
    %get3A_604 = vector.load %arg17[%get3A_602, %get3A_603] : memref<1x64xf32, #tpu.memory_space<vmem>>, vector<1x64xf32>
    %add3A_605 = vector.broadcast %get3A_604 : vector<1x64xf32> to vector<136x64xf32>
    %add3A_606 = arith.addf %dot_general3A_601, %add3A_605 : vector<136x64xf32>
    %mul3A_607 = arith.constant 5.000000e-01 : f32
    %mul3A_608 = vector.broadcast %mul3A_607 : f32 to vector<136x64xf32>
    %mul3A_609 = arith.mulf %add3A_606, %mul3A_608 : vector<136x64xf32>
    %mul3A_610 = arith.constant 0.707106769 : f32
    %mul3A_611 = vector.broadcast %mul3A_610 : f32 to vector<136x64xf32>
    %mul3A_612 = arith.mulf %add3A_606, %mul3A_611 : vector<136x64xf32>
    %erf3A_613 = math.erf %mul3A_612 : vector<136x64xf32>
    %add3A_614 = arith.constant 1.000000e+00 : f32
    %add3A_615 = vector.broadcast %add3A_614 : f32 to vector<136x64xf32>
    %add3A_616 = arith.addf %add3A_615, %erf3A_613 : vector<136x64xf32>
    %mul3A_617 = arith.mulf %mul3A_609, %add3A_616 : vector<136x64xf32>
    %get3A_618 = arith.constant 0 : index
    %get3A_619 = arith.constant 0 : index
    %get3A_620 = vector.load %arg18[%get3A_618, %get3A_619] : memref<64x32xf32, #tpu.memory_space<vmem>>, vector<64x32xf32>
    %dot_general3A_621 = arith.constant dense<0.000000e+00> : vector<136x32xf32>
    %dot_general3A_622 = tpu.matmul %mul3A_554, %get3A_620, %dot_general3A_621 {dimension_numbers = #tpu.dot_dimension_numbers<[1], [0], [0], [1], [0, 0, 1, 1], [], []>, transpose_lhs_hint = false} : vector<136x64xf32>, vector<64x32xf32>, vector<136x32xf32> -> vector<136x32xf32>
    %get3A_623 = arith.constant 0 : index
    %get3A_624 = arith.constant 0 : index
    %get3A_625 = vector.load %arg19[%get3A_623, %get3A_624] : memref<1x32xf32, #tpu.memory_space<vmem>>, vector<1x32xf32>
    %add3A_626 = vector.broadcast %get3A_625 : vector<1x32xf32> to vector<136x32xf32>
    %add3A_627 = arith.addf %dot_general3A_622, %add3A_626 : vector<136x32xf32>
    %get3A_628 = arith.constant 0 : index
    %get3A_629 = arith.constant 0 : index
    %get3A_630 = vector.load %arg18[%get3A_628, %get3A_629] : memref<64x32xf32, #tpu.memory_space<vmem>>, vector<64x32xf32>
    %dot_general3A_631 = arith.constant dense<0.000000e+00> : vector<136x32xf32>
    %dot_general3A_632 = tpu.matmul %mul3A_575, %get3A_630, %dot_general3A_631 {dimension_numbers = #tpu.dot_dimension_numbers<[1], [0], [0], [1], [0, 0, 1, 1], [], []>, transpose_lhs_hint = false} : vector<136x64xf32>, vector<64x32xf32>, vector<136x32xf32> -> vector<136x32xf32>
    %get3A_633 = arith.constant 0 : index
    %get3A_634 = arith.constant 0 : index
    %get3A_635 = vector.load %arg19[%get3A_633, %get3A_634] : memref<1x32xf32, #tpu.memory_space<vmem>>, vector<1x32xf32>
    %add3A_636 = vector.broadcast %get3A_635 : vector<1x32xf32> to vector<136x32xf32>
    %add3A_637 = arith.addf %dot_general3A_632, %add3A_636 : vector<136x32xf32>
    %get3A_638 = arith.constant 0 : index
    %get3A_639 = arith.constant 0 : index
    %get3A_640 = vector.load %arg18[%get3A_638, %get3A_639] : memref<64x32xf32, #tpu.memory_space<vmem>>, vector<64x32xf32>
    %dot_general3A_641 = arith.constant dense<0.000000e+00> : vector<136x32xf32>
    %dot_general3A_642 = tpu.matmul %mul3A_596, %get3A_640, %dot_general3A_641 {dimension_numbers = #tpu.dot_dimension_numbers<[1], [0], [0], [1], [0, 0, 1, 1], [], []>, transpose_lhs_hint = false} : vector<136x64xf32>, vector<64x32xf32>, vector<136x32xf32> -> vector<136x32xf32>
    %get3A_643 = arith.constant 0 : index
    %get3A_644 = arith.constant 0 : index
    %get3A_645 = vector.load %arg19[%get3A_643, %get3A_644] : memref<1x32xf32, #tpu.memory_space<vmem>>, vector<1x32xf32>
    %add3A_646 = vector.broadcast %get3A_645 : vector<1x32xf32> to vector<136x32xf32>
    %add3A_647 = arith.addf %dot_general3A_642, %add3A_646 : vector<136x32xf32>
    %get3A_648 = arith.constant 0 : index
    %get3A_649 = arith.constant 0 : index
    %get3A_650 = vector.load %arg18[%get3A_648, %get3A_649] : memref<64x32xf32, #tpu.memory_space<vmem>>, vector<64x32xf32>
    %dot_general3A_651 = arith.constant dense<0.000000e+00> : vector<136x32xf32>
    %dot_general3A_652 = tpu.matmul %mul3A_617, %get3A_650, %dot_general3A_651 {dimension_numbers = #tpu.dot_dimension_numbers<[1], [0], [0], [1], [0, 0, 1, 1], [], []>, transpose_lhs_hint = false} : vector<136x64xf32>, vector<64x32xf32>, vector<136x32xf32> -> vector<136x32xf32>
    %get3A_653 = arith.constant 0 : index
    %get3A_654 = arith.constant 0 : index
    %get3A_655 = vector.load %arg19[%get3A_653, %get3A_654] : memref<1x32xf32, #tpu.memory_space<vmem>>, vector<1x32xf32>
    %add3A_656 = vector.broadcast %get3A_655 : vector<1x32xf32> to vector<136x32xf32>
    %add3A_657 = arith.addf %dot_general3A_652, %add3A_656 : vector<136x32xf32>
    %add3A_658 = arith.addf %add3A_79, %add3A_367 : vector<136x32xf32>
    %add3A_659 = arith.addf %add3A_658, %add3A_627 : vector<136x32xf32>
    %add3A_660 = arith.addf %add3A_101, %add3A_377 : vector<136x32xf32>
    %add3A_661 = arith.addf %add3A_660, %add3A_637 : vector<136x32xf32>
    %add3A_662 = arith.addf %add3A_123, %add3A_387 : vector<136x32xf32>
    %add3A_663 = arith.addf %add3A_662, %add3A_647 : vector<136x32xf32>
    %add3A_664 = arith.addf %add3A_145, %add3A_397 : vector<136x32xf32>
    %add3A_665 = arith.addf %add3A_664, %add3A_657 : vector<136x32xf32>
    %get3A_666 = arith.constant 0 : index
    %get3A_667 = arith.constant 0 : index
    %get3A_668 = vector.load %arg20[%get3A_666, %get3A_667] : memref<1x32xf32, #tpu.memory_space<vmem>>, vector<1x32xf32>
    %get3A_669 = arith.constant 0 : index
    %get3A_670 = arith.constant 0 : index
    %get3A_671 = vector.load %arg21[%get3A_669, %get3A_670] : memref<1x32xf32, #tpu.memory_space<vmem>>, vector<1x32xf32>
    %reduce_sum3A_672 = arith.constant dense<0.000000e+00> : vector<136xf32>
    %reduce_sum3A_673 = vector.multi_reduction <add>, %add3A_659, %reduce_sum3A_672 [1] : vector<136x32xf32> to vector<136xf32>
    %broadcast_in_dim3A_674 = vector.shape_cast %reduce_sum3A_673 : vector<136xf32> to vector<136x1xf32>
    %div3A_675 = arith.constant 3.200000e+01 : f32
    %div3A_676 = vector.broadcast %div3A_675 : f32 to vector<136x1xf32>
    %div3A_677 = arith.divf %broadcast_in_dim3A_674, %div3A_676 : vector<136x1xf32>
    %sub3A_678 = vector.broadcast %div3A_677 : vector<136x1xf32> to vector<136x32xf32>
    %sub3A_679 = arith.subf %add3A_659, %sub3A_678 : vector<136x32xf32>
    %integer_pow3A_680 = arith.mulf %sub3A_679, %sub3A_679 : vector<136x32xf32>
    %reduce_sum3A_681 = arith.constant dense<0.000000e+00> : vector<136xf32>
    %reduce_sum3A_682 = vector.multi_reduction <add>, %integer_pow3A_680, %reduce_sum3A_681 [1] : vector<136x32xf32> to vector<136xf32>
    %broadcast_in_dim3A_683 = vector.shape_cast %reduce_sum3A_682 : vector<136xf32> to vector<136x1xf32>
    %div3A_684 = arith.constant 3.200000e+01 : f32
    %div3A_685 = vector.broadcast %div3A_684 : f32 to vector<136x1xf32>
    %div3A_686 = arith.divf %broadcast_in_dim3A_683, %div3A_685 : vector<136x1xf32>
    %sub3A_687 = vector.broadcast %div3A_677 : vector<136x1xf32> to vector<136x32xf32>
    %sub3A_688 = arith.subf %add3A_659, %sub3A_687 : vector<136x32xf32>
    %add3A_689 = arith.constant 9.99999974E-6 : f32
    %add3A_690 = vector.broadcast %add3A_689 : f32 to vector<136x1xf32>
    %add3A_691 = arith.addf %div3A_686, %add3A_690 : vector<136x1xf32>
    %sqrt3A_692 = math.sqrt %add3A_691 : vector<136x1xf32>
    %div3A_693 = vector.broadcast %sqrt3A_692 : vector<136x1xf32> to vector<136x32xf32>
    %div3A_694 = arith.divf %sub3A_688, %div3A_693 : vector<136x32xf32>
    %mul3A_695 = vector.broadcast %get3A_668 : vector<1x32xf32> to vector<136x32xf32>
    %mul3A_696 = arith.mulf %div3A_694, %mul3A_695 : vector<136x32xf32>
    %add3A_697 = vector.broadcast %get3A_671 : vector<1x32xf32> to vector<136x32xf32>
    %add3A_698 = arith.addf %mul3A_696, %add3A_697 : vector<136x32xf32>
    %get3A_699 = arith.constant 0 : index
    %get3A_700 = arith.constant 0 : index
    %get3A_701 = vector.load %arg20[%get3A_699, %get3A_700] : memref<1x32xf32, #tpu.memory_space<vmem>>, vector<1x32xf32>
    %get3A_702 = arith.constant 0 : index
    %get3A_703 = arith.constant 0 : index
    %get3A_704 = vector.load %arg21[%get3A_702, %get3A_703] : memref<1x32xf32, #tpu.memory_space<vmem>>, vector<1x32xf32>
    %reduce_sum3A_705 = arith.constant dense<0.000000e+00> : vector<136xf32>
    %reduce_sum3A_706 = vector.multi_reduction <add>, %add3A_661, %reduce_sum3A_705 [1] : vector<136x32xf32> to vector<136xf32>
    %broadcast_in_dim3A_707 = vector.shape_cast %reduce_sum3A_706 : vector<136xf32> to vector<136x1xf32>
    %div3A_708 = arith.constant 3.200000e+01 : f32
    %div3A_709 = vector.broadcast %div3A_708 : f32 to vector<136x1xf32>
    %div3A_710 = arith.divf %broadcast_in_dim3A_707, %div3A_709 : vector<136x1xf32>
    %sub3A_711 = vector.broadcast %div3A_710 : vector<136x1xf32> to vector<136x32xf32>
    %sub3A_712 = arith.subf %add3A_661, %sub3A_711 : vector<136x32xf32>
    %integer_pow3A_713 = arith.mulf %sub3A_712, %sub3A_712 : vector<136x32xf32>
    %reduce_sum3A_714 = arith.constant dense<0.000000e+00> : vector<136xf32>
    %reduce_sum3A_715 = vector.multi_reduction <add>, %integer_pow3A_713, %reduce_sum3A_714 [1] : vector<136x32xf32> to vector<136xf32>
    %broadcast_in_dim3A_716 = vector.shape_cast %reduce_sum3A_715 : vector<136xf32> to vector<136x1xf32>
    %div3A_717 = arith.constant 3.200000e+01 : f32
    %div3A_718 = vector.broadcast %div3A_717 : f32 to vector<136x1xf32>
    %div3A_719 = arith.divf %broadcast_in_dim3A_716, %div3A_718 : vector<136x1xf32>
    %sub3A_720 = vector.broadcast %div3A_710 : vector<136x1xf32> to vector<136x32xf32>
    %sub3A_721 = arith.subf %add3A_661, %sub3A_720 : vector<136x32xf32>
    %add3A_722 = arith.constant 9.99999974E-6 : f32
    %add3A_723 = vector.broadcast %add3A_722 : f32 to vector<136x1xf32>
    %add3A_724 = arith.addf %div3A_719, %add3A_723 : vector<136x1xf32>
    %sqrt3A_725 = math.sqrt %add3A_724 : vector<136x1xf32>
    %div3A_726 = vector.broadcast %sqrt3A_725 : vector<136x1xf32> to vector<136x32xf32>
    %div3A_727 = arith.divf %sub3A_721, %div3A_726 : vector<136x32xf32>
    %mul3A_728 = vector.broadcast %get3A_701 : vector<1x32xf32> to vector<136x32xf32>
    %mul3A_729 = arith.mulf %div3A_727, %mul3A_728 : vector<136x32xf32>
    %add3A_730 = vector.broadcast %get3A_704 : vector<1x32xf32> to vector<136x32xf32>
    %add3A_731 = arith.addf %mul3A_729, %add3A_730 : vector<136x32xf32>
    %get3A_732 = arith.constant 0 : index
    %get3A_733 = arith.constant 0 : index
    %get3A_734 = vector.load %arg20[%get3A_732, %get3A_733] : memref<1x32xf32, #tpu.memory_space<vmem>>, vector<1x32xf32>
    %get3A_735 = arith.constant 0 : index
    %get3A_736 = arith.constant 0 : index
    %get3A_737 = vector.load %arg21[%get3A_735, %get3A_736] : memref<1x32xf32, #tpu.memory_space<vmem>>, vector<1x32xf32>
    %reduce_sum3A_738 = arith.constant dense<0.000000e+00> : vector<136xf32>
    %reduce_sum3A_739 = vector.multi_reduction <add>, %add3A_663, %reduce_sum3A_738 [1] : vector<136x32xf32> to vector<136xf32>
    %broadcast_in_dim3A_740 = vector.shape_cast %reduce_sum3A_739 : vector<136xf32> to vector<136x1xf32>
    %div3A_741 = arith.constant 3.200000e+01 : f32
    %div3A_742 = vector.broadcast %div3A_741 : f32 to vector<136x1xf32>
    %div3A_743 = arith.divf %broadcast_in_dim3A_740, %div3A_742 : vector<136x1xf32>
    %sub3A_744 = vector.broadcast %div3A_743 : vector<136x1xf32> to vector<136x32xf32>
    %sub3A_745 = arith.subf %add3A_663, %sub3A_744 : vector<136x32xf32>
    %integer_pow3A_746 = arith.mulf %sub3A_745, %sub3A_745 : vector<136x32xf32>
    %reduce_sum3A_747 = arith.constant dense<0.000000e+00> : vector<136xf32>
    %reduce_sum3A_748 = vector.multi_reduction <add>, %integer_pow3A_746, %reduce_sum3A_747 [1] : vector<136x32xf32> to vector<136xf32>
    %broadcast_in_dim3A_749 = vector.shape_cast %reduce_sum3A_748 : vector<136xf32> to vector<136x1xf32>
    %div3A_750 = arith.constant 3.200000e+01 : f32
    %div3A_751 = vector.broadcast %div3A_750 : f32 to vector<136x1xf32>
    %div3A_752 = arith.divf %broadcast_in_dim3A_749, %div3A_751 : vector<136x1xf32>
    %sub3A_753 = vector.broadcast %div3A_743 : vector<136x1xf32> to vector<136x32xf32>
    %sub3A_754 = arith.subf %add3A_663, %sub3A_753 : vector<136x32xf32>
    %add3A_755 = arith.constant 9.99999974E-6 : f32
    %add3A_756 = vector.broadcast %add3A_755 : f32 to vector<136x1xf32>
    %add3A_757 = arith.addf %div3A_752, %add3A_756 : vector<136x1xf32>
    %sqrt3A_758 = math.sqrt %add3A_757 : vector<136x1xf32>
    %div3A_759 = vector.broadcast %sqrt3A_758 : vector<136x1xf32> to vector<136x32xf32>
    %div3A_760 = arith.divf %sub3A_754, %div3A_759 : vector<136x32xf32>
    %mul3A_761 = vector.broadcast %get3A_734 : vector<1x32xf32> to vector<136x32xf32>
    %mul3A_762 = arith.mulf %div3A_760, %mul3A_761 : vector<136x32xf32>
    %add3A_763 = vector.broadcast %get3A_737 : vector<1x32xf32> to vector<136x32xf32>
    %add3A_764 = arith.addf %mul3A_762, %add3A_763 : vector<136x32xf32>
    %get3A_765 = arith.constant 0 : index
    %get3A_766 = arith.constant 0 : index
    %get3A_767 = vector.load %arg20[%get3A_765, %get3A_766] : memref<1x32xf32, #tpu.memory_space<vmem>>, vector<1x32xf32>
    %get3A_768 = arith.constant 0 : index
    %get3A_769 = arith.constant 0 : index
    %get3A_770 = vector.load %arg21[%get3A_768, %get3A_769] : memref<1x32xf32, #tpu.memory_space<vmem>>, vector<1x32xf32>
    %reduce_sum3A_771 = arith.constant dense<0.000000e+00> : vector<136xf32>
    %reduce_sum3A_772 = vector.multi_reduction <add>, %add3A_665, %reduce_sum3A_771 [1] : vector<136x32xf32> to vector<136xf32>
    %broadcast_in_dim3A_773 = vector.shape_cast %reduce_sum3A_772 : vector<136xf32> to vector<136x1xf32>
    %div3A_774 = arith.constant 3.200000e+01 : f32
    %div3A_775 = vector.broadcast %div3A_774 : f32 to vector<136x1xf32>
    %div3A_776 = arith.divf %broadcast_in_dim3A_773, %div3A_775 : vector<136x1xf32>
    %sub3A_777 = vector.broadcast %div3A_776 : vector<136x1xf32> to vector<136x32xf32>
    %sub3A_778 = arith.subf %add3A_665, %sub3A_777 : vector<136x32xf32>
    %integer_pow3A_779 = arith.mulf %sub3A_778, %sub3A_778 : vector<136x32xf32>
    %reduce_sum3A_780 = arith.constant dense<0.000000e+00> : vector<136xf32>
    %reduce_sum3A_781 = vector.multi_reduction <add>, %integer_pow3A_779, %reduce_sum3A_780 [1] : vector<136x32xf32> to vector<136xf32>
    %broadcast_in_dim3A_782 = vector.shape_cast %reduce_sum3A_781 : vector<136xf32> to vector<136x1xf32>
    %div3A_783 = arith.constant 3.200000e+01 : f32
    %div3A_784 = vector.broadcast %div3A_783 : f32 to vector<136x1xf32>
    %div3A_785 = arith.divf %broadcast_in_dim3A_782, %div3A_784 : vector<136x1xf32>
    %sub3A_786 = vector.broadcast %div3A_776 : vector<136x1xf32> to vector<136x32xf32>
    %sub3A_787 = arith.subf %add3A_665, %sub3A_786 : vector<136x32xf32>
    %add3A_788 = arith.constant 9.99999974E-6 : f32
    %add3A_789 = vector.broadcast %add3A_788 : f32 to vector<136x1xf32>
    %add3A_790 = arith.addf %div3A_785, %add3A_789 : vector<136x1xf32>
    %sqrt3A_791 = math.sqrt %add3A_790 : vector<136x1xf32>
    %div3A_792 = vector.broadcast %sqrt3A_791 : vector<136x1xf32> to vector<136x32xf32>
    %div3A_793 = arith.divf %sub3A_787, %div3A_792 : vector<136x32xf32>
    %mul3A_794 = vector.broadcast %get3A_767 : vector<1x32xf32> to vector<136x32xf32>
    %mul3A_795 = arith.mulf %div3A_793, %mul3A_794 : vector<136x32xf32>
    %add3A_796 = vector.broadcast %get3A_770 : vector<1x32xf32> to vector<136x32xf32>
    %add3A_797 = arith.addf %mul3A_795, %add3A_796 : vector<136x32xf32>
    %get3A_798 = arith.constant 0 : index
    %get3A_799 = arith.constant 0 : index
    %get3A_800 = vector.load %arg22[%get3A_798, %get3A_799] : memref<32x2xf32, #tpu.memory_space<vmem>>, vector<32x2xf32>
    %dot_general3A_801 = arith.constant dense<0.000000e+00> : vector<136x2xf32>
    %dot_general3A_802 = tpu.matmul %add3A_698, %get3A_800, %dot_general3A_801 {dimension_numbers = #tpu.dot_dimension_numbers<[1], [0], [0], [1], [0, 0, 1, 1], [], []>, transpose_lhs_hint = false} : vector<136x32xf32>, vector<32x2xf32>, vector<136x2xf32> -> vector<136x2xf32>
    %get3A_803 = arith.constant 0 : index
    %get3A_804 = arith.constant 0 : index
    %get3A_805 = vector.load %arg23[%get3A_803, %get3A_804] : memref<1x2xf32, #tpu.memory_space<vmem>>, vector<1x2xf32>
    %add3A_806 = vector.broadcast %get3A_805 : vector<1x2xf32> to vector<136x2xf32>
    %add3A_807 = arith.addf %dot_general3A_802, %add3A_806 : vector<136x2xf32>
    %swap3A_808 = arith.constant 0 : index
    %swap3A_809 = arith.constant 0 : index
    %swap3A_810 = vector.load %arg24[%swap3A_808, %swap3A_809] : memref<544x2xf32, #tpu.memory_space<vmem>>, vector<136x2xf32>
    tpu.vector_store %arg24[%swap3A_808, %swap3A_809], %add3A_807 {strides = array<i32>} : memref<544x2xf32, #tpu.memory_space<vmem>>, vector<136x2xf32>,
    %get3A_811 = arith.constant 0 : index
    %get3A_812 = arith.constant 0 : index
    %get3A_813 = vector.load %arg22[%get3A_811, %get3A_812] : memref<32x2xf32, #tpu.memory_space<vmem>>, vector<32x2xf32>
    %dot_general3A_814 = arith.constant dense<0.000000e+00> : vector<136x2xf32>
    %dot_general3A_815 = tpu.matmul %add3A_731, %get3A_813, %dot_general3A_814 {dimension_numbers = #tpu.dot_dimension_numbers<[1], [0], [0], [1], [0, 0, 1, 1], [], []>, transpose_lhs_hint = false} : vector<136x32xf32>, vector<32x2xf32>, vector<136x2xf32> -> vector<136x2xf32>
    %get3A_816 = arith.constant 0 : index
    %get3A_817 = arith.constant 0 : index
    %get3A_818 = vector.load %arg23[%get3A_816, %get3A_817] : memref<1x2xf32, #tpu.memory_space<vmem>>, vector<1x2xf32>
    %add3A_819 = vector.broadcast %get3A_818 : vector<1x2xf32> to vector<136x2xf32>
    %add3A_820 = arith.addf %dot_general3A_815, %add3A_819 : vector<136x2xf32>
    %swap3A_821 = arith.constant 136 : index
    %swap3A_822 = arith.constant 0 : index
    %swap3A_823 = vector.load %arg24[%swap3A_821, %swap3A_822] : memref<544x2xf32, #tpu.memory_space<vmem>>, vector<136x2xf32>
    tpu.vector_store %arg24[%swap3A_821, %swap3A_822], %add3A_820 {strides = array<i32>} : memref<544x2xf32, #tpu.memory_space<vmem>>, vector<136x2xf32>,
    %get3A_824 = arith.constant 0 : index
    %get3A_825 = arith.constant 0 : index
    %get3A_826 = vector.load %arg22[%get3A_824, %get3A_825] : memref<32x2xf32, #tpu.memory_space<vmem>>, vector<32x2xf32>
    %dot_general3A_827 = arith.constant dense<0.000000e+00> : vector<136x2xf32>
    %dot_general3A_828 = tpu.matmul %add3A_764, %get3A_826, %dot_general3A_827 {dimension_numbers = #tpu.dot_dimension_numbers<[1], [0], [0], [1], [0, 0, 1, 1], [], []>, transpose_lhs_hint = false} : vector<136x32xf32>, vector<32x2xf32>, vector<136x2xf32> -> vector<136x2xf32>
    %get3A_829 = arith.constant 0 : index
    %get3A_830 = arith.constant 0 : index
    %get3A_831 = vector.load %arg23[%get3A_829, %get3A_830] : memref<1x2xf32, #tpu.memory_space<vmem>>, vector<1x2xf32>
    %add3A_832 = vector.broadcast %get3A_831 : vector<1x2xf32> to vector<136x2xf32>
    %add3A_833 = arith.addf %dot_general3A_828, %add3A_832 : vector<136x2xf32>
    %swap3A_834 = arith.constant 272 : index
    %swap3A_835 = arith.constant 0 : index
    %swap3A_836 = vector.load %arg24[%swap3A_834, %swap3A_835] : memref<544x2xf32, #tpu.memory_space<vmem>>, vector<136x2xf32>
    tpu.vector_store %arg24[%swap3A_834, %swap3A_835], %add3A_833 {strides = array<i32>} : memref<544x2xf32, #tpu.memory_space<vmem>>, vector<136x2xf32>,
    %get3A_837 = arith.constant 0 : index
    %get3A_838 = arith.constant 0 : index
    %get3A_839 = vector.load %arg22[%get3A_837, %get3A_838] : memref<32x2xf32, #tpu.memory_space<vmem>>, vector<32x2xf32>
    %dot_general3A_840 = arith.constant dense<0.000000e+00> : vector<136x2xf32>
    %dot_general3A_841 = tpu.matmul %add3A_797, %get3A_839, %dot_general3A_840 {dimension_numbers = #tpu.dot_dimension_numbers<[1], [0], [0], [1], [0, 0, 1, 1], [], []>, transpose_lhs_hint = false} : vector<136x32xf32>, vector<32x2xf32>, vector<136x2xf32> -> vector<136x2xf32>
    %get3A_842 = arith.constant 0 : index
    %get3A_843 = arith.constant 0 : index
    %get3A_844 = vector.load %arg23[%get3A_842, %get3A_843] : memref<1x2xf32, #tpu.memory_space<vmem>>, vector<1x2xf32>
    %add3A_845 = vector.broadcast %get3A_844 : vector<1x2xf32> to vector<136x2xf32>
    %add3A_846 = arith.addf %dot_general3A_841, %add3A_845 : vector<136x2xf32>
    %swap3A_847 = arith.constant 408 : index
    %swap3A_848 = arith.constant 0 : index
    %swap3A_849 = vector.load %arg24[%swap3A_847, %swap3A_848] : memref<544x2xf32, #tpu.memory_space<vmem>>, vector<136x2xf32>
    tpu.vector_store %arg24[%swap3A_847, %swap3A_848], %add3A_846 {strides = array<i32>} : memref<544x2xf32, #tpu.memory_space<vmem>>, vector<136x2xf32>,
    return
  }
  func.func @transform_0(%arg0: i32) -> (i32, i32) {
    %c0_i32 = arith.constant 0 : i32
    %c0_i32_0 = arith.constant 0 : i32
    return %arg0, %c0_i32 : i32, i32
  }
  func.func @transform_1(%arg0: i32) -> (i32, i32) {
    %c0_i32 = arith.constant 0 : i32
    %c0_i32_0 = arith.constant 0 : i32
    return %arg0, %c0_i32 : i32, i32
  }
  func.func @transform_2(%arg0: i32) -> (i32, i32) {
    %c0_i32 = arith.constant 0 : i32
    %c0_i32_0 = arith.constant 0 : i32
    %c0_i32_1 = arith.constant 0 : i32
    return %c0_i32, %c0_i32_0 : i32, i32
  }
  func.func @transform_3(%arg0: i32) -> (i32, i32) {
    %c0_i32 = arith.constant 0 : i32
    %c0_i32_0 = arith.constant 0 : i32
    %c0_i32_1 = arith.constant 0 : i32
    return %c0_i32, %c0_i32_0 : i32, i32
  }
  func.func @transform_4(%arg0: i32) -> (i32, i32) {
    %c0_i32 = arith.constant 0 : i32
    %c0_i32_0 = arith.constant 0 : i32
    %c0_i32_1 = arith.constant 0 : i32
    return %c0_i32, %c0_i32_0 : i32, i32
  }
  func.func @transform_5(%arg0: i32) -> (i32, i32) {
    %c0_i32 = arith.constant 0 : i32
    %c0_i32_0 = arith.constant 0 : i32
    %c0_i32_1 = arith.constant 0 : i32
    return %c0_i32, %c0_i32_0 : i32, i32
  }
  func.func @transform_6(%arg0: i32) -> (i32, i32) {
    %c0_i32 = arith.constant 0 : i32
    %c0_i32_0 = arith.constant 0 : i32
    %c0_i32_1 = arith.constant 0 : i32
    return %c0_i32, %c0_i32_0 : i32, i32
  }
  func.func @transform_7(%arg0: i32) -> (i32, i32) {
    %c0_i32 = arith.constant 0 : i32
    %c0_i32_0 = arith.constant 0 : i32
    %c0_i32_1 = arith.constant 0 : i32
    return %c0_i32, %c0_i32_0 : i32, i32
  }
  func.func @transform_8(%arg0: i32) -> (i32, i32) {
    %c0_i32 = arith.constant 0 : i32
    %c0_i32_0 = arith.constant 0 : i32
    %c0_i32_1 = arith.constant 0 : i32
    return %c0_i32, %c0_i32_0 : i32, i32
  }
  func.func @transform_9(%arg0: i32) -> (i32, i32) {
    %c0_i32 = arith.constant 0 : i32
    %c0_i32_0 = arith.constant 0 : i32
    %c0_i32_1 = arith.constant 0 : i32
    return %c0_i32, %c0_i32_0 : i32, i32
  }
  func.func @transform_10(%arg0: i32) -> (i32, i32) {
    %c0_i32 = arith.constant 0 : i32
    %c0_i32_0 = arith.constant 0 : i32
    %c0_i32_1 = arith.constant 0 : i32
    return %c0_i32, %c0_i32_0 : i32, i32
  }
  func.func @transform_11(%arg0: i32) -> (i32, i32) {
    %c0_i32 = arith.constant 0 : i32
    %c0_i32_0 = arith.constant 0 : i32
    %c0_i32_1 = arith.constant 0 : i32
    return %c0_i32, %c0_i32_0 : i32, i32
  }
  func.func @transform_12(%arg0: i32) -> (i32, i32) {
    %c0_i32 = arith.constant 0 : i32
    %c0_i32_0 = arith.constant 0 : i32
    %c0_i32_1 = arith.constant 0 : i32
    return %c0_i32, %c0_i32_0 : i32, i32
  }
  func.func @transform_13(%arg0: i32) -> (i32, i32) {
    %c0_i32 = arith.constant 0 : i32
    %c0_i32_0 = arith.constant 0 : i32
    %c0_i32_1 = arith.constant 0 : i32
    return %c0_i32, %c0_i32_0 : i32, i32
  }
  func.func @transform_14(%arg0: i32) -> (i32, i32) {
    %c0_i32 = arith.constant 0 : i32
    %c0_i32_0 = arith.constant 0 : i32
    %c0_i32_1 = arith.constant 0 : i32
    return %c0_i32, %c0_i32_0 : i32, i32
  }
  func.func @transform_15(%arg0: i32) -> (i32, i32) {
    %c0_i32 = arith.constant 0 : i32
    %c0_i32_0 = arith.constant 0 : i32
    %c0_i32_1 = arith.constant 0 : i32
    return %c0_i32, %c0_i32_0 : i32, i32
  }
  func.func @transform_16(%arg0: i32) -> (i32, i32) {
    %c0_i32 = arith.constant 0 : i32
    %c0_i32_0 = arith.constant 0 : i32
    %c0_i32_1 = arith.constant 0 : i32
    return %c0_i32, %c0_i32_0 : i32, i32
  }
  func.func @transform_17(%arg0: i32) -> (i32, i32) {
    %c0_i32 = arith.constant 0 : i32
    %c0_i32_0 = arith.constant 0 : i32
    %c0_i32_1 = arith.constant 0 : i32
    return %c0_i32, %c0_i32_0 : i32, i32
  }
  func.func @transform_18(%arg0: i32) -> (i32, i32) {
    %c0_i32 = arith.constant 0 : i32
    %c0_i32_0 = arith.constant 0 : i32
    %c0_i32_1 = arith.constant 0 : i32
    return %c0_i32, %c0_i32_0 : i32, i32
  }
  func.func @transform_19(%arg0: i32) -> (i32, i32) {
    %c0_i32 = arith.constant 0 : i32
    %c0_i32_0 = arith.constant 0 : i32
    %c0_i32_1 = arith.constant 0 : i32
    return %c0_i32, %c0_i32_0 : i32, i32
  }
  func.func @transform_20(%arg0: i32) -> (i32, i32) {
    %c0_i32 = arith.constant 0 : i32
    %c0_i32_0 = arith.constant 0 : i32
    %c0_i32_1 = arith.constant 0 : i32
    return %c0_i32, %c0_i32_0 : i32, i32
  }
  func.func @transform_21(%arg0: i32) -> (i32, i32) {
    %c0_i32 = arith.constant 0 : i32
    %c0_i32_0 = arith.constant 0 : i32
    %c0_i32_1 = arith.constant 0 : i32
    return %c0_i32, %c0_i32_0 : i32, i32
  }
  func.func @transform_22(%arg0: i32) -> (i32, i32) {
    %c0_i32 = arith.constant 0 : i32
    %c0_i32_0 = arith.constant 0 : i32
    %c0_i32_1 = arith.constant 0 : i32
    return %c0_i32, %c0_i32_0 : i32, i32
  }
  func.func @transform_23(%arg0: i32) -> (i32, i32) {
    %c0_i32 = arith.constant 0 : i32
    %c0_i32_0 = arith.constant 0 : i32
    return %arg0, %c0_i32 : i32, i32
  }
  func.func @transform_24(%arg0: i32) -> (i32, i32) {
    %c0_i32 = arith.constant 0 : i32
    %c0_i32_0 = arith.constant 0 : i32
    %c0_i32_1 = arith.constant 0 : i32
    return %c0_i32, %c0_i32_0 : i32, i32
  }
}

module attributes {stable_mosaic.version = 14 : i64} {
  func.func @_dec_kernel(%arg0: i32, %arg1: memref<1088x512xf32, #tpu.memory_space<vmem>>, %arg2: memref<1088x512xf32, #tpu.memory_space<vmem>>, %arg3: memref<136x272xf32, #tpu.memory_space<vmem>>, %arg4: memref<136x1xf32, #tpu.memory_space<vmem>>, %arg5: memref<512x32xf32, #tpu.memory_space<vmem>>, %arg6: memref<1x32xf32, #tpu.memory_space<vmem>>, %arg7: memref<1x32xf32, #tpu.memory_space<vmem>>, %arg8: memref<1x32xf32, #tpu.memory_space<vmem>>, %arg9: memref<512x136xf32, #tpu.memory_space<vmem>>, %arg10: memref<512x1xf32, #tpu.memory_space<vmem>>, %arg11: memref<136x512xf32, #tpu.memory_space<vmem>>, %arg12: memref<136x1xf32, #tpu.memory_space<vmem>>, %arg13: memref<1x32xf32, #tpu.memory_space<vmem>>, %arg14: memref<1x32xf32, #tpu.memory_space<vmem>>, %arg15: memref<32x64xf32, #tpu.memory_space<vmem>>, %arg16: memref<1x64xf32, #tpu.memory_space<vmem>>, %arg17: memref<64x32xf32, #tpu.memory_space<vmem>>, %arg18: memref<1x32xf32, #tpu.memory_space<vmem>>, %arg19: memref<1x32xf32, #tpu.memory_space<vmem>>, %arg20: memref<1x32xf32, #tpu.memory_space<vmem>>, %arg21: memref<32x2xf32, #tpu.memory_space<vmem>>, %arg22: memref<1x2xf32, #tpu.memory_space<vmem>>, %arg23: memref<544x2xf32, #tpu.memory_space<vmem>>, %arg24: memref<1x1xf32, #tpu.memory_space<vmem>>) attributes {dimension_semantics = [#tpu.dimension_semantics<arbitrary>], iteration_bounds = array<i64: 4>, scalar_prefetch = 0 : i64, scratch_operands = 0 : i64, tpu.core_type = #tpu.core_type<tc>, window_params = [{transform_indices = @transform_0, window_bounds = array<i64: 1088, 512>}, {transform_indices = @transform_1, window_bounds = array<i64: 1088, 512>}, {pipeline_mode = #tpu.pipeline_mode<synchronous>, transform_indices = @transform_2, window_bounds = array<i64: 136, 272>}, {pipeline_mode = #tpu.pipeline_mode<synchronous>, transform_indices = @transform_3, window_bounds = array<i64: 136, 1>}, {pipeline_mode = #tpu.pipeline_mode<synchronous>, transform_indices = @transform_4, window_bounds = array<i64: 512, 32>}, {pipeline_mode = #tpu.pipeline_mode<synchronous>, transform_indices = @transform_5, window_bounds = array<i64: 1, 32>}, {pipeline_mode = #tpu.pipeline_mode<synchronous>, transform_indices = @transform_6, window_bounds = array<i64: 1, 32>}, {pipeline_mode = #tpu.pipeline_mode<synchronous>, transform_indices = @transform_7, window_bounds = array<i64: 1, 32>}, {pipeline_mode = #tpu.pipeline_mode<synchronous>, transform_indices = @transform_8, window_bounds = array<i64: 512, 136>}, {pipeline_mode = #tpu.pipeline_mode<synchronous>, transform_indices = @transform_9, window_bounds = array<i64: 512, 1>}, {pipeline_mode = #tpu.pipeline_mode<synchronous>, transform_indices = @transform_10, window_bounds = array<i64: 136, 512>}, {pipeline_mode = #tpu.pipeline_mode<synchronous>, transform_indices = @transform_11, window_bounds = array<i64: 136, 1>}, {pipeline_mode = #tpu.pipeline_mode<synchronous>, transform_indices = @transform_12, window_bounds = array<i64: 1, 32>}, {pipeline_mode = #tpu.pipeline_mode<synchronous>, transform_indices = @transform_13, window_bounds = array<i64: 1, 32>}, {pipeline_mode = #tpu.pipeline_mode<synchronous>, transform_indices = @transform_14, window_bounds = array<i64: 32, 64>}, {pipeline_mode = #tpu.pipeline_mode<synchronous>, transform_indices = @transform_15, window_bounds = array<i64: 1, 64>}, {pipeline_mode = #tpu.pipeline_mode<synchronous>, transform_indices = @transform_16, window_bounds = array<i64: 64, 32>}, {pipeline_mode = #tpu.pipeline_mode<synchronous>, transform_indices = @transform_17, window_bounds = array<i64: 1, 32>}, {pipeline_mode = #tpu.pipeline_mode<synchronous>, transform_indices = @transform_18, window_bounds = array<i64: 1, 32>}, {pipeline_mode = #tpu.pipeline_mode<synchronous>, transform_indices = @transform_19, window_bounds = array<i64: 1, 32>}, {pipeline_mode = #tpu.pipeline_mode<synchronous>, transform_indices = @transform_20, window_bounds = array<i64: 32, 2>}, {pipeline_mode = #tpu.pipeline_mode<synchronous>, transform_indices = @transform_21, window_bounds = array<i64: 1, 2>}, {transform_indices = @transform_22, window_bounds = array<i64: 544, 2>}, {pipeline_mode = #tpu.pipeline_mode<synchronous>, transform_indices = @transform_23, window_bounds = array<i64: 1, 1>}]} {
    %get3A = arith.constant 0 : index
    %get3A_0 = arith.constant 0 : index
    %get3A_1 = vector.load %arg1[%get3A, %get3A_0] : memref<1088x512xf32, #tpu.memory_space<vmem>>, vector<1088x512xf32>
    %slice3A = vector.extract_strided_slice %get3A_1 {offsets = [0, 0], sizes = [272, 512], strides = [1, 1]} : vector<1088x512xf32> to vector<272x512xf32>
    %slice3A_2 = vector.extract_strided_slice %get3A_1 {offsets = [272, 0], sizes = [272, 512], strides = [1, 1]} : vector<1088x512xf32> to vector<272x512xf32>
    %slice3A_3 = vector.extract_strided_slice %get3A_1 {offsets = [544, 0], sizes = [272, 512], strides = [1, 1]} : vector<1088x512xf32> to vector<272x512xf32>
    %slice3A_4 = vector.extract_strided_slice %get3A_1 {offsets = [816, 0], sizes = [272, 512], strides = [1, 1]} : vector<1088x512xf32> to vector<272x512xf32>
    %get3A_5 = arith.constant 0 : index
    %get3A_6 = arith.constant 0 : index
    %get3A_7 = vector.load %arg2[%get3A_5, %get3A_6] : memref<1088x512xf32, #tpu.memory_space<vmem>>, vector<1088x512xf32>
    %slice3A_8 = vector.extract_strided_slice %get3A_7 {offsets = [0, 0], sizes = [272, 512], strides = [1, 1]} : vector<1088x512xf32> to vector<272x512xf32>
    %slice3A_9 = vector.extract_strided_slice %get3A_7 {offsets = [272, 0], sizes = [272, 512], strides = [1, 1]} : vector<1088x512xf32> to vector<272x512xf32>
    %slice3A_10 = vector.extract_strided_slice %get3A_7 {offsets = [544, 0], sizes = [272, 512], strides = [1, 1]} : vector<1088x512xf32> to vector<272x512xf32>
    %slice3A_11 = vector.extract_strided_slice %get3A_7 {offsets = [816, 0], sizes = [272, 512], strides = [1, 1]} : vector<1088x512xf32> to vector<272x512xf32>
    %eq3A = arith.constant 0 : i32
    %eq3A_12 = arith.cmpi eq, %arg0, %eq3A : i32
    %convert_element_type3A = arith.extui %eq3A_12 : i1 to i32
    %cond3A = arith.constant 0 : i32
    %cond3A_13 = arith.cmpi ne, %convert_element_type3A, %cond3A : i32
    scf.if %cond3A_13 {
      %broadcast_in_dim3A_841 = arith.constant 0.000000e+00 : f32
      %broadcast_in_dim3A_842 = vector.broadcast %broadcast_in_dim3A_841 : f32 to vector<1x1xf32>
      %swap3A_843 = arith.constant 0 : index
      %swap3A_844 = arith.constant 0 : index
      %swap3A_845 = vector.load %arg24[%swap3A_843, %swap3A_844] : memref<1x1xf32, #tpu.memory_space<vmem>>, vector<1x1xf32>
      tpu.vector_store %arg24[%swap3A_843, %swap3A_844], %broadcast_in_dim3A_842 {strides = array<i32>} : memref<1x1xf32, #tpu.memory_space<vmem>>, vector<1x1xf32>,
    } else {
    }
    %sub3A = arith.subf %slice3A, %slice3A_8 : vector<272x512xf32>
    %mul3A = arith.mulf %sub3A, %sub3A : vector<272x512xf32>
    %reduce_sum3A = vector.shape_cast %mul3A : vector<272x512xf32> to vector<1x272x512xf32>
    %reduce_sum3A_14 = arith.constant dense<0.000000e+00> : vector<1xf32>
    %reduce_sum3A_15 = vector.multi_reduction <add>, %reduce_sum3A, %reduce_sum3A_14 [1, 2] : vector<1x272x512xf32> to vector<1xf32>
    %reduce_sum3A_16 = vector.shape_cast %reduce_sum3A_15 : vector<1xf32> to vector<1x1x1xf32>
    %reduce_sum3A_17 = vector.extract %reduce_sum3A_16[0, 0, 0] : f32 from vector<1x1x1xf32>
    %broadcast_in_dim3A = vector.broadcast %reduce_sum3A_17 : f32 to vector<1x1xf32>
    %sub3A_18 = arith.subf %slice3A_2, %slice3A_9 : vector<272x512xf32>
    %mul3A_19 = arith.mulf %sub3A_18, %sub3A_18 : vector<272x512xf32>
    %reduce_sum3A_20 = vector.shape_cast %mul3A_19 : vector<272x512xf32> to vector<1x272x512xf32>
    %reduce_sum3A_21 = arith.constant dense<0.000000e+00> : vector<1xf32>
    %reduce_sum3A_22 = vector.multi_reduction <add>, %reduce_sum3A_20, %reduce_sum3A_21 [1, 2] : vector<1x272x512xf32> to vector<1xf32>
    %reduce_sum3A_23 = vector.shape_cast %reduce_sum3A_22 : vector<1xf32> to vector<1x1x1xf32>
    %reduce_sum3A_24 = vector.extract %reduce_sum3A_23[0, 0, 0] : f32 from vector<1x1x1xf32>
    %broadcast_in_dim3A_25 = vector.broadcast %reduce_sum3A_24 : f32 to vector<1x1xf32>
    %add3A = arith.addf %broadcast_in_dim3A, %broadcast_in_dim3A_25 : vector<1x1xf32>
    %sub3A_26 = arith.subf %slice3A_3, %slice3A_10 : vector<272x512xf32>
    %mul3A_27 = arith.mulf %sub3A_26, %sub3A_26 : vector<272x512xf32>
    %reduce_sum3A_28 = vector.shape_cast %mul3A_27 : vector<272x512xf32> to vector<1x272x512xf32>
    %reduce_sum3A_29 = arith.constant dense<0.000000e+00> : vector<1xf32>
    %reduce_sum3A_30 = vector.multi_reduction <add>, %reduce_sum3A_28, %reduce_sum3A_29 [1, 2] : vector<1x272x512xf32> to vector<1xf32>
    %reduce_sum3A_31 = vector.shape_cast %reduce_sum3A_30 : vector<1xf32> to vector<1x1x1xf32>
    %reduce_sum3A_32 = vector.extract %reduce_sum3A_31[0, 0, 0] : f32 from vector<1x1x1xf32>
    %broadcast_in_dim3A_33 = vector.broadcast %reduce_sum3A_32 : f32 to vector<1x1xf32>
    %add3A_34 = arith.addf %add3A, %broadcast_in_dim3A_33 : vector<1x1xf32>
    %sub3A_35 = arith.subf %slice3A_4, %slice3A_11 : vector<272x512xf32>
    %mul3A_36 = arith.mulf %sub3A_35, %sub3A_35 : vector<272x512xf32>
    %reduce_sum3A_37 = vector.shape_cast %mul3A_36 : vector<272x512xf32> to vector<1x272x512xf32>
    %reduce_sum3A_38 = arith.constant dense<0.000000e+00> : vector<1xf32>
    %reduce_sum3A_39 = vector.multi_reduction <add>, %reduce_sum3A_37, %reduce_sum3A_38 [1, 2] : vector<1x272x512xf32> to vector<1xf32>
    %reduce_sum3A_40 = vector.shape_cast %reduce_sum3A_39 : vector<1xf32> to vector<1x1x1xf32>
    %reduce_sum3A_41 = vector.extract %reduce_sum3A_40[0, 0, 0] : f32 from vector<1x1x1xf32>
    %broadcast_in_dim3A_42 = vector.broadcast %reduce_sum3A_41 : f32 to vector<1x1xf32>
    %add3A_43 = arith.addf %add3A_34, %broadcast_in_dim3A_42 : vector<1x1xf32>
    %get3A_44 = arith.constant 0 : index
    %get3A_45 = arith.constant 0 : index
    %get3A_46 = vector.load %arg24[%get3A_44, %get3A_45] : memref<1x1xf32, #tpu.memory_space<vmem>>, vector<1x1xf32>
    %add3A_47 = arith.addf %get3A_46, %add3A_43 : vector<1x1xf32>
    %swap3A = arith.constant 0 : index
    %swap3A_48 = arith.constant 0 : index
    %swap3A_49 = vector.load %arg24[%swap3A, %swap3A_48] : memref<1x1xf32, #tpu.memory_space<vmem>>, vector<1x1xf32>
    tpu.vector_store %arg24[%swap3A, %swap3A_48], %add3A_47 {strides = array<i32>} : memref<1x1xf32, #tpu.memory_space<vmem>>, vector<1x1xf32>,
    %get3A_50 = arith.constant 0 : index
    %get3A_51 = arith.constant 0 : index
    %get3A_52 = vector.load %arg3[%get3A_50, %get3A_51] : memref<136x272xf32, #tpu.memory_space<vmem>>, vector<136x272xf32>
    %sub3A_53 = arith.subf %slice3A_8, %slice3A : vector<272x512xf32>
    %add3A_54 = arith.addf %slice3A, %sub3A_53 : vector<272x512xf32>
    %dot_general3A = arith.constant dense<0.000000e+00> : vector<136x512xf32>
    %dot_general3A_55 = tpu.matmul %get3A_52, %add3A_54, %dot_general3A {dimension_numbers = #tpu.dot_dimension_numbers<[1], [0], [0], [1], [0, 0, 1, 1], [], []>, transpose_lhs_hint = false} : vector<136x272xf32>, vector<272x512xf32>, vector<136x512xf32> -> vector<136x512xf32>
    %get3A_56 = arith.constant 0 : index
    %get3A_57 = arith.constant 0 : index
    %get3A_58 = vector.load %arg4[%get3A_56, %get3A_57] : memref<136x1xf32, #tpu.memory_space<vmem>>, vector<136x1xf32>
    %add3A_59 = vector.broadcast %get3A_58 : vector<136x1xf32> to vector<136x512xf32>
    %add3A_60 = arith.addf %dot_general3A_55, %add3A_59 : vector<136x512xf32>
    %get3A_61 = arith.constant 0 : index
    %get3A_62 = arith.constant 0 : index
    %get3A_63 = vector.load %arg5[%get3A_61, %get3A_62] : memref<512x32xf32, #tpu.memory_space<vmem>>, vector<512x32xf32>
    %dot_general3A_64 = arith.constant dense<0.000000e+00> : vector<136x32xf32>
    %dot_general3A_65 = tpu.matmul %add3A_60, %get3A_63, %dot_general3A_64 {dimension_numbers = #tpu.dot_dimension_numbers<[1], [0], [0], [1], [0, 0, 1, 1], [], []>, transpose_lhs_hint = false} : vector<136x512xf32>, vector<512x32xf32>, vector<136x32xf32> -> vector<136x32xf32>
    %get3A_66 = arith.constant 0 : index
    %get3A_67 = arith.constant 0 : index
    %get3A_68 = vector.load %arg6[%get3A_66, %get3A_67] : memref<1x32xf32, #tpu.memory_space<vmem>>, vector<1x32xf32>
    %add3A_69 = vector.broadcast %get3A_68 : vector<1x32xf32> to vector<136x32xf32>
    %add3A_70 = arith.addf %dot_general3A_65, %add3A_69 : vector<136x32xf32>
    %get3A_71 = arith.constant 0 : index
    %get3A_72 = arith.constant 0 : index
    %get3A_73 = vector.load %arg3[%get3A_71, %get3A_72] : memref<136x272xf32, #tpu.memory_space<vmem>>, vector<136x272xf32>
    %sub3A_74 = arith.subf %slice3A_9, %slice3A_2 : vector<272x512xf32>
    %add3A_75 = arith.addf %slice3A_2, %sub3A_74 : vector<272x512xf32>
    %dot_general3A_76 = arith.constant dense<0.000000e+00> : vector<136x512xf32>
    %dot_general3A_77 = tpu.matmul %get3A_73, %add3A_75, %dot_general3A_76 {dimension_numbers = #tpu.dot_dimension_numbers<[1], [0], [0], [1], [0, 0, 1, 1], [], []>, transpose_lhs_hint = false} : vector<136x272xf32>, vector<272x512xf32>, vector<136x512xf32> -> vector<136x512xf32>
    %get3A_78 = arith.constant 0 : index
    %get3A_79 = arith.constant 0 : index
    %get3A_80 = vector.load %arg4[%get3A_78, %get3A_79] : memref<136x1xf32, #tpu.memory_space<vmem>>, vector<136x1xf32>
    %add3A_81 = vector.broadcast %get3A_80 : vector<136x1xf32> to vector<136x512xf32>
    %add3A_82 = arith.addf %dot_general3A_77, %add3A_81 : vector<136x512xf32>
    %get3A_83 = arith.constant 0 : index
    %get3A_84 = arith.constant 0 : index
    %get3A_85 = vector.load %arg5[%get3A_83, %get3A_84] : memref<512x32xf32, #tpu.memory_space<vmem>>, vector<512x32xf32>
    %dot_general3A_86 = arith.constant dense<0.000000e+00> : vector<136x32xf32>
    %dot_general3A_87 = tpu.matmul %add3A_82, %get3A_85, %dot_general3A_86 {dimension_numbers = #tpu.dot_dimension_numbers<[1], [0], [0], [1], [0, 0, 1, 1], [], []>, transpose_lhs_hint = false} : vector<136x512xf32>, vector<512x32xf32>, vector<136x32xf32> -> vector<136x32xf32>
    %get3A_88 = arith.constant 0 : index
    %get3A_89 = arith.constant 0 : index
    %get3A_90 = vector.load %arg6[%get3A_88, %get3A_89] : memref<1x32xf32, #tpu.memory_space<vmem>>, vector<1x32xf32>
    %add3A_91 = vector.broadcast %get3A_90 : vector<1x32xf32> to vector<136x32xf32>
    %add3A_92 = arith.addf %dot_general3A_87, %add3A_91 : vector<136x32xf32>
    %get3A_93 = arith.constant 0 : index
    %get3A_94 = arith.constant 0 : index
    %get3A_95 = vector.load %arg3[%get3A_93, %get3A_94] : memref<136x272xf32, #tpu.memory_space<vmem>>, vector<136x272xf32>
    %sub3A_96 = arith.subf %slice3A_10, %slice3A_3 : vector<272x512xf32>
    %add3A_97 = arith.addf %slice3A_3, %sub3A_96 : vector<272x512xf32>
    %dot_general3A_98 = arith.constant dense<0.000000e+00> : vector<136x512xf32>
    %dot_general3A_99 = tpu.matmul %get3A_95, %add3A_97, %dot_general3A_98 {dimension_numbers = #tpu.dot_dimension_numbers<[1], [0], [0], [1], [0, 0, 1, 1], [], []>, transpose_lhs_hint = false} : vector<136x272xf32>, vector<272x512xf32>, vector<136x512xf32> -> vector<136x512xf32>
    %get3A_100 = arith.constant 0 : index
    %get3A_101 = arith.constant 0 : index
    %get3A_102 = vector.load %arg4[%get3A_100, %get3A_101] : memref<136x1xf32, #tpu.memory_space<vmem>>, vector<136x1xf32>
    %add3A_103 = vector.broadcast %get3A_102 : vector<136x1xf32> to vector<136x512xf32>
    %add3A_104 = arith.addf %dot_general3A_99, %add3A_103 : vector<136x512xf32>
    %get3A_105 = arith.constant 0 : index
    %get3A_106 = arith.constant 0 : index
    %get3A_107 = vector.load %arg5[%get3A_105, %get3A_106] : memref<512x32xf32, #tpu.memory_space<vmem>>, vector<512x32xf32>
    %dot_general3A_108 = arith.constant dense<0.000000e+00> : vector<136x32xf32>
    %dot_general3A_109 = tpu.matmul %add3A_104, %get3A_107, %dot_general3A_108 {dimension_numbers = #tpu.dot_dimension_numbers<[1], [0], [0], [1], [0, 0, 1, 1], [], []>, transpose_lhs_hint = false} : vector<136x512xf32>, vector<512x32xf32>, vector<136x32xf32> -> vector<136x32xf32>
    %get3A_110 = arith.constant 0 : index
    %get3A_111 = arith.constant 0 : index
    %get3A_112 = vector.load %arg6[%get3A_110, %get3A_111] : memref<1x32xf32, #tpu.memory_space<vmem>>, vector<1x32xf32>
    %add3A_113 = vector.broadcast %get3A_112 : vector<1x32xf32> to vector<136x32xf32>
    %add3A_114 = arith.addf %dot_general3A_109, %add3A_113 : vector<136x32xf32>
    %get3A_115 = arith.constant 0 : index
    %get3A_116 = arith.constant 0 : index
    %get3A_117 = vector.load %arg3[%get3A_115, %get3A_116] : memref<136x272xf32, #tpu.memory_space<vmem>>, vector<136x272xf32>
    %sub3A_118 = arith.subf %slice3A_11, %slice3A_4 : vector<272x512xf32>
    %add3A_119 = arith.addf %slice3A_4, %sub3A_118 : vector<272x512xf32>
    %dot_general3A_120 = arith.constant dense<0.000000e+00> : vector<136x512xf32>
    %dot_general3A_121 = tpu.matmul %get3A_117, %add3A_119, %dot_general3A_120 {dimension_numbers = #tpu.dot_dimension_numbers<[1], [0], [0], [1], [0, 0, 1, 1], [], []>, transpose_lhs_hint = false} : vector<136x272xf32>, vector<272x512xf32>, vector<136x512xf32> -> vector<136x512xf32>
    %get3A_122 = arith.constant 0 : index
    %get3A_123 = arith.constant 0 : index
    %get3A_124 = vector.load %arg4[%get3A_122, %get3A_123] : memref<136x1xf32, #tpu.memory_space<vmem>>, vector<136x1xf32>
    %add3A_125 = vector.broadcast %get3A_124 : vector<136x1xf32> to vector<136x512xf32>
    %add3A_126 = arith.addf %dot_general3A_121, %add3A_125 : vector<136x512xf32>
    %get3A_127 = arith.constant 0 : index
    %get3A_128 = arith.constant 0 : index
    %get3A_129 = vector.load %arg5[%get3A_127, %get3A_128] : memref<512x32xf32, #tpu.memory_space<vmem>>, vector<512x32xf32>
    %dot_general3A_130 = arith.constant dense<0.000000e+00> : vector<136x32xf32>
    %dot_general3A_131 = tpu.matmul %add3A_126, %get3A_129, %dot_general3A_130 {dimension_numbers = #tpu.dot_dimension_numbers<[1], [0], [0], [1], [0, 0, 1, 1], [], []>, transpose_lhs_hint = false} : vector<136x512xf32>, vector<512x32xf32>, vector<136x32xf32> -> vector<136x32xf32>
    %get3A_132 = arith.constant 0 : index
    %get3A_133 = arith.constant 0 : index
    %get3A_134 = vector.load %arg6[%get3A_132, %get3A_133] : memref<1x32xf32, #tpu.memory_space<vmem>>, vector<1x32xf32>
    %add3A_135 = vector.broadcast %get3A_134 : vector<1x32xf32> to vector<136x32xf32>
    %add3A_136 = arith.addf %dot_general3A_131, %add3A_135 : vector<136x32xf32>
    %get3A_137 = arith.constant 0 : index
    %get3A_138 = arith.constant 0 : index
    %get3A_139 = vector.load %arg7[%get3A_137, %get3A_138] : memref<1x32xf32, #tpu.memory_space<vmem>>, vector<1x32xf32>
    %get3A_140 = arith.constant 0 : index
    %get3A_141 = arith.constant 0 : index
    %get3A_142 = vector.load %arg8[%get3A_140, %get3A_141] : memref<1x32xf32, #tpu.memory_space<vmem>>, vector<1x32xf32>
    %reduce_sum3A_143 = arith.constant dense<0.000000e+00> : vector<136xf32>
    %reduce_sum3A_144 = vector.multi_reduction <add>, %add3A_70, %reduce_sum3A_143 [1] : vector<136x32xf32> to vector<136xf32>
    %broadcast_in_dim3A_145 = vector.shape_cast %reduce_sum3A_144 : vector<136xf32> to vector<136x1xf32>
    %div3A = arith.constant 3.200000e+01 : f32
    %div3A_146 = vector.broadcast %div3A : f32 to vector<136x1xf32>
    %div3A_147 = arith.divf %broadcast_in_dim3A_145, %div3A_146 : vector<136x1xf32>
    %sub3A_148 = vector.broadcast %div3A_147 : vector<136x1xf32> to vector<136x32xf32>
    %sub3A_149 = arith.subf %add3A_70, %sub3A_148 : vector<136x32xf32>
    %integer_pow3A = arith.mulf %sub3A_149, %sub3A_149 : vector<136x32xf32>
    %reduce_sum3A_150 = arith.constant dense<0.000000e+00> : vector<136xf32>
    %reduce_sum3A_151 = vector.multi_reduction <add>, %integer_pow3A, %reduce_sum3A_150 [1] : vector<136x32xf32> to vector<136xf32>
    %broadcast_in_dim3A_152 = vector.shape_cast %reduce_sum3A_151 : vector<136xf32> to vector<136x1xf32>
    %div3A_153 = arith.constant 3.200000e+01 : f32
    %div3A_154 = vector.broadcast %div3A_153 : f32 to vector<136x1xf32>
    %div3A_155 = arith.divf %broadcast_in_dim3A_152, %div3A_154 : vector<136x1xf32>
    %sub3A_156 = vector.broadcast %div3A_147 : vector<136x1xf32> to vector<136x32xf32>
    %sub3A_157 = arith.subf %add3A_70, %sub3A_156 : vector<136x32xf32>
    %add3A_158 = arith.constant 9.99999974E-6 : f32
    %add3A_159 = vector.broadcast %add3A_158 : f32 to vector<136x1xf32>
    %add3A_160 = arith.addf %div3A_155, %add3A_159 : vector<136x1xf32>
    %sqrt3A = math.sqrt %add3A_160 : vector<136x1xf32>
    %div3A_161 = vector.broadcast %sqrt3A : vector<136x1xf32> to vector<136x32xf32>
    %div3A_162 = arith.divf %sub3A_157, %div3A_161 : vector<136x32xf32>
    %mul3A_163 = vector.broadcast %get3A_139 : vector<1x32xf32> to vector<136x32xf32>
    %mul3A_164 = arith.mulf %div3A_162, %mul3A_163 : vector<136x32xf32>
    %add3A_165 = vector.broadcast %get3A_142 : vector<1x32xf32> to vector<136x32xf32>
    %add3A_166 = arith.addf %mul3A_164, %add3A_165 : vector<136x32xf32>
    %get3A_167 = arith.constant 0 : index
    %get3A_168 = arith.constant 0 : index
    %get3A_169 = vector.load %arg7[%get3A_167, %get3A_168] : memref<1x32xf32, #tpu.memory_space<vmem>>, vector<1x32xf32>
    %get3A_170 = arith.constant 0 : index
    %get3A_171 = arith.constant 0 : index
    %get3A_172 = vector.load %arg8[%get3A_170, %get3A_171] : memref<1x32xf32, #tpu.memory_space<vmem>>, vector<1x32xf32>
    %reduce_sum3A_173 = arith.constant dense<0.000000e+00> : vector<136xf32>
    %reduce_sum3A_174 = vector.multi_reduction <add>, %add3A_92, %reduce_sum3A_173 [1] : vector<136x32xf32> to vector<136xf32>
    %broadcast_in_dim3A_175 = vector.shape_cast %reduce_sum3A_174 : vector<136xf32> to vector<136x1xf32>
    %div3A_176 = arith.constant 3.200000e+01 : f32
    %div3A_177 = vector.broadcast %div3A_176 : f32 to vector<136x1xf32>
    %div3A_178 = arith.divf %broadcast_in_dim3A_175, %div3A_177 : vector<136x1xf32>
    %sub3A_179 = vector.broadcast %div3A_178 : vector<136x1xf32> to vector<136x32xf32>
    %sub3A_180 = arith.subf %add3A_92, %sub3A_179 : vector<136x32xf32>
    %integer_pow3A_181 = arith.mulf %sub3A_180, %sub3A_180 : vector<136x32xf32>
    %reduce_sum3A_182 = arith.constant dense<0.000000e+00> : vector<136xf32>
    %reduce_sum3A_183 = vector.multi_reduction <add>, %integer_pow3A_181, %reduce_sum3A_182 [1] : vector<136x32xf32> to vector<136xf32>
    %broadcast_in_dim3A_184 = vector.shape_cast %reduce_sum3A_183 : vector<136xf32> to vector<136x1xf32>
    %div3A_185 = arith.constant 3.200000e+01 : f32
    %div3A_186 = vector.broadcast %div3A_185 : f32 to vector<136x1xf32>
    %div3A_187 = arith.divf %broadcast_in_dim3A_184, %div3A_186 : vector<136x1xf32>
    %sub3A_188 = vector.broadcast %div3A_178 : vector<136x1xf32> to vector<136x32xf32>
    %sub3A_189 = arith.subf %add3A_92, %sub3A_188 : vector<136x32xf32>
    %add3A_190 = arith.constant 9.99999974E-6 : f32
    %add3A_191 = vector.broadcast %add3A_190 : f32 to vector<136x1xf32>
    %add3A_192 = arith.addf %div3A_187, %add3A_191 : vector<136x1xf32>
    %sqrt3A_193 = math.sqrt %add3A_192 : vector<136x1xf32>
    %div3A_194 = vector.broadcast %sqrt3A_193 : vector<136x1xf32> to vector<136x32xf32>
    %div3A_195 = arith.divf %sub3A_189, %div3A_194 : vector<136x32xf32>
    %mul3A_196 = vector.broadcast %get3A_169 : vector<1x32xf32> to vector<136x32xf32>
    %mul3A_197 = arith.mulf %div3A_195, %mul3A_196 : vector<136x32xf32>
    %add3A_198 = vector.broadcast %get3A_172 : vector<1x32xf32> to vector<136x32xf32>
    %add3A_199 = arith.addf %mul3A_197, %add3A_198 : vector<136x32xf32>
    %get3A_200 = arith.constant 0 : index
    %get3A_201 = arith.constant 0 : index
    %get3A_202 = vector.load %arg7[%get3A_200, %get3A_201] : memref<1x32xf32, #tpu.memory_space<vmem>>, vector<1x32xf32>
    %get3A_203 = arith.constant 0 : index
    %get3A_204 = arith.constant 0 : index
    %get3A_205 = vector.load %arg8[%get3A_203, %get3A_204] : memref<1x32xf32, #tpu.memory_space<vmem>>, vector<1x32xf32>
    %reduce_sum3A_206 = arith.constant dense<0.000000e+00> : vector<136xf32>
    %reduce_sum3A_207 = vector.multi_reduction <add>, %add3A_114, %reduce_sum3A_206 [1] : vector<136x32xf32> to vector<136xf32>
    %broadcast_in_dim3A_208 = vector.shape_cast %reduce_sum3A_207 : vector<136xf32> to vector<136x1xf32>
    %div3A_209 = arith.constant 3.200000e+01 : f32
    %div3A_210 = vector.broadcast %div3A_209 : f32 to vector<136x1xf32>
    %div3A_211 = arith.divf %broadcast_in_dim3A_208, %div3A_210 : vector<136x1xf32>
    %sub3A_212 = vector.broadcast %div3A_211 : vector<136x1xf32> to vector<136x32xf32>
    %sub3A_213 = arith.subf %add3A_114, %sub3A_212 : vector<136x32xf32>
    %integer_pow3A_214 = arith.mulf %sub3A_213, %sub3A_213 : vector<136x32xf32>
    %reduce_sum3A_215 = arith.constant dense<0.000000e+00> : vector<136xf32>
    %reduce_sum3A_216 = vector.multi_reduction <add>, %integer_pow3A_214, %reduce_sum3A_215 [1] : vector<136x32xf32> to vector<136xf32>
    %broadcast_in_dim3A_217 = vector.shape_cast %reduce_sum3A_216 : vector<136xf32> to vector<136x1xf32>
    %div3A_218 = arith.constant 3.200000e+01 : f32
    %div3A_219 = vector.broadcast %div3A_218 : f32 to vector<136x1xf32>
    %div3A_220 = arith.divf %broadcast_in_dim3A_217, %div3A_219 : vector<136x1xf32>
    %sub3A_221 = vector.broadcast %div3A_211 : vector<136x1xf32> to vector<136x32xf32>
    %sub3A_222 = arith.subf %add3A_114, %sub3A_221 : vector<136x32xf32>
    %add3A_223 = arith.constant 9.99999974E-6 : f32
    %add3A_224 = vector.broadcast %add3A_223 : f32 to vector<136x1xf32>
    %add3A_225 = arith.addf %div3A_220, %add3A_224 : vector<136x1xf32>
    %sqrt3A_226 = math.sqrt %add3A_225 : vector<136x1xf32>
    %div3A_227 = vector.broadcast %sqrt3A_226 : vector<136x1xf32> to vector<136x32xf32>
    %div3A_228 = arith.divf %sub3A_222, %div3A_227 : vector<136x32xf32>
    %mul3A_229 = vector.broadcast %get3A_202 : vector<1x32xf32> to vector<136x32xf32>
    %mul3A_230 = arith.mulf %div3A_228, %mul3A_229 : vector<136x32xf32>
    %add3A_231 = vector.broadcast %get3A_205 : vector<1x32xf32> to vector<136x32xf32>
    %add3A_232 = arith.addf %mul3A_230, %add3A_231 : vector<136x32xf32>
    %get3A_233 = arith.constant 0 : index
    %get3A_234 = arith.constant 0 : index
    %get3A_235 = vector.load %arg7[%get3A_233, %get3A_234] : memref<1x32xf32, #tpu.memory_space<vmem>>, vector<1x32xf32>
    %get3A_236 = arith.constant 0 : index
    %get3A_237 = arith.constant 0 : index
    %get3A_238 = vector.load %arg8[%get3A_236, %get3A_237] : memref<1x32xf32, #tpu.memory_space<vmem>>, vector<1x32xf32>
    %reduce_sum3A_239 = arith.constant dense<0.000000e+00> : vector<136xf32>
    %reduce_sum3A_240 = vector.multi_reduction <add>, %add3A_136, %reduce_sum3A_239 [1] : vector<136x32xf32> to vector<136xf32>
    %broadcast_in_dim3A_241 = vector.shape_cast %reduce_sum3A_240 : vector<136xf32> to vector<136x1xf32>
    %div3A_242 = arith.constant 3.200000e+01 : f32
    %div3A_243 = vector.broadcast %div3A_242 : f32 to vector<136x1xf32>
    %div3A_244 = arith.divf %broadcast_in_dim3A_241, %div3A_243 : vector<136x1xf32>
    %sub3A_245 = vector.broadcast %div3A_244 : vector<136x1xf32> to vector<136x32xf32>
    %sub3A_246 = arith.subf %add3A_136, %sub3A_245 : vector<136x32xf32>
    %integer_pow3A_247 = arith.mulf %sub3A_246, %sub3A_246 : vector<136x32xf32>
    %reduce_sum3A_248 = arith.constant dense<0.000000e+00> : vector<136xf32>
    %reduce_sum3A_249 = vector.multi_reduction <add>, %integer_pow3A_247, %reduce_sum3A_248 [1] : vector<136x32xf32> to vector<136xf32>
    %broadcast_in_dim3A_250 = vector.shape_cast %reduce_sum3A_249 : vector<136xf32> to vector<136x1xf32>
    %div3A_251 = arith.constant 3.200000e+01 : f32
    %div3A_252 = vector.broadcast %div3A_251 : f32 to vector<136x1xf32>
    %div3A_253 = arith.divf %broadcast_in_dim3A_250, %div3A_252 : vector<136x1xf32>
    %sub3A_254 = vector.broadcast %div3A_244 : vector<136x1xf32> to vector<136x32xf32>
    %sub3A_255 = arith.subf %add3A_136, %sub3A_254 : vector<136x32xf32>
    %add3A_256 = arith.constant 9.99999974E-6 : f32
    %add3A_257 = vector.broadcast %add3A_256 : f32 to vector<136x1xf32>
    %add3A_258 = arith.addf %div3A_253, %add3A_257 : vector<136x1xf32>
    %sqrt3A_259 = math.sqrt %add3A_258 : vector<136x1xf32>
    %div3A_260 = vector.broadcast %sqrt3A_259 : vector<136x1xf32> to vector<136x32xf32>
    %div3A_261 = arith.divf %sub3A_255, %div3A_260 : vector<136x32xf32>
    %mul3A_262 = vector.broadcast %get3A_235 : vector<1x32xf32> to vector<136x32xf32>
    %mul3A_263 = arith.mulf %div3A_261, %mul3A_262 : vector<136x32xf32>
    %add3A_264 = vector.broadcast %get3A_238 : vector<1x32xf32> to vector<136x32xf32>
    %add3A_265 = arith.addf %mul3A_263, %add3A_264 : vector<136x32xf32>
    %get3A_266 = arith.constant 0 : index
    %get3A_267 = arith.constant 0 : index
    %get3A_268 = vector.load %arg9[%get3A_266, %get3A_267] : memref<512x136xf32, #tpu.memory_space<vmem>>, vector<512x136xf32>
    %dot_general3A_269 = arith.constant dense<0.000000e+00> : vector<512x32xf32>
    %dot_general3A_270 = tpu.matmul %get3A_268, %add3A_166, %dot_general3A_269 {dimension_numbers = #tpu.dot_dimension_numbers<[1], [0], [0], [1], [0, 0, 1, 1], [], []>, transpose_lhs_hint = false} : vector<512x136xf32>, vector<136x32xf32>, vector<512x32xf32> -> vector<512x32xf32>
    %get3A_271 = arith.constant 0 : index
    %get3A_272 = arith.constant 0 : index
    %get3A_273 = vector.load %arg10[%get3A_271, %get3A_272] : memref<512x1xf32, #tpu.memory_space<vmem>>, vector<512x1xf32>
    %add3A_274 = vector.broadcast %get3A_273 : vector<512x1xf32> to vector<512x32xf32>
    %add3A_275 = arith.addf %dot_general3A_270, %add3A_274 : vector<512x32xf32>
    %mul3A_276 = arith.constant 5.000000e-01 : f32
    %mul3A_277 = vector.broadcast %mul3A_276 : f32 to vector<512x32xf32>
    %mul3A_278 = arith.mulf %add3A_275, %mul3A_277 : vector<512x32xf32>
    %mul3A_279 = arith.constant 0.707106769 : f32
    %mul3A_280 = vector.broadcast %mul3A_279 : f32 to vector<512x32xf32>
    %mul3A_281 = arith.mulf %add3A_275, %mul3A_280 : vector<512x32xf32>
    %erf3A = math.erf %mul3A_281 : vector<512x32xf32>
    %add3A_282 = arith.constant 1.000000e+00 : f32
    %add3A_283 = vector.broadcast %add3A_282 : f32 to vector<512x32xf32>
    %add3A_284 = arith.addf %add3A_283, %erf3A : vector<512x32xf32>
    %mul3A_285 = arith.mulf %mul3A_278, %add3A_284 : vector<512x32xf32>
    %get3A_286 = arith.constant 0 : index
    %get3A_287 = arith.constant 0 : index
    %get3A_288 = vector.load %arg9[%get3A_286, %get3A_287] : memref<512x136xf32, #tpu.memory_space<vmem>>, vector<512x136xf32>
    %dot_general3A_289 = arith.constant dense<0.000000e+00> : vector<512x32xf32>
    %dot_general3A_290 = tpu.matmul %get3A_288, %add3A_199, %dot_general3A_289 {dimension_numbers = #tpu.dot_dimension_numbers<[1], [0], [0], [1], [0, 0, 1, 1], [], []>, transpose_lhs_hint = false} : vector<512x136xf32>, vector<136x32xf32>, vector<512x32xf32> -> vector<512x32xf32>
    %get3A_291 = arith.constant 0 : index
    %get3A_292 = arith.constant 0 : index
    %get3A_293 = vector.load %arg10[%get3A_291, %get3A_292] : memref<512x1xf32, #tpu.memory_space<vmem>>, vector<512x1xf32>
    %add3A_294 = vector.broadcast %get3A_293 : vector<512x1xf32> to vector<512x32xf32>
    %add3A_295 = arith.addf %dot_general3A_290, %add3A_294 : vector<512x32xf32>
    %mul3A_296 = arith.constant 5.000000e-01 : f32
    %mul3A_297 = vector.broadcast %mul3A_296 : f32 to vector<512x32xf32>
    %mul3A_298 = arith.mulf %add3A_295, %mul3A_297 : vector<512x32xf32>
    %mul3A_299 = arith.constant 0.707106769 : f32
    %mul3A_300 = vector.broadcast %mul3A_299 : f32 to vector<512x32xf32>
    %mul3A_301 = arith.mulf %add3A_295, %mul3A_300 : vector<512x32xf32>
    %erf3A_302 = math.erf %mul3A_301 : vector<512x32xf32>
    %add3A_303 = arith.constant 1.000000e+00 : f32
    %add3A_304 = vector.broadcast %add3A_303 : f32 to vector<512x32xf32>
    %add3A_305 = arith.addf %add3A_304, %erf3A_302 : vector<512x32xf32>
    %mul3A_306 = arith.mulf %mul3A_298, %add3A_305 : vector<512x32xf32>
    %get3A_307 = arith.constant 0 : index
    %get3A_308 = arith.constant 0 : index
    %get3A_309 = vector.load %arg9[%get3A_307, %get3A_308] : memref<512x136xf32, #tpu.memory_space<vmem>>, vector<512x136xf32>
    %dot_general3A_310 = arith.constant dense<0.000000e+00> : vector<512x32xf32>
    %dot_general3A_311 = tpu.matmul %get3A_309, %add3A_232, %dot_general3A_310 {dimension_numbers = #tpu.dot_dimension_numbers<[1], [0], [0], [1], [0, 0, 1, 1], [], []>, transpose_lhs_hint = false} : vector<512x136xf32>, vector<136x32xf32>, vector<512x32xf32> -> vector<512x32xf32>
    %get3A_312 = arith.constant 0 : index
    %get3A_313 = arith.constant 0 : index
    %get3A_314 = vector.load %arg10[%get3A_312, %get3A_313] : memref<512x1xf32, #tpu.memory_space<vmem>>, vector<512x1xf32>
    %add3A_315 = vector.broadcast %get3A_314 : vector<512x1xf32> to vector<512x32xf32>
    %add3A_316 = arith.addf %dot_general3A_311, %add3A_315 : vector<512x32xf32>
    %mul3A_317 = arith.constant 5.000000e-01 : f32
    %mul3A_318 = vector.broadcast %mul3A_317 : f32 to vector<512x32xf32>
    %mul3A_319 = arith.mulf %add3A_316, %mul3A_318 : vector<512x32xf32>
    %mul3A_320 = arith.constant 0.707106769 : f32
    %mul3A_321 = vector.broadcast %mul3A_320 : f32 to vector<512x32xf32>
    %mul3A_322 = arith.mulf %add3A_316, %mul3A_321 : vector<512x32xf32>
    %erf3A_323 = math.erf %mul3A_322 : vector<512x32xf32>
    %add3A_324 = arith.constant 1.000000e+00 : f32
    %add3A_325 = vector.broadcast %add3A_324 : f32 to vector<512x32xf32>
    %add3A_326 = arith.addf %add3A_325, %erf3A_323 : vector<512x32xf32>
    %mul3A_327 = arith.mulf %mul3A_319, %add3A_326 : vector<512x32xf32>
    %get3A_328 = arith.constant 0 : index
    %get3A_329 = arith.constant 0 : index
    %get3A_330 = vector.load %arg9[%get3A_328, %get3A_329] : memref<512x136xf32, #tpu.memory_space<vmem>>, vector<512x136xf32>
    %dot_general3A_331 = arith.constant dense<0.000000e+00> : vector<512x32xf32>
    %dot_general3A_332 = tpu.matmul %get3A_330, %add3A_265, %dot_general3A_331 {dimension_numbers = #tpu.dot_dimension_numbers<[1], [0], [0], [1], [0, 0, 1, 1], [], []>, transpose_lhs_hint = false} : vector<512x136xf32>, vector<136x32xf32>, vector<512x32xf32> -> vector<512x32xf32>
    %get3A_333 = arith.constant 0 : index
    %get3A_334 = arith.constant 0 : index
    %get3A_335 = vector.load %arg10[%get3A_333, %get3A_334] : memref<512x1xf32, #tpu.memory_space<vmem>>, vector<512x1xf32>
    %add3A_336 = vector.broadcast %get3A_335 : vector<512x1xf32> to vector<512x32xf32>
    %add3A_337 = arith.addf %dot_general3A_332, %add3A_336 : vector<512x32xf32>
    %mul3A_338 = arith.constant 5.000000e-01 : f32
    %mul3A_339 = vector.broadcast %mul3A_338 : f32 to vector<512x32xf32>
    %mul3A_340 = arith.mulf %add3A_337, %mul3A_339 : vector<512x32xf32>
    %mul3A_341 = arith.constant 0.707106769 : f32
    %mul3A_342 = vector.broadcast %mul3A_341 : f32 to vector<512x32xf32>
    %mul3A_343 = arith.mulf %add3A_337, %mul3A_342 : vector<512x32xf32>
    %erf3A_344 = math.erf %mul3A_343 : vector<512x32xf32>
    %add3A_345 = arith.constant 1.000000e+00 : f32
    %add3A_346 = vector.broadcast %add3A_345 : f32 to vector<512x32xf32>
    %add3A_347 = arith.addf %add3A_346, %erf3A_344 : vector<512x32xf32>
    %mul3A_348 = arith.mulf %mul3A_340, %add3A_347 : vector<512x32xf32>
    %get3A_349 = arith.constant 0 : index
    %get3A_350 = arith.constant 0 : index
    %get3A_351 = vector.load %arg11[%get3A_349, %get3A_350] : memref<136x512xf32, #tpu.memory_space<vmem>>, vector<136x512xf32>
    %dot_general3A_352 = arith.constant dense<0.000000e+00> : vector<136x32xf32>
    %dot_general3A_353 = tpu.matmul %get3A_351, %mul3A_285, %dot_general3A_352 {dimension_numbers = #tpu.dot_dimension_numbers<[1], [0], [0], [1], [0, 0, 1, 1], [], []>, transpose_lhs_hint = false} : vector<136x512xf32>, vector<512x32xf32>, vector<136x32xf32> -> vector<136x32xf32>
    %get3A_354 = arith.constant 0 : index
    %get3A_355 = arith.constant 0 : index
    %get3A_356 = vector.load %arg12[%get3A_354, %get3A_355] : memref<136x1xf32, #tpu.memory_space<vmem>>, vector<136x1xf32>
    %add3A_357 = vector.broadcast %get3A_356 : vector<136x1xf32> to vector<136x32xf32>
    %add3A_358 = arith.addf %dot_general3A_353, %add3A_357 : vector<136x32xf32>
    %get3A_359 = arith.constant 0 : index
    %get3A_360 = arith.constant 0 : index
    %get3A_361 = vector.load %arg11[%get3A_359, %get3A_360] : memref<136x512xf32, #tpu.memory_space<vmem>>, vector<136x512xf32>
    %dot_general3A_362 = arith.constant dense<0.000000e+00> : vector<136x32xf32>
    %dot_general3A_363 = tpu.matmul %get3A_361, %mul3A_306, %dot_general3A_362 {dimension_numbers = #tpu.dot_dimension_numbers<[1], [0], [0], [1], [0, 0, 1, 1], [], []>, transpose_lhs_hint = false} : vector<136x512xf32>, vector<512x32xf32>, vector<136x32xf32> -> vector<136x32xf32>
    %get3A_364 = arith.constant 0 : index
    %get3A_365 = arith.constant 0 : index
    %get3A_366 = vector.load %arg12[%get3A_364, %get3A_365] : memref<136x1xf32, #tpu.memory_space<vmem>>, vector<136x1xf32>
    %add3A_367 = vector.broadcast %get3A_366 : vector<136x1xf32> to vector<136x32xf32>
    %add3A_368 = arith.addf %dot_general3A_363, %add3A_367 : vector<136x32xf32>
    %get3A_369 = arith.constant 0 : index
    %get3A_370 = arith.constant 0 : index
    %get3A_371 = vector.load %arg11[%get3A_369, %get3A_370] : memref<136x512xf32, #tpu.memory_space<vmem>>, vector<136x512xf32>
    %dot_general3A_372 = arith.constant dense<0.000000e+00> : vector<136x32xf32>
    %dot_general3A_373 = tpu.matmul %get3A_371, %mul3A_327, %dot_general3A_372 {dimension_numbers = #tpu.dot_dimension_numbers<[1], [0], [0], [1], [0, 0, 1, 1], [], []>, transpose_lhs_hint = false} : vector<136x512xf32>, vector<512x32xf32>, vector<136x32xf32> -> vector<136x32xf32>
    %get3A_374 = arith.constant 0 : index
    %get3A_375 = arith.constant 0 : index
    %get3A_376 = vector.load %arg12[%get3A_374, %get3A_375] : memref<136x1xf32, #tpu.memory_space<vmem>>, vector<136x1xf32>
    %add3A_377 = vector.broadcast %get3A_376 : vector<136x1xf32> to vector<136x32xf32>
    %add3A_378 = arith.addf %dot_general3A_373, %add3A_377 : vector<136x32xf32>
    %get3A_379 = arith.constant 0 : index
    %get3A_380 = arith.constant 0 : index
    %get3A_381 = vector.load %arg11[%get3A_379, %get3A_380] : memref<136x512xf32, #tpu.memory_space<vmem>>, vector<136x512xf32>
    %dot_general3A_382 = arith.constant dense<0.000000e+00> : vector<136x32xf32>
    %dot_general3A_383 = tpu.matmul %get3A_381, %mul3A_348, %dot_general3A_382 {dimension_numbers = #tpu.dot_dimension_numbers<[1], [0], [0], [1], [0, 0, 1, 1], [], []>, transpose_lhs_hint = false} : vector<136x512xf32>, vector<512x32xf32>, vector<136x32xf32> -> vector<136x32xf32>
    %get3A_384 = arith.constant 0 : index
    %get3A_385 = arith.constant 0 : index
    %get3A_386 = vector.load %arg12[%get3A_384, %get3A_385] : memref<136x1xf32, #tpu.memory_space<vmem>>, vector<136x1xf32>
    %add3A_387 = vector.broadcast %get3A_386 : vector<136x1xf32> to vector<136x32xf32>
    %add3A_388 = arith.addf %dot_general3A_383, %add3A_387 : vector<136x32xf32>
    %add3A_389 = arith.addf %add3A_70, %add3A_358 : vector<136x32xf32>
    %get3A_390 = arith.constant 0 : index
    %get3A_391 = arith.constant 0 : index
    %get3A_392 = vector.load %arg13[%get3A_390, %get3A_391] : memref<1x32xf32, #tpu.memory_space<vmem>>, vector<1x32xf32>
    %get3A_393 = arith.constant 0 : index
    %get3A_394 = arith.constant 0 : index
    %get3A_395 = vector.load %arg14[%get3A_393, %get3A_394] : memref<1x32xf32, #tpu.memory_space<vmem>>, vector<1x32xf32>
    %reduce_sum3A_396 = arith.constant dense<0.000000e+00> : vector<136xf32>
    %reduce_sum3A_397 = vector.multi_reduction <add>, %add3A_389, %reduce_sum3A_396 [1] : vector<136x32xf32> to vector<136xf32>
    %broadcast_in_dim3A_398 = vector.shape_cast %reduce_sum3A_397 : vector<136xf32> to vector<136x1xf32>
    %div3A_399 = arith.constant 3.200000e+01 : f32
    %div3A_400 = vector.broadcast %div3A_399 : f32 to vector<136x1xf32>
    %div3A_401 = arith.divf %broadcast_in_dim3A_398, %div3A_400 : vector<136x1xf32>
    %sub3A_402 = vector.broadcast %div3A_401 : vector<136x1xf32> to vector<136x32xf32>
    %sub3A_403 = arith.subf %add3A_389, %sub3A_402 : vector<136x32xf32>
    %integer_pow3A_404 = arith.mulf %sub3A_403, %sub3A_403 : vector<136x32xf32>
    %reduce_sum3A_405 = arith.constant dense<0.000000e+00> : vector<136xf32>
    %reduce_sum3A_406 = vector.multi_reduction <add>, %integer_pow3A_404, %reduce_sum3A_405 [1] : vector<136x32xf32> to vector<136xf32>
    %broadcast_in_dim3A_407 = vector.shape_cast %reduce_sum3A_406 : vector<136xf32> to vector<136x1xf32>
    %div3A_408 = arith.constant 3.200000e+01 : f32
    %div3A_409 = vector.broadcast %div3A_408 : f32 to vector<136x1xf32>
    %div3A_410 = arith.divf %broadcast_in_dim3A_407, %div3A_409 : vector<136x1xf32>
    %sub3A_411 = vector.broadcast %div3A_401 : vector<136x1xf32> to vector<136x32xf32>
    %sub3A_412 = arith.subf %add3A_389, %sub3A_411 : vector<136x32xf32>
    %add3A_413 = arith.constant 9.99999974E-6 : f32
    %add3A_414 = vector.broadcast %add3A_413 : f32 to vector<136x1xf32>
    %add3A_415 = arith.addf %div3A_410, %add3A_414 : vector<136x1xf32>
    %sqrt3A_416 = math.sqrt %add3A_415 : vector<136x1xf32>
    %div3A_417 = vector.broadcast %sqrt3A_416 : vector<136x1xf32> to vector<136x32xf32>
    %div3A_418 = arith.divf %sub3A_412, %div3A_417 : vector<136x32xf32>
    %mul3A_419 = vector.broadcast %get3A_392 : vector<1x32xf32> to vector<136x32xf32>
    %mul3A_420 = arith.mulf %div3A_418, %mul3A_419 : vector<136x32xf32>
    %add3A_421 = vector.broadcast %get3A_395 : vector<1x32xf32> to vector<136x32xf32>
    %add3A_422 = arith.addf %mul3A_420, %add3A_421 : vector<136x32xf32>
    %add3A_423 = arith.addf %add3A_92, %add3A_368 : vector<136x32xf32>
    %get3A_424 = arith.constant 0 : index
    %get3A_425 = arith.constant 0 : index
    %get3A_426 = vector.load %arg13[%get3A_424, %get3A_425] : memref<1x32xf32, #tpu.memory_space<vmem>>, vector<1x32xf32>
    %get3A_427 = arith.constant 0 : index
    %get3A_428 = arith.constant 0 : index
    %get3A_429 = vector.load %arg14[%get3A_427, %get3A_428] : memref<1x32xf32, #tpu.memory_space<vmem>>, vector<1x32xf32>
    %reduce_sum3A_430 = arith.constant dense<0.000000e+00> : vector<136xf32>
    %reduce_sum3A_431 = vector.multi_reduction <add>, %add3A_423, %reduce_sum3A_430 [1] : vector<136x32xf32> to vector<136xf32>
    %broadcast_in_dim3A_432 = vector.shape_cast %reduce_sum3A_431 : vector<136xf32> to vector<136x1xf32>
    %div3A_433 = arith.constant 3.200000e+01 : f32
    %div3A_434 = vector.broadcast %div3A_433 : f32 to vector<136x1xf32>
    %div3A_435 = arith.divf %broadcast_in_dim3A_432, %div3A_434 : vector<136x1xf32>
    %sub3A_436 = vector.broadcast %div3A_435 : vector<136x1xf32> to vector<136x32xf32>
    %sub3A_437 = arith.subf %add3A_423, %sub3A_436 : vector<136x32xf32>
    %integer_pow3A_438 = arith.mulf %sub3A_437, %sub3A_437 : vector<136x32xf32>
    %reduce_sum3A_439 = arith.constant dense<0.000000e+00> : vector<136xf32>
    %reduce_sum3A_440 = vector.multi_reduction <add>, %integer_pow3A_438, %reduce_sum3A_439 [1] : vector<136x32xf32> to vector<136xf32>
    %broadcast_in_dim3A_441 = vector.shape_cast %reduce_sum3A_440 : vector<136xf32> to vector<136x1xf32>
    %div3A_442 = arith.constant 3.200000e+01 : f32
    %div3A_443 = vector.broadcast %div3A_442 : f32 to vector<136x1xf32>
    %div3A_444 = arith.divf %broadcast_in_dim3A_441, %div3A_443 : vector<136x1xf32>
    %sub3A_445 = vector.broadcast %div3A_435 : vector<136x1xf32> to vector<136x32xf32>
    %sub3A_446 = arith.subf %add3A_423, %sub3A_445 : vector<136x32xf32>
    %add3A_447 = arith.constant 9.99999974E-6 : f32
    %add3A_448 = vector.broadcast %add3A_447 : f32 to vector<136x1xf32>
    %add3A_449 = arith.addf %div3A_444, %add3A_448 : vector<136x1xf32>
    %sqrt3A_450 = math.sqrt %add3A_449 : vector<136x1xf32>
    %div3A_451 = vector.broadcast %sqrt3A_450 : vector<136x1xf32> to vector<136x32xf32>
    %div3A_452 = arith.divf %sub3A_446, %div3A_451 : vector<136x32xf32>
    %mul3A_453 = vector.broadcast %get3A_426 : vector<1x32xf32> to vector<136x32xf32>
    %mul3A_454 = arith.mulf %div3A_452, %mul3A_453 : vector<136x32xf32>
    %add3A_455 = vector.broadcast %get3A_429 : vector<1x32xf32> to vector<136x32xf32>
    %add3A_456 = arith.addf %mul3A_454, %add3A_455 : vector<136x32xf32>
    %add3A_457 = arith.addf %add3A_114, %add3A_378 : vector<136x32xf32>
    %get3A_458 = arith.constant 0 : index
    %get3A_459 = arith.constant 0 : index
    %get3A_460 = vector.load %arg13[%get3A_458, %get3A_459] : memref<1x32xf32, #tpu.memory_space<vmem>>, vector<1x32xf32>
    %get3A_461 = arith.constant 0 : index
    %get3A_462 = arith.constant 0 : index
    %get3A_463 = vector.load %arg14[%get3A_461, %get3A_462] : memref<1x32xf32, #tpu.memory_space<vmem>>, vector<1x32xf32>
    %reduce_sum3A_464 = arith.constant dense<0.000000e+00> : vector<136xf32>
    %reduce_sum3A_465 = vector.multi_reduction <add>, %add3A_457, %reduce_sum3A_464 [1] : vector<136x32xf32> to vector<136xf32>
    %broadcast_in_dim3A_466 = vector.shape_cast %reduce_sum3A_465 : vector<136xf32> to vector<136x1xf32>
    %div3A_467 = arith.constant 3.200000e+01 : f32
    %div3A_468 = vector.broadcast %div3A_467 : f32 to vector<136x1xf32>
    %div3A_469 = arith.divf %broadcast_in_dim3A_466, %div3A_468 : vector<136x1xf32>
    %sub3A_470 = vector.broadcast %div3A_469 : vector<136x1xf32> to vector<136x32xf32>
    %sub3A_471 = arith.subf %add3A_457, %sub3A_470 : vector<136x32xf32>
    %integer_pow3A_472 = arith.mulf %sub3A_471, %sub3A_471 : vector<136x32xf32>
    %reduce_sum3A_473 = arith.constant dense<0.000000e+00> : vector<136xf32>
    %reduce_sum3A_474 = vector.multi_reduction <add>, %integer_pow3A_472, %reduce_sum3A_473 [1] : vector<136x32xf32> to vector<136xf32>
    %broadcast_in_dim3A_475 = vector.shape_cast %reduce_sum3A_474 : vector<136xf32> to vector<136x1xf32>
    %div3A_476 = arith.constant 3.200000e+01 : f32
    %div3A_477 = vector.broadcast %div3A_476 : f32 to vector<136x1xf32>
    %div3A_478 = arith.divf %broadcast_in_dim3A_475, %div3A_477 : vector<136x1xf32>
    %sub3A_479 = vector.broadcast %div3A_469 : vector<136x1xf32> to vector<136x32xf32>
    %sub3A_480 = arith.subf %add3A_457, %sub3A_479 : vector<136x32xf32>
    %add3A_481 = arith.constant 9.99999974E-6 : f32
    %add3A_482 = vector.broadcast %add3A_481 : f32 to vector<136x1xf32>
    %add3A_483 = arith.addf %div3A_478, %add3A_482 : vector<136x1xf32>
    %sqrt3A_484 = math.sqrt %add3A_483 : vector<136x1xf32>
    %div3A_485 = vector.broadcast %sqrt3A_484 : vector<136x1xf32> to vector<136x32xf32>
    %div3A_486 = arith.divf %sub3A_480, %div3A_485 : vector<136x32xf32>
    %mul3A_487 = vector.broadcast %get3A_460 : vector<1x32xf32> to vector<136x32xf32>
    %mul3A_488 = arith.mulf %div3A_486, %mul3A_487 : vector<136x32xf32>
    %add3A_489 = vector.broadcast %get3A_463 : vector<1x32xf32> to vector<136x32xf32>
    %add3A_490 = arith.addf %mul3A_488, %add3A_489 : vector<136x32xf32>
    %add3A_491 = arith.addf %add3A_136, %add3A_388 : vector<136x32xf32>
    %get3A_492 = arith.constant 0 : index
    %get3A_493 = arith.constant 0 : index
    %get3A_494 = vector.load %arg13[%get3A_492, %get3A_493] : memref<1x32xf32, #tpu.memory_space<vmem>>, vector<1x32xf32>
    %get3A_495 = arith.constant 0 : index
    %get3A_496 = arith.constant 0 : index
    %get3A_497 = vector.load %arg14[%get3A_495, %get3A_496] : memref<1x32xf32, #tpu.memory_space<vmem>>, vector<1x32xf32>
    %reduce_sum3A_498 = arith.constant dense<0.000000e+00> : vector<136xf32>
    %reduce_sum3A_499 = vector.multi_reduction <add>, %add3A_491, %reduce_sum3A_498 [1] : vector<136x32xf32> to vector<136xf32>
    %broadcast_in_dim3A_500 = vector.shape_cast %reduce_sum3A_499 : vector<136xf32> to vector<136x1xf32>
    %div3A_501 = arith.constant 3.200000e+01 : f32
    %div3A_502 = vector.broadcast %div3A_501 : f32 to vector<136x1xf32>
    %div3A_503 = arith.divf %broadcast_in_dim3A_500, %div3A_502 : vector<136x1xf32>
    %sub3A_504 = vector.broadcast %div3A_503 : vector<136x1xf32> to vector<136x32xf32>
    %sub3A_505 = arith.subf %add3A_491, %sub3A_504 : vector<136x32xf32>
    %integer_pow3A_506 = arith.mulf %sub3A_505, %sub3A_505 : vector<136x32xf32>
    %reduce_sum3A_507 = arith.constant dense<0.000000e+00> : vector<136xf32>
    %reduce_sum3A_508 = vector.multi_reduction <add>, %integer_pow3A_506, %reduce_sum3A_507 [1] : vector<136x32xf32> to vector<136xf32>
    %broadcast_in_dim3A_509 = vector.shape_cast %reduce_sum3A_508 : vector<136xf32> to vector<136x1xf32>
    %div3A_510 = arith.constant 3.200000e+01 : f32
    %div3A_511 = vector.broadcast %div3A_510 : f32 to vector<136x1xf32>
    %div3A_512 = arith.divf %broadcast_in_dim3A_509, %div3A_511 : vector<136x1xf32>
    %sub3A_513 = vector.broadcast %div3A_503 : vector<136x1xf32> to vector<136x32xf32>
    %sub3A_514 = arith.subf %add3A_491, %sub3A_513 : vector<136x32xf32>
    %add3A_515 = arith.constant 9.99999974E-6 : f32
    %add3A_516 = vector.broadcast %add3A_515 : f32 to vector<136x1xf32>
    %add3A_517 = arith.addf %div3A_512, %add3A_516 : vector<136x1xf32>
    %sqrt3A_518 = math.sqrt %add3A_517 : vector<136x1xf32>
    %div3A_519 = vector.broadcast %sqrt3A_518 : vector<136x1xf32> to vector<136x32xf32>
    %div3A_520 = arith.divf %sub3A_514, %div3A_519 : vector<136x32xf32>
    %mul3A_521 = vector.broadcast %get3A_494 : vector<1x32xf32> to vector<136x32xf32>
    %mul3A_522 = arith.mulf %div3A_520, %mul3A_521 : vector<136x32xf32>
    %add3A_523 = vector.broadcast %get3A_497 : vector<1x32xf32> to vector<136x32xf32>
    %add3A_524 = arith.addf %mul3A_522, %add3A_523 : vector<136x32xf32>
    %get3A_525 = arith.constant 0 : index
    %get3A_526 = arith.constant 0 : index
    %get3A_527 = vector.load %arg15[%get3A_525, %get3A_526] : memref<32x64xf32, #tpu.memory_space<vmem>>, vector<32x64xf32>
    %dot_general3A_528 = arith.constant dense<0.000000e+00> : vector<136x64xf32>
    %dot_general3A_529 = tpu.matmul %add3A_422, %get3A_527, %dot_general3A_528 {dimension_numbers = #tpu.dot_dimension_numbers<[1], [0], [0], [1], [0, 0, 1, 1], [], []>, transpose_lhs_hint = false} : vector<136x32xf32>, vector<32x64xf32>, vector<136x64xf32> -> vector<136x64xf32>
    %get3A_530 = arith.constant 0 : index
    %get3A_531 = arith.constant 0 : index
    %get3A_532 = vector.load %arg16[%get3A_530, %get3A_531] : memref<1x64xf32, #tpu.memory_space<vmem>>, vector<1x64xf32>
    %add3A_533 = vector.broadcast %get3A_532 : vector<1x64xf32> to vector<136x64xf32>
    %add3A_534 = arith.addf %dot_general3A_529, %add3A_533 : vector<136x64xf32>
    %mul3A_535 = arith.constant 5.000000e-01 : f32
    %mul3A_536 = vector.broadcast %mul3A_535 : f32 to vector<136x64xf32>
    %mul3A_537 = arith.mulf %add3A_534, %mul3A_536 : vector<136x64xf32>
    %mul3A_538 = arith.constant 0.707106769 : f32
    %mul3A_539 = vector.broadcast %mul3A_538 : f32 to vector<136x64xf32>
    %mul3A_540 = arith.mulf %add3A_534, %mul3A_539 : vector<136x64xf32>
    %erf3A_541 = math.erf %mul3A_540 : vector<136x64xf32>
    %add3A_542 = arith.constant 1.000000e+00 : f32
    %add3A_543 = vector.broadcast %add3A_542 : f32 to vector<136x64xf32>
    %add3A_544 = arith.addf %add3A_543, %erf3A_541 : vector<136x64xf32>
    %mul3A_545 = arith.mulf %mul3A_537, %add3A_544 : vector<136x64xf32>
    %get3A_546 = arith.constant 0 : index
    %get3A_547 = arith.constant 0 : index
    %get3A_548 = vector.load %arg15[%get3A_546, %get3A_547] : memref<32x64xf32, #tpu.memory_space<vmem>>, vector<32x64xf32>
    %dot_general3A_549 = arith.constant dense<0.000000e+00> : vector<136x64xf32>
    %dot_general3A_550 = tpu.matmul %add3A_456, %get3A_548, %dot_general3A_549 {dimension_numbers = #tpu.dot_dimension_numbers<[1], [0], [0], [1], [0, 0, 1, 1], [], []>, transpose_lhs_hint = false} : vector<136x32xf32>, vector<32x64xf32>, vector<136x64xf32> -> vector<136x64xf32>
    %get3A_551 = arith.constant 0 : index
    %get3A_552 = arith.constant 0 : index
    %get3A_553 = vector.load %arg16[%get3A_551, %get3A_552] : memref<1x64xf32, #tpu.memory_space<vmem>>, vector<1x64xf32>
    %add3A_554 = vector.broadcast %get3A_553 : vector<1x64xf32> to vector<136x64xf32>
    %add3A_555 = arith.addf %dot_general3A_550, %add3A_554 : vector<136x64xf32>
    %mul3A_556 = arith.constant 5.000000e-01 : f32
    %mul3A_557 = vector.broadcast %mul3A_556 : f32 to vector<136x64xf32>
    %mul3A_558 = arith.mulf %add3A_555, %mul3A_557 : vector<136x64xf32>
    %mul3A_559 = arith.constant 0.707106769 : f32
    %mul3A_560 = vector.broadcast %mul3A_559 : f32 to vector<136x64xf32>
    %mul3A_561 = arith.mulf %add3A_555, %mul3A_560 : vector<136x64xf32>
    %erf3A_562 = math.erf %mul3A_561 : vector<136x64xf32>
    %add3A_563 = arith.constant 1.000000e+00 : f32
    %add3A_564 = vector.broadcast %add3A_563 : f32 to vector<136x64xf32>
    %add3A_565 = arith.addf %add3A_564, %erf3A_562 : vector<136x64xf32>
    %mul3A_566 = arith.mulf %mul3A_558, %add3A_565 : vector<136x64xf32>
    %get3A_567 = arith.constant 0 : index
    %get3A_568 = arith.constant 0 : index
    %get3A_569 = vector.load %arg15[%get3A_567, %get3A_568] : memref<32x64xf32, #tpu.memory_space<vmem>>, vector<32x64xf32>
    %dot_general3A_570 = arith.constant dense<0.000000e+00> : vector<136x64xf32>
    %dot_general3A_571 = tpu.matmul %add3A_490, %get3A_569, %dot_general3A_570 {dimension_numbers = #tpu.dot_dimension_numbers<[1], [0], [0], [1], [0, 0, 1, 1], [], []>, transpose_lhs_hint = false} : vector<136x32xf32>, vector<32x64xf32>, vector<136x64xf32> -> vector<136x64xf32>
    %get3A_572 = arith.constant 0 : index
    %get3A_573 = arith.constant 0 : index
    %get3A_574 = vector.load %arg16[%get3A_572, %get3A_573] : memref<1x64xf32, #tpu.memory_space<vmem>>, vector<1x64xf32>
    %add3A_575 = vector.broadcast %get3A_574 : vector<1x64xf32> to vector<136x64xf32>
    %add3A_576 = arith.addf %dot_general3A_571, %add3A_575 : vector<136x64xf32>
    %mul3A_577 = arith.constant 5.000000e-01 : f32
    %mul3A_578 = vector.broadcast %mul3A_577 : f32 to vector<136x64xf32>
    %mul3A_579 = arith.mulf %add3A_576, %mul3A_578 : vector<136x64xf32>
    %mul3A_580 = arith.constant 0.707106769 : f32
    %mul3A_581 = vector.broadcast %mul3A_580 : f32 to vector<136x64xf32>
    %mul3A_582 = arith.mulf %add3A_576, %mul3A_581 : vector<136x64xf32>
    %erf3A_583 = math.erf %mul3A_582 : vector<136x64xf32>
    %add3A_584 = arith.constant 1.000000e+00 : f32
    %add3A_585 = vector.broadcast %add3A_584 : f32 to vector<136x64xf32>
    %add3A_586 = arith.addf %add3A_585, %erf3A_583 : vector<136x64xf32>
    %mul3A_587 = arith.mulf %mul3A_579, %add3A_586 : vector<136x64xf32>
    %get3A_588 = arith.constant 0 : index
    %get3A_589 = arith.constant 0 : index
    %get3A_590 = vector.load %arg15[%get3A_588, %get3A_589] : memref<32x64xf32, #tpu.memory_space<vmem>>, vector<32x64xf32>
    %dot_general3A_591 = arith.constant dense<0.000000e+00> : vector<136x64xf32>
    %dot_general3A_592 = tpu.matmul %add3A_524, %get3A_590, %dot_general3A_591 {dimension_numbers = #tpu.dot_dimension_numbers<[1], [0], [0], [1], [0, 0, 1, 1], [], []>, transpose_lhs_hint = false} : vector<136x32xf32>, vector<32x64xf32>, vector<136x64xf32> -> vector<136x64xf32>
    %get3A_593 = arith.constant 0 : index
    %get3A_594 = arith.constant 0 : index
    %get3A_595 = vector.load %arg16[%get3A_593, %get3A_594] : memref<1x64xf32, #tpu.memory_space<vmem>>, vector<1x64xf32>
    %add3A_596 = vector.broadcast %get3A_595 : vector<1x64xf32> to vector<136x64xf32>
    %add3A_597 = arith.addf %dot_general3A_592, %add3A_596 : vector<136x64xf32>
    %mul3A_598 = arith.constant 5.000000e-01 : f32
    %mul3A_599 = vector.broadcast %mul3A_598 : f32 to vector<136x64xf32>
    %mul3A_600 = arith.mulf %add3A_597, %mul3A_599 : vector<136x64xf32>
    %mul3A_601 = arith.constant 0.707106769 : f32
    %mul3A_602 = vector.broadcast %mul3A_601 : f32 to vector<136x64xf32>
    %mul3A_603 = arith.mulf %add3A_597, %mul3A_602 : vector<136x64xf32>
    %erf3A_604 = math.erf %mul3A_603 : vector<136x64xf32>
    %add3A_605 = arith.constant 1.000000e+00 : f32
    %add3A_606 = vector.broadcast %add3A_605 : f32 to vector<136x64xf32>
    %add3A_607 = arith.addf %add3A_606, %erf3A_604 : vector<136x64xf32>
    %mul3A_608 = arith.mulf %mul3A_600, %add3A_607 : vector<136x64xf32>
    %get3A_609 = arith.constant 0 : index
    %get3A_610 = arith.constant 0 : index
    %get3A_611 = vector.load %arg17[%get3A_609, %get3A_610] : memref<64x32xf32, #tpu.memory_space<vmem>>, vector<64x32xf32>
    %dot_general3A_612 = arith.constant dense<0.000000e+00> : vector<136x32xf32>
    %dot_general3A_613 = tpu.matmul %mul3A_545, %get3A_611, %dot_general3A_612 {dimension_numbers = #tpu.dot_dimension_numbers<[1], [0], [0], [1], [0, 0, 1, 1], [], []>, transpose_lhs_hint = false} : vector<136x64xf32>, vector<64x32xf32>, vector<136x32xf32> -> vector<136x32xf32>
    %get3A_614 = arith.constant 0 : index
    %get3A_615 = arith.constant 0 : index
    %get3A_616 = vector.load %arg18[%get3A_614, %get3A_615] : memref<1x32xf32, #tpu.memory_space<vmem>>, vector<1x32xf32>
    %add3A_617 = vector.broadcast %get3A_616 : vector<1x32xf32> to vector<136x32xf32>
    %add3A_618 = arith.addf %dot_general3A_613, %add3A_617 : vector<136x32xf32>
    %get3A_619 = arith.constant 0 : index
    %get3A_620 = arith.constant 0 : index
    %get3A_621 = vector.load %arg17[%get3A_619, %get3A_620] : memref<64x32xf32, #tpu.memory_space<vmem>>, vector<64x32xf32>
    %dot_general3A_622 = arith.constant dense<0.000000e+00> : vector<136x32xf32>
    %dot_general3A_623 = tpu.matmul %mul3A_566, %get3A_621, %dot_general3A_622 {dimension_numbers = #tpu.dot_dimension_numbers<[1], [0], [0], [1], [0, 0, 1, 1], [], []>, transpose_lhs_hint = false} : vector<136x64xf32>, vector<64x32xf32>, vector<136x32xf32> -> vector<136x32xf32>
    %get3A_624 = arith.constant 0 : index
    %get3A_625 = arith.constant 0 : index
    %get3A_626 = vector.load %arg18[%get3A_624, %get3A_625] : memref<1x32xf32, #tpu.memory_space<vmem>>, vector<1x32xf32>
    %add3A_627 = vector.broadcast %get3A_626 : vector<1x32xf32> to vector<136x32xf32>
    %add3A_628 = arith.addf %dot_general3A_623, %add3A_627 : vector<136x32xf32>
    %get3A_629 = arith.constant 0 : index
    %get3A_630 = arith.constant 0 : index
    %get3A_631 = vector.load %arg17[%get3A_629, %get3A_630] : memref<64x32xf32, #tpu.memory_space<vmem>>, vector<64x32xf32>
    %dot_general3A_632 = arith.constant dense<0.000000e+00> : vector<136x32xf32>
    %dot_general3A_633 = tpu.matmul %mul3A_587, %get3A_631, %dot_general3A_632 {dimension_numbers = #tpu.dot_dimension_numbers<[1], [0], [0], [1], [0, 0, 1, 1], [], []>, transpose_lhs_hint = false} : vector<136x64xf32>, vector<64x32xf32>, vector<136x32xf32> -> vector<136x32xf32>
    %get3A_634 = arith.constant 0 : index
    %get3A_635 = arith.constant 0 : index
    %get3A_636 = vector.load %arg18[%get3A_634, %get3A_635] : memref<1x32xf32, #tpu.memory_space<vmem>>, vector<1x32xf32>
    %add3A_637 = vector.broadcast %get3A_636 : vector<1x32xf32> to vector<136x32xf32>
    %add3A_638 = arith.addf %dot_general3A_633, %add3A_637 : vector<136x32xf32>
    %get3A_639 = arith.constant 0 : index
    %get3A_640 = arith.constant 0 : index
    %get3A_641 = vector.load %arg17[%get3A_639, %get3A_640] : memref<64x32xf32, #tpu.memory_space<vmem>>, vector<64x32xf32>
    %dot_general3A_642 = arith.constant dense<0.000000e+00> : vector<136x32xf32>
    %dot_general3A_643 = tpu.matmul %mul3A_608, %get3A_641, %dot_general3A_642 {dimension_numbers = #tpu.dot_dimension_numbers<[1], [0], [0], [1], [0, 0, 1, 1], [], []>, transpose_lhs_hint = false} : vector<136x64xf32>, vector<64x32xf32>, vector<136x32xf32> -> vector<136x32xf32>
    %get3A_644 = arith.constant 0 : index
    %get3A_645 = arith.constant 0 : index
    %get3A_646 = vector.load %arg18[%get3A_644, %get3A_645] : memref<1x32xf32, #tpu.memory_space<vmem>>, vector<1x32xf32>
    %add3A_647 = vector.broadcast %get3A_646 : vector<1x32xf32> to vector<136x32xf32>
    %add3A_648 = arith.addf %dot_general3A_643, %add3A_647 : vector<136x32xf32>
    %add3A_649 = arith.addf %add3A_70, %add3A_358 : vector<136x32xf32>
    %add3A_650 = arith.addf %add3A_649, %add3A_618 : vector<136x32xf32>
    %add3A_651 = arith.addf %add3A_92, %add3A_368 : vector<136x32xf32>
    %add3A_652 = arith.addf %add3A_651, %add3A_628 : vector<136x32xf32>
    %add3A_653 = arith.addf %add3A_114, %add3A_378 : vector<136x32xf32>
    %add3A_654 = arith.addf %add3A_653, %add3A_638 : vector<136x32xf32>
    %add3A_655 = arith.addf %add3A_136, %add3A_388 : vector<136x32xf32>
    %add3A_656 = arith.addf %add3A_655, %add3A_648 : vector<136x32xf32>
    %get3A_657 = arith.constant 0 : index
    %get3A_658 = arith.constant 0 : index
    %get3A_659 = vector.load %arg19[%get3A_657, %get3A_658] : memref<1x32xf32, #tpu.memory_space<vmem>>, vector<1x32xf32>
    %get3A_660 = arith.constant 0 : index
    %get3A_661 = arith.constant 0 : index
    %get3A_662 = vector.load %arg20[%get3A_660, %get3A_661] : memref<1x32xf32, #tpu.memory_space<vmem>>, vector<1x32xf32>
    %reduce_sum3A_663 = arith.constant dense<0.000000e+00> : vector<136xf32>
    %reduce_sum3A_664 = vector.multi_reduction <add>, %add3A_650, %reduce_sum3A_663 [1] : vector<136x32xf32> to vector<136xf32>
    %broadcast_in_dim3A_665 = vector.shape_cast %reduce_sum3A_664 : vector<136xf32> to vector<136x1xf32>
    %div3A_666 = arith.constant 3.200000e+01 : f32
    %div3A_667 = vector.broadcast %div3A_666 : f32 to vector<136x1xf32>
    %div3A_668 = arith.divf %broadcast_in_dim3A_665, %div3A_667 : vector<136x1xf32>
    %sub3A_669 = vector.broadcast %div3A_668 : vector<136x1xf32> to vector<136x32xf32>
    %sub3A_670 = arith.subf %add3A_650, %sub3A_669 : vector<136x32xf32>
    %integer_pow3A_671 = arith.mulf %sub3A_670, %sub3A_670 : vector<136x32xf32>
    %reduce_sum3A_672 = arith.constant dense<0.000000e+00> : vector<136xf32>
    %reduce_sum3A_673 = vector.multi_reduction <add>, %integer_pow3A_671, %reduce_sum3A_672 [1] : vector<136x32xf32> to vector<136xf32>
    %broadcast_in_dim3A_674 = vector.shape_cast %reduce_sum3A_673 : vector<136xf32> to vector<136x1xf32>
    %div3A_675 = arith.constant 3.200000e+01 : f32
    %div3A_676 = vector.broadcast %div3A_675 : f32 to vector<136x1xf32>
    %div3A_677 = arith.divf %broadcast_in_dim3A_674, %div3A_676 : vector<136x1xf32>
    %sub3A_678 = vector.broadcast %div3A_668 : vector<136x1xf32> to vector<136x32xf32>
    %sub3A_679 = arith.subf %add3A_650, %sub3A_678 : vector<136x32xf32>
    %add3A_680 = arith.constant 9.99999974E-6 : f32
    %add3A_681 = vector.broadcast %add3A_680 : f32 to vector<136x1xf32>
    %add3A_682 = arith.addf %div3A_677, %add3A_681 : vector<136x1xf32>
    %sqrt3A_683 = math.sqrt %add3A_682 : vector<136x1xf32>
    %div3A_684 = vector.broadcast %sqrt3A_683 : vector<136x1xf32> to vector<136x32xf32>
    %div3A_685 = arith.divf %sub3A_679, %div3A_684 : vector<136x32xf32>
    %mul3A_686 = vector.broadcast %get3A_659 : vector<1x32xf32> to vector<136x32xf32>
    %mul3A_687 = arith.mulf %div3A_685, %mul3A_686 : vector<136x32xf32>
    %add3A_688 = vector.broadcast %get3A_662 : vector<1x32xf32> to vector<136x32xf32>
    %add3A_689 = arith.addf %mul3A_687, %add3A_688 : vector<136x32xf32>
    %get3A_690 = arith.constant 0 : index
    %get3A_691 = arith.constant 0 : index
    %get3A_692 = vector.load %arg19[%get3A_690, %get3A_691] : memref<1x32xf32, #tpu.memory_space<vmem>>, vector<1x32xf32>
    %get3A_693 = arith.constant 0 : index
    %get3A_694 = arith.constant 0 : index
    %get3A_695 = vector.load %arg20[%get3A_693, %get3A_694] : memref<1x32xf32, #tpu.memory_space<vmem>>, vector<1x32xf32>
    %reduce_sum3A_696 = arith.constant dense<0.000000e+00> : vector<136xf32>
    %reduce_sum3A_697 = vector.multi_reduction <add>, %add3A_652, %reduce_sum3A_696 [1] : vector<136x32xf32> to vector<136xf32>
    %broadcast_in_dim3A_698 = vector.shape_cast %reduce_sum3A_697 : vector<136xf32> to vector<136x1xf32>
    %div3A_699 = arith.constant 3.200000e+01 : f32
    %div3A_700 = vector.broadcast %div3A_699 : f32 to vector<136x1xf32>
    %div3A_701 = arith.divf %broadcast_in_dim3A_698, %div3A_700 : vector<136x1xf32>
    %sub3A_702 = vector.broadcast %div3A_701 : vector<136x1xf32> to vector<136x32xf32>
    %sub3A_703 = arith.subf %add3A_652, %sub3A_702 : vector<136x32xf32>
    %integer_pow3A_704 = arith.mulf %sub3A_703, %sub3A_703 : vector<136x32xf32>
    %reduce_sum3A_705 = arith.constant dense<0.000000e+00> : vector<136xf32>
    %reduce_sum3A_706 = vector.multi_reduction <add>, %integer_pow3A_704, %reduce_sum3A_705 [1] : vector<136x32xf32> to vector<136xf32>
    %broadcast_in_dim3A_707 = vector.shape_cast %reduce_sum3A_706 : vector<136xf32> to vector<136x1xf32>
    %div3A_708 = arith.constant 3.200000e+01 : f32
    %div3A_709 = vector.broadcast %div3A_708 : f32 to vector<136x1xf32>
    %div3A_710 = arith.divf %broadcast_in_dim3A_707, %div3A_709 : vector<136x1xf32>
    %sub3A_711 = vector.broadcast %div3A_701 : vector<136x1xf32> to vector<136x32xf32>
    %sub3A_712 = arith.subf %add3A_652, %sub3A_711 : vector<136x32xf32>
    %add3A_713 = arith.constant 9.99999974E-6 : f32
    %add3A_714 = vector.broadcast %add3A_713 : f32 to vector<136x1xf32>
    %add3A_715 = arith.addf %div3A_710, %add3A_714 : vector<136x1xf32>
    %sqrt3A_716 = math.sqrt %add3A_715 : vector<136x1xf32>
    %div3A_717 = vector.broadcast %sqrt3A_716 : vector<136x1xf32> to vector<136x32xf32>
    %div3A_718 = arith.divf %sub3A_712, %div3A_717 : vector<136x32xf32>
    %mul3A_719 = vector.broadcast %get3A_692 : vector<1x32xf32> to vector<136x32xf32>
    %mul3A_720 = arith.mulf %div3A_718, %mul3A_719 : vector<136x32xf32>
    %add3A_721 = vector.broadcast %get3A_695 : vector<1x32xf32> to vector<136x32xf32>
    %add3A_722 = arith.addf %mul3A_720, %add3A_721 : vector<136x32xf32>
    %get3A_723 = arith.constant 0 : index
    %get3A_724 = arith.constant 0 : index
    %get3A_725 = vector.load %arg19[%get3A_723, %get3A_724] : memref<1x32xf32, #tpu.memory_space<vmem>>, vector<1x32xf32>
    %get3A_726 = arith.constant 0 : index
    %get3A_727 = arith.constant 0 : index
    %get3A_728 = vector.load %arg20[%get3A_726, %get3A_727] : memref<1x32xf32, #tpu.memory_space<vmem>>, vector<1x32xf32>
    %reduce_sum3A_729 = arith.constant dense<0.000000e+00> : vector<136xf32>
    %reduce_sum3A_730 = vector.multi_reduction <add>, %add3A_654, %reduce_sum3A_729 [1] : vector<136x32xf32> to vector<136xf32>
    %broadcast_in_dim3A_731 = vector.shape_cast %reduce_sum3A_730 : vector<136xf32> to vector<136x1xf32>
    %div3A_732 = arith.constant 3.200000e+01 : f32
    %div3A_733 = vector.broadcast %div3A_732 : f32 to vector<136x1xf32>
    %div3A_734 = arith.divf %broadcast_in_dim3A_731, %div3A_733 : vector<136x1xf32>
    %sub3A_735 = vector.broadcast %div3A_734 : vector<136x1xf32> to vector<136x32xf32>
    %sub3A_736 = arith.subf %add3A_654, %sub3A_735 : vector<136x32xf32>
    %integer_pow3A_737 = arith.mulf %sub3A_736, %sub3A_736 : vector<136x32xf32>
    %reduce_sum3A_738 = arith.constant dense<0.000000e+00> : vector<136xf32>
    %reduce_sum3A_739 = vector.multi_reduction <add>, %integer_pow3A_737, %reduce_sum3A_738 [1] : vector<136x32xf32> to vector<136xf32>
    %broadcast_in_dim3A_740 = vector.shape_cast %reduce_sum3A_739 : vector<136xf32> to vector<136x1xf32>
    %div3A_741 = arith.constant 3.200000e+01 : f32
    %div3A_742 = vector.broadcast %div3A_741 : f32 to vector<136x1xf32>
    %div3A_743 = arith.divf %broadcast_in_dim3A_740, %div3A_742 : vector<136x1xf32>
    %sub3A_744 = vector.broadcast %div3A_734 : vector<136x1xf32> to vector<136x32xf32>
    %sub3A_745 = arith.subf %add3A_654, %sub3A_744 : vector<136x32xf32>
    %add3A_746 = arith.constant 9.99999974E-6 : f32
    %add3A_747 = vector.broadcast %add3A_746 : f32 to vector<136x1xf32>
    %add3A_748 = arith.addf %div3A_743, %add3A_747 : vector<136x1xf32>
    %sqrt3A_749 = math.sqrt %add3A_748 : vector<136x1xf32>
    %div3A_750 = vector.broadcast %sqrt3A_749 : vector<136x1xf32> to vector<136x32xf32>
    %div3A_751 = arith.divf %sub3A_745, %div3A_750 : vector<136x32xf32>
    %mul3A_752 = vector.broadcast %get3A_725 : vector<1x32xf32> to vector<136x32xf32>
    %mul3A_753 = arith.mulf %div3A_751, %mul3A_752 : vector<136x32xf32>
    %add3A_754 = vector.broadcast %get3A_728 : vector<1x32xf32> to vector<136x32xf32>
    %add3A_755 = arith.addf %mul3A_753, %add3A_754 : vector<136x32xf32>
    %get3A_756 = arith.constant 0 : index
    %get3A_757 = arith.constant 0 : index
    %get3A_758 = vector.load %arg19[%get3A_756, %get3A_757] : memref<1x32xf32, #tpu.memory_space<vmem>>, vector<1x32xf32>
    %get3A_759 = arith.constant 0 : index
    %get3A_760 = arith.constant 0 : index
    %get3A_761 = vector.load %arg20[%get3A_759, %get3A_760] : memref<1x32xf32, #tpu.memory_space<vmem>>, vector<1x32xf32>
    %reduce_sum3A_762 = arith.constant dense<0.000000e+00> : vector<136xf32>
    %reduce_sum3A_763 = vector.multi_reduction <add>, %add3A_656, %reduce_sum3A_762 [1] : vector<136x32xf32> to vector<136xf32>
    %broadcast_in_dim3A_764 = vector.shape_cast %reduce_sum3A_763 : vector<136xf32> to vector<136x1xf32>
    %div3A_765 = arith.constant 3.200000e+01 : f32
    %div3A_766 = vector.broadcast %div3A_765 : f32 to vector<136x1xf32>
    %div3A_767 = arith.divf %broadcast_in_dim3A_764, %div3A_766 : vector<136x1xf32>
    %sub3A_768 = vector.broadcast %div3A_767 : vector<136x1xf32> to vector<136x32xf32>
    %sub3A_769 = arith.subf %add3A_656, %sub3A_768 : vector<136x32xf32>
    %integer_pow3A_770 = arith.mulf %sub3A_769, %sub3A_769 : vector<136x32xf32>
    %reduce_sum3A_771 = arith.constant dense<0.000000e+00> : vector<136xf32>
    %reduce_sum3A_772 = vector.multi_reduction <add>, %integer_pow3A_770, %reduce_sum3A_771 [1] : vector<136x32xf32> to vector<136xf32>
    %broadcast_in_dim3A_773 = vector.shape_cast %reduce_sum3A_772 : vector<136xf32> to vector<136x1xf32>
    %div3A_774 = arith.constant 3.200000e+01 : f32
    %div3A_775 = vector.broadcast %div3A_774 : f32 to vector<136x1xf32>
    %div3A_776 = arith.divf %broadcast_in_dim3A_773, %div3A_775 : vector<136x1xf32>
    %sub3A_777 = vector.broadcast %div3A_767 : vector<136x1xf32> to vector<136x32xf32>
    %sub3A_778 = arith.subf %add3A_656, %sub3A_777 : vector<136x32xf32>
    %add3A_779 = arith.constant 9.99999974E-6 : f32
    %add3A_780 = vector.broadcast %add3A_779 : f32 to vector<136x1xf32>
    %add3A_781 = arith.addf %div3A_776, %add3A_780 : vector<136x1xf32>
    %sqrt3A_782 = math.sqrt %add3A_781 : vector<136x1xf32>
    %div3A_783 = vector.broadcast %sqrt3A_782 : vector<136x1xf32> to vector<136x32xf32>
    %div3A_784 = arith.divf %sub3A_778, %div3A_783 : vector<136x32xf32>
    %mul3A_785 = vector.broadcast %get3A_758 : vector<1x32xf32> to vector<136x32xf32>
    %mul3A_786 = arith.mulf %div3A_784, %mul3A_785 : vector<136x32xf32>
    %add3A_787 = vector.broadcast %get3A_761 : vector<1x32xf32> to vector<136x32xf32>
    %add3A_788 = arith.addf %mul3A_786, %add3A_787 : vector<136x32xf32>
    %get3A_789 = arith.constant 0 : index
    %get3A_790 = arith.constant 0 : index
    %get3A_791 = vector.load %arg21[%get3A_789, %get3A_790] : memref<32x2xf32, #tpu.memory_space<vmem>>, vector<32x2xf32>
    %dot_general3A_792 = arith.constant dense<0.000000e+00> : vector<136x2xf32>
    %dot_general3A_793 = tpu.matmul %add3A_689, %get3A_791, %dot_general3A_792 {dimension_numbers = #tpu.dot_dimension_numbers<[1], [0], [0], [1], [0, 0, 1, 1], [], []>, transpose_lhs_hint = false} : vector<136x32xf32>, vector<32x2xf32>, vector<136x2xf32> -> vector<136x2xf32>
    %get3A_794 = arith.constant 0 : index
    %get3A_795 = arith.constant 0 : index
    %get3A_796 = vector.load %arg22[%get3A_794, %get3A_795] : memref<1x2xf32, #tpu.memory_space<vmem>>, vector<1x2xf32>
    %add3A_797 = vector.broadcast %get3A_796 : vector<1x2xf32> to vector<136x2xf32>
    %add3A_798 = arith.addf %dot_general3A_793, %add3A_797 : vector<136x2xf32>
    %swap3A_799 = arith.constant 0 : index
    %swap3A_800 = arith.constant 0 : index
    %swap3A_801 = vector.load %arg23[%swap3A_799, %swap3A_800] : memref<544x2xf32, #tpu.memory_space<vmem>>, vector<136x2xf32>
    tpu.vector_store %arg23[%swap3A_799, %swap3A_800], %add3A_798 {strides = array<i32>} : memref<544x2xf32, #tpu.memory_space<vmem>>, vector<136x2xf32>,
    %get3A_802 = arith.constant 0 : index
    %get3A_803 = arith.constant 0 : index
    %get3A_804 = vector.load %arg21[%get3A_802, %get3A_803] : memref<32x2xf32, #tpu.memory_space<vmem>>, vector<32x2xf32>
    %dot_general3A_805 = arith.constant dense<0.000000e+00> : vector<136x2xf32>
    %dot_general3A_806 = tpu.matmul %add3A_722, %get3A_804, %dot_general3A_805 {dimension_numbers = #tpu.dot_dimension_numbers<[1], [0], [0], [1], [0, 0, 1, 1], [], []>, transpose_lhs_hint = false} : vector<136x32xf32>, vector<32x2xf32>, vector<136x2xf32> -> vector<136x2xf32>
    %get3A_807 = arith.constant 0 : index
    %get3A_808 = arith.constant 0 : index
    %get3A_809 = vector.load %arg22[%get3A_807, %get3A_808] : memref<1x2xf32, #tpu.memory_space<vmem>>, vector<1x2xf32>
    %add3A_810 = vector.broadcast %get3A_809 : vector<1x2xf32> to vector<136x2xf32>
    %add3A_811 = arith.addf %dot_general3A_806, %add3A_810 : vector<136x2xf32>
    %swap3A_812 = arith.constant 136 : index
    %swap3A_813 = arith.constant 0 : index
    %swap3A_814 = vector.load %arg23[%swap3A_812, %swap3A_813] : memref<544x2xf32, #tpu.memory_space<vmem>>, vector<136x2xf32>
    tpu.vector_store %arg23[%swap3A_812, %swap3A_813], %add3A_811 {strides = array<i32>} : memref<544x2xf32, #tpu.memory_space<vmem>>, vector<136x2xf32>,
    %get3A_815 = arith.constant 0 : index
    %get3A_816 = arith.constant 0 : index
    %get3A_817 = vector.load %arg21[%get3A_815, %get3A_816] : memref<32x2xf32, #tpu.memory_space<vmem>>, vector<32x2xf32>
    %dot_general3A_818 = arith.constant dense<0.000000e+00> : vector<136x2xf32>
    %dot_general3A_819 = tpu.matmul %add3A_755, %get3A_817, %dot_general3A_818 {dimension_numbers = #tpu.dot_dimension_numbers<[1], [0], [0], [1], [0, 0, 1, 1], [], []>, transpose_lhs_hint = false} : vector<136x32xf32>, vector<32x2xf32>, vector<136x2xf32> -> vector<136x2xf32>
    %get3A_820 = arith.constant 0 : index
    %get3A_821 = arith.constant 0 : index
    %get3A_822 = vector.load %arg22[%get3A_820, %get3A_821] : memref<1x2xf32, #tpu.memory_space<vmem>>, vector<1x2xf32>
    %add3A_823 = vector.broadcast %get3A_822 : vector<1x2xf32> to vector<136x2xf32>
    %add3A_824 = arith.addf %dot_general3A_819, %add3A_823 : vector<136x2xf32>
    %swap3A_825 = arith.constant 272 : index
    %swap3A_826 = arith.constant 0 : index
    %swap3A_827 = vector.load %arg23[%swap3A_825, %swap3A_826] : memref<544x2xf32, #tpu.memory_space<vmem>>, vector<136x2xf32>
    tpu.vector_store %arg23[%swap3A_825, %swap3A_826], %add3A_824 {strides = array<i32>} : memref<544x2xf32, #tpu.memory_space<vmem>>, vector<136x2xf32>,
    %get3A_828 = arith.constant 0 : index
    %get3A_829 = arith.constant 0 : index
    %get3A_830 = vector.load %arg21[%get3A_828, %get3A_829] : memref<32x2xf32, #tpu.memory_space<vmem>>, vector<32x2xf32>
    %dot_general3A_831 = arith.constant dense<0.000000e+00> : vector<136x2xf32>
    %dot_general3A_832 = tpu.matmul %add3A_788, %get3A_830, %dot_general3A_831 {dimension_numbers = #tpu.dot_dimension_numbers<[1], [0], [0], [1], [0, 0, 1, 1], [], []>, transpose_lhs_hint = false} : vector<136x32xf32>, vector<32x2xf32>, vector<136x2xf32> -> vector<136x2xf32>
    %get3A_833 = arith.constant 0 : index
    %get3A_834 = arith.constant 0 : index
    %get3A_835 = vector.load %arg22[%get3A_833, %get3A_834] : memref<1x2xf32, #tpu.memory_space<vmem>>, vector<1x2xf32>
    %add3A_836 = vector.broadcast %get3A_835 : vector<1x2xf32> to vector<136x2xf32>
    %add3A_837 = arith.addf %dot_general3A_832, %add3A_836 : vector<136x2xf32>
    %swap3A_838 = arith.constant 408 : index
    %swap3A_839 = arith.constant 0 : index
    %swap3A_840 = vector.load %arg23[%swap3A_838, %swap3A_839] : memref<544x2xf32, #tpu.memory_space<vmem>>, vector<136x2xf32>
    tpu.vector_store %arg23[%swap3A_838, %swap3A_839], %add3A_837 {strides = array<i32>} : memref<544x2xf32, #tpu.memory_space<vmem>>, vector<136x2xf32>,
    return
  }
  func.func @transform_0(%arg0: i32) -> (i32, i32) {
    %c0_i32 = arith.constant 0 : i32
    %c0_i32_0 = arith.constant 0 : i32
    return %arg0, %c0_i32 : i32, i32
  }
  func.func @transform_1(%arg0: i32) -> (i32, i32) {
    %c0_i32 = arith.constant 0 : i32
    %c0_i32_0 = arith.constant 0 : i32
    return %arg0, %c0_i32 : i32, i32
  }
  func.func @transform_2(%arg0: i32) -> (i32, i32) {
    %c0_i32 = arith.constant 0 : i32
    %c0_i32_0 = arith.constant 0 : i32
    %c0_i32_1 = arith.constant 0 : i32
    return %c0_i32, %c0_i32_0 : i32, i32
  }
  func.func @transform_3(%arg0: i32) -> (i32, i32) {
    %c0_i32 = arith.constant 0 : i32
    %c0_i32_0 = arith.constant 0 : i32
    %c0_i32_1 = arith.constant 0 : i32
    return %c0_i32, %c0_i32_0 : i32, i32
  }
  func.func @transform_4(%arg0: i32) -> (i32, i32) {
    %c0_i32 = arith.constant 0 : i32
    %c0_i32_0 = arith.constant 0 : i32
    %c0_i32_1 = arith.constant 0 : i32
    return %c0_i32, %c0_i32_0 : i32, i32
  }
  func.func @transform_5(%arg0: i32) -> (i32, i32) {
    %c0_i32 = arith.constant 0 : i32
    %c0_i32_0 = arith.constant 0 : i32
    %c0_i32_1 = arith.constant 0 : i32
    return %c0_i32, %c0_i32_0 : i32, i32
  }
  func.func @transform_6(%arg0: i32) -> (i32, i32) {
    %c0_i32 = arith.constant 0 : i32
    %c0_i32_0 = arith.constant 0 : i32
    %c0_i32_1 = arith.constant 0 : i32
    return %c0_i32, %c0_i32_0 : i32, i32
  }
  func.func @transform_7(%arg0: i32) -> (i32, i32) {
    %c0_i32 = arith.constant 0 : i32
    %c0_i32_0 = arith.constant 0 : i32
    %c0_i32_1 = arith.constant 0 : i32
    return %c0_i32, %c0_i32_0 : i32, i32
  }
  func.func @transform_8(%arg0: i32) -> (i32, i32) {
    %c0_i32 = arith.constant 0 : i32
    %c0_i32_0 = arith.constant 0 : i32
    %c0_i32_1 = arith.constant 0 : i32
    return %c0_i32, %c0_i32_0 : i32, i32
  }
  func.func @transform_9(%arg0: i32) -> (i32, i32) {
    %c0_i32 = arith.constant 0 : i32
    %c0_i32_0 = arith.constant 0 : i32
    %c0_i32_1 = arith.constant 0 : i32
    return %c0_i32, %c0_i32_0 : i32, i32
  }
  func.func @transform_10(%arg0: i32) -> (i32, i32) {
    %c0_i32 = arith.constant 0 : i32
    %c0_i32_0 = arith.constant 0 : i32
    %c0_i32_1 = arith.constant 0 : i32
    return %c0_i32, %c0_i32_0 : i32, i32
  }
  func.func @transform_11(%arg0: i32) -> (i32, i32) {
    %c0_i32 = arith.constant 0 : i32
    %c0_i32_0 = arith.constant 0 : i32
    %c0_i32_1 = arith.constant 0 : i32
    return %c0_i32, %c0_i32_0 : i32, i32
  }
  func.func @transform_12(%arg0: i32) -> (i32, i32) {
    %c0_i32 = arith.constant 0 : i32
    %c0_i32_0 = arith.constant 0 : i32
    %c0_i32_1 = arith.constant 0 : i32
    return %c0_i32, %c0_i32_0 : i32, i32
  }
  func.func @transform_13(%arg0: i32) -> (i32, i32) {
    %c0_i32 = arith.constant 0 : i32
    %c0_i32_0 = arith.constant 0 : i32
    %c0_i32_1 = arith.constant 0 : i32
    return %c0_i32, %c0_i32_0 : i32, i32
  }
  func.func @transform_14(%arg0: i32) -> (i32, i32) {
    %c0_i32 = arith.constant 0 : i32
    %c0_i32_0 = arith.constant 0 : i32
    %c0_i32_1 = arith.constant 0 : i32
    return %c0_i32, %c0_i32_0 : i32, i32
  }
  func.func @transform_15(%arg0: i32) -> (i32, i32) {
    %c0_i32 = arith.constant 0 : i32
    %c0_i32_0 = arith.constant 0 : i32
    %c0_i32_1 = arith.constant 0 : i32
    return %c0_i32, %c0_i32_0 : i32, i32
  }
  func.func @transform_16(%arg0: i32) -> (i32, i32) {
    %c0_i32 = arith.constant 0 : i32
    %c0_i32_0 = arith.constant 0 : i32
    %c0_i32_1 = arith.constant 0 : i32
    return %c0_i32, %c0_i32_0 : i32, i32
  }
  func.func @transform_17(%arg0: i32) -> (i32, i32) {
    %c0_i32 = arith.constant 0 : i32
    %c0_i32_0 = arith.constant 0 : i32
    %c0_i32_1 = arith.constant 0 : i32
    return %c0_i32, %c0_i32_0 : i32, i32
  }
  func.func @transform_18(%arg0: i32) -> (i32, i32) {
    %c0_i32 = arith.constant 0 : i32
    %c0_i32_0 = arith.constant 0 : i32
    %c0_i32_1 = arith.constant 0 : i32
    return %c0_i32, %c0_i32_0 : i32, i32
  }
  func.func @transform_19(%arg0: i32) -> (i32, i32) {
    %c0_i32 = arith.constant 0 : i32
    %c0_i32_0 = arith.constant 0 : i32
    %c0_i32_1 = arith.constant 0 : i32
    return %c0_i32, %c0_i32_0 : i32, i32
  }
  func.func @transform_20(%arg0: i32) -> (i32, i32) {
    %c0_i32 = arith.constant 0 : i32
    %c0_i32_0 = arith.constant 0 : i32
    %c0_i32_1 = arith.constant 0 : i32
    return %c0_i32, %c0_i32_0 : i32, i32
  }
  func.func @transform_21(%arg0: i32) -> (i32, i32) {
    %c0_i32 = arith.constant 0 : i32
    %c0_i32_0 = arith.constant 0 : i32
    %c0_i32_1 = arith.constant 0 : i32
    return %c0_i32, %c0_i32_0 : i32, i32
  }
  func.func @transform_22(%arg0: i32) -> (i32, i32) {
    %c0_i32 = arith.constant 0 : i32
    %c0_i32_0 = arith.constant 0 : i32
    return %arg0, %c0_i32 : i32, i32
  }
  func.func @transform_23(%arg0: i32) -> (i32, i32) {
    %c0_i32 = arith.constant 0 : i32
    %c0_i32_0 = arith.constant 0 : i32
    %c0_i32_1 = arith.constant 0 : i32
    return %c0_i32, %c0_i32_0 : i32, i32
  }
}

</mosaic_0001>

<sc_bundles>
// kernel: kernel.7.cloned.1.call-start
scs
__scs_entry_jumppad:
0x0: {  	(pc) =	sbr.rel $0x88, $3  }
0x1: {  	(tag) =	ssettag $0x0;
	lr =	simm.s32 $0x1  }
0x2: {  	[smem:$0x3F52] =	sst lr;
	_ =	strace $0xD0000000  }
0x3: {  	_ = 	snop  }
0x4: {  	_ = 	snop  }
0x5: {  	_ = 	snop  }
0x6: {  	_ = 	snop  }
0x7: {  	_ = 	snop  }
__scs_overlays_trampoline_lowered:
0x8: {  	[smem:$0x3F61] =	sst s0  }
0x9: {  	[smem:$0x3F62] =	sst s1  }
0xa: {  	[smem:$0x3F63] =	sst s2  }
0xb: {  	[smem:$0x3F64] =	sst s3  }
0xc: {  	[smem:$0x3F65] =	sst s4  }
0xd: {  	[smem:$0x3F66] =	sst s5  }
0xe: {  	[smem:$0x3F67] =	sst s6  }
0xf: {  	[smem:$0x3F68] =	sst s7  }
0x10: {  	[smem:$0x3F69] =	sst s8  }
0x11: {  	[smem:$0x3F6A] =	sst s9;
	s0 =	simm.s32 @!p0 $0x0  }
0x12: {  	s1 =	sld [smem:$0x3F50];
	s0 =	simm.s32 @p0 $0x1  }
0x13: {  	[smem:$0x3F6B] =	sst s0;
	s0 =	simm.s32 @!p1 $0x0  }
0x14: {  	s2 =	sld [smem:$0x3F4F];
	s0 =	simm.s32 @p1 $0x1  }
0x15: {  	[smem:$0x3F6C] =	sst s0;
	s0 =	simm.s32 @!p2 $0x0  }
0x16: {  	s3 =	sld [smem:$0x3FDB];
	s0 =	simm.s32 @p2 $0x1  }
0x17: {  	s4 =	simm.s32 $0x1BF5;
	[smem:$0x3F6E] =	sst s0  }
0x18: {  	s0 =	sld [smem:$0x3F51];
	_ =	swait.ge [sflag:s4], $0x0  }
0x19: {  	s7 =	sld [smem:$0x3F52]  }
0x1a: {  	s8 =	sadd.s32 $0xFFFFE003, lr  }
0x1b: {  	s9 =	sadd.s32 $0xFFFFFEF7, lr;
	s5 =	simm.s32 $0xFFFFFFFF;
	p2 =	slt.u32 s8, $0xFFFFF086  }
0x1c: {  	p1 =	slt.u32 s9, $0xF7A;
	s5 =	simm.s32 @!p2 $0x0  }
0x1d: {  	s5 =	simm.s32 @p1 $0x1;
	p0 =	seq.s32 s7, s2  }
0x1e: {  	s7 =	smul.u32 @!p0 $0xF7A, s2;
	p2 =	seq.s32 @!p0 s5, $0x0  }
0x1f: {  	s9 =	smul.u32 $0xF7A, s1;
	s8 =	simm.s32 @!p0 $0x1BF5;
	p2 =	por !p2, p0  }
0x20: {  	[sflag:s8] =	ssyncset.s32 @!p0 $0xFFFFF086;
	s6 =	sadd.s32 @!p0 s3, s7;
	s7 =	simm.s32 @!p0 $0x108  }
0x21: {  	s3 =	sadd.s32 s3, s9;
	s6 =	sadd.s32 @!p0 $0x88, s6;
	s7 =	simm.s32 @p2 $0x1082  }
0x22: {  	[simem:s7], [sflag:s8] =	dma.local @!p0 [hbm:s6], $0xF7A  }
0x23: {  	s9 =	sor.u32 $0xD0000000, s2;
	s6 =	simm.s32 $0x108;
	_ =	swait.ge @!p0 [sflag:s8], $0x0  }
0x24: {  	s3 =	sadd.s32 $0x88, s3;
	s6 =	simm.s32 @!p1 $0x1082;
	[sflag:s4] =	ssyncset.s32 $0xFFFFF086  }
0x25: {  	[simem:s6], [sflag:s4] =	dma.local [hbm:s3], $0xF7A  }
0x26: {  	[smem:$0x3F52] =	sst s1;
	(tag) =	ssettag s2;
	_ =	strace s9  }
0x27: {  	s1 =	sld [smem:$0x3F62]  }
0x28: {  	s2 =	sld [smem:$0x3F63]  }
0x29: {  	s4 =	sld [smem:$0x3F65]  }
0x2a: {  	p0 =	seq.s32 s5, $0x0;
	s5 =	sld [smem:$0x3F66]  }
0x2b: {  	s6 =	sld [smem:$0x3F67]  }
0x2c: {  	s7 =	sld [smem:$0x3F68]  }
0x2d: {  	s3 =	simm.s32 $0x108;
	s8 =	sld [smem:$0x3F69]  }
0x2e: {  	s3 =	simm.s32 @!p0 $0x1082;
	s9 =	sld [smem:$0x3F6A]  }
0x2f: {  	lr =	sadd.s32 s0, s3;
	s0 =	sld [smem:$0x3F61]  }
0x30: {  	s3 =	sld [smem:$0x3F64]  }
0x31: {  	[smem:$0x3F6D] =	sst s10  }
0x32: {  	s10 =	sld [smem:$0x3F6B];
	_ =	sdelay $0x3  }
0x33: {  	p0 =	seq.s32 s10, $0x1;
	s10 =	sld [smem:$0x3F6D];
	_ =	sdelay $0x3  }
0x34: {  	[smem:$0x3F6D] =	sst s10  }
0x35: {  	s10 =	sld [smem:$0x3F6C];
	_ =	sdelay $0x3  }
0x36: {  	p1 =	seq.s32 s10, $0x1;
	s10 =	sld [smem:$0x3F6D];
	_ =	sdelay $0x3  }
0x37: {  	[smem:$0x3F6D] =	sst s10  }
0x38: {  	s10 =	sld [smem:$0x3F6E]  }
0x39: {  	_ = 	snop;
	(pc) =	sbr.ind lr, $3  }
0x3a: {  	_ = 	snop  }
0x3b: {  	_ = 	snop  }
0x3c: {  	p2 =	seq.s32 s10, $0x1;
	s10 =	sld [smem:$0x3F6D]  }
0x3d: {  	_ =	shalt  }
0x3e: {  	_ =	shalt  }
0x3f: {  	_ =	shalt  }
0x40: {  	_ =	shalt  }
0x41: {  	_ =	shalt  }
0x42: {  	_ =	shalt  }
0x43: {  	_ =	shalt  }
0x44: {  	_ =	shalt  }
0x45: {  	_ =	shalt  }
0x46: {  	_ =	shalt  }
0x47: {  	_ =	shalt  }
0x48: {  	_ =	shalt  }
0x49: {  	_ =	shalt  }
0x4a: {  	_ =	shalt  }
0x4b: {  	_ =	shalt  }
0x4c: {  	_ =	shalt  }
0x4d: {  	_ =	shalt  }
0x4e: {  	_ =	shalt  }
0x4f: {  	_ =	shalt  }
0x50: {  	_ =	shalt  }
0x51: {  	_ =	shalt  }
0x52: {  	_ =	shalt  }
0x53: {  	_ =	shalt  }
0x54: {  	_ =	shalt  }
0x55: {  	_ =	shalt  }
0x56: {  	_ =	shalt  }
0x57: {  	_ =	shalt  }
0x58: {  	_ =	shalt  }
0x59: {  	_ =	shalt  }
0x5a: {  	_ =	shalt  }
0x5b: {  	_ =	shalt  }
0x5c: {  	_ =	shalt  }
0x5d: {  	_ =	shalt  }
0x5e: {  	_ =	shalt  }
0x5f: {  	_ =	shalt  }
0x60: {  	_ =	shalt  }
0x61: {  	_ =	shalt  }
0x62: {  	_ =	shalt  }
0x63: {  	_ =	shalt  }
0x64: {  	_ =	shalt  }
0x65: {  	_ =	shalt  }
0x66: {  	_ =	shalt  }
0x67: {  	_ =	shalt  }
0x68: {  	_ =	shalt  }
0x69: {  	_ =	shalt  }
0x6a: {  	_ =	shalt  }
0x6b: {  	_ =	shalt  }
0x6c: {  	_ =	shalt  }
0x6d: {  	_ =	shalt  }
0x6e: {  	_ =	shalt  }
0x6f: {  	_ =	shalt  }
0x70: {  	_ =	shalt  }
0x71: {  	_ =	shalt  }
0x72: {  	_ =	shalt  }
0x73: {  	_ =	shalt  }
0x74: {  	_ =	shalt  }
0x75: {  	_ =	shalt  }
0x76: {  	_ =	shalt  }
0x77: {  	_ =	shalt  }
0x78: {  	_ =	shalt  }
0x79: {  	_ =	shalt  }
0x7a: {  	_ =	shalt  }
0x7b: {  	_ =	shalt  }
0x7c: {  	_ =	shalt  }
0x7d: {  	_ =	shalt  }
0x7e: {  	_ =	shalt  }
0x7f: {  	_ =	shalt  }
0x80: {  	_ =	shalt  }
0x81: {  	_ =	shalt  }
0x82: {  	_ =	shalt  }
0x83: {  	_ =	shalt  }
0x84: {  	_ =	shalt  }
0x85: {  	_ =	shalt  }
0x86: {  	_ =	shalt  }
0x87: {  	_ =	shalt  }
.Lfunc_end0:
.L_simem_size_0:
called_computation_lowered:
.L_overlay_start_0:
0x88: {  	s2 =	sld [smem:$0x3FD9]  }
0x89: {  	s3 =	sld [smem:$0x3FFE];
	_ =	sdelay $0x1  }
0x8a: {  	s1 =	srdreg.scid  }
0x8b: {  	s0 =	sand.u32 $0x1, s1  }
0x8c: {  	s14 =	sshll.u32 s0, $0xA;
	s2 =	sadd.s32 s3, s2  }
0x8d: {  	s2 =	sadd.s32 s2, s14  }
0x8e: {  	[smem:$0x3F79] =	sst s2  }
0x8f: {  	_ = 	snop  }
0x90: {  	s2 =	sld [smem:$0x3FD0];
	_ =	sdelay $0x2  }
0x91: {  	s4 =	simm.s32 $0xA;
	s5 =	simm.s32 $0x10;
	s15 =	sld [smem:$0x3FC8]  }
0x92: {  	[smem:s5], [sflag:s4] =	dma.local [hbm:s2], $0x1  }
0x93: {  	_ =	swait.eq [sflag:s4], $0x1  }
0x94: {  	[sflag:s4] =	ssyncset.done $0x0  }
0x95: {  	[sflag:s4] =	ssyncadd.s32 $0xFFFFFFFF  }
0x96: {  	s16 =	sld [smem:$0x10];
	(tm) =	ssettm $0x1  }
0x97: {  	s17 =	sld [smem:$0x3FFB];
	_ =	sdelay $0x3  }
0x98: {  	_ =	strace s17  }
0x99: {  	s4 =	sld [smem:$0x3FFC];
	_ =	sdelay $0x3  }
0x9a: {  	_ =	strace s4  }
0x9b: {  	s4 =	sld [smem:$0x3FFD];
	_ =	sdelay $0x3  }
0x9c: {  	_ =	strace s4  }
0x9d: {  	_ =	strace $0x8FFFFFFF  }
0x9e: {  	s18 =	sld [smem:$0x3FDB];
	_ =	sdelay $0x1  }
0x9f: {  	s19 =	simm.s32 $_scs_section_size  }
0xa0: {  	s6 =	simm.s32 $_size__tile_overlayer_lowered;
	s7 =	simm.s32 $_tile_overlayer_lowered  }
0xa1: {  	s22 =	simm.s32 $0x1BFF;
	s21 =	sshll.u32 s7, $0x1;
	s4 =	sadd.s32 s19, s18  }
0xa2: {  	s8 =	simm.s32 $0x0;
	s20 =	sshll.u32 s6, $0x1;
	s6 =	sadd.s32 s21, s4  }
0xa3: {  	[timem:s8], [sflag:s22] =	dma.local [hbm:s6], s20  }
0xa4: {  	_ =	swait.ge [sflag:s22], s20  }
0xa5: {  	s5 =	ssub.s32 $0x0, s20;
	[sflag:s22] =	ssyncset.done $0x0  }
0xa6: {  	[sflag:s22] =	ssyncadd.s32 s5;
	_ =	sdelay $0x1  }
0xa7: {  	s23 =	simm.s32 $0x1B8B  }
0xa8: {  	_ =	swait.ge [sflag:s23], $0x1  }
0xa9: {  	[sflag:s23] =	ssyncset.done $0x0  }
0xaa: {  	s25 =	simm.s32 $0x1B8E;
	s24 =	sld [smem:$0x3FFE];
	[sflag:s23] =	ssyncadd.s32 $0xFFFFFFFF  }
0xab: {  	s26 =	simm.s32 $execute0_lowered;
	[smem:$0x3FD2] =	sst s25  }
0xac: {  	s6 =	sshll.u32 s26, $0x1;
	_ =	strace $0x80000046;
	[dreg:$0x1] =	wrdreg $0xFFFFFFFF  }
0xad: {  	s28 =	simm.s32 $_size_execute0_lowered;
	s4 =	sadd.s32 s4, s6;
	[dreg:$0x0] =	wrdreg $0x0  }
0xae: {  	s6 =	sshll.u32 s28, $0x1;
	[dreg:$0x2] =	wrdreg s4  }
0xaf: {  	[dreg:$0x3] =	wrdreg s6  }
0xb0: {  	[dreg:$0x4] =	wrdreg $0xC0  }
0xb1: {  	_ =	task [dreg:s8], $0x5FFFF  }
0xb2: {  	[dreg:$0x1] =	wrdreg $0xFFFFFFFF  }
0xb3: {  	[dreg:$0x0] =	wrdreg $0x60  }
0xb4: {  	[dreg:$0x2] =	wrdreg s15  }
0xb5: {  	[dreg:$0x3] =	wrdreg s16  }
0xb6: {  	[dreg:$0x4] =	wrdreg s24  }
0xb7: {  	[dreg:$0x5] =	wrdreg $0x9  }
0xb8: {  	_ =	task.clear_ibuf [dreg:s8], $0x6FFFF;
	_ =	strace $0x90000046  }
0xb9: {  	s29 =	simm.s32 $0x9;
	_ =	strace $0x80000048  }
0xba: {  	_ =	swait.ge [sflag:s29], $0x1  }
0xbb: {  	[sflag:s29] =	ssyncadd.s32 $0xFFFFFFFF  }
0xbc: {  	_ =	strace $0x90000048  }
0xbd: {  	_ =	sfence  }
0xbe: {  	s30 =	sld [smem:$0x0];
	_ =	sdelay $0x2  }
0xbf: {  	s31 =	sshll.u32 s1, $0xD;
	s1 =	sshrl.u32 s1, $0x2  }
0xc0: {  	s3 =	sand.u32 $0x4000, s31;
	s1 =	sadd.s32 s1, s30  }
0xc1: {  	s0 =	sor.u32 s3, s0;
	s1 =	sshll.u32 s1, $0x11  }
0xc2: {  	s0 =	sor.u32 s1, s0  }
0xc3: {  	s0 =	sadd.s32 $0x8F2B, s0  }
0xc4: {  	[sflag:s0] =	ssyncadd.remote.s32 $0x1  }
0xc5: {  	_ =	sfence.sel $0xFFFF  }
0xc6: {  	[dreg:$0x0] =	wrdreg $0xFFFFFFFF;
	(pc) =	sbr.abs _section_cstart, $3  }
0xc7: {  	[dreg:$0x1] =	wrdreg $0xFFFFFFFF  }
0xc8: {  	_ =	task.clear_ibuf [dreg:s8], $0x2FFFF;
	_ =	strace $0x9FFFFFFF  }
0xc9: {  	(tm) =	ssettm $0x7FFFFFFF  }
tec
execute0_lowered:
.L_overlay_start_1:
0x0: {  	(tag) =	ssettag $0x1  }
0x1: {  	s1 =	rddreg [dreg:$0x0]  }
0x2: {  	s2 =	srdreg.scid;
	s4 =	rddreg [dreg:$0x1]  }
0x3: {  	s0 =	stileid.u32;
	s5 =	rddreg [dreg:$0x2];
	s18 =	simm.s32 $0x1100  }
0x4: {  	s20 =	simm.s32 $0x1900;
	s21 =	simm.s32 $0x2100;
	s22 =	simm.s32 $0x2900  }
0x5: {  	s23 =	simm.s32 $0x3100;
	s24 =	simm.s32 $0x3900;
	s25 =	simm.s32 $0x4100  }
0x6: {  	s26 =	simm.s32 $0x4900;
	s2 =	sand.u32 $0x1, s2;
	s3 =	sshll.u32 s0, $0x1  }
0x7: {  	s10 =	simm.s32 $0x5900;
	s6 =	sor.u32 s2, s3;
	s3 =	simm.s32 $0x0  }
0x8: {  	s11 =	simm.s32 $0x6100;
	s12 =	simm.s32 $0x6900;
	[smem:$0x7FF] =	sst s3  }
0x9: {  	s13 =	simm.s32 $0x7100;
	_ =	strace $0x80000047;
	[dreg:$0x7] =	wrdreg s18  }
0xa: {  	s14 =	simm.s32 $0x7900;
	s28 =	simm.s32 $0xE100;
	[dreg:$0x8] =	wrdreg s20  }
0xb: {  	s29 =	simm.s32 $0xE900;
	s30 =	simm.s32 $0xF100;
	[dreg:$0x9] =	wrdreg s21  }
0xc: {  	s31 =	simm.s32 $0xF900;
	s5 =	sadd.s32 $0x4EA00, s5;
	[dreg:$0xa] =	wrdreg s22  }
0xd: {  	s2 =	ssub.s32 $0x2, s2;
	s7 =	smul.u32 $0x11, s6;
	[dreg:$0xb] =	wrdreg s23  }
0xe: {  	s8 =	smul.u32 $0x11000, s6;
	s19 =	sshrl.u32 s2, $0x1;
	[dreg:$0xc] =	wrdreg s24  }
0xf: {  	s6 =	smul.u32 $0x2200, s6;
	s2 =	ssub.s32 s2, s19;
	[dreg:$0xd] =	wrdreg s25  }
0x10: {  	[dreg:$0xe] =	wrdreg s26;
	s18 =	simm.s32 $0x9900;
	s19 =	simm.s32 $0xA100  }
0x11: {  	s20 =	simm.s32 $0xA900;
	s21 =	simm.s32 $0xB100;
	s22 =	simm.s32 $0xB900  }
0x12: {  	s23 =	simm.s32 $0xC100;
	s24 =	simm.s32 $0xC900;
	s25 =	simm.s32 $0xD100  }
0x13: {  	s26 =	simm.s32 $0xD900;
	s4 =	sadd.s32 s4, s7;
	s15 =	sshrl.u32 s8, $0x3  }
0x14: {  	s16 =	sadd.s32 s5, s6;
	s6 =	simm.s32 $0x2;
	s7 =	simm.s32 $0x100  }
0x15: {  	s8 =	simm.s32 $0x900;
	[dreg:$0x4] =	wrdreg s4;
	s5 =	sadd.s32 s5, s15  }
0x16: {  	v2 =	vlaneseq.u32;
	[dreg:$0x5] =	wrdreg s16;
	s4 =	sadd.s32 $0x100, s1;
	s15 =	simm.s32 $0x8100  }
0x17: {  	vm0 =	vmmov $0xffff;
	v1 =	vshrl.u32 v2, $0x3;
	s16 =	simm.s32 $0x8900;
	s17 =	sadd.s32 $0x2000, s5;
	s5 =	smax.u32 s2, $0x1  }
0x18: {  	v0 =	vand.u32 $0x7, v2;
	v2 =	vor.u32 $0x8, v2;
	v1 =	vmul.u32 $0x8, v1;
	s2 =	simm.s32 $0x1;
	[dreg:$0x6] =	wrdreg s17;
	s17 =	simm.s32 $0x9100  }
.LBB2_1:
0x19: {  	s0 =	rddreg [dreg:$0x4]  }
0x1a: {  	[tilespmem:s3], [sflag:$0x2] =	stream.linear.gather [hbm4b:s0+s3], $0x88, $0x38;
	[tilespmem:$0x10100] =	vst v63  }
0x1b: {  	_ =	swait.ge [sflag:s6], $0x88  }
0x1c: {  	[sflag:s6] =	ssyncset.done $0x0  }
0x1d: {  	[sflag:s6] =	ssyncadd.s32 $0xFFFFFF78  }
0x1e: {  	v3 =	vld [tilespmem:$0x0];
	_ =	sdelay $0x4  }
0x1f: {  	v4 =	vshll.u32 v3, $0x2  }
0x20: {  	v3 =	vand.u32 $0x7, v3;
	v4 =	vand.u32 $0xFFFFFFE0, v4  }
0x21: {  	v3 =	vor.u32 v3, v4  }
0x22: {  	v4 =	vperm.xlane v3, v0;
	_ =	sdelay $0x1  }
0x23: {  	v4 =	vadd.s32 v1, v4;
	_ =	sdelay $0x1  }
0x24: {  	v3 =	vperm.xlane v3, v2;
	_ =	sdelay $0x1  }
0x25: {  	v3 =	vadd.s32 v1, v3  }
0x26: {  	[tilespmem:s7], [sflag:$0x1] =	stream.indirect_vreg.gather [hbm4b:s1+s3], $0x80, v4, vm0, $0xb8;
	[tilespmem:$0x10100] =	vst v63  }
0x27: {  	_ = 	snop  }
0x28: {  	[tilespmem:s8], [sflag:$0x1] =	stream.indirect_vreg.gather [hbm4b:s4+s3], $0x80, v4, vm0, $0xb8;
	[tilespmem:$0x10100] =	vst v63  }
0x29: {  	s0 =	rddreg [dreg:$0x7]  }
0x2a: {  	[tilespmem:s0], [sflag:$0x1] =	stream.indirect_vreg.gather [hbm4b:s1+s3], $0x80, v3, vm0, $0xb8;
	[tilespmem:$0x10100] =	vst v63  }
0x2b: {  	s9 =	rddreg [dreg:$0x8]  }
0x2c: {  	[tilespmem:s9], [sflag:$0x1] =	stream.indirect_vreg.gather [hbm4b:s4+s3], $0x80, v3, vm0, $0xb8;
	[tilespmem:$0x10100] =	vst v63  }
0x2d: {  	v3 =	vld [tilespmem:$0x10];
	_ =	sdelay $0x4  }
0x2e: {  	v56 =	vshll.u32 v3, $0x2  }
0x2f: {  	v3 =	vand.u32 $0x7, v3;
	v4 =	vand.u32 $0xFFFFFFE0, v56  }
0x30: {  	v3 =	vor.u32 v3, v4  }
0x31: {  	v4 =	vperm.xlane v3, v0;
	_ =	sdelay $0x1  }
0x32: {  	v4 =	vadd.s32 v1, v4;
	_ =	sdelay $0x1  }
0x33: {  	v3 =	vperm.xlane v3, v2;
	_ =	sdelay $0x1  }
0x34: {  	s0 =	rddreg [dreg:$0x9];
	v3 =	vadd.s32 v1, v3  }
0x35: {  	[tilespmem:s0], [sflag:$0x1] =	stream.indirect_vreg.gather [hbm4b:s1+s3], $0x80, v4, vm0, $0xb8;
	[tilespmem:$0x10100] =	vst v63  }
0x36: {  	s9 =	rddreg [dreg:$0xa]  }
0x37: {  	[tilespmem:s9], [sflag:$0x1] =	stream.indirect_vreg.gather [hbm4b:s4+s3], $0x80, v4, vm0, $0xb8;
	[tilespmem:$0x10100] =	vst v63  }
0x38: {  	s0 =	rddreg [dreg:$0xb]  }
0x39: {  	[tilespmem:s0], [sflag:$0x1] =	stream.indirect_vreg.gather [hbm4b:s1+s3], $0x80, v3, vm0, $0xb8;
	[tilespmem:$0x10100] =	vst v63  }
0x3a: {  	s9 =	rddreg [dreg:$0xc]  }
0x3b: {  	[tilespmem:s9], [sflag:$0x1] =	stream.indirect_vreg.gather [hbm4b:s4+s3], $0x80, v3, vm0, $0xb8;
	[tilespmem:$0x10100] =	vst v63  }
0x3c: {  	v3 =	vld [tilespmem:$0x20];
	_ =	sdelay $0x4  }
0x3d: {  	v57 =	vshll.u32 v3, $0x2  }
0x3e: {  	v3 =	vand.u32 $0x7, v3;
	v4 =	vand.u32 $0xFFFFFFE0, v57  }
0x3f: {  	v3 =	vor.u32 v3, v4  }
0x40: {  	v4 =	vperm.xlane v3, v0;
	_ =	sdelay $0x1  }
0x41: {  	v4 =	vadd.s32 v1, v4;
	_ =	sdelay $0x1  }
0x42: {  	v3 =	vperm.xlane v3, v2;
	_ =	sdelay $0x1  }
0x43: {  	s0 =	rddreg [dreg:$0xd];
	v3 =	vadd.s32 v1, v3  }
0x44: {  	[tilespmem:s0], [sflag:$0x1] =	stream.indirect_vreg.gather [hbm4b:s1+s3], $0x80, v4, vm0, $0xb8;
	[tilespmem:$0x10100] =	vst v63  }
0x45: {  	s9 =	rddreg [dreg:$0xe]  }
0x46: {  	[tilespmem:s9], [sflag:$0x1] =	stream.indirect_vreg.gather [hbm4b:s4+s3], $0x80, v4, vm0, $0xb8;
	[tilespmem:$0x10100] =	vst v63  }
0x47: {  	s9 =	simm.s32 $0x5100  }
0x48: {  	[tilespmem:s9], [sflag:$0x1] =	stream.indirect_vreg.gather [hbm4b:s1+s3], $0x80, v3, vm0, $0xb8;
	[tilespmem:$0x10100] =	vst v63  }
0x49: {  	_ = 	snop  }
0x4a: {  	[tilespmem:s10], [sflag:$0x1] =	stream.indirect_vreg.gather [hbm4b:s4+s3], $0x80, v3, vm0, $0xb8;
	[tilespmem:$0x10100] =	vst v63  }
0x4b: {  	v3 =	vld [tilespmem:$0x30];
	_ =	sdelay $0x4  }
0x4c: {  	v58 =	vshll.u32 v3, $0x2  }
0x4d: {  	v3 =	vand.u32 $0x7, v3;
	v4 =	vand.u32 $0xFFFFFFE0, v58  }
0x4e: {  	v3 =	vor.u32 v3, v4  }
0x4f: {  	v4 =	vperm.xlane v3, v0;
	_ =	sdelay $0x1  }
0x50: {  	v4 =	vadd.s32 v1, v4;
	_ =	sdelay $0x1  }
0x51: {  	v3 =	vperm.xlane v3, v2;
	_ =	sdelay $0x1  }
0x52: {  	v3 =	vadd.s32 v1, v3  }
0x53: {  	[tilespmem:s11], [sflag:$0x1] =	stream.indirect_vreg.gather [hbm4b:s1+s3], $0x80, v4, vm0, $0xb8;
	[tilespmem:$0x10100] =	vst v63  }
0x54: {  	_ = 	snop  }
0x55: {  	[tilespmem:s12], [sflag:$0x1] =	stream.indirect_vreg.gather [hbm4b:s4+s3], $0x80, v4, vm0, $0xb8;
	[tilespmem:$0x10100] =	vst v63  }
0x56: {  	_ = 	snop  }
0x57: {  	[tilespmem:s13], [sflag:$0x1] =	stream.indirect_vreg.gather [hbm4b:s1+s3], $0x80, v3, vm0, $0xb8;
	[tilespmem:$0x10100] =	vst v63  }
0x58: {  	_ = 	snop  }
0x59: {  	[tilespmem:s14], [sflag:$0x1] =	stream.indirect_vreg.gather [hbm4b:s4+s3], $0x80, v3, vm0, $0xb8;
	[tilespmem:$0x10100] =	vst v63  }
0x5a: {  	v3 =	vld [tilespmem:$0x40];
	_ =	sdelay $0x4  }
0x5b: {  	v59 =	vshll.u32 v3, $0x2  }
0x5c: {  	v3 =	vand.u32 $0x7, v3;
	v4 =	vand.u32 $0xFFFFFFE0, v59  }
0x5d: {  	v3 =	vor.u32 v3, v4  }
0x5e: {  	v4 =	vperm.xlane v3, v0;
	_ =	sdelay $0x1  }
0x5f: {  	v4 =	vadd.s32 v1, v4;
	_ =	sdelay $0x1  }
0x60: {  	v3 =	vperm.xlane v3, v2;
	_ =	sdelay $0x1  }
0x61: {  	v3 =	vadd.s32 v1, v3  }
0x62: {  	[tilespmem:s15], [sflag:$0x1] =	stream.indirect_vreg.gather [hbm4b:s1+s3], $0x80, v4, vm0, $0xb8;
	[tilespmem:$0x10100] =	vst v63  }
0x63: {  	_ = 	snop  }
0x64: {  	[tilespmem:s16], [sflag:$0x1] =	stream.indirect_vreg.gather [hbm4b:s4+s3], $0x80, v4, vm0, $0xb8;
	[tilespmem:$0x10100] =	vst v63  }
0x65: {  	_ = 	snop  }
0x66: {  	[tilespmem:s17], [sflag:$0x1] =	stream.indirect_vreg.gather [hbm4b:s1+s3], $0x80, v3, vm0, $0xb8;
	[tilespmem:$0x10100] =	vst v63  }
0x67: {  	_ = 	snop  }
0x68: {  	[tilespmem:s18], [sflag:$0x1] =	stream.indirect_vreg.gather [hbm4b:s4+s3], $0x80, v3, vm0, $0xb8;
	[tilespmem:$0x10100] =	vst v63  }
0x69: {  	v3 =	vld [tilespmem:$0x50];
	_ =	sdelay $0x4  }
0x6a: {  	v60 =	vshll.u32 v3, $0x2  }
0x6b: {  	v3 =	vand.u32 $0x7, v3;
	v4 =	vand.u32 $0xFFFFFFE0, v60  }
0x6c: {  	v3 =	vor.u32 v3, v4  }
0x6d: {  	v4 =	vperm.xlane v3, v0;
	_ =	sdelay $0x1  }
0x6e: {  	v4 =	vadd.s32 v1, v4;
	_ =	sdelay $0x1  }
0x6f: {  	v3 =	vperm.xlane v3, v2;
	_ =	sdelay $0x1  }
0x70: {  	v3 =	vadd.s32 v1, v3  }
0x71: {  	[tilespmem:s19], [sflag:$0x1] =	stream.indirect_vreg.gather [hbm4b:s1+s3], $0x80, v4, vm0, $0xb8;
	[tilespmem:$0x10100] =	vst v63  }
0x72: {  	_ = 	snop  }
0x73: {  	[tilespmem:s20], [sflag:$0x1] =	stream.indirect_vreg.gather [hbm4b:s4+s3], $0x80, v4, vm0, $0xb8;
	[tilespmem:$0x10100] =	vst v63  }
0x74: {  	_ = 	snop  }
0x75: {  	[tilespmem:s21], [sflag:$0x1] =	stream.indirect_vreg.gather [hbm4b:s1+s3], $0x80, v3, vm0, $0xb8;
	[tilespmem:$0x10100] =	vst v63  }
0x76: {  	_ = 	snop  }
0x77: {  	[tilespmem:s22], [sflag:$0x1] =	stream.indirect_vreg.gather [hbm4b:s4+s3], $0x80, v3, vm0, $0xb8;
	[tilespmem:$0x10100] =	vst v63  }
0x78: {  	v3 =	vld [tilespmem:$0x60];
	_ =	sdelay $0x4  }
0x79: {  	v61 =	vshll.u32 v3, $0x2  }
0x7a: {  	v3 =	vand.u32 $0x7, v3;
	v4 =	vand.u32 $0xFFFFFFE0, v61  }
0x7b: {  	v3 =	vor.u32 v3, v4  }
0x7c: {  	v4 =	vperm.xlane v3, v0;
	_ =	sdelay $0x1  }
0x7d: {  	v4 =	vadd.s32 v1, v4;
	_ =	sdelay $0x1  }
0x7e: {  	v3 =	vperm.xlane v3, v2;
	_ =	sdelay $0x1  }
0x7f: {  	v3 =	vadd.s32 v1, v3  }
0x80: {  	[tilespmem:s23], [sflag:$0x1] =	stream.indirect_vreg.gather [hbm4b:s1+s3], $0x80, v4, vm0, $0xb8;
	[tilespmem:$0x10100] =	vst v63  }
0x81: {  	_ = 	snop  }
0x82: {  	[tilespmem:s24], [sflag:$0x1] =	stream.indirect_vreg.gather [hbm4b:s4+s3], $0x80, v4, vm0, $0xb8;
	[tilespmem:$0x10100] =	vst v63  }
0x83: {  	_ = 	snop  }
0x84: {  	[tilespmem:s25], [sflag:$0x1] =	stream.indirect_vreg.gather [hbm4b:s1+s3], $0x80, v3, vm0, $0xb8;
	[tilespmem:$0x10100] =	vst v63  }
0x85: {  	_ = 	snop  }
0x86: {  	[tilespmem:s26], [sflag:$0x1] =	stream.indirect_vreg.gather [hbm4b:s4+s3], $0x80, v3, vm0, $0xb8;
	[tilespmem:$0x10100] =	vst v63  }
0x87: {  	v3 =	vld [tilespmem:$0x70];
	_ =	sdelay $0x4  }
0x88: {  	v62 =	vshll.u32 v3, $0x2  }
0x89: {  	v3 =	vand.u32 $0x7, v3;
	v4 =	vand.u32 $0xFFFFFFE0, v62  }
0x8a: {  	v3 =	vor.u32 v3, v4  }
0x8b: {  	v4 =	vperm.xlane v3, v0;
	_ =	sdelay $0x1  }
0x8c: {  	v4 =	vadd.s32 v1, v4;
	_ =	sdelay $0x1  }
0x8d: {  	v3 =	vperm.xlane v3, v2;
	_ =	sdelay $0x1  }
0x8e: {  	v3 =	vadd.s32 v1, v3  }
0x8f: {  	[tilespmem:s28], [sflag:$0x1] =	stream.indirect_vreg.gather [hbm4b:s1+s3], $0x80, v4, vm0, $0xb8;
	[tilespmem:$0x10100] =	vst v63  }
0x90: {  	_ = 	snop  }
0x91: {  	[tilespmem:s29], [sflag:$0x1] =	stream.indirect_vreg.gather [hbm4b:s4+s3], $0x80, v4, vm0, $0xb8;
	[tilespmem:$0x10100] =	vst v63  }
0x92: {  	_ = 	snop  }
0x93: {  	[tilespmem:s30], [sflag:$0x1] =	stream.indirect_vreg.gather [hbm4b:s1+s3], $0x80, v3, vm0, $0xb8;
	[tilespmem:$0x10100] =	vst v63  }
0x94: {  	_ = 	snop  }
0x95: {  	[tilespmem:s31], [sflag:$0x1] =	stream.indirect_vreg.gather [hbm4b:s4+s3], $0x80, v3, vm0, $0xb8;
	[tilespmem:$0x10100] =	vst v63  }
0x96: {  	_ =	swait.ge [sflag:s2], $0x2000  }
0x97: {  	[sflag:s2] =	ssyncset.done $0x0  }
0x98: {  	[sflag:s2] =	ssyncadd.s32 $0xFFFFE000  }
0x99: {  	_ =	swait.ge [sflag:s2], $0x2000  }
0x9a: {  	[sflag:s2] =	ssyncset.done $0x0  }
0x9b: {  	[sflag:s2] =	ssyncadd.s32 $0xFFFFE000  }
0x9c: {  	_ =	swait.ge [sflag:s2], $0x2000  }
0x9d: {  	[sflag:s2] =	ssyncset.done $0x0  }
0x9e: {  	[sflag:s2] =	ssyncadd.s32 $0xFFFFE000  }
0x9f: {  	_ =	swait.ge [sflag:s2], $0x2000  }
0xa0: {  	[sflag:s2] =	ssyncset.done $0x0  }
0xa1: {  	[sflag:s2] =	ssyncadd.s32 $0xFFFFE000  }
0xa2: {  	_ =	swait.ge [sflag:s2], $0x2000  }
0xa3: {  	[sflag:s2] =	ssyncset.done $0x0  }
0xa4: {  	[sflag:s2] =	ssyncadd.s32 $0xFFFFE000  }
0xa5: {  	_ =	swait.ge [sflag:s2], $0x2000  }
0xa6: {  	[sflag:s2] =	ssyncset.done $0x0  }
0xa7: {  	[sflag:s2] =	ssyncadd.s32 $0xFFFFE000  }
0xa8: {  	_ =	swait.ge [sflag:s2], $0x2000  }
0xa9: {  	[sflag:s2] =	ssyncset.done $0x0  }
0xaa: {  	[sflag:s2] =	ssyncadd.s32 $0xFFFFE000  }
0xab: {  	_ =	swait.ge [sflag:s2], $0x2000  }
0xac: {  	[sflag:s2] =	ssyncset.done $0x0  }
0xad: {  	s9 =	rddreg [dreg:$0x5];
	[sflag:s2] =	ssyncadd.s32 $0xFFFFE000  }
0xae: {  	[hbm4b:s9+s3] =	stream.linear.scatter [tilespmem:s7], [sflag:$0x2], $0x10000, $0x38;
	[tilespmem:$0x10100] =	vst v63  }
0xaf: {  	_ =	swait.ge [sflag:s6], $0x10000  }
0xb0: {  	[sflag:s6] =	ssyncset.done $0x0  }
0xb1: {  	[sflag:s6] =	ssyncadd.s32 $0xFFFF0000  }
0xb2: {  	v3 =	vld.msk [tilespmem:$0x80], $0xff;
	_ =	sdelay $0x4  }
0xb3: {  	v63 =	vshll.u32 v3, $0x2  }
0xb4: {  	v3 =	vand.u32 $0x7, v3;
	v4 =	vand.u32 $0xFFFFFFE0, v63  }
0xb5: {  	v3 =	vor.u32 v3, v4  }
0xb6: {  	v3 =	vperm.xlane v3, v0;
	_ =	sdelay $0x1  }
0xb7: {  	v3 =	vadd.s32 v1, v3;
	_ =	sdelay $0x4  }
0xb8: {  	[tilespmem:s7], [sflag:$0x1] =	stream.indirect_vreg.gather [hbm4b:s1+s3], $0x80, v3, vm0, $0xb8;
	[tilespmem:$0x10100] =	vst v63  }
0xb9: {  	_ = 	snop  }
0xba: {  	[tilespmem:s8], [sflag:$0x1] =	stream.indirect_vreg.gather [hbm4b:s4+s3], $0x80, v3, vm0, $0xb8;
	[tilespmem:$0x10100] =	vst v63  }
0xbb: {  	_ =	swait.ge [sflag:s2], $0x1000  }
0xbc: {  	p0 =	sne.s32 s5, $0x1;
	[sflag:s2] =	ssyncset.done $0x0  }
.Ltmp0:
0xbd: {  	s9 =	rddreg [dreg:$0x6];
	[sflag:s2] =	ssyncadd.s32 $0xFFFFF000;
	(pc) =	sbr.rel @p0 .LBB2_1-.Ltmp0, $4  }
0xbe: {  	[hbm4b:s9+s3] =	stream.linear.scatter [tilespmem:s7], [sflag:$0x2], $0x1000, $0x38;
	[tilespmem:$0x10100] =	vst v63  }
0xbf: {  	_ =	swait.ge [sflag:s6], $0x1000  }
0xc0: {  	[sflag:s6] =	ssyncset.done $0x0  }
0xc1: {  	s5 =	sadd.s32 $0xFFFFFFFF, s5;
	[sflag:s6] =	ssyncadd.s32 $0xFFFFF000  }
0xc2: {  	_ =	sfence.sel $0x180000  }
0xc3: {  	[bflag:$0x0] =	sbarrier.arrive $0xFFFF  }
0xc4: {  	_ =	strace $0x90000047  }
0xc5: {  	s0 =	stileid.u32;
	[bflag:$0x2] =	sbarrier.arrive $0xFFFF  }
0xc6: {  	p0 =	sne.s32 s0, $0x0;
	s0 =	rddreg [dreg:$0x3]  }
0xc7: {  	s0 =	sadd.s32 @!p0 $0x100000, s0  }
0xc8: {  	[sflag:s0] =	ssyncadd.tile.s32 @!p0 $0x1;
	_ =	shalt  }
.Lfunc_end2:
_tile_overlayer_lowered:
.L_overlay_start_2:
0xc9: {  	(tag) =	ssettag $0x2  }
0xca: {  	s0 =	rddreg [dreg:$0x0];
	s2 =	stileid.u32  }
0xcb: {  	s1 =	rddreg [dreg:$0x1];
	p0 =	sne.s32 s2, $0x0  }
0xcc: {  	s3 =	rddreg [dreg:$0x2];
	[bflag:$0x3] =	sbarrier.arrive $0xFFFF;
	s2 =	simm.s32 @!p0 $0x1C02  }
0xcd: {  	[timem:s3], [sflag:s2] =	dma.local @!p0 [hbm:s0], s1  }
0xce: {  	s0 =	simm.s32 @!p0 $0x2  }
0xcf: {  	_ =	swait.ge @!p0 [sflag:s0], s1  }
0xd0: {  	s1 =	ssub.s32 @!p0 $0x0, s1;
	[sflag:s0] =	ssyncset.done @!p0 $0x0  }
0xd1: {  	[sflag:s0] =	ssyncadd.s32 @!p0 s1  }
0xd2: {  	[bflag:$0x3] =	sbarrier.arrive $0xFFFF  }
0xd3: {  	_ =	shalt  }

</sc_bundles>
